<compile_context>
chip_gen: v7x
topology: tpu7x:2x2x1
jax: 0.10.2.dev20260603
libtpu: 0.0.44.dev20260713+nightly
codegen_flags: <defaults>
</compile_context>

<pallas_src>
import jax
import jax.numpy as jnp
from jax import lax
from jax.experimental import pallas as pl
from jax.experimental.pallas import tpu as pltpu
from jax.experimental.pallas import tpu_sc as plsc

N = 50000
D = 128
E = 250000

NC = 2
NS = 16
L = 16

NPASS = 10
RNG = 5120
NPAD = NPASS * RNG
ACC_ROWS = RNG + 8
RPT = RNG // NS
DCH = 32

EP = 250112
EPT = EP // NS
VREGS = EPT // L
CAP = EPT + 2 * L

HALF = 25000
DEG_P = 25088
DEG_T = DEG_P // NS

MB = 100
RB = 512


def _vmesh():
    return plsc.VectorSubcoreMesh(
        core_axis_name="c", subcore_axis_name="s", num_cores=NC, num_subcores=NS
    )


def _deg_body(sd, deg_out, idx_v, stage_v, acc0, acc1, acc2, acc3, ones_v):
    c = lax.axis_index("c")
    w = lax.axis_index("s")
    zeros = jnp.zeros((L,), jnp.float32)

    def zero_body(i, _):
        stage_v[pl.ds(i * L, L)] = zeros
        return 0
    lax.fori_loop(0, DEG_T // L, zero_body, 0)
    for acc in (acc0, acc1, acc2, acc3):
        pltpu.sync_copy(stage_v, acc.at[pl.ds(w * DEG_T, DEG_T)])
    ones_v[...] = jnp.ones((L,), jnp.float32)
    plsc.subcore_barrier()

    lo = c * HALF
    lane = lax.iota(jnp.int32, L)
    dump = HALF + (lane & 7)
    for a, acc in enumerate((acc0, acc1, acc2, acc3)):
        pltpu.sync_copy(sd.at[pl.ds(a * EP + w * EPT, EPT)], idx_v)

        def cnt_body(i, _, acc=acc):
            v = idx_v[pl.ds(i * L, L)] - lo
            ok = (v >= 0) & (v < HALF)
            iv = jnp.where(ok, v, dump)
            pltpu.sync_copy(ones_v, acc.at[iv], add=True)
            return 0
        lax.fori_loop(0, VREGS, cnt_body, 0)
    plsc.subcore_barrier()

    for a, acc in enumerate((acc0, acc1, acc2, acc3)):
        pltpu.sync_copy(acc.at[pl.ds(w * DEG_T, DEG_T)], stage_v)
        pltpu.sync_copy(
            stage_v,
            deg_out.at[pl.ds((a * NC + c) * DEG_P + w * DEG_T, DEG_T)])


def _sc_degrees(sd):
    f = pl.kernel(
        _deg_body,
        out_type=jax.ShapeDtypeStruct((4 * NC * DEG_P,), jnp.float32),
        mesh=_vmesh(),
        scratch_types=[
            pltpu.VMEM((EPT,), jnp.int32),
            pltpu.VMEM((DEG_T,), jnp.float32),
            pltpu.VMEM_SHARED((DEG_P,), jnp.float32),
            pltpu.VMEM_SHARED((DEG_P,), jnp.float32),
            pltpu.VMEM_SHARED((DEG_P,), jnp.float32),
            pltpu.VMEM_SHARED((DEG_P,), jnp.float32),
            pltpu.VMEM((L,), jnp.float32),
        ],
    )
    return f(sd)


CAP = EPT + 2 * L


def _agg_body(hh, sd, agg, sidx, didx, csrc, cdst,
              b0, b1, b2, b3, b4, b5, b6, b7,
              zbuf, dbuf, cntb, ssem, gsem, acc):
    c = lax.axis_index("c")
    w = lax.axis_index("s")
    zeros = jnp.zeros((L,), jnp.float32)
    lane = lax.iota(jnp.int32, L)
    hbase = c * NPAD
    sbase = 2 * c * EP + w * EPT
    bufs = (b0, b1, b2, b3, b4, b5, b6, b7)
    gpad = N + ((w * L + lane) & 127)

    def zbody(i, _):
        for jc in range(8):
            zbuf[i, pl.ds(jc * L, L)] = zeros
        return 0
    lax.fori_loop(0, DCH, zbody, 0)

    def one_pass(p, _):
        base = p * RNG

        for k in range(RPT // DCH):
            pltpu.sync_copy(zbuf, acc.at[pl.ds(w * RPT + k * DCH, DCH)])
        plsc.subcore_barrier()

        pltpu.sync_copy(sd.at[pl.ds(sbase, EPT)], sidx)
        pltpu.sync_copy(sd.at[pl.ds(sbase + EP, EPT)], didx)

        trash = EPT + L + lane

        def compact_body(i, cnt):
            s = sidx[pl.ds(i * L, L)]
            dloc = didx[pl.ds(i * L, L)] - base
            ok = (dloc >= 0) & (dloc < RNG)
            pos = jnp.where(ok, cnt * L + lane, trash)
            plsc.store_scatter(csrc, [pos], s)
            plsc.store_scatter(cdst, [pos], dloc)
            return cnt + jnp.where(ok, 1, 0)
        cnt = lax.fori_loop(0, VREGS, compact_body,
                            jnp.zeros((L,), jnp.int32))

        maxv = cnt
        for kk in (1, 2, 4, 8):
            maxv = jnp.maximum(
                maxv, maxv.at[lane ^ kk].get(mode='promise_in_bounds'))
        cntb[...] = maxv
        noct = (cntb[pl.ds(0, L)][0] + 7) // 8

        def oct_body(o, jv):
            gdescs, dvs, sdescs = [], [], []
            for t in range(8):
                j = o * 8 + t
                m = jv < cnt
                iv = hbase + jnp.where(m, csrc[pl.ds(j * L, L)], gpad)
                dvs.append(jnp.where(m, cdst[pl.ds(j * L, L)],
                                     RNG + (lane & 7)))
                gdescs.append(pltpu.async_copy(hh.at[iv], bufs[t], gsem))
                jv = jv + 1
            for t in range(8):
                gdescs[t].wait()
                sdescs.append(
                    pltpu.async_copy(bufs[t], acc.at[dvs[t]], ssem, add=True))
            for d in sdescs:
                d.wait()
            return jv
        lax.fori_loop(0, noct, oct_body, jnp.zeros((L,), jnp.int32))
        plsc.subcore_barrier()

        for k in range(RPT // DCH):
            pltpu.sync_copy(acc.at[pl.ds(w * RPT + k * DCH, DCH)], dbuf)
            pltpu.sync_copy(
                dbuf, agg.at[pl.ds(hbase + base + w * RPT + k * DCH, DCH)])
        plsc.subcore_barrier()
        return 0

    lax.fori_loop(0, NPASS, one_pass, 0)


def _sc_aggregate(hh, sd):
    f = pl.kernel(
        _agg_body,
        out_type=jax.ShapeDtypeStruct((2 * NPAD, D), jnp.float32),
        mesh=_vmesh(),
        compiler_params=pltpu.CompilerParams(needs_layout_passes=False),
        scratch_types=[
            pltpu.VMEM((EPT,), jnp.int32),
            pltpu.VMEM((EPT,), jnp.int32),
            pltpu.VMEM((CAP,), jnp.int32),
            pltpu.VMEM((CAP,), jnp.int32),
        ] + [pltpu.VMEM((L, D), jnp.float32)] * 8 + [
            pltpu.VMEM((DCH, D), jnp.float32),
            pltpu.VMEM((DCH, D), jnp.float32),
            pltpu.VMEM((L,), jnp.int32),
            pltpu.SemaphoreType.DMA,
            pltpu.SemaphoreType.DMA,
            pltpu.VMEM_SHARED((ACC_ROWS, D), jnp.float32),
        ],
    )
    return f(hh, sd)


def _norms_body(deg_ref, out_ref):
    d = deg_ref[...]
    out_ref[...] = lax.rsqrt(jnp.where(d > 0.0, d, 1.0))


def _tc_norms(deg):
    return pl.pallas_call(
        _norms_body,
        out_shape=jax.ShapeDtypeStruct((4, NPAD), jnp.float32),
    )(deg)


def _mm_body(x_ref, ns_ref, w_ref, out_ref):
    scale = jnp.reshape(ns_ref[...], (RB, 1))
    xs = x_ref[...] * scale
    out_ref[...] = jnp.dot(
        xs, jnp.reshape(w_ref[...], (D, D)), preferred_element_type=jnp.float32)


def _tc_matmul2(x, ns_stack, w_stack):
    return pl.pallas_call(
        _mm_body,
        out_shape=jax.ShapeDtypeStruct((2 * NPAD, D), jnp.float32),
        grid=(2, 98),
        in_specs=[
            pl.BlockSpec((RB, D), lambda r, i: (i, 0)),
            pl.BlockSpec((1, 1, RB, 1), lambda r, i: (r, i, 0, 0)),
            pl.BlockSpec((1, D, D), lambda r, i: (r, 0, 0)),
        ],
        out_specs=pl.BlockSpec((RB, D), lambda r, i: (r * MB + i, 0)),
    )(x, ns_stack, w_stack)


def _comb_body(a0_ref, a1_ref, n0_ref, n1_ref, b_ref, out_ref):
    n0 = jnp.reshape(n0_ref[...], (RB, 1))
    n1 = jnp.reshape(n1_ref[...], (RB, 1))
    h = a0_ref[...] * n0 + a1_ref[...] * n1 + b_ref[...]
    out_ref[...] = jnp.maximum(h, 0.0)


def _tc_combine(agg, nd_stack, b, out_rows, nblocks):
    return pl.pallas_call(
        _comb_body,
        out_shape=jax.ShapeDtypeStruct((out_rows, D), jnp.float32),
        grid=(nblocks,),
        in_specs=[
            pl.BlockSpec((RB, D), lambda i: (i, 0)),
            pl.BlockSpec((RB, D), lambda i: (MB + i, 0)),
            pl.BlockSpec((1, 1, RB, 1), lambda i: (0, i, 0, 0)),
            pl.BlockSpec((1, 1, RB, 1), lambda i: (1, i, 0, 0)),
            pl.BlockSpec((1, D), lambda i: (0, 0)),
        ],
        out_specs=pl.BlockSpec((RB, D), lambda i: (i, 0)),
    )(agg, agg, nd_stack, nd_stack, b)


def kernel(x, edge_index_r0, edge_index_r1, W1_0, b1_0, W1_1, b1_1,
           W2_0, b2_0, W2_1, b2_1):
    pad = jnp.full((EP - E,), N, jnp.int32)
    sd = jnp.concatenate([
        edge_index_r0[0].astype(jnp.int32), pad,
        edge_index_r0[1].astype(jnp.int32), pad,
        edge_index_r1[0].astype(jnp.int32), pad,
        edge_index_r1[1].astype(jnp.int32), pad,
    ])

    deg = _sc_degrees(sd).reshape(4, NC, DEG_P)
    deg_full = jnp.concatenate([deg[:, 0, :HALF], deg[:, 1, :HALF]], axis=1)
    deg_full = jnp.pad(deg_full, ((0, 0), (0, NPAD - N)))
    norms = _tc_norms(deg_full)
    ns_stack = norms[0::2].reshape(2, MB, RB, 1)
    nd_stack = norms[1::2].reshape(2, MB, RB, 1)
    w1_stack = jnp.stack([W1_0, W1_1])
    w2_stack = jnp.stack([W2_0, W2_1])
    bias1 = (b1_0 + b1_1).reshape(1, D)
    bias2 = (b2_0 + b2_1).reshape(1, D)

    h1 = _tc_matmul2(x, ns_stack, w1_stack)
    a1 = _sc_aggregate(h1, sd)
    x1 = _tc_combine(a1, nd_stack, bias1, NPAD, MB)

    h2 = _tc_matmul2(x1, ns_stack, w2_stack)
    a2 = _sc_aggregate(h2, sd)
    return _tc_combine(a2, nd_stack, bias2, N, 98)

# --- scband reference (transcript-rebuilt; emitter-appended) ---
"""Pipeline reference for scband-rgcn-3186865733925 (READ-ONLY COPY).

The authoritative reference and input builder live on the scoring server;
editing this copy changes nothing except your own understanding.
"""

import jax, jax.numpy as jnp
import numpy as np

N = 50000
D = 128
E = 250000


def setup_inputs(seed: int = 0) -> dict:
    key = jax.random.key(seed)
    ks = jax.random.split(key, 12)
    x = jax.random.normal(ks[0], (N, D), dtype=jnp.float32)
    edge_index_r0 = jax.random.randint(ks[1], (2, E), 0, N, dtype=jnp.int64)
    edge_index_r1 = jax.random.randint(ks[2], (2, E), 0, N, dtype=jnp.int64)
    s = 1.0 / np.sqrt(D)
    W1_0 = jax.random.uniform(ks[3], (D, D), jnp.float32, -s, s)
    b1_0 = jnp.zeros((D,), jnp.float32)
    W1_1 = jax.random.uniform(ks[4], (D, D), jnp.float32, -s, s)
    b1_1 = jnp.zeros((D,), jnp.float32)
    W2_0 = jax.random.uniform(ks[5], (D, D), jnp.float32, -s, s)
    b2_0 = jnp.zeros((D,), jnp.float32)
    W2_1 = jax.random.uniform(ks[6], (D, D), jnp.float32, -s, s)
    b2_1 = jnp.zeros((D,), jnp.float32)
    return {"x": x, "edge_index_r0": edge_index_r0, "edge_index_r1": edge_index_r1,
            "W1_0": W1_0, "b1_0": b1_0, "W1_1": W1_1, "b1_1": b1_1,
            "W2_0": W2_0, "b2_0": b2_0, "W2_1": W2_1, "b2_1": b2_1}


def _graph_conv(x, src, dst, W, b, n):
    # DGL GraphConv with norm='both': symmetric degree normalization
    out_deg = jnp.bincount(src, length=n).astype(x.dtype)
    in_deg = jnp.bincount(dst, length=n).astype(x.dtype)
    norm_src = jnp.where(out_deg > 0, out_deg, 1.0) ** -0.5
    norm_dst = jnp.where(in_deg > 0, in_deg, 1.0) ** -0.5
    h = x * norm_src[:, None]
    h = h @ W
    m = jnp.take(h, src, axis=0)
    agg = jax.ops.segment_sum(m, dst, num_segments=n)
    agg = agg * norm_dst[:, None]
    return agg + b


def reference(x, edge_index_r0, edge_index_r1, W1_0, b1_0, W1_1, b1_1, W2_0, b2_0, W2_1, b2_1):
    s0, d0 = edge_index_r0[0], edge_index_r0[1]
    s1, d1 = edge_index_r1[0], edge_index_r1[1]
    # layer 1: HeteroGraphConv (sum aggregate over relations) + relu
    h = _graph_conv(x, s0, d0, W1_0, b1_0, N) + _graph_conv(x, s1, d1, W1_1, b1_1, N)
    h = jax.nn.relu(h)
    # layer 2
    h = _graph_conv(h, s0, d0, W2_0, b2_0, N) + _graph_conv(h, s1, d1, W2_1, b2_1, N)
    h = jax.nn.relu(h)
    return h

if __name__ == "__main__":
    import jax
    _d = setup_inputs()
    print(jax.jit(kernel)(*tuple(_d.values())))

</pallas_src>

<mosaic_0001>
#map = affine_map<(d0, d1) -> (0, 0)>
#map1 = affine_map<(d0, d1) -> (0)>
module attributes {stable_mosaic.version = 14 : i64} {
  func.func @_agg_body(%arg0: i32, %arg1: i32, %arg2: memref<102400x128xf32, #tpu.memory_space<hbm>>, %arg3: memref<1000448xi32, #tpu.memory_space<hbm>>, %arg4: memref<102400x128xf32, #tpu.memory_space<hbm>>, %arg5: memref<15632xi32, #tpu.memory_space<vmem>>, %arg6: memref<15632xi32, #tpu.memory_space<vmem>>, %arg7: memref<15664xi32, #tpu.memory_space<vmem>>, %arg8: memref<15664xi32, #tpu.memory_space<vmem>>, %arg9: memref<16x128xf32, #tpu.memory_space<vmem>>, %arg10: memref<16x128xf32, #tpu.memory_space<vmem>>, %arg11: memref<16x128xf32, #tpu.memory_space<vmem>>, %arg12: memref<16x128xf32, #tpu.memory_space<vmem>>, %arg13: memref<16x128xf32, #tpu.memory_space<vmem>>, %arg14: memref<16x128xf32, #tpu.memory_space<vmem>>, %arg15: memref<16x128xf32, #tpu.memory_space<vmem>>, %arg16: memref<16x128xf32, #tpu.memory_space<vmem>>, %arg17: memref<32x128xf32, #tpu.memory_space<vmem>>, %arg18: memref<32x128xf32, #tpu.memory_space<vmem>>, %arg19: memref<16xi32, #tpu.memory_space<vmem>>, %arg20: memref<!tpu.dma_semaphore, #tpu.memory_space<semaphore_mem>>, %arg21: memref<!tpu.dma_semaphore, #tpu.memory_space<semaphore_mem>>, %arg22: memref<5128x128xf32, #tpu.memory_space<vmem_shared>>) attributes {dimension_semantics = [#tpu.dimension_semantics<core_parallel>, #tpu.dimension_semantics<subcore_parallel>], iteration_bounds = array<i64: 2, 16>, scalar_prefetch = 0 : i64, scratch_operands = 18 : i64, tpu.core_type = #tpu.core_type<sc_vector_subcore>, window_params = [{transform_indices = #map}, {transform_indices = #map1}, {transform_indices = #map}]} {
    %broadcast_in_dim3A = arith.constant 0.000000e+00 : f32
    %broadcast_in_dim3A_0 = vector.broadcast %broadcast_in_dim3A : f32 to vector<16xf32>
    %iota3A = tpu.iota {dimensions = array<i32: 0>} : vector<16xi32>
    %mul3A = arith.constant 51200 : i32
    %mul3A_1 = arith.muli %arg0, %mul3A : i32
    %mul3A_2 = arith.constant 2 : i32
    %mul3A_3 = arith.muli %mul3A_2, %arg0 : i32
    %mul3A_4 = arith.constant 250112 : i32
    %mul3A_5 = arith.muli %mul3A_3, %mul3A_4 : i32
    %mul3A_6 = arith.constant 15632 : i32
    %mul3A_7 = arith.muli %arg1, %mul3A_6 : i32
    %add3A = arith.addi %mul3A_5, %mul3A_7 : i32
    %mul3A_8 = arith.constant 16 : i32
    %mul3A_9 = arith.muli %arg1, %mul3A_8 : i32
    %add3A_10 = vector.broadcast %mul3A_9 : i32 to vector<16xi32>
    %add3A_11 = arith.addi %add3A_10, %iota3A : vector<16xi32>
    %and3A = arith.constant 127 : i32
    %and3A_12 = vector.broadcast %and3A : i32 to vector<16xi32>
    %and3A_13 = arith.andi %add3A_11, %and3A_12 : vector<16xi32>
    %add3A_14 = arith.constant 50000 : i32
    %add3A_15 = vector.broadcast %add3A_14 : i32 to vector<16xi32>
    %add3A_16 = arith.addi %add3A_15, %and3A_13 : vector<16xi32>
    %scan3A = arith.constant 0 : i32
    %scan3A_17 = arith.constant 0 : i32
    %scan3A_18 = arith.constant 32 : i32
    %scan3A_19 = arith.addi %scan3A_17, %scan3A_18 : i32
    %scan3A_20 = arith.constant 1 : i32
    %scan3A_21 = scf.for %scan3A_30 = %scan3A_17 to %scan3A_19 step %scan3A_20 iter_args(%scan3A_31 = %scan3A) -> (i32)  : i32 {
      %swap3A = arith.index_cast %scan3A_30 : i32 to index
      %swap3A_32 = arith.constant 0 : index
      %swap3A_33 = tpu.vector_load %arg17[%swap3A, %swap3A_32] {strides = array<i32>} : memref<32x128xf32, #tpu.memory_space<vmem>>, vector<16xf32>,
      tpu.vector_store %arg17[%swap3A, %swap3A_32], %broadcast_in_dim3A_0 {strides = array<i32>} : memref<32x128xf32, #tpu.memory_space<vmem>>, vector<16xf32>,
      %swap3A_34 = arith.index_cast %scan3A_30 : i32 to index
      %swap3A_35 = arith.constant 16 : index
      %swap3A_36 = tpu.vector_load %arg17[%swap3A_34, %swap3A_35] {strides = array<i32>} : memref<32x128xf32, #tpu.memory_space<vmem>>, vector<16xf32>,
      tpu.vector_store %arg17[%swap3A_34, %swap3A_35], %broadcast_in_dim3A_0 {strides = array<i32>} : memref<32x128xf32, #tpu.memory_space<vmem>>, vector<16xf32>,
      %swap3A_37 = arith.index_cast %scan3A_30 : i32 to index
      %swap3A_38 = arith.constant 32 : index
      %swap3A_39 = tpu.vector_load %arg17[%swap3A_37, %swap3A_38] {strides = array<i32>} : memref<32x128xf32, #tpu.memory_space<vmem>>, vector<16xf32>,
      tpu.vector_store %arg17[%swap3A_37, %swap3A_38], %broadcast_in_dim3A_0 {strides = array<i32>} : memref<32x128xf32, #tpu.memory_space<vmem>>, vector<16xf32>,
      %swap3A_40 = arith.index_cast %scan3A_30 : i32 to index
      %swap3A_41 = arith.constant 48 : index
      %swap3A_42 = tpu.vector_load %arg17[%swap3A_40, %swap3A_41] {strides = array<i32>} : memref<32x128xf32, #tpu.memory_space<vmem>>, vector<16xf32>,
      tpu.vector_store %arg17[%swap3A_40, %swap3A_41], %broadcast_in_dim3A_0 {strides = array<i32>} : memref<32x128xf32, #tpu.memory_space<vmem>>, vector<16xf32>,
      %swap3A_43 = arith.index_cast %scan3A_30 : i32 to index
      %swap3A_44 = arith.constant 64 : index
      %swap3A_45 = tpu.vector_load %arg17[%swap3A_43, %swap3A_44] {strides = array<i32>} : memref<32x128xf32, #tpu.memory_space<vmem>>, vector<16xf32>,
      tpu.vector_store %arg17[%swap3A_43, %swap3A_44], %broadcast_in_dim3A_0 {strides = array<i32>} : memref<32x128xf32, #tpu.memory_space<vmem>>, vector<16xf32>,
      %swap3A_46 = arith.index_cast %scan3A_30 : i32 to index
      %swap3A_47 = arith.constant 80 : index
      %swap3A_48 = tpu.vector_load %arg17[%swap3A_46, %swap3A_47] {strides = array<i32>} : memref<32x128xf32, #tpu.memory_space<vmem>>, vector<16xf32>,
      tpu.vector_store %arg17[%swap3A_46, %swap3A_47], %broadcast_in_dim3A_0 {strides = array<i32>} : memref<32x128xf32, #tpu.memory_space<vmem>>, vector<16xf32>,
      %swap3A_49 = arith.index_cast %scan3A_30 : i32 to index
      %swap3A_50 = arith.constant 96 : index
      %swap3A_51 = tpu.vector_load %arg17[%swap3A_49, %swap3A_50] {strides = array<i32>} : memref<32x128xf32, #tpu.memory_space<vmem>>, vector<16xf32>,
      tpu.vector_store %arg17[%swap3A_49, %swap3A_50], %broadcast_in_dim3A_0 {strides = array<i32>} : memref<32x128xf32, #tpu.memory_space<vmem>>, vector<16xf32>,
      %swap3A_52 = arith.index_cast %scan3A_30 : i32 to index
      %swap3A_53 = arith.constant 112 : index
      %swap3A_54 = tpu.vector_load %arg17[%swap3A_52, %swap3A_53] {strides = array<i32>} : memref<32x128xf32, #tpu.memory_space<vmem>>, vector<16xf32>,
      tpu.vector_store %arg17[%swap3A_52, %swap3A_53], %broadcast_in_dim3A_0 {strides = array<i32>} : memref<32x128xf32, #tpu.memory_space<vmem>>, vector<16xf32>,
      %scan3A_55 = arith.constant 0 : i32
      scf.yield %scan3A_55 : i32
    }
    %scan3A_22 = arith.constant 32 : i32
    %scan3A_23 = arith.constant 0 : i32
    %scan3A_24 = arith.constant 0 : i32
    %scan3A_25 = arith.constant 10 : i32
    %scan3A_26 = arith.addi %scan3A_24, %scan3A_25 : i32
    %scan3A_27 = arith.constant 1 : i32
    %scan3A_28 = scf.for %scan3A_30 = %scan3A_24 to %scan3A_26 step %scan3A_27 iter_args(%scan3A_31 = %scan3A_23) -> (i32)  : i32 {
      %mul3A_32 = arith.constant 5120 : i32
      %mul3A_33 = arith.muli %scan3A_30, %mul3A_32 : i32
      %mul3A_34 = arith.constant 320 : i32
      %mul3A_35 = arith.muli %arg1, %mul3A_34 : i32
      %add3A_36 = arith.constant 0 : i32
      %add3A_37 = arith.addi %mul3A_35, %add3A_36 : i32
      "tpu.region"() ({
        %run_scoped3A = tpu.sem_alloc : memref<!tpu.dma_semaphore, #tpu.memory_space<semaphore_mem>>
        %dma_start3A = arith.constant 0 : i32
        %dma_start3A_275 = tpu.memref_slice %arg22[%add3A_37, %dma_start3A] : memref<5128x128xf32, #tpu.memory_space<vmem_shared>> -> memref<32x128xf32, #tpu.memory_space<vmem_shared>>
        %dma_start3A_276 = arith.constant 0 : i32
        %dma_start3A_277 = tpu.memref_slice %arg22[%add3A_37, %dma_start3A_276] : memref<5128x128xf32, #tpu.memory_space<vmem_shared>> -> memref<32x128xf32, #tpu.memory_space<vmem_shared>>
        tpu.enqueue_dma source(%arg17 : memref<32x128xf32, #tpu.memory_space<vmem>>) target(%dma_start3A_277 : memref<32x128xf32, #tpu.memory_space<vmem_shared>>) target_semaphore(%run_scoped3A : memref<!tpu.dma_semaphore, #tpu.memory_space<semaphore_mem>>)
        %dma_wait3A = arith.constant 0 : i32
        %dma_wait3A_278 = tpu.memref_slice %arg22[%add3A_37, %dma_wait3A] : memref<5128x128xf32, #tpu.memory_space<vmem_shared>> -> memref<32x128xf32, #tpu.memory_space<vmem_shared>>
        %dma_wait3A_279 = arith.constant 0 : i32
        %dma_wait3A_280 = tpu.memref_slice %arg22[%add3A_37, %dma_wait3A_279] : memref<5128x128xf32, #tpu.memory_space<vmem_shared>> -> memref<32x128xf32, #tpu.memory_space<vmem_shared>>
        tpu.wait_dma2 semaphore(%run_scoped3A : memref<!tpu.dma_semaphore, #tpu.memory_space<semaphore_mem>>) src(%arg17 : memref<32x128xf32, #tpu.memory_space<vmem>>) dst(%dma_wait3A_280 : memref<32x128xf32, #tpu.memory_space<vmem_shared>>)
        tpu.yield
      }) : () -> ()
      %mul3A_38 = arith.constant 320 : i32
      %mul3A_39 = arith.muli %arg1, %mul3A_38 : i32
      %add3A_40 = arith.constant 32 : i32
      %add3A_41 = arith.addi %mul3A_39, %add3A_40 : i32
      "tpu.region"() ({
        %run_scoped3A = tpu.sem_alloc : memref<!tpu.dma_semaphore, #tpu.memory_space<semaphore_mem>>
        %dma_start3A = arith.constant 0 : i32
        %dma_start3A_275 = tpu.memref_slice %arg22[%add3A_41, %dma_start3A] : memref<5128x128xf32, #tpu.memory_space<vmem_shared>> -> memref<32x128xf32, #tpu.memory_space<vmem_shared>>
        %dma_start3A_276 = arith.constant 0 : i32
        %dma_start3A_277 = tpu.memref_slice %arg22[%add3A_41, %dma_start3A_276] : memref<5128x128xf32, #tpu.memory_space<vmem_shared>> -> memref<32x128xf32, #tpu.memory_space<vmem_shared>>
        tpu.enqueue_dma source(%arg17 : memref<32x128xf32, #tpu.memory_space<vmem>>) target(%dma_start3A_277 : memref<32x128xf32, #tpu.memory_space<vmem_shared>>) target_semaphore(%run_scoped3A : memref<!tpu.dma_semaphore, #tpu.memory_space<semaphore_mem>>)
        %dma_wait3A = arith.constant 0 : i32
        %dma_wait3A_278 = tpu.memref_slice %arg22[%add3A_41, %dma_wait3A] : memref<5128x128xf32, #tpu.memory_space<vmem_shared>> -> memref<32x128xf32, #tpu.memory_space<vmem_shared>>
        %dma_wait3A_279 = arith.constant 0 : i32
        %dma_wait3A_280 = tpu.memref_slice %arg22[%add3A_41, %dma_wait3A_279] : memref<5128x128xf32, #tpu.memory_space<vmem_shared>> -> memref<32x128xf32, #tpu.memory_space<vmem_shared>>
        tpu.wait_dma2 semaphore(%run_scoped3A : memref<!tpu.dma_semaphore, #tpu.memory_space<semaphore_mem>>) src(%arg17 : memref<32x128xf32, #tpu.memory_space<vmem>>) dst(%dma_wait3A_280 : memref<32x128xf32, #tpu.memory_space<vmem_shared>>)
        tpu.yield
      }) : () -> ()
      %mul3A_42 = arith.constant 320 : i32
      %mul3A_43 = arith.muli %arg1, %mul3A_42 : i32
      %add3A_44 = arith.constant 64 : i32
      %add3A_45 = arith.addi %mul3A_43, %add3A_44 : i32
      "tpu.region"() ({
        %run_scoped3A = tpu.sem_alloc : memref<!tpu.dma_semaphore, #tpu.memory_space<semaphore_mem>>
        %dma_start3A = arith.constant 0 : i32
        %dma_start3A_275 = tpu.memref_slice %arg22[%add3A_45, %dma_start3A] : memref<5128x128xf32, #tpu.memory_space<vmem_shared>> -> memref<32x128xf32, #tpu.memory_space<vmem_shared>>
        %dma_start3A_276 = arith.constant 0 : i32
        %dma_start3A_277 = tpu.memref_slice %arg22[%add3A_45, %dma_start3A_276] : memref<5128x128xf32, #tpu.memory_space<vmem_shared>> -> memref<32x128xf32, #tpu.memory_space<vmem_shared>>
        tpu.enqueue_dma source(%arg17 : memref<32x128xf32, #tpu.memory_space<vmem>>) target(%dma_start3A_277 : memref<32x128xf32, #tpu.memory_space<vmem_shared>>) target_semaphore(%run_scoped3A : memref<!tpu.dma_semaphore, #tpu.memory_space<semaphore_mem>>)
        %dma_wait3A = arith.constant 0 : i32
        %dma_wait3A_278 = tpu.memref_slice %arg22[%add3A_45, %dma_wait3A] : memref<5128x128xf32, #tpu.memory_space<vmem_shared>> -> memref<32x128xf32, #tpu.memory_space<vmem_shared>>
        %dma_wait3A_279 = arith.constant 0 : i32
        %dma_wait3A_280 = tpu.memref_slice %arg22[%add3A_45, %dma_wait3A_279] : memref<5128x128xf32, #tpu.memory_space<vmem_shared>> -> memref<32x128xf32, #tpu.memory_space<vmem_shared>>
        tpu.wait_dma2 semaphore(%run_scoped3A : memref<!tpu.dma_semaphore, #tpu.memory_space<semaphore_mem>>) src(%arg17 : memref<32x128xf32, #tpu.memory_space<vmem>>) dst(%dma_wait3A_280 : memref<32x128xf32, #tpu.memory_space<vmem_shared>>)
        tpu.yield
      }) : () -> ()
      %mul3A_46 = arith.constant 320 : i32
      %mul3A_47 = arith.muli %arg1, %mul3A_46 : i32
      %add3A_48 = arith.constant 96 : i32
      %add3A_49 = arith.addi %mul3A_47, %add3A_48 : i32
      "tpu.region"() ({
        %run_scoped3A = tpu.sem_alloc : memref<!tpu.dma_semaphore, #tpu.memory_space<semaphore_mem>>
        %dma_start3A = arith.constant 0 : i32
        %dma_start3A_275 = tpu.memref_slice %arg22[%add3A_49, %dma_start3A] : memref<5128x128xf32, #tpu.memory_space<vmem_shared>> -> memref<32x128xf32, #tpu.memory_space<vmem_shared>>
        %dma_start3A_276 = arith.constant 0 : i32
        %dma_start3A_277 = tpu.memref_slice %arg22[%add3A_49, %dma_start3A_276] : memref<5128x128xf32, #tpu.memory_space<vmem_shared>> -> memref<32x128xf32, #tpu.memory_space<vmem_shared>>
        tpu.enqueue_dma source(%arg17 : memref<32x128xf32, #tpu.memory_space<vmem>>) target(%dma_start3A_277 : memref<32x128xf32, #tpu.memory_space<vmem_shared>>) target_semaphore(%run_scoped3A : memref<!tpu.dma_semaphore, #tpu.memory_space<semaphore_mem>>)
        %dma_wait3A = arith.constant 0 : i32
        %dma_wait3A_278 = tpu.memref_slice %arg22[%add3A_49, %dma_wait3A] : memref<5128x128xf32, #tpu.memory_space<vmem_shared>> -> memref<32x128xf32, #tpu.memory_space<vmem_shared>>
        %dma_wait3A_279 = arith.constant 0 : i32
        %dma_wait3A_280 = tpu.memref_slice %arg22[%add3A_49, %dma_wait3A_279] : memref<5128x128xf32, #tpu.memory_space<vmem_shared>> -> memref<32x128xf32, #tpu.memory_space<vmem_shared>>
        tpu.wait_dma2 semaphore(%run_scoped3A : memref<!tpu.dma_semaphore, #tpu.memory_space<semaphore_mem>>) src(%arg17 : memref<32x128xf32, #tpu.memory_space<vmem>>) dst(%dma_wait3A_280 : memref<32x128xf32, #tpu.memory_space<vmem_shared>>)
        tpu.yield
      }) : () -> ()
      %mul3A_50 = arith.constant 320 : i32
      %mul3A_51 = arith.muli %arg1, %mul3A_50 : i32
      %add3A_52 = arith.constant 128 : i32
      %add3A_53 = arith.addi %mul3A_51, %add3A_52 : i32
      "tpu.region"() ({
        %run_scoped3A = tpu.sem_alloc : memref<!tpu.dma_semaphore, #tpu.memory_space<semaphore_mem>>
        %dma_start3A = arith.constant 0 : i32
        %dma_start3A_275 = tpu.memref_slice %arg22[%add3A_53, %dma_start3A] : memref<5128x128xf32, #tpu.memory_space<vmem_shared>> -> memref<32x128xf32, #tpu.memory_space<vmem_shared>>
        %dma_start3A_276 = arith.constant 0 : i32
        %dma_start3A_277 = tpu.memref_slice %arg22[%add3A_53, %dma_start3A_276] : memref<5128x128xf32, #tpu.memory_space<vmem_shared>> -> memref<32x128xf32, #tpu.memory_space<vmem_shared>>
        tpu.enqueue_dma source(%arg17 : memref<32x128xf32, #tpu.memory_space<vmem>>) target(%dma_start3A_277 : memref<32x128xf32, #tpu.memory_space<vmem_shared>>) target_semaphore(%run_scoped3A : memref<!tpu.dma_semaphore, #tpu.memory_space<semaphore_mem>>)
        %dma_wait3A = arith.constant 0 : i32
        %dma_wait3A_278 = tpu.memref_slice %arg22[%add3A_53, %dma_wait3A] : memref<5128x128xf32, #tpu.memory_space<vmem_shared>> -> memref<32x128xf32, #tpu.memory_space<vmem_shared>>
        %dma_wait3A_279 = arith.constant 0 : i32
        %dma_wait3A_280 = tpu.memref_slice %arg22[%add3A_53, %dma_wait3A_279] : memref<5128x128xf32, #tpu.memory_space<vmem_shared>> -> memref<32x128xf32, #tpu.memory_space<vmem_shared>>
        tpu.wait_dma2 semaphore(%run_scoped3A : memref<!tpu.dma_semaphore, #tpu.memory_space<semaphore_mem>>) src(%arg17 : memref<32x128xf32, #tpu.memory_space<vmem>>) dst(%dma_wait3A_280 : memref<32x128xf32, #tpu.memory_space<vmem_shared>>)
        tpu.yield
      }) : () -> ()
      %mul3A_54 = arith.constant 320 : i32
      %mul3A_55 = arith.muli %arg1, %mul3A_54 : i32
      %add3A_56 = arith.constant 160 : i32
      %add3A_57 = arith.addi %mul3A_55, %add3A_56 : i32
      "tpu.region"() ({
        %run_scoped3A = tpu.sem_alloc : memref<!tpu.dma_semaphore, #tpu.memory_space<semaphore_mem>>
        %dma_start3A = arith.constant 0 : i32
        %dma_start3A_275 = tpu.memref_slice %arg22[%add3A_57, %dma_start3A] : memref<5128x128xf32, #tpu.memory_space<vmem_shared>> -> memref<32x128xf32, #tpu.memory_space<vmem_shared>>
        %dma_start3A_276 = arith.constant 0 : i32
        %dma_start3A_277 = tpu.memref_slice %arg22[%add3A_57, %dma_start3A_276] : memref<5128x128xf32, #tpu.memory_space<vmem_shared>> -> memref<32x128xf32, #tpu.memory_space<vmem_shared>>
        tpu.enqueue_dma source(%arg17 : memref<32x128xf32, #tpu.memory_space<vmem>>) target(%dma_start3A_277 : memref<32x128xf32, #tpu.memory_space<vmem_shared>>) target_semaphore(%run_scoped3A : memref<!tpu.dma_semaphore, #tpu.memory_space<semaphore_mem>>)
        %dma_wait3A = arith.constant 0 : i32
        %dma_wait3A_278 = tpu.memref_slice %arg22[%add3A_57, %dma_wait3A] : memref<5128x128xf32, #tpu.memory_space<vmem_shared>> -> memref<32x128xf32, #tpu.memory_space<vmem_shared>>
        %dma_wait3A_279 = arith.constant 0 : i32
        %dma_wait3A_280 = tpu.memref_slice %arg22[%add3A_57, %dma_wait3A_279] : memref<5128x128xf32, #tpu.memory_space<vmem_shared>> -> memref<32x128xf32, #tpu.memory_space<vmem_shared>>
        tpu.wait_dma2 semaphore(%run_scoped3A : memref<!tpu.dma_semaphore, #tpu.memory_space<semaphore_mem>>) src(%arg17 : memref<32x128xf32, #tpu.memory_space<vmem>>) dst(%dma_wait3A_280 : memref<32x128xf32, #tpu.memory_space<vmem_shared>>)
        tpu.yield
      }) : () -> ()
      %mul3A_58 = arith.constant 320 : i32
      %mul3A_59 = arith.muli %arg1, %mul3A_58 : i32
      %add3A_60 = arith.constant 192 : i32
      %add3A_61 = arith.addi %mul3A_59, %add3A_60 : i32
      "tpu.region"() ({
        %run_scoped3A = tpu.sem_alloc : memref<!tpu.dma_semaphore, #tpu.memory_space<semaphore_mem>>
        %dma_start3A = arith.constant 0 : i32
        %dma_start3A_275 = tpu.memref_slice %arg22[%add3A_61, %dma_start3A] : memref<5128x128xf32, #tpu.memory_space<vmem_shared>> -> memref<32x128xf32, #tpu.memory_space<vmem_shared>>
        %dma_start3A_276 = arith.constant 0 : i32
        %dma_start3A_277 = tpu.memref_slice %arg22[%add3A_61, %dma_start3A_276] : memref<5128x128xf32, #tpu.memory_space<vmem_shared>> -> memref<32x128xf32, #tpu.memory_space<vmem_shared>>
        tpu.enqueue_dma source(%arg17 : memref<32x128xf32, #tpu.memory_space<vmem>>) target(%dma_start3A_277 : memref<32x128xf32, #tpu.memory_space<vmem_shared>>) target_semaphore(%run_scoped3A : memref<!tpu.dma_semaphore, #tpu.memory_space<semaphore_mem>>)
        %dma_wait3A = arith.constant 0 : i32
        %dma_wait3A_278 = tpu.memref_slice %arg22[%add3A_61, %dma_wait3A] : memref<5128x128xf32, #tpu.memory_space<vmem_shared>> -> memref<32x128xf32, #tpu.memory_space<vmem_shared>>
        %dma_wait3A_279 = arith.constant 0 : i32
        %dma_wait3A_280 = tpu.memref_slice %arg22[%add3A_61, %dma_wait3A_279] : memref<5128x128xf32, #tpu.memory_space<vmem_shared>> -> memref<32x128xf32, #tpu.memory_space<vmem_shared>>
        tpu.wait_dma2 semaphore(%run_scoped3A : memref<!tpu.dma_semaphore, #tpu.memory_space<semaphore_mem>>) src(%arg17 : memref<32x128xf32, #tpu.memory_space<vmem>>) dst(%dma_wait3A_280 : memref<32x128xf32, #tpu.memory_space<vmem_shared>>)
        tpu.yield
      }) : () -> ()
      %mul3A_62 = arith.constant 320 : i32
      %mul3A_63 = arith.muli %arg1, %mul3A_62 : i32
      %add3A_64 = arith.constant 224 : i32
      %add3A_65 = arith.addi %mul3A_63, %add3A_64 : i32
      "tpu.region"() ({
        %run_scoped3A = tpu.sem_alloc : memref<!tpu.dma_semaphore, #tpu.memory_space<semaphore_mem>>
        %dma_start3A = arith.constant 0 : i32
        %dma_start3A_275 = tpu.memref_slice %arg22[%add3A_65, %dma_start3A] : memref<5128x128xf32, #tpu.memory_space<vmem_shared>> -> memref<32x128xf32, #tpu.memory_space<vmem_shared>>
        %dma_start3A_276 = arith.constant 0 : i32
        %dma_start3A_277 = tpu.memref_slice %arg22[%add3A_65, %dma_start3A_276] : memref<5128x128xf32, #tpu.memory_space<vmem_shared>> -> memref<32x128xf32, #tpu.memory_space<vmem_shared>>
        tpu.enqueue_dma source(%arg17 : memref<32x128xf32, #tpu.memory_space<vmem>>) target(%dma_start3A_277 : memref<32x128xf32, #tpu.memory_space<vmem_shared>>) target_semaphore(%run_scoped3A : memref<!tpu.dma_semaphore, #tpu.memory_space<semaphore_mem>>)
        %dma_wait3A = arith.constant 0 : i32
        %dma_wait3A_278 = tpu.memref_slice %arg22[%add3A_65, %dma_wait3A] : memref<5128x128xf32, #tpu.memory_space<vmem_shared>> -> memref<32x128xf32, #tpu.memory_space<vmem_shared>>
        %dma_wait3A_279 = arith.constant 0 : i32
        %dma_wait3A_280 = tpu.memref_slice %arg22[%add3A_65, %dma_wait3A_279] : memref<5128x128xf32, #tpu.memory_space<vmem_shared>> -> memref<32x128xf32, #tpu.memory_space<vmem_shared>>
        tpu.wait_dma2 semaphore(%run_scoped3A : memref<!tpu.dma_semaphore, #tpu.memory_space<semaphore_mem>>) src(%arg17 : memref<32x128xf32, #tpu.memory_space<vmem>>) dst(%dma_wait3A_280 : memref<32x128xf32, #tpu.memory_space<vmem_shared>>)
        tpu.yield
      }) : () -> ()
      %mul3A_66 = arith.constant 320 : i32
      %mul3A_67 = arith.muli %arg1, %mul3A_66 : i32
      %add3A_68 = arith.constant 256 : i32
      %add3A_69 = arith.addi %mul3A_67, %add3A_68 : i32
      "tpu.region"() ({
        %run_scoped3A = tpu.sem_alloc : memref<!tpu.dma_semaphore, #tpu.memory_space<semaphore_mem>>
        %dma_start3A = arith.constant 0 : i32
        %dma_start3A_275 = tpu.memref_slice %arg22[%add3A_69, %dma_start3A] : memref<5128x128xf32, #tpu.memory_space<vmem_shared>> -> memref<32x128xf32, #tpu.memory_space<vmem_shared>>
        %dma_start3A_276 = arith.constant 0 : i32
        %dma_start3A_277 = tpu.memref_slice %arg22[%add3A_69, %dma_start3A_276] : memref<5128x128xf32, #tpu.memory_space<vmem_shared>> -> memref<32x128xf32, #tpu.memory_space<vmem_shared>>
        tpu.enqueue_dma source(%arg17 : memref<32x128xf32, #tpu.memory_space<vmem>>) target(%dma_start3A_277 : memref<32x128xf32, #tpu.memory_space<vmem_shared>>) target_semaphore(%run_scoped3A : memref<!tpu.dma_semaphore, #tpu.memory_space<semaphore_mem>>)
        %dma_wait3A = arith.constant 0 : i32
        %dma_wait3A_278 = tpu.memref_slice %arg22[%add3A_69, %dma_wait3A] : memref<5128x128xf32, #tpu.memory_space<vmem_shared>> -> memref<32x128xf32, #tpu.memory_space<vmem_shared>>
        %dma_wait3A_279 = arith.constant 0 : i32
        %dma_wait3A_280 = tpu.memref_slice %arg22[%add3A_69, %dma_wait3A_279] : memref<5128x128xf32, #tpu.memory_space<vmem_shared>> -> memref<32x128xf32, #tpu.memory_space<vmem_shared>>
        tpu.wait_dma2 semaphore(%run_scoped3A : memref<!tpu.dma_semaphore, #tpu.memory_space<semaphore_mem>>) src(%arg17 : memref<32x128xf32, #tpu.memory_space<vmem>>) dst(%dma_wait3A_280 : memref<32x128xf32, #tpu.memory_space<vmem_shared>>)
        tpu.yield
      }) : () -> ()
      %mul3A_70 = arith.constant 320 : i32
      %mul3A_71 = arith.muli %arg1, %mul3A_70 : i32
      %add3A_72 = arith.constant 288 : i32
      %add3A_73 = arith.addi %mul3A_71, %add3A_72 : i32
      "tpu.region"() ({
        %run_scoped3A = tpu.sem_alloc : memref<!tpu.dma_semaphore, #tpu.memory_space<semaphore_mem>>
        %dma_start3A = arith.constant 0 : i32
        %dma_start3A_275 = tpu.memref_slice %arg22[%add3A_73, %dma_start3A] : memref<5128x128xf32, #tpu.memory_space<vmem_shared>> -> memref<32x128xf32, #tpu.memory_space<vmem_shared>>
        %dma_start3A_276 = arith.constant 0 : i32
        %dma_start3A_277 = tpu.memref_slice %arg22[%add3A_73, %dma_start3A_276] : memref<5128x128xf32, #tpu.memory_space<vmem_shared>> -> memref<32x128xf32, #tpu.memory_space<vmem_shared>>
        tpu.enqueue_dma source(%arg17 : memref<32x128xf32, #tpu.memory_space<vmem>>) target(%dma_start3A_277 : memref<32x128xf32, #tpu.memory_space<vmem_shared>>) target_semaphore(%run_scoped3A : memref<!tpu.dma_semaphore, #tpu.memory_space<semaphore_mem>>)
        %dma_wait3A = arith.constant 0 : i32
        %dma_wait3A_278 = tpu.memref_slice %arg22[%add3A_73, %dma_wait3A] : memref<5128x128xf32, #tpu.memory_space<vmem_shared>> -> memref<32x128xf32, #tpu.memory_space<vmem_shared>>
        %dma_wait3A_279 = arith.constant 0 : i32
        %dma_wait3A_280 = tpu.memref_slice %arg22[%add3A_73, %dma_wait3A_279] : memref<5128x128xf32, #tpu.memory_space<vmem_shared>> -> memref<32x128xf32, #tpu.memory_space<vmem_shared>>
        tpu.wait_dma2 semaphore(%run_scoped3A : memref<!tpu.dma_semaphore, #tpu.memory_space<semaphore_mem>>) src(%arg17 : memref<32x128xf32, #tpu.memory_space<vmem>>) dst(%dma_wait3A_280 : memref<32x128xf32, #tpu.memory_space<vmem_shared>>)
        tpu.yield
      }) : () -> ()
      %barrier3A = arith.constant 0 : index
      tpu.barrier barrier_id(%barrier3A)
      "tpu.region"() ({
        %run_scoped3A = tpu.sem_alloc : memref<!tpu.dma_semaphore, #tpu.memory_space<semaphore_mem>>
        %dma_start3A = tpu.memref_slice %arg3[%add3A] : memref<1000448xi32, #tpu.memory_space<hbm>> -> memref<15632xi32, #tpu.memory_space<hbm>>
        %dma_start3A_275 = tpu.memref_slice %arg3[%add3A] : memref<1000448xi32, #tpu.memory_space<hbm>> -> memref<15632xi32, #tpu.memory_space<hbm>>
        tpu.enqueue_dma source(%dma_start3A_275 : memref<15632xi32, #tpu.memory_space<hbm>>) target(%arg5 : memref<15632xi32, #tpu.memory_space<vmem>>) target_semaphore(%run_scoped3A : memref<!tpu.dma_semaphore, #tpu.memory_space<semaphore_mem>>)
        %dma_wait3A = tpu.memref_slice %arg3[%add3A] : memref<1000448xi32, #tpu.memory_space<hbm>> -> memref<15632xi32, #tpu.memory_space<hbm>>
        %dma_wait3A_276 = tpu.memref_slice %arg3[%add3A] : memref<1000448xi32, #tpu.memory_space<hbm>> -> memref<15632xi32, #tpu.memory_space<hbm>>
        tpu.wait_dma2 semaphore(%run_scoped3A : memref<!tpu.dma_semaphore, #tpu.memory_space<semaphore_mem>>) src(%dma_wait3A_276 : memref<15632xi32, #tpu.memory_space<hbm>>) dst(%arg5 : memref<15632xi32, #tpu.memory_space<vmem>>)
        tpu.yield
      }) : () -> ()
      %add3A_74 = arith.constant 250112 : i32
      %add3A_75 = arith.addi %add3A, %add3A_74 : i32
      "tpu.region"() ({
        %run_scoped3A = tpu.sem_alloc : memref<!tpu.dma_semaphore, #tpu.memory_space<semaphore_mem>>
        %dma_start3A = tpu.memref_slice %arg3[%add3A_75] : memref<1000448xi32, #tpu.memory_space<hbm>> -> memref<15632xi32, #tpu.memory_space<hbm>>
        %dma_start3A_275 = tpu.memref_slice %arg3[%add3A_75] : memref<1000448xi32, #tpu.memory_space<hbm>> -> memref<15632xi32, #tpu.memory_space<hbm>>
        tpu.enqueue_dma source(%dma_start3A_275 : memref<15632xi32, #tpu.memory_space<hbm>>) target(%arg6 : memref<15632xi32, #tpu.memory_space<vmem>>) target_semaphore(%run_scoped3A : memref<!tpu.dma_semaphore, #tpu.memory_space<semaphore_mem>>)
        %dma_wait3A = tpu.memref_slice %arg3[%add3A_75] : memref<1000448xi32, #tpu.memory_space<hbm>> -> memref<15632xi32, #tpu.memory_space<hbm>>
        %dma_wait3A_276 = tpu.memref_slice %arg3[%add3A_75] : memref<1000448xi32, #tpu.memory_space<hbm>> -> memref<15632xi32, #tpu.memory_space<hbm>>
        tpu.wait_dma2 semaphore(%run_scoped3A : memref<!tpu.dma_semaphore, #tpu.memory_space<semaphore_mem>>) src(%dma_wait3A_276 : memref<15632xi32, #tpu.memory_space<hbm>>) dst(%arg6 : memref<15632xi32, #tpu.memory_space<vmem>>)
        tpu.yield
      }) : () -> ()
      %add3A_76 = arith.constant 15648 : i32
      %add3A_77 = vector.broadcast %add3A_76 : i32 to vector<16xi32>
      %add3A_78 = arith.addi %add3A_77, %iota3A : vector<16xi32>
      %broadcast_in_dim3A_79 = arith.constant 0 : i32
      %broadcast_in_dim3A_80 = vector.broadcast %broadcast_in_dim3A_79 : i32 to vector<16xi32>
      %scan3A_81 = arith.constant 0 : i32
      %scan3A_82 = arith.constant 977 : i32
      %scan3A_83 = arith.addi %scan3A_81, %scan3A_82 : i32
      %scan3A_84 = arith.constant 1 : i32
      %scan3A_85 = scf.for %scan3A_275 = %scan3A_81 to %scan3A_83 step %scan3A_84 iter_args(%scan3A_276 = %broadcast_in_dim3A_80) -> (vector<16xi32>)  : i32 {
        %mul3A_277 = arith.constant 16 : i32
        %mul3A_278 = arith.muli %scan3A_275, %mul3A_277 : i32
        %get3A_279 = arith.index_cast %mul3A_278 : i32 to index
        %get3A_280 = tpu.vector_load %arg5[%get3A_279] {strides = array<i32>} : memref<15632xi32, #tpu.memory_space<vmem>>, vector<16xi32>,
        %get3A_281 = vector.shape_cast %get3A_280 : vector<16xi32> to vector<16xi32>
        %mul3A_282 = arith.constant 16 : i32
        %mul3A_283 = arith.muli %scan3A_275, %mul3A_282 : i32
        %get3A_284 = arith.index_cast %mul3A_283 : i32 to index
        %get3A_285 = tpu.vector_load %arg6[%get3A_284] {strides = array<i32>} : memref<15632xi32, #tpu.memory_space<vmem>>, vector<16xi32>,
        %get3A_286 = vector.shape_cast %get3A_285 : vector<16xi32> to vector<16xi32>
        %sub3A_287 = vector.broadcast %mul3A_33 : i32 to vector<16xi32>
        %sub3A_288 = arith.subi %get3A_286, %sub3A_287 : vector<16xi32>
        %ge3A = arith.constant 0 : i32
        %ge3A_289 = vector.broadcast %ge3A : i32 to vector<16xi32>
        %ge3A_290 = arith.cmpi sge, %sub3A_288, %ge3A_289 : vector<16xi32>
        %lt3A_291 = arith.constant 5120 : i32
        %lt3A_292 = vector.broadcast %lt3A_291 : i32 to vector<16xi32>
        %lt3A_293 = arith.cmpi slt, %sub3A_288, %lt3A_292 : vector<16xi32>
        %and3A_294 = arith.andi %ge3A_290, %lt3A_293 : vector<16xi1>
        %mul3A_295 = arith.constant 16 : i32
        %mul3A_296 = vector.broadcast %mul3A_295 : i32 to vector<16xi32>
        %mul3A_297 = arith.muli %scan3A_276, %mul3A_296 : vector<16xi32>
        %add3A_298 = arith.addi %mul3A_297, %iota3A : vector<16xi32>
        %select_n3A_299 = arith.select %and3A_294, %add3A_298, %add3A_78 : vector<16xi1>, vector<16xi32>
        tpu.vector_store_idx %arg7[%select_n3A_299], %get3A_281 : memref<15664xi32, #tpu.memory_space<vmem>>[vector<16xi32>], vector<16xi32>,
        tpu.vector_store_idx %arg8[%select_n3A_299], %sub3A_288 : memref<15664xi32, #tpu.memory_space<vmem>>[vector<16xi32>], vector<16xi32>,
        %jit3A_300 = arith.constant 1 : i32
        %jit3A_301 = arith.constant 0 : i32
        %broadcast_in_dim3A_302 = vector.broadcast %jit3A_300 : i32 to vector<16xi32>
        %broadcast_in_dim3A_303 = vector.broadcast %jit3A_301 : i32 to vector<16xi32>
        %select_n3A_304 = arith.select %and3A_294, %broadcast_in_dim3A_302, %broadcast_in_dim3A_303 : vector<16xi1>, vector<16xi32>
        %add3A_305 = arith.addi %scan3A_276, %select_n3A_304 : vector<16xi32>
        scf.yield %add3A_305 : vector<16xi32>
      }
      %scan3A_86 = arith.constant 977 : i32
      %xor3A = arith.constant 1 : i32
      %xor3A_87 = vector.broadcast %xor3A : i32 to vector<16xi32>
      %xor3A_88 = arith.xori %iota3A, %xor3A_87 : vector<16xi32>
      %lt3A = arith.constant 0 : i32
      %lt3A_89 = vector.broadcast %lt3A : i32 to vector<16xi32>
      %lt3A_90 = arith.cmpi slt, %xor3A_88, %lt3A_89 : vector<16xi32>
      %add3A_91 = arith.constant 16 : i32
      %add3A_92 = vector.broadcast %add3A_91 : i32 to vector<16xi32>
      %add3A_93 = arith.addi %xor3A_88, %add3A_92 : vector<16xi32>
      %select_n3A = arith.select %lt3A_90, %add3A_93, %xor3A_88 : vector<16xi1>, vector<16xi32>
      %broadcast_in_dim3A_94 = vector.shape_cast %select_n3A : vector<16xi32> to vector<16x1xi32>
      %gather3A = vector.shape_cast %broadcast_in_dim3A_94 : vector<16x1xi32> to vector<16xi32>
      %gather3A_95 = tpu.dynamic_gather %scan3A_85[%gather3A] in [0] : vector<16xi32>, vector<16xi32> -> vector<16xi32>
      %max3A = arith.maxsi %scan3A_85, %gather3A_95 : vector<16xi32>
      %xor3A_96 = arith.constant 2 : i32
      %xor3A_97 = vector.broadcast %xor3A_96 : i32 to vector<16xi32>
      %xor3A_98 = arith.xori %iota3A, %xor3A_97 : vector<16xi32>
      %lt3A_99 = arith.constant 0 : i32
      %lt3A_100 = vector.broadcast %lt3A_99 : i32 to vector<16xi32>
      %lt3A_101 = arith.cmpi slt, %xor3A_98, %lt3A_100 : vector<16xi32>
      %add3A_102 = arith.constant 16 : i32
      %add3A_103 = vector.broadcast %add3A_102 : i32 to vector<16xi32>
      %add3A_104 = arith.addi %xor3A_98, %add3A_103 : vector<16xi32>
      %select_n3A_105 = arith.select %lt3A_101, %add3A_104, %xor3A_98 : vector<16xi1>, vector<16xi32>
      %broadcast_in_dim3A_106 = vector.shape_cast %select_n3A_105 : vector<16xi32> to vector<16x1xi32>
      %gather3A_107 = vector.shape_cast %broadcast_in_dim3A_106 : vector<16x1xi32> to vector<16xi32>
      %gather3A_108 = tpu.dynamic_gather %max3A[%gather3A_107] in [0] : vector<16xi32>, vector<16xi32> -> vector<16xi32>
      %max3A_109 = arith.maxsi %max3A, %gather3A_108 : vector<16xi32>
      %xor3A_110 = arith.constant 4 : i32
      %xor3A_111 = vector.broadcast %xor3A_110 : i32 to vector<16xi32>
      %xor3A_112 = arith.xori %iota3A, %xor3A_111 : vector<16xi32>
      %lt3A_113 = arith.constant 0 : i32
      %lt3A_114 = vector.broadcast %lt3A_113 : i32 to vector<16xi32>
      %lt3A_115 = arith.cmpi slt, %xor3A_112, %lt3A_114 : vector<16xi32>
      %add3A_116 = arith.constant 16 : i32
      %add3A_117 = vector.broadcast %add3A_116 : i32 to vector<16xi32>
      %add3A_118 = arith.addi %xor3A_112, %add3A_117 : vector<16xi32>
      %select_n3A_119 = arith.select %lt3A_115, %add3A_118, %xor3A_112 : vector<16xi1>, vector<16xi32>
      %broadcast_in_dim3A_120 = vector.shape_cast %select_n3A_119 : vector<16xi32> to vector<16x1xi32>
      %gather3A_121 = vector.shape_cast %broadcast_in_dim3A_120 : vector<16x1xi32> to vector<16xi32>
      %gather3A_122 = tpu.dynamic_gather %max3A_109[%gather3A_121] in [0] : vector<16xi32>, vector<16xi32> -> vector<16xi32>
      %max3A_123 = arith.maxsi %max3A_109, %gather3A_122 : vector<16xi32>
      %xor3A_124 = arith.constant 8 : i32
      %xor3A_125 = vector.broadcast %xor3A_124 : i32 to vector<16xi32>
      %xor3A_126 = arith.xori %iota3A, %xor3A_125 : vector<16xi32>
      %lt3A_127 = arith.constant 0 : i32
      %lt3A_128 = vector.broadcast %lt3A_127 : i32 to vector<16xi32>
      %lt3A_129 = arith.cmpi slt, %xor3A_126, %lt3A_128 : vector<16xi32>
      %add3A_130 = arith.constant 16 : i32
      %add3A_131 = vector.broadcast %add3A_130 : i32 to vector<16xi32>
      %add3A_132 = arith.addi %xor3A_126, %add3A_131 : vector<16xi32>
      %select_n3A_133 = arith.select %lt3A_129, %add3A_132, %xor3A_126 : vector<16xi1>, vector<16xi32>
      %broadcast_in_dim3A_134 = vector.shape_cast %select_n3A_133 : vector<16xi32> to vector<16x1xi32>
      %gather3A_135 = vector.shape_cast %broadcast_in_dim3A_134 : vector<16x1xi32> to vector<16xi32>
      %gather3A_136 = tpu.dynamic_gather %max3A_123[%gather3A_135] in [0] : vector<16xi32>, vector<16xi32> -> vector<16xi32>
      %max3A_137 = arith.maxsi %max3A_123, %gather3A_136 : vector<16xi32>
      %swap3A = arith.constant 0 : index
      %swap3A_138 = tpu.vector_load %arg19[%swap3A] {strides = array<i32>} : memref<16xi32, #tpu.memory_space<vmem>>, vector<16xi32>,
      tpu.vector_store %arg19[%swap3A], %max3A_137 {strides = array<i32>} : memref<16xi32, #tpu.memory_space<vmem>>, vector<16xi32>,
      %get3A = arith.constant 0 : index
      %get3A_139 = tpu.vector_load %arg19[%get3A] {strides = array<i32>} : memref<16xi32, #tpu.memory_space<vmem>>, vector<16xi32>,
      %slice3A = vector.extract_strided_slice %get3A_139 {offsets = [0], sizes = [1], strides = [1]} : vector<16xi32> to vector<1xi32>
      %squeeze3A = vector.extract %slice3A[0] : i32 from vector<1xi32>
      %add3A_140 = arith.constant 7 : i32
      %add3A_141 = arith.addi %squeeze3A, %add3A_140 : i32
      %jit3A = arith.constant 8 : i32
      %div3A = arith.divsi %add3A_141, %jit3A : i32
      %sign3A = arith.constant 0 : i32
      %sign3A_142 = arith.cmpi sgt, %add3A_141, %sign3A : i32
      %sign3A_143 = arith.extui %sign3A_142 : i1 to i32
      %sign3A_144 = arith.constant 0 : i32
      %sign3A_145 = arith.cmpi slt, %add3A_141, %sign3A_144 : i32
      %sign3A_146 = arith.extui %sign3A_145 : i1 to i32
      %sign3A_147 = arith.subi %sign3A_143, %sign3A_146 : i32
      %sign3A_148 = arith.constant 0 : i32
      %sign3A_149 = arith.cmpi sgt, %jit3A, %sign3A_148 : i32
      %sign3A_150 = arith.extui %sign3A_149 : i1 to i32
      %sign3A_151 = arith.constant 0 : i32
      %sign3A_152 = arith.cmpi slt, %jit3A, %sign3A_151 : i32
      %sign3A_153 = arith.extui %sign3A_152 : i1 to i32
      %sign3A_154 = arith.subi %sign3A_150, %sign3A_153 : i32
      %ne3A = arith.cmpi ne, %sign3A_147, %sign3A_154 : i32
      %rem3A = arith.remsi %add3A_141, %jit3A : i32
      %ne3A_155 = arith.constant 0 : i32
      %ne3A_156 = arith.cmpi ne, %rem3A, %ne3A_155 : i32
      %and3A_157 = arith.andi %ne3A, %ne3A_156 : i1
      %sub3A = arith.constant 1 : i32
      %sub3A_158 = arith.subi %div3A, %sub3A : i32
      %select_n3A_159 = arith.select %and3A_157, %sub3A_158, %div3A : i32
      %broadcast_in_dim3A_160 = arith.constant 0 : i32
      %broadcast_in_dim3A_161 = vector.broadcast %broadcast_in_dim3A_160 : i32 to vector<16xi32>
      %while3A = arith.constant 0 : i32
      %while3A_162 = arith.subi %select_n3A_159, %while3A : i32
      %while3A_163 = arith.addi %while3A, %while3A_162 : i32
      %while3A_164 = arith.constant 1 : i32
      %while3A_165 = arith.divsi %while3A_162, %while3A_164 : i32
      %while3A_166 = arith.muli %while3A_165, %while3A_164 : i32
      %while3A_167 = arith.addi %while3A, %while3A_166 : i32
      %while3A_168 = arith.constant 1 : i32
      %while3A_169 = scf.for %while3A_275 = %while3A to %while3A_167 step %while3A_168 iter_args(%while3A_276 = %broadcast_in_dim3A_161) -> (vector<16xi32>)  : i32 {
        %mul3A_277 = arith.constant 8 : i32
        %mul3A_278 = arith.muli %while3A_275, %mul3A_277 : i32
        %add3A_279 = arith.constant 0 : i32
        %add3A_280 = arith.addi %mul3A_278, %add3A_279 : i32
        %lt3A_281 = arith.cmpi slt, %while3A_276, %scan3A_85 : vector<16xi32>
        %mul3A_282 = arith.constant 16 : i32
        %mul3A_283 = arith.muli %add3A_280, %mul3A_282 : i32
        %get3A_284 = arith.index_cast %mul3A_283 : i32 to index
        %get3A_285 = tpu.vector_load %arg7[%get3A_284] {strides = array<i32>} : memref<15664xi32, #tpu.memory_space<vmem>>, vector<16xi32>,
        %select_n3A_286 = arith.select %lt3A_281, %get3A_285, %add3A_16 : vector<16xi1>, vector<16xi32>
        %add3A_287 = vector.broadcast %mul3A_1 : i32 to vector<16xi32>
        %add3A_288 = arith.addi %add3A_287, %select_n3A_286 : vector<16xi32>
        %mul3A_289 = arith.constant 16 : i32
        %mul3A_290 = arith.muli %add3A_280, %mul3A_289 : i32
        %get3A_291 = arith.index_cast %mul3A_290 : i32 to index
        %get3A_292 = tpu.vector_load %arg8[%get3A_291] {strides = array<i32>} : memref<15664xi32, #tpu.memory_space<vmem>>, vector<16xi32>,
        %and3A_293 = arith.constant 7 : i32
        %and3A_294 = vector.broadcast %and3A_293 : i32 to vector<16xi32>
        %and3A_295 = arith.andi %iota3A, %and3A_294 : vector<16xi32>
        %add3A_296 = arith.constant 5120 : i32
        %add3A_297 = vector.broadcast %add3A_296 : i32 to vector<16xi32>
        %add3A_298 = arith.addi %add3A_297, %and3A_295 : vector<16xi32>
        %select_n3A_299 = arith.select %lt3A_281, %get3A_292, %add3A_298 : vector<16xi1>, vector<16xi32>
        %dma_start3A = arith.constant 0 : i32
        %dma_start3A_300 = arith.constant 0 : i32
        %dma_start3A_301 = tpu.memref_slice %arg2[%dma_start3A, %dma_start3A_300] : memref<102400x128xf32, #tpu.memory_space<hbm>> -> memref<102400x128xf32, #tpu.memory_space<hbm>>
        tpu.enqueue_indirect_dma source(%dma_start3A_301 : memref<102400x128xf32, #tpu.memory_space<hbm>>) target(%arg9 : memref<16x128xf32, #tpu.memory_space<vmem>>) offsets(%add3A_288 : vector<16xi32>) semaphore(%arg21 : memref<!tpu.dma_semaphore, #tpu.memory_space<semaphore_mem>>)
        %add3A_302 = arith.constant 1 : i32
        %add3A_303 = vector.broadcast %add3A_302 : i32 to vector<16xi32>
        %add3A_304 = arith.addi %while3A_276, %add3A_303 : vector<16xi32>
        %mul3A_305 = arith.constant 8 : i32
        %mul3A_306 = arith.muli %while3A_275, %mul3A_305 : i32
        %add3A_307 = arith.constant 1 : i32
        %add3A_308 = arith.addi %mul3A_306, %add3A_307 : i32
        %lt3A_309 = arith.cmpi slt, %add3A_304, %scan3A_85 : vector<16xi32>
        %mul3A_310 = arith.constant 16 : i32
        %mul3A_311 = arith.muli %add3A_308, %mul3A_310 : i32
        %get3A_312 = arith.index_cast %mul3A_311 : i32 to index
        %get3A_313 = tpu.vector_load %arg7[%get3A_312] {strides = array<i32>} : memref<15664xi32, #tpu.memory_space<vmem>>, vector<16xi32>,
        %select_n3A_314 = arith.select %lt3A_309, %get3A_313, %add3A_16 : vector<16xi1>, vector<16xi32>
        %add3A_315 = vector.broadcast %mul3A_1 : i32 to vector<16xi32>
        %add3A_316 = arith.addi %add3A_315, %select_n3A_314 : vector<16xi32>
        %mul3A_317 = arith.constant 16 : i32
        %mul3A_318 = arith.muli %add3A_308, %mul3A_317 : i32
        %get3A_319 = arith.index_cast %mul3A_318 : i32 to index
        %get3A_320 = tpu.vector_load %arg8[%get3A_319] {strides = array<i32>} : memref<15664xi32, #tpu.memory_space<vmem>>, vector<16xi32>,
        %and3A_321 = arith.constant 7 : i32
        %and3A_322 = vector.broadcast %and3A_321 : i32 to vector<16xi32>
        %and3A_323 = arith.andi %iota3A, %and3A_322 : vector<16xi32>
        %add3A_324 = arith.constant 5120 : i32
        %add3A_325 = vector.broadcast %add3A_324 : i32 to vector<16xi32>
        %add3A_326 = arith.addi %add3A_325, %and3A_323 : vector<16xi32>
        %select_n3A_327 = arith.select %lt3A_309, %get3A_320, %add3A_326 : vector<16xi1>, vector<16xi32>
        %dma_start3A_328 = arith.constant 0 : i32
        %dma_start3A_329 = arith.constant 0 : i32
        %dma_start3A_330 = tpu.memref_slice %arg2[%dma_start3A_328, %dma_start3A_329] : memref<102400x128xf32, #tpu.memory_space<hbm>> -> memref<102400x128xf32, #tpu.memory_space<hbm>>
        tpu.enqueue_indirect_dma source(%dma_start3A_330 : memref<102400x128xf32, #tpu.memory_space<hbm>>) target(%arg10 : memref<16x128xf32, #tpu.memory_space<vmem>>) offsets(%add3A_316 : vector<16xi32>) semaphore(%arg21 : memref<!tpu.dma_semaphore, #tpu.memory_space<semaphore_mem>>)
        %add3A_331 = arith.constant 1 : i32
        %add3A_332 = vector.broadcast %add3A_331 : i32 to vector<16xi32>
        %add3A_333 = arith.addi %add3A_304, %add3A_332 : vector<16xi32>
        %mul3A_334 = arith.constant 8 : i32
        %mul3A_335 = arith.muli %while3A_275, %mul3A_334 : i32
        %add3A_336 = arith.constant 2 : i32
        %add3A_337 = arith.addi %mul3A_335, %add3A_336 : i32
        %lt3A_338 = arith.cmpi slt, %add3A_333, %scan3A_85 : vector<16xi32>
        %mul3A_339 = arith.constant 16 : i32
        %mul3A_340 = arith.muli %add3A_337, %mul3A_339 : i32
        %get3A_341 = arith.index_cast %mul3A_340 : i32 to index
        %get3A_342 = tpu.vector_load %arg7[%get3A_341] {strides = array<i32>} : memref<15664xi32, #tpu.memory_space<vmem>>, vector<16xi32>,
        %select_n3A_343 = arith.select %lt3A_338, %get3A_342, %add3A_16 : vector<16xi1>, vector<16xi32>
        %add3A_344 = vector.broadcast %mul3A_1 : i32 to vector<16xi32>
        %add3A_345 = arith.addi %add3A_344, %select_n3A_343 : vector<16xi32>
        %mul3A_346 = arith.constant 16 : i32
        %mul3A_347 = arith.muli %add3A_337, %mul3A_346 : i32
        %get3A_348 = arith.index_cast %mul3A_347 : i32 to index
        %get3A_349 = tpu.vector_load %arg8[%get3A_348] {strides = array<i32>} : memref<15664xi32, #tpu.memory_space<vmem>>, vector<16xi32>,
        %and3A_350 = arith.constant 7 : i32
        %and3A_351 = vector.broadcast %and3A_350 : i32 to vector<16xi32>
        %and3A_352 = arith.andi %iota3A, %and3A_351 : vector<16xi32>
        %add3A_353 = arith.constant 5120 : i32
        %add3A_354 = vector.broadcast %add3A_353 : i32 to vector<16xi32>
        %add3A_355 = arith.addi %add3A_354, %and3A_352 : vector<16xi32>
        %select_n3A_356 = arith.select %lt3A_338, %get3A_349, %add3A_355 : vector<16xi1>, vector<16xi32>
        %dma_start3A_357 = arith.constant 0 : i32
        %dma_start3A_358 = arith.constant 0 : i32
        %dma_start3A_359 = tpu.memref_slice %arg2[%dma_start3A_357, %dma_start3A_358] : memref<102400x128xf32, #tpu.memory_space<hbm>> -> memref<102400x128xf32, #tpu.memory_space<hbm>>
        tpu.enqueue_indirect_dma source(%dma_start3A_359 : memref<102400x128xf32, #tpu.memory_space<hbm>>) target(%arg11 : memref<16x128xf32, #tpu.memory_space<vmem>>) offsets(%add3A_345 : vector<16xi32>) semaphore(%arg21 : memref<!tpu.dma_semaphore, #tpu.memory_space<semaphore_mem>>)
        %add3A_360 = arith.constant 1 : i32
        %add3A_361 = vector.broadcast %add3A_360 : i32 to vector<16xi32>
        %add3A_362 = arith.addi %add3A_333, %add3A_361 : vector<16xi32>
        %mul3A_363 = arith.constant 8 : i32
        %mul3A_364 = arith.muli %while3A_275, %mul3A_363 : i32
        %add3A_365 = arith.constant 3 : i32
        %add3A_366 = arith.addi %mul3A_364, %add3A_365 : i32
        %lt3A_367 = arith.cmpi slt, %add3A_362, %scan3A_85 : vector<16xi32>
        %mul3A_368 = arith.constant 16 : i32
        %mul3A_369 = arith.muli %add3A_366, %mul3A_368 : i32
        %get3A_370 = arith.index_cast %mul3A_369 : i32 to index
        %get3A_371 = tpu.vector_load %arg7[%get3A_370] {strides = array<i32>} : memref<15664xi32, #tpu.memory_space<vmem>>, vector<16xi32>,
        %select_n3A_372 = arith.select %lt3A_367, %get3A_371, %add3A_16 : vector<16xi1>, vector<16xi32>
        %add3A_373 = vector.broadcast %mul3A_1 : i32 to vector<16xi32>
        %add3A_374 = arith.addi %add3A_373, %select_n3A_372 : vector<16xi32>
        %mul3A_375 = arith.constant 16 : i32
        %mul3A_376 = arith.muli %add3A_366, %mul3A_375 : i32
        %get3A_377 = arith.index_cast %mul3A_376 : i32 to index
        %get3A_378 = tpu.vector_load %arg8[%get3A_377] {strides = array<i32>} : memref<15664xi32, #tpu.memory_space<vmem>>, vector<16xi32>,
        %and3A_379 = arith.constant 7 : i32
        %and3A_380 = vector.broadcast %and3A_379 : i32 to vector<16xi32>
        %and3A_381 = arith.andi %iota3A, %and3A_380 : vector<16xi32>
        %add3A_382 = arith.constant 5120 : i32
        %add3A_383 = vector.broadcast %add3A_382 : i32 to vector<16xi32>
        %add3A_384 = arith.addi %add3A_383, %and3A_381 : vector<16xi32>
        %select_n3A_385 = arith.select %lt3A_367, %get3A_378, %add3A_384 : vector<16xi1>, vector<16xi32>
        %dma_start3A_386 = arith.constant 0 : i32
        %dma_start3A_387 = arith.constant 0 : i32
        %dma_start3A_388 = tpu.memref_slice %arg2[%dma_start3A_386, %dma_start3A_387] : memref<102400x128xf32, #tpu.memory_space<hbm>> -> memref<102400x128xf32, #tpu.memory_space<hbm>>
        tpu.enqueue_indirect_dma source(%dma_start3A_388 : memref<102400x128xf32, #tpu.memory_space<hbm>>) target(%arg12 : memref<16x128xf32, #tpu.memory_space<vmem>>) offsets(%add3A_374 : vector<16xi32>) semaphore(%arg21 : memref<!tpu.dma_semaphore, #tpu.memory_space<semaphore_mem>>)
        %add3A_389 = arith.constant 1 : i32
        %add3A_390 = vector.broadcast %add3A_389 : i32 to vector<16xi32>
        %add3A_391 = arith.addi %add3A_362, %add3A_390 : vector<16xi32>
        %mul3A_392 = arith.constant 8 : i32
        %mul3A_393 = arith.muli %while3A_275, %mul3A_392 : i32
        %add3A_394 = arith.constant 4 : i32
        %add3A_395 = arith.addi %mul3A_393, %add3A_394 : i32
        %lt3A_396 = arith.cmpi slt, %add3A_391, %scan3A_85 : vector<16xi32>
        %mul3A_397 = arith.constant 16 : i32
        %mul3A_398 = arith.muli %add3A_395, %mul3A_397 : i32
        %get3A_399 = arith.index_cast %mul3A_398 : i32 to index
        %get3A_400 = tpu.vector_load %arg7[%get3A_399] {strides = array<i32>} : memref<15664xi32, #tpu.memory_space<vmem>>, vector<16xi32>,
        %select_n3A_401 = arith.select %lt3A_396, %get3A_400, %add3A_16 : vector<16xi1>, vector<16xi32>
        %add3A_402 = vector.broadcast %mul3A_1 : i32 to vector<16xi32>
        %add3A_403 = arith.addi %add3A_402, %select_n3A_401 : vector<16xi32>
        %mul3A_404 = arith.constant 16 : i32
        %mul3A_405 = arith.muli %add3A_395, %mul3A_404 : i32
        %get3A_406 = arith.index_cast %mul3A_405 : i32 to index
        %get3A_407 = tpu.vector_load %arg8[%get3A_406] {strides = array<i32>} : memref<15664xi32, #tpu.memory_space<vmem>>, vector<16xi32>,
        %and3A_408 = arith.constant 7 : i32
        %and3A_409 = vector.broadcast %and3A_408 : i32 to vector<16xi32>
        %and3A_410 = arith.andi %iota3A, %and3A_409 : vector<16xi32>
        %add3A_411 = arith.constant 5120 : i32
        %add3A_412 = vector.broadcast %add3A_411 : i32 to vector<16xi32>
        %add3A_413 = arith.addi %add3A_412, %and3A_410 : vector<16xi32>
        %select_n3A_414 = arith.select %lt3A_396, %get3A_407, %add3A_413 : vector<16xi1>, vector<16xi32>
        %dma_start3A_415 = arith.constant 0 : i32
        %dma_start3A_416 = arith.constant 0 : i32
        %dma_start3A_417 = tpu.memref_slice %arg2[%dma_start3A_415, %dma_start3A_416] : memref<102400x128xf32, #tpu.memory_space<hbm>> -> memref<102400x128xf32, #tpu.memory_space<hbm>>
        tpu.enqueue_indirect_dma source(%dma_start3A_417 : memref<102400x128xf32, #tpu.memory_space<hbm>>) target(%arg13 : memref<16x128xf32, #tpu.memory_space<vmem>>) offsets(%add3A_403 : vector<16xi32>) semaphore(%arg21 : memref<!tpu.dma_semaphore, #tpu.memory_space<semaphore_mem>>)
        %add3A_418 = arith.constant 1 : i32
        %add3A_419 = vector.broadcast %add3A_418 : i32 to vector<16xi32>
        %add3A_420 = arith.addi %add3A_391, %add3A_419 : vector<16xi32>
        %mul3A_421 = arith.constant 8 : i32
        %mul3A_422 = arith.muli %while3A_275, %mul3A_421 : i32
        %add3A_423 = arith.constant 5 : i32
        %add3A_424 = arith.addi %mul3A_422, %add3A_423 : i32
        %lt3A_425 = arith.cmpi slt, %add3A_420, %scan3A_85 : vector<16xi32>
        %mul3A_426 = arith.constant 16 : i32
        %mul3A_427 = arith.muli %add3A_424, %mul3A_426 : i32
        %get3A_428 = arith.index_cast %mul3A_427 : i32 to index
        %get3A_429 = tpu.vector_load %arg7[%get3A_428] {strides = array<i32>} : memref<15664xi32, #tpu.memory_space<vmem>>, vector<16xi32>,
        %select_n3A_430 = arith.select %lt3A_425, %get3A_429, %add3A_16 : vector<16xi1>, vector<16xi32>
        %add3A_431 = vector.broadcast %mul3A_1 : i32 to vector<16xi32>
        %add3A_432 = arith.addi %add3A_431, %select_n3A_430 : vector<16xi32>
        %mul3A_433 = arith.constant 16 : i32
        %mul3A_434 = arith.muli %add3A_424, %mul3A_433 : i32
        %get3A_435 = arith.index_cast %mul3A_434 : i32 to index
        %get3A_436 = tpu.vector_load %arg8[%get3A_435] {strides = array<i32>} : memref<15664xi32, #tpu.memory_space<vmem>>, vector<16xi32>,
        %and3A_437 = arith.constant 7 : i32
        %and3A_438 = vector.broadcast %and3A_437 : i32 to vector<16xi32>
        %and3A_439 = arith.andi %iota3A, %and3A_438 : vector<16xi32>
        %add3A_440 = arith.constant 5120 : i32
        %add3A_441 = vector.broadcast %add3A_440 : i32 to vector<16xi32>
        %add3A_442 = arith.addi %add3A_441, %and3A_439 : vector<16xi32>
        %select_n3A_443 = arith.select %lt3A_425, %get3A_436, %add3A_442 : vector<16xi1>, vector<16xi32>
        %dma_start3A_444 = arith.constant 0 : i32
        %dma_start3A_445 = arith.constant 0 : i32
        %dma_start3A_446 = tpu.memref_slice %arg2[%dma_start3A_444, %dma_start3A_445] : memref<102400x128xf32, #tpu.memory_space<hbm>> -> memref<102400x128xf32, #tpu.memory_space<hbm>>
        tpu.enqueue_indirect_dma source(%dma_start3A_446 : memref<102400x128xf32, #tpu.memory_space<hbm>>) target(%arg14 : memref<16x128xf32, #tpu.memory_space<vmem>>) offsets(%add3A_432 : vector<16xi32>) semaphore(%arg21 : memref<!tpu.dma_semaphore, #tpu.memory_space<semaphore_mem>>)
        %add3A_447 = arith.constant 1 : i32
        %add3A_448 = vector.broadcast %add3A_447 : i32 to vector<16xi32>
        %add3A_449 = arith.addi %add3A_420, %add3A_448 : vector<16xi32>
        %mul3A_450 = arith.constant 8 : i32
        %mul3A_451 = arith.muli %while3A_275, %mul3A_450 : i32
        %add3A_452 = arith.constant 6 : i32
        %add3A_453 = arith.addi %mul3A_451, %add3A_452 : i32
        %lt3A_454 = arith.cmpi slt, %add3A_449, %scan3A_85 : vector<16xi32>
        %mul3A_455 = arith.constant 16 : i32
        %mul3A_456 = arith.muli %add3A_453, %mul3A_455 : i32
        %get3A_457 = arith.index_cast %mul3A_456 : i32 to index
        %get3A_458 = tpu.vector_load %arg7[%get3A_457] {strides = array<i32>} : memref<15664xi32, #tpu.memory_space<vmem>>, vector<16xi32>,
        %select_n3A_459 = arith.select %lt3A_454, %get3A_458, %add3A_16 : vector<16xi1>, vector<16xi32>
        %add3A_460 = vector.broadcast %mul3A_1 : i32 to vector<16xi32>
        %add3A_461 = arith.addi %add3A_460, %select_n3A_459 : vector<16xi32>
        %mul3A_462 = arith.constant 16 : i32
        %mul3A_463 = arith.muli %add3A_453, %mul3A_462 : i32
        %get3A_464 = arith.index_cast %mul3A_463 : i32 to index
        %get3A_465 = tpu.vector_load %arg8[%get3A_464] {strides = array<i32>} : memref<15664xi32, #tpu.memory_space<vmem>>, vector<16xi32>,
        %and3A_466 = arith.constant 7 : i32
        %and3A_467 = vector.broadcast %and3A_466 : i32 to vector<16xi32>
        %and3A_468 = arith.andi %iota3A, %and3A_467 : vector<16xi32>
        %add3A_469 = arith.constant 5120 : i32
        %add3A_470 = vector.broadcast %add3A_469 : i32 to vector<16xi32>
        %add3A_471 = arith.addi %add3A_470, %and3A_468 : vector<16xi32>
        %select_n3A_472 = arith.select %lt3A_454, %get3A_465, %add3A_471 : vector<16xi1>, vector<16xi32>
        %dma_start3A_473 = arith.constant 0 : i32
        %dma_start3A_474 = arith.constant 0 : i32
        %dma_start3A_475 = tpu.memref_slice %arg2[%dma_start3A_473, %dma_start3A_474] : memref<102400x128xf32, #tpu.memory_space<hbm>> -> memref<102400x128xf32, #tpu.memory_space<hbm>>
        tpu.enqueue_indirect_dma source(%dma_start3A_475 : memref<102400x128xf32, #tpu.memory_space<hbm>>) target(%arg15 : memref<16x128xf32, #tpu.memory_space<vmem>>) offsets(%add3A_461 : vector<16xi32>) semaphore(%arg21 : memref<!tpu.dma_semaphore, #tpu.memory_space<semaphore_mem>>)
        %add3A_476 = arith.constant 1 : i32
        %add3A_477 = vector.broadcast %add3A_476 : i32 to vector<16xi32>
        %add3A_478 = arith.addi %add3A_449, %add3A_477 : vector<16xi32>
        %mul3A_479 = arith.constant 8 : i32
        %mul3A_480 = arith.muli %while3A_275, %mul3A_479 : i32
        %add3A_481 = arith.constant 7 : i32
        %add3A_482 = arith.addi %mul3A_480, %add3A_481 : i32
        %lt3A_483 = arith.cmpi slt, %add3A_478, %scan3A_85 : vector<16xi32>
        %mul3A_484 = arith.constant 16 : i32
        %mul3A_485 = arith.muli %add3A_482, %mul3A_484 : i32
        %get3A_486 = arith.index_cast %mul3A_485 : i32 to index
        %get3A_487 = tpu.vector_load %arg7[%get3A_486] {strides = array<i32>} : memref<15664xi32, #tpu.memory_space<vmem>>, vector<16xi32>,
        %select_n3A_488 = arith.select %lt3A_483, %get3A_487, %add3A_16 : vector<16xi1>, vector<16xi32>
        %add3A_489 = vector.broadcast %mul3A_1 : i32 to vector<16xi32>
        %add3A_490 = arith.addi %add3A_489, %select_n3A_488 : vector<16xi32>
        %mul3A_491 = arith.constant 16 : i32
        %mul3A_492 = arith.muli %add3A_482, %mul3A_491 : i32
        %get3A_493 = arith.index_cast %mul3A_492 : i32 to index
        %get3A_494 = tpu.vector_load %arg8[%get3A_493] {strides = array<i32>} : memref<15664xi32, #tpu.memory_space<vmem>>, vector<16xi32>,
        %and3A_495 = arith.constant 7 : i32
        %and3A_496 = vector.broadcast %and3A_495 : i32 to vector<16xi32>
        %and3A_497 = arith.andi %iota3A, %and3A_496 : vector<16xi32>
        %add3A_498 = arith.constant 5120 : i32
        %add3A_499 = vector.broadcast %add3A_498 : i32 to vector<16xi32>
        %add3A_500 = arith.addi %add3A_499, %and3A_497 : vector<16xi32>
        %select_n3A_501 = arith.select %lt3A_483, %get3A_494, %add3A_500 : vector<16xi1>, vector<16xi32>
        %dma_start3A_502 = arith.constant 0 : i32
        %dma_start3A_503 = arith.constant 0 : i32
        %dma_start3A_504 = tpu.memref_slice %arg2[%dma_start3A_502, %dma_start3A_503] : memref<102400x128xf32, #tpu.memory_space<hbm>> -> memref<102400x128xf32, #tpu.memory_space<hbm>>
        tpu.enqueue_indirect_dma source(%dma_start3A_504 : memref<102400x128xf32, #tpu.memory_space<hbm>>) target(%arg16 : memref<16x128xf32, #tpu.memory_space<vmem>>) offsets(%add3A_490 : vector<16xi32>) semaphore(%arg21 : memref<!tpu.dma_semaphore, #tpu.memory_space<semaphore_mem>>)
        %add3A_505 = arith.constant 1 : i32
        %add3A_506 = vector.broadcast %add3A_505 : i32 to vector<16xi32>
        %add3A_507 = arith.addi %add3A_478, %add3A_506 : vector<16xi32>
        %dma_wait3A = arith.constant 0 : i32
        %dma_wait3A_508 = arith.constant 0 : i32
        %dma_wait3A_509 = tpu.memref_slice %arg2[%dma_wait3A, %dma_wait3A_508] : memref<102400x128xf32, #tpu.memory_space<hbm>> -> memref<102400x128xf32, #tpu.memory_space<hbm>>
        tpu.wait_indirect_dma semaphore(%arg21 : memref<!tpu.dma_semaphore, #tpu.memory_space<semaphore_mem>>) src(%dma_wait3A_509 : memref<102400x128xf32, #tpu.memory_space<hbm>>) dst(%arg9 : memref<16x128xf32, #tpu.memory_space<vmem>>)
        %dma_start3A_510 = arith.constant 0 : i32
        %dma_start3A_511 = arith.constant 0 : i32
        %dma_start3A_512 = tpu.memref_slice %arg22[%dma_start3A_510, %dma_start3A_511] : memref<5128x128xf32, #tpu.memory_space<vmem_shared>> -> memref<5128x128xf32, #tpu.memory_space<vmem_shared>>
        tpu.enqueue_indirect_dma source(%arg9 : memref<16x128xf32, #tpu.memory_space<vmem>>) target(%dma_start3A_512 : memref<5128x128xf32, #tpu.memory_space<vmem_shared>>) offsets(%select_n3A_299 : vector<16xi32>) semaphore(%arg20 : memref<!tpu.dma_semaphore, #tpu.memory_space<semaphore_mem>>) {add = true}
        %dma_wait3A_513 = arith.constant 0 : i32
        %dma_wait3A_514 = arith.constant 0 : i32
        %dma_wait3A_515 = tpu.memref_slice %arg2[%dma_wait3A_513, %dma_wait3A_514] : memref<102400x128xf32, #tpu.memory_space<hbm>> -> memref<102400x128xf32, #tpu.memory_space<hbm>>
        tpu.wait_indirect_dma semaphore(%arg21 : memref<!tpu.dma_semaphore, #tpu.memory_space<semaphore_mem>>) src(%dma_wait3A_515 : memref<102400x128xf32, #tpu.memory_space<hbm>>) dst(%arg10 : memref<16x128xf32, #tpu.memory_space<vmem>>)
        %dma_start3A_516 = arith.constant 0 : i32
        %dma_start3A_517 = arith.constant 0 : i32
        %dma_start3A_518 = tpu.memref_slice %arg22[%dma_start3A_516, %dma_start3A_517] : memref<5128x128xf32, #tpu.memory_space<vmem_shared>> -> memref<5128x128xf32, #tpu.memory_space<vmem_shared>>
        tpu.enqueue_indirect_dma source(%arg10 : memref<16x128xf32, #tpu.memory_space<vmem>>) target(%dma_start3A_518 : memref<5128x128xf32, #tpu.memory_space<vmem_shared>>) offsets(%select_n3A_327 : vector<16xi32>) semaphore(%arg20 : memref<!tpu.dma_semaphore, #tpu.memory_space<semaphore_mem>>) {add = true}
        %dma_wait3A_519 = arith.constant 0 : i32
        %dma_wait3A_520 = arith.constant 0 : i32
        %dma_wait3A_521 = tpu.memref_slice %arg2[%dma_wait3A_519, %dma_wait3A_520] : memref<102400x128xf32, #tpu.memory_space<hbm>> -> memref<102400x128xf32, #tpu.memory_space<hbm>>
        tpu.wait_indirect_dma semaphore(%arg21 : memref<!tpu.dma_semaphore, #tpu.memory_space<semaphore_mem>>) src(%dma_wait3A_521 : memref<102400x128xf32, #tpu.memory_space<hbm>>) dst(%arg11 : memref<16x128xf32, #tpu.memory_space<vmem>>)
        %dma_start3A_522 = arith.constant 0 : i32
        %dma_start3A_523 = arith.constant 0 : i32
        %dma_start3A_524 = tpu.memref_slice %arg22[%dma_start3A_522, %dma_start3A_523] : memref<5128x128xf32, #tpu.memory_space<vmem_shared>> -> memref<5128x128xf32, #tpu.memory_space<vmem_shared>>
        tpu.enqueue_indirect_dma source(%arg11 : memref<16x128xf32, #tpu.memory_space<vmem>>) target(%dma_start3A_524 : memref<5128x128xf32, #tpu.memory_space<vmem_shared>>) offsets(%select_n3A_356 : vector<16xi32>) semaphore(%arg20 : memref<!tpu.dma_semaphore, #tpu.memory_space<semaphore_mem>>) {add = true}
        %dma_wait3A_525 = arith.constant 0 : i32
        %dma_wait3A_526 = arith.constant 0 : i32
        %dma_wait3A_527 = tpu.memref_slice %arg2[%dma_wait3A_525, %dma_wait3A_526] : memref<102400x128xf32, #tpu.memory_space<hbm>> -> memref<102400x128xf32, #tpu.memory_space<hbm>>
        tpu.wait_indirect_dma semaphore(%arg21 : memref<!tpu.dma_semaphore, #tpu.memory_space<semaphore_mem>>) src(%dma_wait3A_527 : memref<102400x128xf32, #tpu.memory_space<hbm>>) dst(%arg12 : memref<16x128xf32, #tpu.memory_space<vmem>>)
        %dma_start3A_528 = arith.constant 0 : i32
        %dma_start3A_529 = arith.constant 0 : i32
        %dma_start3A_530 = tpu.memref_slice %arg22[%dma_start3A_528, %dma_start3A_529] : memref<5128x128xf32, #tpu.memory_space<vmem_shared>> -> memref<5128x128xf32, #tpu.memory_space<vmem_shared>>
        tpu.enqueue_indirect_dma source(%arg12 : memref<16x128xf32, #tpu.memory_space<vmem>>) target(%dma_start3A_530 : memref<5128x128xf32, #tpu.memory_space<vmem_shared>>) offsets(%select_n3A_385 : vector<16xi32>) semaphore(%arg20 : memref<!tpu.dma_semaphore, #tpu.memory_space<semaphore_mem>>) {add = true}
        %dma_wait3A_531 = arith.constant 0 : i32
        %dma_wait3A_532 = arith.constant 0 : i32
        %dma_wait3A_533 = tpu.memref_slice %arg2[%dma_wait3A_531, %dma_wait3A_532] : memref<102400x128xf32, #tpu.memory_space<hbm>> -> memref<102400x128xf32, #tpu.memory_space<hbm>>
        tpu.wait_indirect_dma semaphore(%arg21 : memref<!tpu.dma_semaphore, #tpu.memory_space<semaphore_mem>>) src(%dma_wait3A_533 : memref<102400x128xf32, #tpu.memory_space<hbm>>) dst(%arg13 : memref<16x128xf32, #tpu.memory_space<vmem>>)
        %dma_start3A_534 = arith.constant 0 : i32
        %dma_start3A_535 = arith.constant 0 : i32
        %dma_start3A_536 = tpu.memref_slice %arg22[%dma_start3A_534, %dma_start3A_535] : memref<5128x128xf32, #tpu.memory_space<vmem_shared>> -> memref<5128x128xf32, #tpu.memory_space<vmem_shared>>
        tpu.enqueue_indirect_dma source(%arg13 : memref<16x128xf32, #tpu.memory_space<vmem>>) target(%dma_start3A_536 : memref<5128x128xf32, #tpu.memory_space<vmem_shared>>) offsets(%select_n3A_414 : vector<16xi32>) semaphore(%arg20 : memref<!tpu.dma_semaphore, #tpu.memory_space<semaphore_mem>>) {add = true}
        %dma_wait3A_537 = arith.constant 0 : i32
        %dma_wait3A_538 = arith.constant 0 : i32
        %dma_wait3A_539 = tpu.memref_slice %arg2[%dma_wait3A_537, %dma_wait3A_538] : memref<102400x128xf32, #tpu.memory_space<hbm>> -> memref<102400x128xf32, #tpu.memory_space<hbm>>
        tpu.wait_indirect_dma semaphore(%arg21 : memref<!tpu.dma_semaphore, #tpu.memory_space<semaphore_mem>>) src(%dma_wait3A_539 : memref<102400x128xf32, #tpu.memory_space<hbm>>) dst(%arg14 : memref<16x128xf32, #tpu.memory_space<vmem>>)
        %dma_start3A_540 = arith.constant 0 : i32
        %dma_start3A_541 = arith.constant 0 : i32
        %dma_start3A_542 = tpu.memref_slice %arg22[%dma_start3A_540, %dma_start3A_541] : memref<5128x128xf32, #tpu.memory_space<vmem_shared>> -> memref<5128x128xf32, #tpu.memory_space<vmem_shared>>
        tpu.enqueue_indirect_dma source(%arg14 : memref<16x128xf32, #tpu.memory_space<vmem>>) target(%dma_start3A_542 : memref<5128x128xf32, #tpu.memory_space<vmem_shared>>) offsets(%select_n3A_443 : vector<16xi32>) semaphore(%arg20 : memref<!tpu.dma_semaphore, #tpu.memory_space<semaphore_mem>>) {add = true}
        %dma_wait3A_543 = arith.constant 0 : i32
        %dma_wait3A_544 = arith.constant 0 : i32
        %dma_wait3A_545 = tpu.memref_slice %arg2[%dma_wait3A_543, %dma_wait3A_544] : memref<102400x128xf32, #tpu.memory_space<hbm>> -> memref<102400x128xf32, #tpu.memory_space<hbm>>
        tpu.wait_indirect_dma semaphore(%arg21 : memref<!tpu.dma_semaphore, #tpu.memory_space<semaphore_mem>>) src(%dma_wait3A_545 : memref<102400x128xf32, #tpu.memory_space<hbm>>) dst(%arg15 : memref<16x128xf32, #tpu.memory_space<vmem>>)
        %dma_start3A_546 = arith.constant 0 : i32
        %dma_start3A_547 = arith.constant 0 : i32
        %dma_start3A_548 = tpu.memref_slice %arg22[%dma_start3A_546, %dma_start3A_547] : memref<5128x128xf32, #tpu.memory_space<vmem_shared>> -> memref<5128x128xf32, #tpu.memory_space<vmem_shared>>
        tpu.enqueue_indirect_dma source(%arg15 : memref<16x128xf32, #tpu.memory_space<vmem>>) target(%dma_start3A_548 : memref<5128x128xf32, #tpu.memory_space<vmem_shared>>) offsets(%select_n3A_472 : vector<16xi32>) semaphore(%arg20 : memref<!tpu.dma_semaphore, #tpu.memory_space<semaphore_mem>>) {add = true}
        %dma_wait3A_549 = arith.constant 0 : i32
        %dma_wait3A_550 = arith.constant 0 : i32
        %dma_wait3A_551 = tpu.memref_slice %arg2[%dma_wait3A_549, %dma_wait3A_550] : memref<102400x128xf32, #tpu.memory_space<hbm>> -> memref<102400x128xf32, #tpu.memory_space<hbm>>
        tpu.wait_indirect_dma semaphore(%arg21 : memref<!tpu.dma_semaphore, #tpu.memory_space<semaphore_mem>>) src(%dma_wait3A_551 : memref<102400x128xf32, #tpu.memory_space<hbm>>) dst(%arg16 : memref<16x128xf32, #tpu.memory_space<vmem>>)
        %dma_start3A_552 = arith.constant 0 : i32
        %dma_start3A_553 = arith.constant 0 : i32
        %dma_start3A_554 = tpu.memref_slice %arg22[%dma_start3A_552, %dma_start3A_553] : memref<5128x128xf32, #tpu.memory_space<vmem_shared>> -> memref<5128x128xf32, #tpu.memory_space<vmem_shared>>
        tpu.enqueue_indirect_dma source(%arg16 : memref<16x128xf32, #tpu.memory_space<vmem>>) target(%dma_start3A_554 : memref<5128x128xf32, #tpu.memory_space<vmem_shared>>) offsets(%select_n3A_501 : vector<16xi32>) semaphore(%arg20 : memref<!tpu.dma_semaphore, #tpu.memory_space<semaphore_mem>>) {add = true}
        %dma_wait3A_555 = arith.constant 0 : i32
        %dma_wait3A_556 = arith.constant 0 : i32
        %dma_wait3A_557 = tpu.memref_slice %arg22[%dma_wait3A_555, %dma_wait3A_556] : memref<5128x128xf32, #tpu.memory_space<vmem_shared>> -> memref<5128x128xf32, #tpu.memory_space<vmem_shared>>
        tpu.wait_indirect_dma semaphore(%arg20 : memref<!tpu.dma_semaphore, #tpu.memory_space<semaphore_mem>>) src(%arg9 : memref<16x128xf32, #tpu.memory_space<vmem>>) dst(%dma_wait3A_557 : memref<5128x128xf32, #tpu.memory_space<vmem_shared>>)
        %dma_wait3A_558 = arith.constant 0 : i32
        %dma_wait3A_559 = arith.constant 0 : i32
        %dma_wait3A_560 = tpu.memref_slice %arg22[%dma_wait3A_558, %dma_wait3A_559] : memref<5128x128xf32, #tpu.memory_space<vmem_shared>> -> memref<5128x128xf32, #tpu.memory_space<vmem_shared>>
        tpu.wait_indirect_dma semaphore(%arg20 : memref<!tpu.dma_semaphore, #tpu.memory_space<semaphore_mem>>) src(%arg10 : memref<16x128xf32, #tpu.memory_space<vmem>>) dst(%dma_wait3A_560 : memref<5128x128xf32, #tpu.memory_space<vmem_shared>>)
        %dma_wait3A_561 = arith.constant 0 : i32
        %dma_wait3A_562 = arith.constant 0 : i32
        %dma_wait3A_563 = tpu.memref_slice %arg22[%dma_wait3A_561, %dma_wait3A_562] : memref<5128x128xf32, #tpu.memory_space<vmem_shared>> -> memref<5128x128xf32, #tpu.memory_space<vmem_shared>>
        tpu.wait_indirect_dma semaphore(%arg20 : memref<!tpu.dma_semaphore, #tpu.memory_space<semaphore_mem>>) src(%arg11 : memref<16x128xf32, #tpu.memory_space<vmem>>) dst(%dma_wait3A_563 : memref<5128x128xf32, #tpu.memory_space<vmem_shared>>)
        %dma_wait3A_564 = arith.constant 0 : i32
        %dma_wait3A_565 = arith.constant 0 : i32
        %dma_wait3A_566 = tpu.memref_slice %arg22[%dma_wait3A_564, %dma_wait3A_565] : memref<5128x128xf32, #tpu.memory_space<vmem_shared>> -> memref<5128x128xf32, #tpu.memory_space<vmem_shared>>
        tpu.wait_indirect_dma semaphore(%arg20 : memref<!tpu.dma_semaphore, #tpu.memory_space<semaphore_mem>>) src(%arg12 : memref<16x128xf32, #tpu.memory_space<vmem>>) dst(%dma_wait3A_566 : memref<5128x128xf32, #tpu.memory_space<vmem_shared>>)
        %dma_wait3A_567 = arith.constant 0 : i32
        %dma_wait3A_568 = arith.constant 0 : i32
        %dma_wait3A_569 = tpu.memref_slice %arg22[%dma_wait3A_567, %dma_wait3A_568] : memref<5128x128xf32, #tpu.memory_space<vmem_shared>> -> memref<5128x128xf32, #tpu.memory_space<vmem_shared>>
        tpu.wait_indirect_dma semaphore(%arg20 : memref<!tpu.dma_semaphore, #tpu.memory_space<semaphore_mem>>) src(%arg13 : memref<16x128xf32, #tpu.memory_space<vmem>>) dst(%dma_wait3A_569 : memref<5128x128xf32, #tpu.memory_space<vmem_shared>>)
        %dma_wait3A_570 = arith.constant 0 : i32
        %dma_wait3A_571 = arith.constant 0 : i32
        %dma_wait3A_572 = tpu.memref_slice %arg22[%dma_wait3A_570, %dma_wait3A_571] : memref<5128x128xf32, #tpu.memory_space<vmem_shared>> -> memref<5128x128xf32, #tpu.memory_space<vmem_shared>>
        tpu.wait_indirect_dma semaphore(%arg20 : memref<!tpu.dma_semaphore, #tpu.memory_space<semaphore_mem>>) src(%arg14 : memref<16x128xf32, #tpu.memory_space<vmem>>) dst(%dma_wait3A_572 : memref<5128x128xf32, #tpu.memory_space<vmem_shared>>)
        %dma_wait3A_573 = arith.constant 0 : i32
        %dma_wait3A_574 = arith.constant 0 : i32
        %dma_wait3A_575 = tpu.memref_slice %arg22[%dma_wait3A_573, %dma_wait3A_574] : memref<5128x128xf32, #tpu.memory_space<vmem_shared>> -> memref<5128x128xf32, #tpu.memory_space<vmem_shared>>
        tpu.wait_indirect_dma semaphore(%arg20 : memref<!tpu.dma_semaphore, #tpu.memory_space<semaphore_mem>>) src(%arg15 : memref<16x128xf32, #tpu.memory_space<vmem>>) dst(%dma_wait3A_575 : memref<5128x128xf32, #tpu.memory_space<vmem_shared>>)
        %dma_wait3A_576 = arith.constant 0 : i32
        %dma_wait3A_577 = arith.constant 0 : i32
        %dma_wait3A_578 = tpu.memref_slice %arg22[%dma_wait3A_576, %dma_wait3A_577] : memref<5128x128xf32, #tpu.memory_space<vmem_shared>> -> memref<5128x128xf32, #tpu.memory_space<vmem_shared>>
        tpu.wait_indirect_dma semaphore(%arg20 : memref<!tpu.dma_semaphore, #tpu.memory_space<semaphore_mem>>) src(%arg16 : memref<16x128xf32, #tpu.memory_space<vmem>>) dst(%dma_wait3A_578 : memref<5128x128xf32, #tpu.memory_space<vmem_shared>>)
        scf.yield %add3A_507 : vector<16xi32>
      }
      %while3A_170 = arith.constant 1 : i32
      %while3A_171 = scf.for %while3A_275 = %while3A_167 to %while3A_163 step %while3A_170 iter_args(%while3A_276 = %while3A_169) -> (vector<16xi32>)  : i32 {
        %mul3A_277 = arith.constant 8 : i32
        %mul3A_278 = arith.muli %while3A_275, %mul3A_277 : i32
        %add3A_279 = arith.constant 0 : i32
        %add3A_280 = arith.addi %mul3A_278, %add3A_279 : i32
        %lt3A_281 = arith.cmpi slt, %while3A_276, %scan3A_85 : vector<16xi32>
        %mul3A_282 = arith.constant 16 : i32
        %mul3A_283 = arith.muli %add3A_280, %mul3A_282 : i32
        %get3A_284 = arith.index_cast %mul3A_283 : i32 to index
        %get3A_285 = tpu.vector_load %arg7[%get3A_284] {strides = array<i32>} : memref<15664xi32, #tpu.memory_space<vmem>>, vector<16xi32>,
        %select_n3A_286 = arith.select %lt3A_281, %get3A_285, %add3A_16 : vector<16xi1>, vector<16xi32>
        %add3A_287 = vector.broadcast %mul3A_1 : i32 to vector<16xi32>
        %add3A_288 = arith.addi %add3A_287, %select_n3A_286 : vector<16xi32>
        %mul3A_289 = arith.constant 16 : i32
        %mul3A_290 = arith.muli %add3A_280, %mul3A_289 : i32
        %get3A_291 = arith.index_cast %mul3A_290 : i32 to index
        %get3A_292 = tpu.vector_load %arg8[%get3A_291] {strides = array<i32>} : memref<15664xi32, #tpu.memory_space<vmem>>, vector<16xi32>,
        %and3A_293 = arith.constant 7 : i32
        %and3A_294 = vector.broadcast %and3A_293 : i32 to vector<16xi32>
        %and3A_295 = arith.andi %iota3A, %and3A_294 : vector<16xi32>
        %add3A_296 = arith.constant 5120 : i32
        %add3A_297 = vector.broadcast %add3A_296 : i32 to vector<16xi32>
        %add3A_298 = arith.addi %add3A_297, %and3A_295 : vector<16xi32>
        %select_n3A_299 = arith.select %lt3A_281, %get3A_292, %add3A_298 : vector<16xi1>, vector<16xi32>
        %dma_start3A = arith.constant 0 : i32
        %dma_start3A_300 = arith.constant 0 : i32
        %dma_start3A_301 = tpu.memref_slice %arg2[%dma_start3A, %dma_start3A_300] : memref<102400x128xf32, #tpu.memory_space<hbm>> -> memref<102400x128xf32, #tpu.memory_space<hbm>>
        tpu.enqueue_indirect_dma source(%dma_start3A_301 : memref<102400x128xf32, #tpu.memory_space<hbm>>) target(%arg9 : memref<16x128xf32, #tpu.memory_space<vmem>>) offsets(%add3A_288 : vector<16xi32>) semaphore(%arg21 : memref<!tpu.dma_semaphore, #tpu.memory_space<semaphore_mem>>)
        %add3A_302 = arith.constant 1 : i32
        %add3A_303 = vector.broadcast %add3A_302 : i32 to vector<16xi32>
        %add3A_304 = arith.addi %while3A_276, %add3A_303 : vector<16xi32>
        %mul3A_305 = arith.constant 8 : i32
        %mul3A_306 = arith.muli %while3A_275, %mul3A_305 : i32
        %add3A_307 = arith.constant 1 : i32
        %add3A_308 = arith.addi %mul3A_306, %add3A_307 : i32
        %lt3A_309 = arith.cmpi slt, %add3A_304, %scan3A_85 : vector<16xi32>
        %mul3A_310 = arith.constant 16 : i32
        %mul3A_311 = arith.muli %add3A_308, %mul3A_310 : i32
        %get3A_312 = arith.index_cast %mul3A_311 : i32 to index
        %get3A_313 = tpu.vector_load %arg7[%get3A_312] {strides = array<i32>} : memref<15664xi32, #tpu.memory_space<vmem>>, vector<16xi32>,
        %select_n3A_314 = arith.select %lt3A_309, %get3A_313, %add3A_16 : vector<16xi1>, vector<16xi32>
        %add3A_315 = vector.broadcast %mul3A_1 : i32 to vector<16xi32>
        %add3A_316 = arith.addi %add3A_315, %select_n3A_314 : vector<16xi32>
        %mul3A_317 = arith.constant 16 : i32
        %mul3A_318 = arith.muli %add3A_308, %mul3A_317 : i32
        %get3A_319 = arith.index_cast %mul3A_318 : i32 to index
        %get3A_320 = tpu.vector_load %arg8[%get3A_319] {strides = array<i32>} : memref<15664xi32, #tpu.memory_space<vmem>>, vector<16xi32>,
        %and3A_321 = arith.constant 7 : i32
        %and3A_322 = vector.broadcast %and3A_321 : i32 to vector<16xi32>
        %and3A_323 = arith.andi %iota3A, %and3A_322 : vector<16xi32>
        %add3A_324 = arith.constant 5120 : i32
        %add3A_325 = vector.broadcast %add3A_324 : i32 to vector<16xi32>
        %add3A_326 = arith.addi %add3A_325, %and3A_323 : vector<16xi32>
        %select_n3A_327 = arith.select %lt3A_309, %get3A_320, %add3A_326 : vector<16xi1>, vector<16xi32>
        %dma_start3A_328 = arith.constant 0 : i32
        %dma_start3A_329 = arith.constant 0 : i32
        %dma_start3A_330 = tpu.memref_slice %arg2[%dma_start3A_328, %dma_start3A_329] : memref<102400x128xf32, #tpu.memory_space<hbm>> -> memref<102400x128xf32, #tpu.memory_space<hbm>>
        tpu.enqueue_indirect_dma source(%dma_start3A_330 : memref<102400x128xf32, #tpu.memory_space<hbm>>) target(%arg10 : memref<16x128xf32, #tpu.memory_space<vmem>>) offsets(%add3A_316 : vector<16xi32>) semaphore(%arg21 : memref<!tpu.dma_semaphore, #tpu.memory_space<semaphore_mem>>)
        %add3A_331 = arith.constant 1 : i32
        %add3A_332 = vector.broadcast %add3A_331 : i32 to vector<16xi32>
        %add3A_333 = arith.addi %add3A_304, %add3A_332 : vector<16xi32>
        %mul3A_334 = arith.constant 8 : i32
        %mul3A_335 = arith.muli %while3A_275, %mul3A_334 : i32
        %add3A_336 = arith.constant 2 : i32
        %add3A_337 = arith.addi %mul3A_335, %add3A_336 : i32
        %lt3A_338 = arith.cmpi slt, %add3A_333, %scan3A_85 : vector<16xi32>
        %mul3A_339 = arith.constant 16 : i32
        %mul3A_340 = arith.muli %add3A_337, %mul3A_339 : i32
        %get3A_341 = arith.index_cast %mul3A_340 : i32 to index
        %get3A_342 = tpu.vector_load %arg7[%get3A_341] {strides = array<i32>} : memref<15664xi32, #tpu.memory_space<vmem>>, vector<16xi32>,
        %select_n3A_343 = arith.select %lt3A_338, %get3A_342, %add3A_16 : vector<16xi1>, vector<16xi32>
        %add3A_344 = vector.broadcast %mul3A_1 : i32 to vector<16xi32>
        %add3A_345 = arith.addi %add3A_344, %select_n3A_343 : vector<16xi32>
        %mul3A_346 = arith.constant 16 : i32
        %mul3A_347 = arith.muli %add3A_337, %mul3A_346 : i32
        %get3A_348 = arith.index_cast %mul3A_347 : i32 to index
        %get3A_349 = tpu.vector_load %arg8[%get3A_348] {strides = array<i32>} : memref<15664xi32, #tpu.memory_space<vmem>>, vector<16xi32>,
        %and3A_350 = arith.constant 7 : i32
        %and3A_351 = vector.broadcast %and3A_350 : i32 to vector<16xi32>
        %and3A_352 = arith.andi %iota3A, %and3A_351 : vector<16xi32>
        %add3A_353 = arith.constant 5120 : i32
        %add3A_354 = vector.broadcast %add3A_353 : i32 to vector<16xi32>
        %add3A_355 = arith.addi %add3A_354, %and3A_352 : vector<16xi32>
        %select_n3A_356 = arith.select %lt3A_338, %get3A_349, %add3A_355 : vector<16xi1>, vector<16xi32>
        %dma_start3A_357 = arith.constant 0 : i32
        %dma_start3A_358 = arith.constant 0 : i32
        %dma_start3A_359 = tpu.memref_slice %arg2[%dma_start3A_357, %dma_start3A_358] : memref<102400x128xf32, #tpu.memory_space<hbm>> -> memref<102400x128xf32, #tpu.memory_space<hbm>>
        tpu.enqueue_indirect_dma source(%dma_start3A_359 : memref<102400x128xf32, #tpu.memory_space<hbm>>) target(%arg11 : memref<16x128xf32, #tpu.memory_space<vmem>>) offsets(%add3A_345 : vector<16xi32>) semaphore(%arg21 : memref<!tpu.dma_semaphore, #tpu.memory_space<semaphore_mem>>)
        %add3A_360 = arith.constant 1 : i32
        %add3A_361 = vector.broadcast %add3A_360 : i32 to vector<16xi32>
        %add3A_362 = arith.addi %add3A_333, %add3A_361 : vector<16xi32>
        %mul3A_363 = arith.constant 8 : i32
        %mul3A_364 = arith.muli %while3A_275, %mul3A_363 : i32
        %add3A_365 = arith.constant 3 : i32
        %add3A_366 = arith.addi %mul3A_364, %add3A_365 : i32
        %lt3A_367 = arith.cmpi slt, %add3A_362, %scan3A_85 : vector<16xi32>
        %mul3A_368 = arith.constant 16 : i32
        %mul3A_369 = arith.muli %add3A_366, %mul3A_368 : i32
        %get3A_370 = arith.index_cast %mul3A_369 : i32 to index
        %get3A_371 = tpu.vector_load %arg7[%get3A_370] {strides = array<i32>} : memref<15664xi32, #tpu.memory_space<vmem>>, vector<16xi32>,
        %select_n3A_372 = arith.select %lt3A_367, %get3A_371, %add3A_16 : vector<16xi1>, vector<16xi32>
        %add3A_373 = vector.broadcast %mul3A_1 : i32 to vector<16xi32>
        %add3A_374 = arith.addi %add3A_373, %select_n3A_372 : vector<16xi32>
        %mul3A_375 = arith.constant 16 : i32
        %mul3A_376 = arith.muli %add3A_366, %mul3A_375 : i32
        %get3A_377 = arith.index_cast %mul3A_376 : i32 to index
        %get3A_378 = tpu.vector_load %arg8[%get3A_377] {strides = array<i32>} : memref<15664xi32, #tpu.memory_space<vmem>>, vector<16xi32>,
        %and3A_379 = arith.constant 7 : i32
        %and3A_380 = vector.broadcast %and3A_379 : i32 to vector<16xi32>
        %and3A_381 = arith.andi %iota3A, %and3A_380 : vector<16xi32>
        %add3A_382 = arith.constant 5120 : i32
        %add3A_383 = vector.broadcast %add3A_382 : i32 to vector<16xi32>
        %add3A_384 = arith.addi %add3A_383, %and3A_381 : vector<16xi32>
        %select_n3A_385 = arith.select %lt3A_367, %get3A_378, %add3A_384 : vector<16xi1>, vector<16xi32>
        %dma_start3A_386 = arith.constant 0 : i32
        %dma_start3A_387 = arith.constant 0 : i32
        %dma_start3A_388 = tpu.memref_slice %arg2[%dma_start3A_386, %dma_start3A_387] : memref<102400x128xf32, #tpu.memory_space<hbm>> -> memref<102400x128xf32, #tpu.memory_space<hbm>>
        tpu.enqueue_indirect_dma source(%dma_start3A_388 : memref<102400x128xf32, #tpu.memory_space<hbm>>) target(%arg12 : memref<16x128xf32, #tpu.memory_space<vmem>>) offsets(%add3A_374 : vector<16xi32>) semaphore(%arg21 : memref<!tpu.dma_semaphore, #tpu.memory_space<semaphore_mem>>)
        %add3A_389 = arith.constant 1 : i32
        %add3A_390 = vector.broadcast %add3A_389 : i32 to vector<16xi32>
        %add3A_391 = arith.addi %add3A_362, %add3A_390 : vector<16xi32>
        %mul3A_392 = arith.constant 8 : i32
        %mul3A_393 = arith.muli %while3A_275, %mul3A_392 : i32
        %add3A_394 = arith.constant 4 : i32
        %add3A_395 = arith.addi %mul3A_393, %add3A_394 : i32
        %lt3A_396 = arith.cmpi slt, %add3A_391, %scan3A_85 : vector<16xi32>
        %mul3A_397 = arith.constant 16 : i32
        %mul3A_398 = arith.muli %add3A_395, %mul3A_397 : i32
        %get3A_399 = arith.index_cast %mul3A_398 : i32 to index
        %get3A_400 = tpu.vector_load %arg7[%get3A_399] {strides = array<i32>} : memref<15664xi32, #tpu.memory_space<vmem>>, vector<16xi32>,
        %select_n3A_401 = arith.select %lt3A_396, %get3A_400, %add3A_16 : vector<16xi1>, vector<16xi32>
        %add3A_402 = vector.broadcast %mul3A_1 : i32 to vector<16xi32>
        %add3A_403 = arith.addi %add3A_402, %select_n3A_401 : vector<16xi32>
        %mul3A_404 = arith.constant 16 : i32
        %mul3A_405 = arith.muli %add3A_395, %mul3A_404 : i32
        %get3A_406 = arith.index_cast %mul3A_405 : i32 to index
        %get3A_407 = tpu.vector_load %arg8[%get3A_406] {strides = array<i32>} : memref<15664xi32, #tpu.memory_space<vmem>>, vector<16xi32>,
        %and3A_408 = arith.constant 7 : i32
        %and3A_409 = vector.broadcast %and3A_408 : i32 to vector<16xi32>
        %and3A_410 = arith.andi %iota3A, %and3A_409 : vector<16xi32>
        %add3A_411 = arith.constant 5120 : i32
        %add3A_412 = vector.broadcast %add3A_411 : i32 to vector<16xi32>
        %add3A_413 = arith.addi %add3A_412, %and3A_410 : vector<16xi32>
        %select_n3A_414 = arith.select %lt3A_396, %get3A_407, %add3A_413 : vector<16xi1>, vector<16xi32>
        %dma_start3A_415 = arith.constant 0 : i32
        %dma_start3A_416 = arith.constant 0 : i32
        %dma_start3A_417 = tpu.memref_slice %arg2[%dma_start3A_415, %dma_start3A_416] : memref<102400x128xf32, #tpu.memory_space<hbm>> -> memref<102400x128xf32, #tpu.memory_space<hbm>>
        tpu.enqueue_indirect_dma source(%dma_start3A_417 : memref<102400x128xf32, #tpu.memory_space<hbm>>) target(%arg13 : memref<16x128xf32, #tpu.memory_space<vmem>>) offsets(%add3A_403 : vector<16xi32>) semaphore(%arg21 : memref<!tpu.dma_semaphore, #tpu.memory_space<semaphore_mem>>)
        %add3A_418 = arith.constant 1 : i32
        %add3A_419 = vector.broadcast %add3A_418 : i32 to vector<16xi32>
        %add3A_420 = arith.addi %add3A_391, %add3A_419 : vector<16xi32>
        %mul3A_421 = arith.constant 8 : i32
        %mul3A_422 = arith.muli %while3A_275, %mul3A_421 : i32
        %add3A_423 = arith.constant 5 : i32
        %add3A_424 = arith.addi %mul3A_422, %add3A_423 : i32
        %lt3A_425 = arith.cmpi slt, %add3A_420, %scan3A_85 : vector<16xi32>
        %mul3A_426 = arith.constant 16 : i32
        %mul3A_427 = arith.muli %add3A_424, %mul3A_426 : i32
        %get3A_428 = arith.index_cast %mul3A_427 : i32 to index
        %get3A_429 = tpu.vector_load %arg7[%get3A_428] {strides = array<i32>} : memref<15664xi32, #tpu.memory_space<vmem>>, vector<16xi32>,
        %select_n3A_430 = arith.select %lt3A_425, %get3A_429, %add3A_16 : vector<16xi1>, vector<16xi32>
        %add3A_431 = vector.broadcast %mul3A_1 : i32 to vector<16xi32>
        %add3A_432 = arith.addi %add3A_431, %select_n3A_430 : vector<16xi32>
        %mul3A_433 = arith.constant 16 : i32
        %mul3A_434 = arith.muli %add3A_424, %mul3A_433 : i32
        %get3A_435 = arith.index_cast %mul3A_434 : i32 to index
        %get3A_436 = tpu.vector_load %arg8[%get3A_435] {strides = array<i32>} : memref<15664xi32, #tpu.memory_space<vmem>>, vector<16xi32>,
        %and3A_437 = arith.constant 7 : i32
        %and3A_438 = vector.broadcast %and3A_437 : i32 to vector<16xi32>
        %and3A_439 = arith.andi %iota3A, %and3A_438 : vector<16xi32>
        %add3A_440 = arith.constant 5120 : i32
        %add3A_441 = vector.broadcast %add3A_440 : i32 to vector<16xi32>
        %add3A_442 = arith.addi %add3A_441, %and3A_439 : vector<16xi32>
        %select_n3A_443 = arith.select %lt3A_425, %get3A_436, %add3A_442 : vector<16xi1>, vector<16xi32>
        %dma_start3A_444 = arith.constant 0 : i32
        %dma_start3A_445 = arith.constant 0 : i32
        %dma_start3A_446 = tpu.memref_slice %arg2[%dma_start3A_444, %dma_start3A_445] : memref<102400x128xf32, #tpu.memory_space<hbm>> -> memref<102400x128xf32, #tpu.memory_space<hbm>>
        tpu.enqueue_indirect_dma source(%dma_start3A_446 : memref<102400x128xf32, #tpu.memory_space<hbm>>) target(%arg14 : memref<16x128xf32, #tpu.memory_space<vmem>>) offsets(%add3A_432 : vector<16xi32>) semaphore(%arg21 : memref<!tpu.dma_semaphore, #tpu.memory_space<semaphore_mem>>)
        %add3A_447 = arith.constant 1 : i32
        %add3A_448 = vector.broadcast %add3A_447 : i32 to vector<16xi32>
        %add3A_449 = arith.addi %add3A_420, %add3A_448 : vector<16xi32>
        %mul3A_450 = arith.constant 8 : i32
        %mul3A_451 = arith.muli %while3A_275, %mul3A_450 : i32
        %add3A_452 = arith.constant 6 : i32
        %add3A_453 = arith.addi %mul3A_451, %add3A_452 : i32
        %lt3A_454 = arith.cmpi slt, %add3A_449, %scan3A_85 : vector<16xi32>
        %mul3A_455 = arith.constant 16 : i32
        %mul3A_456 = arith.muli %add3A_453, %mul3A_455 : i32
        %get3A_457 = arith.index_cast %mul3A_456 : i32 to index
        %get3A_458 = tpu.vector_load %arg7[%get3A_457] {strides = array<i32>} : memref<15664xi32, #tpu.memory_space<vmem>>, vector<16xi32>,
        %select_n3A_459 = arith.select %lt3A_454, %get3A_458, %add3A_16 : vector<16xi1>, vector<16xi32>
        %add3A_460 = vector.broadcast %mul3A_1 : i32 to vector<16xi32>
        %add3A_461 = arith.addi %add3A_460, %select_n3A_459 : vector<16xi32>
        %mul3A_462 = arith.constant 16 : i32
        %mul3A_463 = arith.muli %add3A_453, %mul3A_462 : i32
        %get3A_464 = arith.index_cast %mul3A_463 : i32 to index
        %get3A_465 = tpu.vector_load %arg8[%get3A_464] {strides = array<i32>} : memref<15664xi32, #tpu.memory_space<vmem>>, vector<16xi32>,
        %and3A_466 = arith.constant 7 : i32
        %and3A_467 = vector.broadcast %and3A_466 : i32 to vector<16xi32>
        %and3A_468 = arith.andi %iota3A, %and3A_467 : vector<16xi32>
        %add3A_469 = arith.constant 5120 : i32
        %add3A_470 = vector.broadcast %add3A_469 : i32 to vector<16xi32>
        %add3A_471 = arith.addi %add3A_470, %and3A_468 : vector<16xi32>
        %select_n3A_472 = arith.select %lt3A_454, %get3A_465, %add3A_471 : vector<16xi1>, vector<16xi32>
        %dma_start3A_473 = arith.constant 0 : i32
        %dma_start3A_474 = arith.constant 0 : i32
        %dma_start3A_475 = tpu.memref_slice %arg2[%dma_start3A_473, %dma_start3A_474] : memref<102400x128xf32, #tpu.memory_space<hbm>> -> memref<102400x128xf32, #tpu.memory_space<hbm>>
        tpu.enqueue_indirect_dma source(%dma_start3A_475 : memref<102400x128xf32, #tpu.memory_space<hbm>>) target(%arg15 : memref<16x128xf32, #tpu.memory_space<vmem>>) offsets(%add3A_461 : vector<16xi32>) semaphore(%arg21 : memref<!tpu.dma_semaphore, #tpu.memory_space<semaphore_mem>>)
        %add3A_476 = arith.constant 1 : i32
        %add3A_477 = vector.broadcast %add3A_476 : i32 to vector<16xi32>
        %add3A_478 = arith.addi %add3A_449, %add3A_477 : vector<16xi32>
        %mul3A_479 = arith.constant 8 : i32
        %mul3A_480 = arith.muli %while3A_275, %mul3A_479 : i32
        %add3A_481 = arith.constant 7 : i32
        %add3A_482 = arith.addi %mul3A_480, %add3A_481 : i32
        %lt3A_483 = arith.cmpi slt, %add3A_478, %scan3A_85 : vector<16xi32>
        %mul3A_484 = arith.constant 16 : i32
        %mul3A_485 = arith.muli %add3A_482, %mul3A_484 : i32
        %get3A_486 = arith.index_cast %mul3A_485 : i32 to index
        %get3A_487 = tpu.vector_load %arg7[%get3A_486] {strides = array<i32>} : memref<15664xi32, #tpu.memory_space<vmem>>, vector<16xi32>,
        %select_n3A_488 = arith.select %lt3A_483, %get3A_487, %add3A_16 : vector<16xi1>, vector<16xi32>
        %add3A_489 = vector.broadcast %mul3A_1 : i32 to vector<16xi32>
        %add3A_490 = arith.addi %add3A_489, %select_n3A_488 : vector<16xi32>
        %mul3A_491 = arith.constant 16 : i32
        %mul3A_492 = arith.muli %add3A_482, %mul3A_491 : i32
        %get3A_493 = arith.index_cast %mul3A_492 : i32 to index
        %get3A_494 = tpu.vector_load %arg8[%get3A_493] {strides = array<i32>} : memref<15664xi32, #tpu.memory_space<vmem>>, vector<16xi32>,
        %and3A_495 = arith.constant 7 : i32
        %and3A_496 = vector.broadcast %and3A_495 : i32 to vector<16xi32>
        %and3A_497 = arith.andi %iota3A, %and3A_496 : vector<16xi32>
        %add3A_498 = arith.constant 5120 : i32
        %add3A_499 = vector.broadcast %add3A_498 : i32 to vector<16xi32>
        %add3A_500 = arith.addi %add3A_499, %and3A_497 : vector<16xi32>
        %select_n3A_501 = arith.select %lt3A_483, %get3A_494, %add3A_500 : vector<16xi1>, vector<16xi32>
        %dma_start3A_502 = arith.constant 0 : i32
        %dma_start3A_503 = arith.constant 0 : i32
        %dma_start3A_504 = tpu.memref_slice %arg2[%dma_start3A_502, %dma_start3A_503] : memref<102400x128xf32, #tpu.memory_space<hbm>> -> memref<102400x128xf32, #tpu.memory_space<hbm>>
        tpu.enqueue_indirect_dma source(%dma_start3A_504 : memref<102400x128xf32, #tpu.memory_space<hbm>>) target(%arg16 : memref<16x128xf32, #tpu.memory_space<vmem>>) offsets(%add3A_490 : vector<16xi32>) semaphore(%arg21 : memref<!tpu.dma_semaphore, #tpu.memory_space<semaphore_mem>>)
        %add3A_505 = arith.constant 1 : i32
        %add3A_506 = vector.broadcast %add3A_505 : i32 to vector<16xi32>
        %add3A_507 = arith.addi %add3A_478, %add3A_506 : vector<16xi32>
        %dma_wait3A = arith.constant 0 : i32
        %dma_wait3A_508 = arith.constant 0 : i32
        %dma_wait3A_509 = tpu.memref_slice %arg2[%dma_wait3A, %dma_wait3A_508] : memref<102400x128xf32, #tpu.memory_space<hbm>> -> memref<102400x128xf32, #tpu.memory_space<hbm>>
        tpu.wait_indirect_dma semaphore(%arg21 : memref<!tpu.dma_semaphore, #tpu.memory_space<semaphore_mem>>) src(%dma_wait3A_509 : memref<102400x128xf32, #tpu.memory_space<hbm>>) dst(%arg9 : memref<16x128xf32, #tpu.memory_space<vmem>>)
        %dma_start3A_510 = arith.constant 0 : i32
        %dma_start3A_511 = arith.constant 0 : i32
        %dma_start3A_512 = tpu.memref_slice %arg22[%dma_start3A_510, %dma_start3A_511] : memref<5128x128xf32, #tpu.memory_space<vmem_shared>> -> memref<5128x128xf32, #tpu.memory_space<vmem_shared>>
        tpu.enqueue_indirect_dma source(%arg9 : memref<16x128xf32, #tpu.memory_space<vmem>>) target(%dma_start3A_512 : memref<5128x128xf32, #tpu.memory_space<vmem_shared>>) offsets(%select_n3A_299 : vector<16xi32>) semaphore(%arg20 : memref<!tpu.dma_semaphore, #tpu.memory_space<semaphore_mem>>) {add = true}
        %dma_wait3A_513 = arith.constant 0 : i32
        %dma_wait3A_514 = arith.constant 0 : i32
        %dma_wait3A_515 = tpu.memref_slice %arg2[%dma_wait3A_513, %dma_wait3A_514] : memref<102400x128xf32, #tpu.memory_space<hbm>> -> memref<102400x128xf32, #tpu.memory_space<hbm>>
        tpu.wait_indirect_dma semaphore(%arg21 : memref<!tpu.dma_semaphore, #tpu.memory_space<semaphore_mem>>) src(%dma_wait3A_515 : memref<102400x128xf32, #tpu.memory_space<hbm>>) dst(%arg10 : memref<16x128xf32, #tpu.memory_space<vmem>>)
        %dma_start3A_516 = arith.constant 0 : i32
        %dma_start3A_517 = arith.constant 0 : i32
        %dma_start3A_518 = tpu.memref_slice %arg22[%dma_start3A_516, %dma_start3A_517] : memref<5128x128xf32, #tpu.memory_space<vmem_shared>> -> memref<5128x128xf32, #tpu.memory_space<vmem_shared>>
        tpu.enqueue_indirect_dma source(%arg10 : memref<16x128xf32, #tpu.memory_space<vmem>>) target(%dma_start3A_518 : memref<5128x128xf32, #tpu.memory_space<vmem_shared>>) offsets(%select_n3A_327 : vector<16xi32>) semaphore(%arg20 : memref<!tpu.dma_semaphore, #tpu.memory_space<semaphore_mem>>) {add = true}
        %dma_wait3A_519 = arith.constant 0 : i32
        %dma_wait3A_520 = arith.constant 0 : i32
        %dma_wait3A_521 = tpu.memref_slice %arg2[%dma_wait3A_519, %dma_wait3A_520] : memref<102400x128xf32, #tpu.memory_space<hbm>> -> memref<102400x128xf32, #tpu.memory_space<hbm>>
        tpu.wait_indirect_dma semaphore(%arg21 : memref<!tpu.dma_semaphore, #tpu.memory_space<semaphore_mem>>) src(%dma_wait3A_521 : memref<102400x128xf32, #tpu.memory_space<hbm>>) dst(%arg11 : memref<16x128xf32, #tpu.memory_space<vmem>>)
        %dma_start3A_522 = arith.constant 0 : i32
        %dma_start3A_523 = arith.constant 0 : i32
        %dma_start3A_524 = tpu.memref_slice %arg22[%dma_start3A_522, %dma_start3A_523] : memref<5128x128xf32, #tpu.memory_space<vmem_shared>> -> memref<5128x128xf32, #tpu.memory_space<vmem_shared>>
        tpu.enqueue_indirect_dma source(%arg11 : memref<16x128xf32, #tpu.memory_space<vmem>>) target(%dma_start3A_524 : memref<5128x128xf32, #tpu.memory_space<vmem_shared>>) offsets(%select_n3A_356 : vector<16xi32>) semaphore(%arg20 : memref<!tpu.dma_semaphore, #tpu.memory_space<semaphore_mem>>) {add = true}
        %dma_wait3A_525 = arith.constant 0 : i32
        %dma_wait3A_526 = arith.constant 0 : i32
        %dma_wait3A_527 = tpu.memref_slice %arg2[%dma_wait3A_525, %dma_wait3A_526] : memref<102400x128xf32, #tpu.memory_space<hbm>> -> memref<102400x128xf32, #tpu.memory_space<hbm>>
        tpu.wait_indirect_dma semaphore(%arg21 : memref<!tpu.dma_semaphore, #tpu.memory_space<semaphore_mem>>) src(%dma_wait3A_527 : memref<102400x128xf32, #tpu.memory_space<hbm>>) dst(%arg12 : memref<16x128xf32, #tpu.memory_space<vmem>>)
        %dma_start3A_528 = arith.constant 0 : i32
        %dma_start3A_529 = arith.constant 0 : i32
        %dma_start3A_530 = tpu.memref_slice %arg22[%dma_start3A_528, %dma_start3A_529] : memref<5128x128xf32, #tpu.memory_space<vmem_shared>> -> memref<5128x128xf32, #tpu.memory_space<vmem_shared>>
        tpu.enqueue_indirect_dma source(%arg12 : memref<16x128xf32, #tpu.memory_space<vmem>>) target(%dma_start3A_530 : memref<5128x128xf32, #tpu.memory_space<vmem_shared>>) offsets(%select_n3A_385 : vector<16xi32>) semaphore(%arg20 : memref<!tpu.dma_semaphore, #tpu.memory_space<semaphore_mem>>) {add = true}
        %dma_wait3A_531 = arith.constant 0 : i32
        %dma_wait3A_532 = arith.constant 0 : i32
        %dma_wait3A_533 = tpu.memref_slice %arg2[%dma_wait3A_531, %dma_wait3A_532] : memref<102400x128xf32, #tpu.memory_space<hbm>> -> memref<102400x128xf32, #tpu.memory_space<hbm>>
        tpu.wait_indirect_dma semaphore(%arg21 : memref<!tpu.dma_semaphore, #tpu.memory_space<semaphore_mem>>) src(%dma_wait3A_533 : memref<102400x128xf32, #tpu.memory_space<hbm>>) dst(%arg13 : memref<16x128xf32, #tpu.memory_space<vmem>>)
        %dma_start3A_534 = arith.constant 0 : i32
        %dma_start3A_535 = arith.constant 0 : i32
        %dma_start3A_536 = tpu.memref_slice %arg22[%dma_start3A_534, %dma_start3A_535] : memref<5128x128xf32, #tpu.memory_space<vmem_shared>> -> memref<5128x128xf32, #tpu.memory_space<vmem_shared>>
        tpu.enqueue_indirect_dma source(%arg13 : memref<16x128xf32, #tpu.memory_space<vmem>>) target(%dma_start3A_536 : memref<5128x128xf32, #tpu.memory_space<vmem_shared>>) offsets(%select_n3A_414 : vector<16xi32>) semaphore(%arg20 : memref<!tpu.dma_semaphore, #tpu.memory_space<semaphore_mem>>) {add = true}
        %dma_wait3A_537 = arith.constant 0 : i32
        %dma_wait3A_538 = arith.constant 0 : i32
        %dma_wait3A_539 = tpu.memref_slice %arg2[%dma_wait3A_537, %dma_wait3A_538] : memref<102400x128xf32, #tpu.memory_space<hbm>> -> memref<102400x128xf32, #tpu.memory_space<hbm>>
        tpu.wait_indirect_dma semaphore(%arg21 : memref<!tpu.dma_semaphore, #tpu.memory_space<semaphore_mem>>) src(%dma_wait3A_539 : memref<102400x128xf32, #tpu.memory_space<hbm>>) dst(%arg14 : memref<16x128xf32, #tpu.memory_space<vmem>>)
        %dma_start3A_540 = arith.constant 0 : i32
        %dma_start3A_541 = arith.constant 0 : i32
        %dma_start3A_542 = tpu.memref_slice %arg22[%dma_start3A_540, %dma_start3A_541] : memref<5128x128xf32, #tpu.memory_space<vmem_shared>> -> memref<5128x128xf32, #tpu.memory_space<vmem_shared>>
        tpu.enqueue_indirect_dma source(%arg14 : memref<16x128xf32, #tpu.memory_space<vmem>>) target(%dma_start3A_542 : memref<5128x128xf32, #tpu.memory_space<vmem_shared>>) offsets(%select_n3A_443 : vector<16xi32>) semaphore(%arg20 : memref<!tpu.dma_semaphore, #tpu.memory_space<semaphore_mem>>) {add = true}
        %dma_wait3A_543 = arith.constant 0 : i32
        %dma_wait3A_544 = arith.constant 0 : i32
        %dma_wait3A_545 = tpu.memref_slice %arg2[%dma_wait3A_543, %dma_wait3A_544] : memref<102400x128xf32, #tpu.memory_space<hbm>> -> memref<102400x128xf32, #tpu.memory_space<hbm>>
        tpu.wait_indirect_dma semaphore(%arg21 : memref<!tpu.dma_semaphore, #tpu.memory_space<semaphore_mem>>) src(%dma_wait3A_545 : memref<102400x128xf32, #tpu.memory_space<hbm>>) dst(%arg15 : memref<16x128xf32, #tpu.memory_space<vmem>>)
        %dma_start3A_546 = arith.constant 0 : i32
        %dma_start3A_547 = arith.constant 0 : i32
        %dma_start3A_548 = tpu.memref_slice %arg22[%dma_start3A_546, %dma_start3A_547] : memref<5128x128xf32, #tpu.memory_space<vmem_shared>> -> memref<5128x128xf32, #tpu.memory_space<vmem_shared>>
        tpu.enqueue_indirect_dma source(%arg15 : memref<16x128xf32, #tpu.memory_space<vmem>>) target(%dma_start3A_548 : memref<5128x128xf32, #tpu.memory_space<vmem_shared>>) offsets(%select_n3A_472 : vector<16xi32>) semaphore(%arg20 : memref<!tpu.dma_semaphore, #tpu.memory_space<semaphore_mem>>) {add = true}
        %dma_wait3A_549 = arith.constant 0 : i32
        %dma_wait3A_550 = arith.constant 0 : i32
        %dma_wait3A_551 = tpu.memref_slice %arg2[%dma_wait3A_549, %dma_wait3A_550] : memref<102400x128xf32, #tpu.memory_space<hbm>> -> memref<102400x128xf32, #tpu.memory_space<hbm>>
        tpu.wait_indirect_dma semaphore(%arg21 : memref<!tpu.dma_semaphore, #tpu.memory_space<semaphore_mem>>) src(%dma_wait3A_551 : memref<102400x128xf32, #tpu.memory_space<hbm>>) dst(%arg16 : memref<16x128xf32, #tpu.memory_space<vmem>>)
        %dma_start3A_552 = arith.constant 0 : i32
        %dma_start3A_553 = arith.constant 0 : i32
        %dma_start3A_554 = tpu.memref_slice %arg22[%dma_start3A_552, %dma_start3A_553] : memref<5128x128xf32, #tpu.memory_space<vmem_shared>> -> memref<5128x128xf32, #tpu.memory_space<vmem_shared>>
        tpu.enqueue_indirect_dma source(%arg16 : memref<16x128xf32, #tpu.memory_space<vmem>>) target(%dma_start3A_554 : memref<5128x128xf32, #tpu.memory_space<vmem_shared>>) offsets(%select_n3A_501 : vector<16xi32>) semaphore(%arg20 : memref<!tpu.dma_semaphore, #tpu.memory_space<semaphore_mem>>) {add = true}
        %dma_wait3A_555 = arith.constant 0 : i32
        %dma_wait3A_556 = arith.constant 0 : i32
        %dma_wait3A_557 = tpu.memref_slice %arg22[%dma_wait3A_555, %dma_wait3A_556] : memref<5128x128xf32, #tpu.memory_space<vmem_shared>> -> memref<5128x128xf32, #tpu.memory_space<vmem_shared>>
        tpu.wait_indirect_dma semaphore(%arg20 : memref<!tpu.dma_semaphore, #tpu.memory_space<semaphore_mem>>) src(%arg9 : memref<16x128xf32, #tpu.memory_space<vmem>>) dst(%dma_wait3A_557 : memref<5128x128xf32, #tpu.memory_space<vmem_shared>>)
        %dma_wait3A_558 = arith.constant 0 : i32
        %dma_wait3A_559 = arith.constant 0 : i32
        %dma_wait3A_560 = tpu.memref_slice %arg22[%dma_wait3A_558, %dma_wait3A_559] : memref<5128x128xf32, #tpu.memory_space<vmem_shared>> -> memref<5128x128xf32, #tpu.memory_space<vmem_shared>>
        tpu.wait_indirect_dma semaphore(%arg20 : memref<!tpu.dma_semaphore, #tpu.memory_space<semaphore_mem>>) src(%arg10 : memref<16x128xf32, #tpu.memory_space<vmem>>) dst(%dma_wait3A_560 : memref<5128x128xf32, #tpu.memory_space<vmem_shared>>)
        %dma_wait3A_561 = arith.constant 0 : i32
        %dma_wait3A_562 = arith.constant 0 : i32
        %dma_wait3A_563 = tpu.memref_slice %arg22[%dma_wait3A_561, %dma_wait3A_562] : memref<5128x128xf32, #tpu.memory_space<vmem_shared>> -> memref<5128x128xf32, #tpu.memory_space<vmem_shared>>
        tpu.wait_indirect_dma semaphore(%arg20 : memref<!tpu.dma_semaphore, #tpu.memory_space<semaphore_mem>>) src(%arg11 : memref<16x128xf32, #tpu.memory_space<vmem>>) dst(%dma_wait3A_563 : memref<5128x128xf32, #tpu.memory_space<vmem_shared>>)
        %dma_wait3A_564 = arith.constant 0 : i32
        %dma_wait3A_565 = arith.constant 0 : i32
        %dma_wait3A_566 = tpu.memref_slice %arg22[%dma_wait3A_564, %dma_wait3A_565] : memref<5128x128xf32, #tpu.memory_space<vmem_shared>> -> memref<5128x128xf32, #tpu.memory_space<vmem_shared>>
        tpu.wait_indirect_dma semaphore(%arg20 : memref<!tpu.dma_semaphore, #tpu.memory_space<semaphore_mem>>) src(%arg12 : memref<16x128xf32, #tpu.memory_space<vmem>>) dst(%dma_wait3A_566 : memref<5128x128xf32, #tpu.memory_space<vmem_shared>>)
        %dma_wait3A_567 = arith.constant 0 : i32
        %dma_wait3A_568 = arith.constant 0 : i32
        %dma_wait3A_569 = tpu.memref_slice %arg22[%dma_wait3A_567, %dma_wait3A_568] : memref<5128x128xf32, #tpu.memory_space<vmem_shared>> -> memref<5128x128xf32, #tpu.memory_space<vmem_shared>>
        tpu.wait_indirect_dma semaphore(%arg20 : memref<!tpu.dma_semaphore, #tpu.memory_space<semaphore_mem>>) src(%arg13 : memref<16x128xf32, #tpu.memory_space<vmem>>) dst(%dma_wait3A_569 : memref<5128x128xf32, #tpu.memory_space<vmem_shared>>)
        %dma_wait3A_570 = arith.constant 0 : i32
        %dma_wait3A_571 = arith.constant 0 : i32
        %dma_wait3A_572 = tpu.memref_slice %arg22[%dma_wait3A_570, %dma_wait3A_571] : memref<5128x128xf32, #tpu.memory_space<vmem_shared>> -> memref<5128x128xf32, #tpu.memory_space<vmem_shared>>
        tpu.wait_indirect_dma semaphore(%arg20 : memref<!tpu.dma_semaphore, #tpu.memory_space<semaphore_mem>>) src(%arg14 : memref<16x128xf32, #tpu.memory_space<vmem>>) dst(%dma_wait3A_572 : memref<5128x128xf32, #tpu.memory_space<vmem_shared>>)
        %dma_wait3A_573 = arith.constant 0 : i32
        %dma_wait3A_574 = arith.constant 0 : i32
        %dma_wait3A_575 = tpu.memref_slice %arg22[%dma_wait3A_573, %dma_wait3A_574] : memref<5128x128xf32, #tpu.memory_space<vmem_shared>> -> memref<5128x128xf32, #tpu.memory_space<vmem_shared>>
        tpu.wait_indirect_dma semaphore(%arg20 : memref<!tpu.dma_semaphore, #tpu.memory_space<semaphore_mem>>) src(%arg15 : memref<16x128xf32, #tpu.memory_space<vmem>>) dst(%dma_wait3A_575 : memref<5128x128xf32, #tpu.memory_space<vmem_shared>>)
        %dma_wait3A_576 = arith.constant 0 : i32
        %dma_wait3A_577 = arith.constant 0 : i32
        %dma_wait3A_578 = tpu.memref_slice %arg22[%dma_wait3A_576, %dma_wait3A_577] : memref<5128x128xf32, #tpu.memory_space<vmem_shared>> -> memref<5128x128xf32, #tpu.memory_space<vmem_shared>>
        tpu.wait_indirect_dma semaphore(%arg20 : memref<!tpu.dma_semaphore, #tpu.memory_space<semaphore_mem>>) src(%arg16 : memref<16x128xf32, #tpu.memory_space<vmem>>) dst(%dma_wait3A_578 : memref<5128x128xf32, #tpu.memory_space<vmem_shared>>)
        scf.yield %add3A_507 : vector<16xi32>
      }
      %barrier3A_172 = arith.constant 0 : index
      tpu.barrier barrier_id(%barrier3A_172)
      %mul3A_173 = arith.constant 320 : i32
      %mul3A_174 = arith.muli %arg1, %mul3A_173 : i32
      %add3A_175 = arith.constant 0 : i32
      %add3A_176 = arith.addi %mul3A_174, %add3A_175 : i32
      "tpu.region"() ({
        %run_scoped3A = tpu.sem_alloc : memref<!tpu.dma_semaphore, #tpu.memory_space<semaphore_mem>>
        %dma_start3A = arith.constant 0 : i32
        %dma_start3A_275 = tpu.memref_slice %arg22[%add3A_176, %dma_start3A] : memref<5128x128xf32, #tpu.memory_space<vmem_shared>> -> memref<32x128xf32, #tpu.memory_space<vmem_shared>>
        %dma_start3A_276 = arith.constant 0 : i32
        %dma_start3A_277 = tpu.memref_slice %arg22[%add3A_176, %dma_start3A_276] : memref<5128x128xf32, #tpu.memory_space<vmem_shared>> -> memref<32x128xf32, #tpu.memory_space<vmem_shared>>
        tpu.enqueue_dma source(%dma_start3A_277 : memref<32x128xf32, #tpu.memory_space<vmem_shared>>) target(%arg18 : memref<32x128xf32, #tpu.memory_space<vmem>>) target_semaphore(%run_scoped3A : memref<!tpu.dma_semaphore, #tpu.memory_space<semaphore_mem>>)
        %dma_wait3A = arith.constant 0 : i32
        %dma_wait3A_278 = tpu.memref_slice %arg22[%add3A_176, %dma_wait3A] : memref<5128x128xf32, #tpu.memory_space<vmem_shared>> -> memref<32x128xf32, #tpu.memory_space<vmem_shared>>
        %dma_wait3A_279 = arith.constant 0 : i32
        %dma_wait3A_280 = tpu.memref_slice %arg22[%add3A_176, %dma_wait3A_279] : memref<5128x128xf32, #tpu.memory_space<vmem_shared>> -> memref<32x128xf32, #tpu.memory_space<vmem_shared>>
        tpu.wait_dma2 semaphore(%run_scoped3A : memref<!tpu.dma_semaphore, #tpu.memory_space<semaphore_mem>>) src(%dma_wait3A_280 : memref<32x128xf32, #tpu.memory_space<vmem_shared>>) dst(%arg18 : memref<32x128xf32, #tpu.memory_space<vmem>>)
        tpu.yield
      }) : () -> ()
      %add3A_177 = arith.addi %mul3A_1, %mul3A_33 : i32
      %mul3A_178 = arith.constant 320 : i32
      %mul3A_179 = arith.muli %arg1, %mul3A_178 : i32
      %add3A_180 = arith.addi %add3A_177, %mul3A_179 : i32
      %add3A_181 = arith.constant 0 : i32
      %add3A_182 = arith.addi %add3A_180, %add3A_181 : i32
      "tpu.region"() ({
        %run_scoped3A = tpu.sem_alloc : memref<!tpu.dma_semaphore, #tpu.memory_space<semaphore_mem>>
        %dma_start3A = arith.constant 0 : i32
        %dma_start3A_275 = tpu.memref_slice %arg4[%add3A_182, %dma_start3A] : memref<102400x128xf32, #tpu.memory_space<hbm>> -> memref<32x128xf32, #tpu.memory_space<hbm>>
        %dma_start3A_276 = arith.constant 0 : i32
        %dma_start3A_277 = tpu.memref_slice %arg4[%add3A_182, %dma_start3A_276] : memref<102400x128xf32, #tpu.memory_space<hbm>> -> memref<32x128xf32, #tpu.memory_space<hbm>>
        tpu.enqueue_dma source(%arg18 : memref<32x128xf32, #tpu.memory_space<vmem>>) target(%dma_start3A_277 : memref<32x128xf32, #tpu.memory_space<hbm>>) target_semaphore(%run_scoped3A : memref<!tpu.dma_semaphore, #tpu.memory_space<semaphore_mem>>)
        %dma_wait3A = arith.constant 0 : i32
        %dma_wait3A_278 = tpu.memref_slice %arg4[%add3A_182, %dma_wait3A] : memref<102400x128xf32, #tpu.memory_space<hbm>> -> memref<32x128xf32, #tpu.memory_space<hbm>>
        %dma_wait3A_279 = arith.constant 0 : i32
        %dma_wait3A_280 = tpu.memref_slice %arg4[%add3A_182, %dma_wait3A_279] : memref<102400x128xf32, #tpu.memory_space<hbm>> -> memref<32x128xf32, #tpu.memory_space<hbm>>
        tpu.wait_dma2 semaphore(%run_scoped3A : memref<!tpu.dma_semaphore, #tpu.memory_space<semaphore_mem>>) src(%arg18 : memref<32x128xf32, #tpu.memory_space<vmem>>) dst(%dma_wait3A_280 : memref<32x128xf32, #tpu.memory_space<hbm>>)
        tpu.yield
      }) : () -> ()
      %mul3A_183 = arith.constant 320 : i32
      %mul3A_184 = arith.muli %arg1, %mul3A_183 : i32
      %add3A_185 = arith.constant 32 : i32
      %add3A_186 = arith.addi %mul3A_184, %add3A_185 : i32
      "tpu.region"() ({
        %run_scoped3A = tpu.sem_alloc : memref<!tpu.dma_semaphore, #tpu.memory_space<semaphore_mem>>
        %dma_start3A = arith.constant 0 : i32
        %dma_start3A_275 = tpu.memref_slice %arg22[%add3A_186, %dma_start3A] : memref<5128x128xf32, #tpu.memory_space<vmem_shared>> -> memref<32x128xf32, #tpu.memory_space<vmem_shared>>
        %dma_start3A_276 = arith.constant 0 : i32
        %dma_start3A_277 = tpu.memref_slice %arg22[%add3A_186, %dma_start3A_276] : memref<5128x128xf32, #tpu.memory_space<vmem_shared>> -> memref<32x128xf32, #tpu.memory_space<vmem_shared>>
        tpu.enqueue_dma source(%dma_start3A_277 : memref<32x128xf32, #tpu.memory_space<vmem_shared>>) target(%arg18 : memref<32x128xf32, #tpu.memory_space<vmem>>) target_semaphore(%run_scoped3A : memref<!tpu.dma_semaphore, #tpu.memory_space<semaphore_mem>>)
        %dma_wait3A = arith.constant 0 : i32
        %dma_wait3A_278 = tpu.memref_slice %arg22[%add3A_186, %dma_wait3A] : memref<5128x128xf32, #tpu.memory_space<vmem_shared>> -> memref<32x128xf32, #tpu.memory_space<vmem_shared>>
        %dma_wait3A_279 = arith.constant 0 : i32
        %dma_wait3A_280 = tpu.memref_slice %arg22[%add3A_186, %dma_wait3A_279] : memref<5128x128xf32, #tpu.memory_space<vmem_shared>> -> memref<32x128xf32, #tpu.memory_space<vmem_shared>>
        tpu.wait_dma2 semaphore(%run_scoped3A : memref<!tpu.dma_semaphore, #tpu.memory_space<semaphore_mem>>) src(%dma_wait3A_280 : memref<32x128xf32, #tpu.memory_space<vmem_shared>>) dst(%arg18 : memref<32x128xf32, #tpu.memory_space<vmem>>)
        tpu.yield
      }) : () -> ()
      %add3A_187 = arith.addi %mul3A_1, %mul3A_33 : i32
      %mul3A_188 = arith.constant 320 : i32
      %mul3A_189 = arith.muli %arg1, %mul3A_188 : i32
      %add3A_190 = arith.addi %add3A_187, %mul3A_189 : i32
      %add3A_191 = arith.constant 32 : i32
      %add3A_192 = arith.addi %add3A_190, %add3A_191 : i32
      "tpu.region"() ({
        %run_scoped3A = tpu.sem_alloc : memref<!tpu.dma_semaphore, #tpu.memory_space<semaphore_mem>>
        %dma_start3A = arith.constant 0 : i32
        %dma_start3A_275 = tpu.memref_slice %arg4[%add3A_192, %dma_start3A] : memref<102400x128xf32, #tpu.memory_space<hbm>> -> memref<32x128xf32, #tpu.memory_space<hbm>>
        %dma_start3A_276 = arith.constant 0 : i32
        %dma_start3A_277 = tpu.memref_slice %arg4[%add3A_192, %dma_start3A_276] : memref<102400x128xf32, #tpu.memory_space<hbm>> -> memref<32x128xf32, #tpu.memory_space<hbm>>
        tpu.enqueue_dma source(%arg18 : memref<32x128xf32, #tpu.memory_space<vmem>>) target(%dma_start3A_277 : memref<32x128xf32, #tpu.memory_space<hbm>>) target_semaphore(%run_scoped3A : memref<!tpu.dma_semaphore, #tpu.memory_space<semaphore_mem>>)
        %dma_wait3A = arith.constant 0 : i32
        %dma_wait3A_278 = tpu.memref_slice %arg4[%add3A_192, %dma_wait3A] : memref<102400x128xf32, #tpu.memory_space<hbm>> -> memref<32x128xf32, #tpu.memory_space<hbm>>
        %dma_wait3A_279 = arith.constant 0 : i32
        %dma_wait3A_280 = tpu.memref_slice %arg4[%add3A_192, %dma_wait3A_279] : memref<102400x128xf32, #tpu.memory_space<hbm>> -> memref<32x128xf32, #tpu.memory_space<hbm>>
        tpu.wait_dma2 semaphore(%run_scoped3A : memref<!tpu.dma_semaphore, #tpu.memory_space<semaphore_mem>>) src(%arg18 : memref<32x128xf32, #tpu.memory_space<vmem>>) dst(%dma_wait3A_280 : memref<32x128xf32, #tpu.memory_space<hbm>>)
        tpu.yield
      }) : () -> ()
      %mul3A_193 = arith.constant 320 : i32
      %mul3A_194 = arith.muli %arg1, %mul3A_193 : i32
      %add3A_195 = arith.constant 64 : i32
      %add3A_196 = arith.addi %mul3A_194, %add3A_195 : i32
      "tpu.region"() ({
        %run_scoped3A = tpu.sem_alloc : memref<!tpu.dma_semaphore, #tpu.memory_space<semaphore_mem>>
        %dma_start3A = arith.constant 0 : i32
        %dma_start3A_275 = tpu.memref_slice %arg22[%add3A_196, %dma_start3A] : memref<5128x128xf32, #tpu.memory_space<vmem_shared>> -> memref<32x128xf32, #tpu.memory_space<vmem_shared>>
        %dma_start3A_276 = arith.constant 0 : i32
        %dma_start3A_277 = tpu.memref_slice %arg22[%add3A_196, %dma_start3A_276] : memref<5128x128xf32, #tpu.memory_space<vmem_shared>> -> memref<32x128xf32, #tpu.memory_space<vmem_shared>>
        tpu.enqueue_dma source(%dma_start3A_277 : memref<32x128xf32, #tpu.memory_space<vmem_shared>>) target(%arg18 : memref<32x128xf32, #tpu.memory_space<vmem>>) target_semaphore(%run_scoped3A : memref<!tpu.dma_semaphore, #tpu.memory_space<semaphore_mem>>)
        %dma_wait3A = arith.constant 0 : i32
        %dma_wait3A_278 = tpu.memref_slice %arg22[%add3A_196, %dma_wait3A] : memref<5128x128xf32, #tpu.memory_space<vmem_shared>> -> memref<32x128xf32, #tpu.memory_space<vmem_shared>>
        %dma_wait3A_279 = arith.constant 0 : i32
        %dma_wait3A_280 = tpu.memref_slice %arg22[%add3A_196, %dma_wait3A_279] : memref<5128x128xf32, #tpu.memory_space<vmem_shared>> -> memref<32x128xf32, #tpu.memory_space<vmem_shared>>
        tpu.wait_dma2 semaphore(%run_scoped3A : memref<!tpu.dma_semaphore, #tpu.memory_space<semaphore_mem>>) src(%dma_wait3A_280 : memref<32x128xf32, #tpu.memory_space<vmem_shared>>) dst(%arg18 : memref<32x128xf32, #tpu.memory_space<vmem>>)
        tpu.yield
      }) : () -> ()
      %add3A_197 = arith.addi %mul3A_1, %mul3A_33 : i32
      %mul3A_198 = arith.constant 320 : i32
      %mul3A_199 = arith.muli %arg1, %mul3A_198 : i32
      %add3A_200 = arith.addi %add3A_197, %mul3A_199 : i32
      %add3A_201 = arith.constant 64 : i32
      %add3A_202 = arith.addi %add3A_200, %add3A_201 : i32
      "tpu.region"() ({
        %run_scoped3A = tpu.sem_alloc : memref<!tpu.dma_semaphore, #tpu.memory_space<semaphore_mem>>
        %dma_start3A = arith.constant 0 : i32
        %dma_start3A_275 = tpu.memref_slice %arg4[%add3A_202, %dma_start3A] : memref<102400x128xf32, #tpu.memory_space<hbm>> -> memref<32x128xf32, #tpu.memory_space<hbm>>
        %dma_start3A_276 = arith.constant 0 : i32
        %dma_start3A_277 = tpu.memref_slice %arg4[%add3A_202, %dma_start3A_276] : memref<102400x128xf32, #tpu.memory_space<hbm>> -> memref<32x128xf32, #tpu.memory_space<hbm>>
        tpu.enqueue_dma source(%arg18 : memref<32x128xf32, #tpu.memory_space<vmem>>) target(%dma_start3A_277 : memref<32x128xf32, #tpu.memory_space<hbm>>) target_semaphore(%run_scoped3A : memref<!tpu.dma_semaphore, #tpu.memory_space<semaphore_mem>>)
        %dma_wait3A = arith.constant 0 : i32
        %dma_wait3A_278 = tpu.memref_slice %arg4[%add3A_202, %dma_wait3A] : memref<102400x128xf32, #tpu.memory_space<hbm>> -> memref<32x128xf32, #tpu.memory_space<hbm>>
        %dma_wait3A_279 = arith.constant 0 : i32
        %dma_wait3A_280 = tpu.memref_slice %arg4[%add3A_202, %dma_wait3A_279] : memref<102400x128xf32, #tpu.memory_space<hbm>> -> memref<32x128xf32, #tpu.memory_space<hbm>>
        tpu.wait_dma2 semaphore(%run_scoped3A : memref<!tpu.dma_semaphore, #tpu.memory_space<semaphore_mem>>) src(%arg18 : memref<32x128xf32, #tpu.memory_space<vmem>>) dst(%dma_wait3A_280 : memref<32x128xf32, #tpu.memory_space<hbm>>)
        tpu.yield
      }) : () -> ()
      %mul3A_203 = arith.constant 320 : i32
      %mul3A_204 = arith.muli %arg1, %mul3A_203 : i32
      %add3A_205 = arith.constant 96 : i32
      %add3A_206 = arith.addi %mul3A_204, %add3A_205 : i32
      "tpu.region"() ({
        %run_scoped3A = tpu.sem_alloc : memref<!tpu.dma_semaphore, #tpu.memory_space<semaphore_mem>>
        %dma_start3A = arith.constant 0 : i32
        %dma_start3A_275 = tpu.memref_slice %arg22[%add3A_206, %dma_start3A] : memref<5128x128xf32, #tpu.memory_space<vmem_shared>> -> memref<32x128xf32, #tpu.memory_space<vmem_shared>>
        %dma_start3A_276 = arith.constant 0 : i32
        %dma_start3A_277 = tpu.memref_slice %arg22[%add3A_206, %dma_start3A_276] : memref<5128x128xf32, #tpu.memory_space<vmem_shared>> -> memref<32x128xf32, #tpu.memory_space<vmem_shared>>
        tpu.enqueue_dma source(%dma_start3A_277 : memref<32x128xf32, #tpu.memory_space<vmem_shared>>) target(%arg18 : memref<32x128xf32, #tpu.memory_space<vmem>>) target_semaphore(%run_scoped3A : memref<!tpu.dma_semaphore, #tpu.memory_space<semaphore_mem>>)
        %dma_wait3A = arith.constant 0 : i32
        %dma_wait3A_278 = tpu.memref_slice %arg22[%add3A_206, %dma_wait3A] : memref<5128x128xf32, #tpu.memory_space<vmem_shared>> -> memref<32x128xf32, #tpu.memory_space<vmem_shared>>
        %dma_wait3A_279 = arith.constant 0 : i32
        %dma_wait3A_280 = tpu.memref_slice %arg22[%add3A_206, %dma_wait3A_279] : memref<5128x128xf32, #tpu.memory_space<vmem_shared>> -> memref<32x128xf32, #tpu.memory_space<vmem_shared>>
        tpu.wait_dma2 semaphore(%run_scoped3A : memref<!tpu.dma_semaphore, #tpu.memory_space<semaphore_mem>>) src(%dma_wait3A_280 : memref<32x128xf32, #tpu.memory_space<vmem_shared>>) dst(%arg18 : memref<32x128xf32, #tpu.memory_space<vmem>>)
        tpu.yield
      }) : () -> ()
      %add3A_207 = arith.addi %mul3A_1, %mul3A_33 : i32
      %mul3A_208 = arith.constant 320 : i32
      %mul3A_209 = arith.muli %arg1, %mul3A_208 : i32
      %add3A_210 = arith.addi %add3A_207, %mul3A_209 : i32
      %add3A_211 = arith.constant 96 : i32
      %add3A_212 = arith.addi %add3A_210, %add3A_211 : i32
      "tpu.region"() ({
        %run_scoped3A = tpu.sem_alloc : memref<!tpu.dma_semaphore, #tpu.memory_space<semaphore_mem>>
        %dma_start3A = arith.constant 0 : i32
        %dma_start3A_275 = tpu.memref_slice %arg4[%add3A_212, %dma_start3A] : memref<102400x128xf32, #tpu.memory_space<hbm>> -> memref<32x128xf32, #tpu.memory_space<hbm>>
        %dma_start3A_276 = arith.constant 0 : i32
        %dma_start3A_277 = tpu.memref_slice %arg4[%add3A_212, %dma_start3A_276] : memref<102400x128xf32, #tpu.memory_space<hbm>> -> memref<32x128xf32, #tpu.memory_space<hbm>>
        tpu.enqueue_dma source(%arg18 : memref<32x128xf32, #tpu.memory_space<vmem>>) target(%dma_start3A_277 : memref<32x128xf32, #tpu.memory_space<hbm>>) target_semaphore(%run_scoped3A : memref<!tpu.dma_semaphore, #tpu.memory_space<semaphore_mem>>)
        %dma_wait3A = arith.constant 0 : i32
        %dma_wait3A_278 = tpu.memref_slice %arg4[%add3A_212, %dma_wait3A] : memref<102400x128xf32, #tpu.memory_space<hbm>> -> memref<32x128xf32, #tpu.memory_space<hbm>>
        %dma_wait3A_279 = arith.constant 0 : i32
        %dma_wait3A_280 = tpu.memref_slice %arg4[%add3A_212, %dma_wait3A_279] : memref<102400x128xf32, #tpu.memory_space<hbm>> -> memref<32x128xf32, #tpu.memory_space<hbm>>
        tpu.wait_dma2 semaphore(%run_scoped3A : memref<!tpu.dma_semaphore, #tpu.memory_space<semaphore_mem>>) src(%arg18 : memref<32x128xf32, #tpu.memory_space<vmem>>) dst(%dma_wait3A_280 : memref<32x128xf32, #tpu.memory_space<hbm>>)
        tpu.yield
      }) : () -> ()
      %mul3A_213 = arith.constant 320 : i32
      %mul3A_214 = arith.muli %arg1, %mul3A_213 : i32
      %add3A_215 = arith.constant 128 : i32
      %add3A_216 = arith.addi %mul3A_214, %add3A_215 : i32
      "tpu.region"() ({
        %run_scoped3A = tpu.sem_alloc : memref<!tpu.dma_semaphore, #tpu.memory_space<semaphore_mem>>
        %dma_start3A = arith.constant 0 : i32
        %dma_start3A_275 = tpu.memref_slice %arg22[%add3A_216, %dma_start3A] : memref<5128x128xf32, #tpu.memory_space<vmem_shared>> -> memref<32x128xf32, #tpu.memory_space<vmem_shared>>
        %dma_start3A_276 = arith.constant 0 : i32
        %dma_start3A_277 = tpu.memref_slice %arg22[%add3A_216, %dma_start3A_276] : memref<5128x128xf32, #tpu.memory_space<vmem_shared>> -> memref<32x128xf32, #tpu.memory_space<vmem_shared>>
        tpu.enqueue_dma source(%dma_start3A_277 : memref<32x128xf32, #tpu.memory_space<vmem_shared>>) target(%arg18 : memref<32x128xf32, #tpu.memory_space<vmem>>) target_semaphore(%run_scoped3A : memref<!tpu.dma_semaphore, #tpu.memory_space<semaphore_mem>>)
        %dma_wait3A = arith.constant 0 : i32
        %dma_wait3A_278 = tpu.memref_slice %arg22[%add3A_216, %dma_wait3A] : memref<5128x128xf32, #tpu.memory_space<vmem_shared>> -> memref<32x128xf32, #tpu.memory_space<vmem_shared>>
        %dma_wait3A_279 = arith.constant 0 : i32
        %dma_wait3A_280 = tpu.memref_slice %arg22[%add3A_216, %dma_wait3A_279] : memref<5128x128xf32, #tpu.memory_space<vmem_shared>> -> memref<32x128xf32, #tpu.memory_space<vmem_shared>>
        tpu.wait_dma2 semaphore(%run_scoped3A : memref<!tpu.dma_semaphore, #tpu.memory_space<semaphore_mem>>) src(%dma_wait3A_280 : memref<32x128xf32, #tpu.memory_space<vmem_shared>>) dst(%arg18 : memref<32x128xf32, #tpu.memory_space<vmem>>)
        tpu.yield
      }) : () -> ()
      %add3A_217 = arith.addi %mul3A_1, %mul3A_33 : i32
      %mul3A_218 = arith.constant 320 : i32
      %mul3A_219 = arith.muli %arg1, %mul3A_218 : i32
      %add3A_220 = arith.addi %add3A_217, %mul3A_219 : i32
      %add3A_221 = arith.constant 128 : i32
      %add3A_222 = arith.addi %add3A_220, %add3A_221 : i32
      "tpu.region"() ({
        %run_scoped3A = tpu.sem_alloc : memref<!tpu.dma_semaphore, #tpu.memory_space<semaphore_mem>>
        %dma_start3A = arith.constant 0 : i32
        %dma_start3A_275 = tpu.memref_slice %arg4[%add3A_222, %dma_start3A] : memref<102400x128xf32, #tpu.memory_space<hbm>> -> memref<32x128xf32, #tpu.memory_space<hbm>>
        %dma_start3A_276 = arith.constant 0 : i32
        %dma_start3A_277 = tpu.memref_slice %arg4[%add3A_222, %dma_start3A_276] : memref<102400x128xf32, #tpu.memory_space<hbm>> -> memref<32x128xf32, #tpu.memory_space<hbm>>
        tpu.enqueue_dma source(%arg18 : memref<32x128xf32, #tpu.memory_space<vmem>>) target(%dma_start3A_277 : memref<32x128xf32, #tpu.memory_space<hbm>>) target_semaphore(%run_scoped3A : memref<!tpu.dma_semaphore, #tpu.memory_space<semaphore_mem>>)
        %dma_wait3A = arith.constant 0 : i32
        %dma_wait3A_278 = tpu.memref_slice %arg4[%add3A_222, %dma_wait3A] : memref<102400x128xf32, #tpu.memory_space<hbm>> -> memref<32x128xf32, #tpu.memory_space<hbm>>
        %dma_wait3A_279 = arith.constant 0 : i32
        %dma_wait3A_280 = tpu.memref_slice %arg4[%add3A_222, %dma_wait3A_279] : memref<102400x128xf32, #tpu.memory_space<hbm>> -> memref<32x128xf32, #tpu.memory_space<hbm>>
        tpu.wait_dma2 semaphore(%run_scoped3A : memref<!tpu.dma_semaphore, #tpu.memory_space<semaphore_mem>>) src(%arg18 : memref<32x128xf32, #tpu.memory_space<vmem>>) dst(%dma_wait3A_280 : memref<32x128xf32, #tpu.memory_space<hbm>>)
        tpu.yield
      }) : () -> ()
      %mul3A_223 = arith.constant 320 : i32
      %mul3A_224 = arith.muli %arg1, %mul3A_223 : i32
      %add3A_225 = arith.constant 160 : i32
      %add3A_226 = arith.addi %mul3A_224, %add3A_225 : i32
      "tpu.region"() ({
        %run_scoped3A = tpu.sem_alloc : memref<!tpu.dma_semaphore, #tpu.memory_space<semaphore_mem>>
        %dma_start3A = arith.constant 0 : i32
        %dma_start3A_275 = tpu.memref_slice %arg22[%add3A_226, %dma_start3A] : memref<5128x128xf32, #tpu.memory_space<vmem_shared>> -> memref<32x128xf32, #tpu.memory_space<vmem_shared>>
        %dma_start3A_276 = arith.constant 0 : i32
        %dma_start3A_277 = tpu.memref_slice %arg22[%add3A_226, %dma_start3A_276] : memref<5128x128xf32, #tpu.memory_space<vmem_shared>> -> memref<32x128xf32, #tpu.memory_space<vmem_shared>>
        tpu.enqueue_dma source(%dma_start3A_277 : memref<32x128xf32, #tpu.memory_space<vmem_shared>>) target(%arg18 : memref<32x128xf32, #tpu.memory_space<vmem>>) target_semaphore(%run_scoped3A : memref<!tpu.dma_semaphore, #tpu.memory_space<semaphore_mem>>)
        %dma_wait3A = arith.constant 0 : i32
        %dma_wait3A_278 = tpu.memref_slice %arg22[%add3A_226, %dma_wait3A] : memref<5128x128xf32, #tpu.memory_space<vmem_shared>> -> memref<32x128xf32, #tpu.memory_space<vmem_shared>>
        %dma_wait3A_279 = arith.constant 0 : i32
        %dma_wait3A_280 = tpu.memref_slice %arg22[%add3A_226, %dma_wait3A_279] : memref<5128x128xf32, #tpu.memory_space<vmem_shared>> -> memref<32x128xf32, #tpu.memory_space<vmem_shared>>
        tpu.wait_dma2 semaphore(%run_scoped3A : memref<!tpu.dma_semaphore, #tpu.memory_space<semaphore_mem>>) src(%dma_wait3A_280 : memref<32x128xf32, #tpu.memory_space<vmem_shared>>) dst(%arg18 : memref<32x128xf32, #tpu.memory_space<vmem>>)
        tpu.yield
      }) : () -> ()
      %add3A_227 = arith.addi %mul3A_1, %mul3A_33 : i32
      %mul3A_228 = arith.constant 320 : i32
      %mul3A_229 = arith.muli %arg1, %mul3A_228 : i32
      %add3A_230 = arith.addi %add3A_227, %mul3A_229 : i32
      %add3A_231 = arith.constant 160 : i32
      %add3A_232 = arith.addi %add3A_230, %add3A_231 : i32
      "tpu.region"() ({
        %run_scoped3A = tpu.sem_alloc : memref<!tpu.dma_semaphore, #tpu.memory_space<semaphore_mem>>
        %dma_start3A = arith.constant 0 : i32
        %dma_start3A_275 = tpu.memref_slice %arg4[%add3A_232, %dma_start3A] : memref<102400x128xf32, #tpu.memory_space<hbm>> -> memref<32x128xf32, #tpu.memory_space<hbm>>
        %dma_start3A_276 = arith.constant 0 : i32
        %dma_start3A_277 = tpu.memref_slice %arg4[%add3A_232, %dma_start3A_276] : memref<102400x128xf32, #tpu.memory_space<hbm>> -> memref<32x128xf32, #tpu.memory_space<hbm>>
        tpu.enqueue_dma source(%arg18 : memref<32x128xf32, #tpu.memory_space<vmem>>) target(%dma_start3A_277 : memref<32x128xf32, #tpu.memory_space<hbm>>) target_semaphore(%run_scoped3A : memref<!tpu.dma_semaphore, #tpu.memory_space<semaphore_mem>>)
        %dma_wait3A = arith.constant 0 : i32
        %dma_wait3A_278 = tpu.memref_slice %arg4[%add3A_232, %dma_wait3A] : memref<102400x128xf32, #tpu.memory_space<hbm>> -> memref<32x128xf32, #tpu.memory_space<hbm>>
        %dma_wait3A_279 = arith.constant 0 : i32
        %dma_wait3A_280 = tpu.memref_slice %arg4[%add3A_232, %dma_wait3A_279] : memref<102400x128xf32, #tpu.memory_space<hbm>> -> memref<32x128xf32, #tpu.memory_space<hbm>>
        tpu.wait_dma2 semaphore(%run_scoped3A : memref<!tpu.dma_semaphore, #tpu.memory_space<semaphore_mem>>) src(%arg18 : memref<32x128xf32, #tpu.memory_space<vmem>>) dst(%dma_wait3A_280 : memref<32x128xf32, #tpu.memory_space<hbm>>)
        tpu.yield
      }) : () -> ()
      %mul3A_233 = arith.constant 320 : i32
      %mul3A_234 = arith.muli %arg1, %mul3A_233 : i32
      %add3A_235 = arith.constant 192 : i32
      %add3A_236 = arith.addi %mul3A_234, %add3A_235 : i32
      "tpu.region"() ({
        %run_scoped3A = tpu.sem_alloc : memref<!tpu.dma_semaphore, #tpu.memory_space<semaphore_mem>>
        %dma_start3A = arith.constant 0 : i32
        %dma_start3A_275 = tpu.memref_slice %arg22[%add3A_236, %dma_start3A] : memref<5128x128xf32, #tpu.memory_space<vmem_shared>> -> memref<32x128xf32, #tpu.memory_space<vmem_shared>>
        %dma_start3A_276 = arith.constant 0 : i32
        %dma_start3A_277 = tpu.memref_slice %arg22[%add3A_236, %dma_start3A_276] : memref<5128x128xf32, #tpu.memory_space<vmem_shared>> -> memref<32x128xf32, #tpu.memory_space<vmem_shared>>
        tpu.enqueue_dma source(%dma_start3A_277 : memref<32x128xf32, #tpu.memory_space<vmem_shared>>) target(%arg18 : memref<32x128xf32, #tpu.memory_space<vmem>>) target_semaphore(%run_scoped3A : memref<!tpu.dma_semaphore, #tpu.memory_space<semaphore_mem>>)
        %dma_wait3A = arith.constant 0 : i32
        %dma_wait3A_278 = tpu.memref_slice %arg22[%add3A_236, %dma_wait3A] : memref<5128x128xf32, #tpu.memory_space<vmem_shared>> -> memref<32x128xf32, #tpu.memory_space<vmem_shared>>
        %dma_wait3A_279 = arith.constant 0 : i32
        %dma_wait3A_280 = tpu.memref_slice %arg22[%add3A_236, %dma_wait3A_279] : memref<5128x128xf32, #tpu.memory_space<vmem_shared>> -> memref<32x128xf32, #tpu.memory_space<vmem_shared>>
        tpu.wait_dma2 semaphore(%run_scoped3A : memref<!tpu.dma_semaphore, #tpu.memory_space<semaphore_mem>>) src(%dma_wait3A_280 : memref<32x128xf32, #tpu.memory_space<vmem_shared>>) dst(%arg18 : memref<32x128xf32, #tpu.memory_space<vmem>>)
        tpu.yield
      }) : () -> ()
      %add3A_237 = arith.addi %mul3A_1, %mul3A_33 : i32
      %mul3A_238 = arith.constant 320 : i32
      %mul3A_239 = arith.muli %arg1, %mul3A_238 : i32
      %add3A_240 = arith.addi %add3A_237, %mul3A_239 : i32
      %add3A_241 = arith.constant 192 : i32
      %add3A_242 = arith.addi %add3A_240, %add3A_241 : i32
      "tpu.region"() ({
        %run_scoped3A = tpu.sem_alloc : memref<!tpu.dma_semaphore, #tpu.memory_space<semaphore_mem>>
        %dma_start3A = arith.constant 0 : i32
        %dma_start3A_275 = tpu.memref_slice %arg4[%add3A_242, %dma_start3A] : memref<102400x128xf32, #tpu.memory_space<hbm>> -> memref<32x128xf32, #tpu.memory_space<hbm>>
        %dma_start3A_276 = arith.constant 0 : i32
        %dma_start3A_277 = tpu.memref_slice %arg4[%add3A_242, %dma_start3A_276] : memref<102400x128xf32, #tpu.memory_space<hbm>> -> memref<32x128xf32, #tpu.memory_space<hbm>>
        tpu.enqueue_dma source(%arg18 : memref<32x128xf32, #tpu.memory_space<vmem>>) target(%dma_start3A_277 : memref<32x128xf32, #tpu.memory_space<hbm>>) target_semaphore(%run_scoped3A : memref<!tpu.dma_semaphore, #tpu.memory_space<semaphore_mem>>)
        %dma_wait3A = arith.constant 0 : i32
        %dma_wait3A_278 = tpu.memref_slice %arg4[%add3A_242, %dma_wait3A] : memref<102400x128xf32, #tpu.memory_space<hbm>> -> memref<32x128xf32, #tpu.memory_space<hbm>>
        %dma_wait3A_279 = arith.constant 0 : i32
        %dma_wait3A_280 = tpu.memref_slice %arg4[%add3A_242, %dma_wait3A_279] : memref<102400x128xf32, #tpu.memory_space<hbm>> -> memref<32x128xf32, #tpu.memory_space<hbm>>
        tpu.wait_dma2 semaphore(%run_scoped3A : memref<!tpu.dma_semaphore, #tpu.memory_space<semaphore_mem>>) src(%arg18 : memref<32x128xf32, #tpu.memory_space<vmem>>) dst(%dma_wait3A_280 : memref<32x128xf32, #tpu.memory_space<hbm>>)
        tpu.yield
      }) : () -> ()
      %mul3A_243 = arith.constant 320 : i32
      %mul3A_244 = arith.muli %arg1, %mul3A_243 : i32
      %add3A_245 = arith.constant 224 : i32
      %add3A_246 = arith.addi %mul3A_244, %add3A_245 : i32
      "tpu.region"() ({
        %run_scoped3A = tpu.sem_alloc : memref<!tpu.dma_semaphore, #tpu.memory_space<semaphore_mem>>
        %dma_start3A = arith.constant 0 : i32
        %dma_start3A_275 = tpu.memref_slice %arg22[%add3A_246, %dma_start3A] : memref<5128x128xf32, #tpu.memory_space<vmem_shared>> -> memref<32x128xf32, #tpu.memory_space<vmem_shared>>
        %dma_start3A_276 = arith.constant 0 : i32
        %dma_start3A_277 = tpu.memref_slice %arg22[%add3A_246, %dma_start3A_276] : memref<5128x128xf32, #tpu.memory_space<vmem_shared>> -> memref<32x128xf32, #tpu.memory_space<vmem_shared>>
        tpu.enqueue_dma source(%dma_start3A_277 : memref<32x128xf32, #tpu.memory_space<vmem_shared>>) target(%arg18 : memref<32x128xf32, #tpu.memory_space<vmem>>) target_semaphore(%run_scoped3A : memref<!tpu.dma_semaphore, #tpu.memory_space<semaphore_mem>>)
        %dma_wait3A = arith.constant 0 : i32
        %dma_wait3A_278 = tpu.memref_slice %arg22[%add3A_246, %dma_wait3A] : memref<5128x128xf32, #tpu.memory_space<vmem_shared>> -> memref<32x128xf32, #tpu.memory_space<vmem_shared>>
        %dma_wait3A_279 = arith.constant 0 : i32
        %dma_wait3A_280 = tpu.memref_slice %arg22[%add3A_246, %dma_wait3A_279] : memref<5128x128xf32, #tpu.memory_space<vmem_shared>> -> memref<32x128xf32, #tpu.memory_space<vmem_shared>>
        tpu.wait_dma2 semaphore(%run_scoped3A : memref<!tpu.dma_semaphore, #tpu.memory_space<semaphore_mem>>) src(%dma_wait3A_280 : memref<32x128xf32, #tpu.memory_space<vmem_shared>>) dst(%arg18 : memref<32x128xf32, #tpu.memory_space<vmem>>)
        tpu.yield
      }) : () -> ()
      %add3A_247 = arith.addi %mul3A_1, %mul3A_33 : i32
      %mul3A_248 = arith.constant 320 : i32
      %mul3A_249 = arith.muli %arg1, %mul3A_248 : i32
      %add3A_250 = arith.addi %add3A_247, %mul3A_249 : i32
      %add3A_251 = arith.constant 224 : i32
      %add3A_252 = arith.addi %add3A_250, %add3A_251 : i32
      "tpu.region"() ({
        %run_scoped3A = tpu.sem_alloc : memref<!tpu.dma_semaphore, #tpu.memory_space<semaphore_mem>>
        %dma_start3A = arith.constant 0 : i32
        %dma_start3A_275 = tpu.memref_slice %arg4[%add3A_252, %dma_start3A] : memref<102400x128xf32, #tpu.memory_space<hbm>> -> memref<32x128xf32, #tpu.memory_space<hbm>>
        %dma_start3A_276 = arith.constant 0 : i32
        %dma_start3A_277 = tpu.memref_slice %arg4[%add3A_252, %dma_start3A_276] : memref<102400x128xf32, #tpu.memory_space<hbm>> -> memref<32x128xf32, #tpu.memory_space<hbm>>
        tpu.enqueue_dma source(%arg18 : memref<32x128xf32, #tpu.memory_space<vmem>>) target(%dma_start3A_277 : memref<32x128xf32, #tpu.memory_space<hbm>>) target_semaphore(%run_scoped3A : memref<!tpu.dma_semaphore, #tpu.memory_space<semaphore_mem>>)
        %dma_wait3A = arith.constant 0 : i32
        %dma_wait3A_278 = tpu.memref_slice %arg4[%add3A_252, %dma_wait3A] : memref<102400x128xf32, #tpu.memory_space<hbm>> -> memref<32x128xf32, #tpu.memory_space<hbm>>
        %dma_wait3A_279 = arith.constant 0 : i32
        %dma_wait3A_280 = tpu.memref_slice %arg4[%add3A_252, %dma_wait3A_279] : memref<102400x128xf32, #tpu.memory_space<hbm>> -> memref<32x128xf32, #tpu.memory_space<hbm>>
        tpu.wait_dma2 semaphore(%run_scoped3A : memref<!tpu.dma_semaphore, #tpu.memory_space<semaphore_mem>>) src(%arg18 : memref<32x128xf32, #tpu.memory_space<vmem>>) dst(%dma_wait3A_280 : memref<32x128xf32, #tpu.memory_space<hbm>>)
        tpu.yield
      }) : () -> ()
      %mul3A_253 = arith.constant 320 : i32
      %mul3A_254 = arith.muli %arg1, %mul3A_253 : i32
      %add3A_255 = arith.constant 256 : i32
      %add3A_256 = arith.addi %mul3A_254, %add3A_255 : i32
      "tpu.region"() ({
        %run_scoped3A = tpu.sem_alloc : memref<!tpu.dma_semaphore, #tpu.memory_space<semaphore_mem>>
        %dma_start3A = arith.constant 0 : i32
        %dma_start3A_275 = tpu.memref_slice %arg22[%add3A_256, %dma_start3A] : memref<5128x128xf32, #tpu.memory_space<vmem_shared>> -> memref<32x128xf32, #tpu.memory_space<vmem_shared>>
        %dma_start3A_276 = arith.constant 0 : i32
        %dma_start3A_277 = tpu.memref_slice %arg22[%add3A_256, %dma_start3A_276] : memref<5128x128xf32, #tpu.memory_space<vmem_shared>> -> memref<32x128xf32, #tpu.memory_space<vmem_shared>>
        tpu.enqueue_dma source(%dma_start3A_277 : memref<32x128xf32, #tpu.memory_space<vmem_shared>>) target(%arg18 : memref<32x128xf32, #tpu.memory_space<vmem>>) target_semaphore(%run_scoped3A : memref<!tpu.dma_semaphore, #tpu.memory_space<semaphore_mem>>)
        %dma_wait3A = arith.constant 0 : i32
        %dma_wait3A_278 = tpu.memref_slice %arg22[%add3A_256, %dma_wait3A] : memref<5128x128xf32, #tpu.memory_space<vmem_shared>> -> memref<32x128xf32, #tpu.memory_space<vmem_shared>>
        %dma_wait3A_279 = arith.constant 0 : i32
        %dma_wait3A_280 = tpu.memref_slice %arg22[%add3A_256, %dma_wait3A_279] : memref<5128x128xf32, #tpu.memory_space<vmem_shared>> -> memref<32x128xf32, #tpu.memory_space<vmem_shared>>
        tpu.wait_dma2 semaphore(%run_scoped3A : memref<!tpu.dma_semaphore, #tpu.memory_space<semaphore_mem>>) src(%dma_wait3A_280 : memref<32x128xf32, #tpu.memory_space<vmem_shared>>) dst(%arg18 : memref<32x128xf32, #tpu.memory_space<vmem>>)
        tpu.yield
      }) : () -> ()
      %add3A_257 = arith.addi %mul3A_1, %mul3A_33 : i32
      %mul3A_258 = arith.constant 320 : i32
      %mul3A_259 = arith.muli %arg1, %mul3A_258 : i32
      %add3A_260 = arith.addi %add3A_257, %mul3A_259 : i32
      %add3A_261 = arith.constant 256 : i32
      %add3A_262 = arith.addi %add3A_260, %add3A_261 : i32
      "tpu.region"() ({
        %run_scoped3A = tpu.sem_alloc : memref<!tpu.dma_semaphore, #tpu.memory_space<semaphore_mem>>
        %dma_start3A = arith.constant 0 : i32
        %dma_start3A_275 = tpu.memref_slice %arg4[%add3A_262, %dma_start3A] : memref<102400x128xf32, #tpu.memory_space<hbm>> -> memref<32x128xf32, #tpu.memory_space<hbm>>
        %dma_start3A_276 = arith.constant 0 : i32
        %dma_start3A_277 = tpu.memref_slice %arg4[%add3A_262, %dma_start3A_276] : memref<102400x128xf32, #tpu.memory_space<hbm>> -> memref<32x128xf32, #tpu.memory_space<hbm>>
        tpu.enqueue_dma source(%arg18 : memref<32x128xf32, #tpu.memory_space<vmem>>) target(%dma_start3A_277 : memref<32x128xf32, #tpu.memory_space<hbm>>) target_semaphore(%run_scoped3A : memref<!tpu.dma_semaphore, #tpu.memory_space<semaphore_mem>>)
        %dma_wait3A = arith.constant 0 : i32
        %dma_wait3A_278 = tpu.memref_slice %arg4[%add3A_262, %dma_wait3A] : memref<102400x128xf32, #tpu.memory_space<hbm>> -> memref<32x128xf32, #tpu.memory_space<hbm>>
        %dma_wait3A_279 = arith.constant 0 : i32
        %dma_wait3A_280 = tpu.memref_slice %arg4[%add3A_262, %dma_wait3A_279] : memref<102400x128xf32, #tpu.memory_space<hbm>> -> memref<32x128xf32, #tpu.memory_space<hbm>>
        tpu.wait_dma2 semaphore(%run_scoped3A : memref<!tpu.dma_semaphore, #tpu.memory_space<semaphore_mem>>) src(%arg18 : memref<32x128xf32, #tpu.memory_space<vmem>>) dst(%dma_wait3A_280 : memref<32x128xf32, #tpu.memory_space<hbm>>)
        tpu.yield
      }) : () -> ()
      %mul3A_263 = arith.constant 320 : i32
      %mul3A_264 = arith.muli %arg1, %mul3A_263 : i32
      %add3A_265 = arith.constant 288 : i32
      %add3A_266 = arith.addi %mul3A_264, %add3A_265 : i32
      "tpu.region"() ({
        %run_scoped3A = tpu.sem_alloc : memref<!tpu.dma_semaphore, #tpu.memory_space<semaphore_mem>>
        %dma_start3A = arith.constant 0 : i32
        %dma_start3A_275 = tpu.memref_slice %arg22[%add3A_266, %dma_start3A] : memref<5128x128xf32, #tpu.memory_space<vmem_shared>> -> memref<32x128xf32, #tpu.memory_space<vmem_shared>>
        %dma_start3A_276 = arith.constant 0 : i32
        %dma_start3A_277 = tpu.memref_slice %arg22[%add3A_266, %dma_start3A_276] : memref<5128x128xf32, #tpu.memory_space<vmem_shared>> -> memref<32x128xf32, #tpu.memory_space<vmem_shared>>
        tpu.enqueue_dma source(%dma_start3A_277 : memref<32x128xf32, #tpu.memory_space<vmem_shared>>) target(%arg18 : memref<32x128xf32, #tpu.memory_space<vmem>>) target_semaphore(%run_scoped3A : memref<!tpu.dma_semaphore, #tpu.memory_space<semaphore_mem>>)
        %dma_wait3A = arith.constant 0 : i32
        %dma_wait3A_278 = tpu.memref_slice %arg22[%add3A_266, %dma_wait3A] : memref<5128x128xf32, #tpu.memory_space<vmem_shared>> -> memref<32x128xf32, #tpu.memory_space<vmem_shared>>
        %dma_wait3A_279 = arith.constant 0 : i32
        %dma_wait3A_280 = tpu.memref_slice %arg22[%add3A_266, %dma_wait3A_279] : memref<5128x128xf32, #tpu.memory_space<vmem_shared>> -> memref<32x128xf32, #tpu.memory_space<vmem_shared>>
        tpu.wait_dma2 semaphore(%run_scoped3A : memref<!tpu.dma_semaphore, #tpu.memory_space<semaphore_mem>>) src(%dma_wait3A_280 : memref<32x128xf32, #tpu.memory_space<vmem_shared>>) dst(%arg18 : memref<32x128xf32, #tpu.memory_space<vmem>>)
        tpu.yield
      }) : () -> ()
      %add3A_267 = arith.addi %mul3A_1, %mul3A_33 : i32
      %mul3A_268 = arith.constant 320 : i32
      %mul3A_269 = arith.muli %arg1, %mul3A_268 : i32
      %add3A_270 = arith.addi %add3A_267, %mul3A_269 : i32
      %add3A_271 = arith.constant 288 : i32
      %add3A_272 = arith.addi %add3A_270, %add3A_271 : i32
      "tpu.region"() ({
        %run_scoped3A = tpu.sem_alloc : memref<!tpu.dma_semaphore, #tpu.memory_space<semaphore_mem>>
        %dma_start3A = arith.constant 0 : i32
        %dma_start3A_275 = tpu.memref_slice %arg4[%add3A_272, %dma_start3A] : memref<102400x128xf32, #tpu.memory_space<hbm>> -> memref<32x128xf32, #tpu.memory_space<hbm>>
        %dma_start3A_276 = arith.constant 0 : i32
        %dma_start3A_277 = tpu.memref_slice %arg4[%add3A_272, %dma_start3A_276] : memref<102400x128xf32, #tpu.memory_space<hbm>> -> memref<32x128xf32, #tpu.memory_space<hbm>>
        tpu.enqueue_dma source(%arg18 : memref<32x128xf32, #tpu.memory_space<vmem>>) target(%dma_start3A_277 : memref<32x128xf32, #tpu.memory_space<hbm>>) target_semaphore(%run_scoped3A : memref<!tpu.dma_semaphore, #tpu.memory_space<semaphore_mem>>)
        %dma_wait3A = arith.constant 0 : i32
        %dma_wait3A_278 = tpu.memref_slice %arg4[%add3A_272, %dma_wait3A] : memref<102400x128xf32, #tpu.memory_space<hbm>> -> memref<32x128xf32, #tpu.memory_space<hbm>>
        %dma_wait3A_279 = arith.constant 0 : i32
        %dma_wait3A_280 = tpu.memref_slice %arg4[%add3A_272, %dma_wait3A_279] : memref<102400x128xf32, #tpu.memory_space<hbm>> -> memref<32x128xf32, #tpu.memory_space<hbm>>
        tpu.wait_dma2 semaphore(%run_scoped3A : memref<!tpu.dma_semaphore, #tpu.memory_space<semaphore_mem>>) src(%arg18 : memref<32x128xf32, #tpu.memory_space<vmem>>) dst(%dma_wait3A_280 : memref<32x128xf32, #tpu.memory_space<hbm>>)
        tpu.yield
      }) : () -> ()
      %barrier3A_273 = arith.constant 0 : index
      tpu.barrier barrier_id(%barrier3A_273)
      %scan3A_274 = arith.constant 0 : i32
      scf.yield %scan3A_274 : i32
    }
    %scan3A_29 = arith.constant 10 : i32
    return
  }
}

#map = affine_map<(d0, d1) -> (0)>
module attributes {stable_mosaic.version = 14 : i64} {
  func.func @_deg_body(%arg0: i32, %arg1: i32, %arg2: memref<1000448xi32, #tpu.memory_space<hbm>>, %arg3: memref<200704xf32, #tpu.memory_space<hbm>>, %arg4: memref<15632xi32, #tpu.memory_space<vmem>>, %arg5: memref<1568xf32, #tpu.memory_space<vmem>>, %arg6: memref<25088xf32, #tpu.memory_space<vmem_shared>>, %arg7: memref<25088xf32, #tpu.memory_space<vmem_shared>>, %arg8: memref<25088xf32, #tpu.memory_space<vmem_shared>>, %arg9: memref<25088xf32, #tpu.memory_space<vmem_shared>>, %arg10: memref<16xf32, #tpu.memory_space<vmem>>) attributes {dimension_semantics = [#tpu.dimension_semantics<core_parallel>, #tpu.dimension_semantics<subcore_parallel>], iteration_bounds = array<i64: 2, 16>, scalar_prefetch = 0 : i64, scratch_operands = 7 : i64, tpu.core_type = #tpu.core_type<sc_vector_subcore>, window_params = [{transform_indices = #map}, {transform_indices = #map}]} {
    %broadcast_in_dim3A = arith.constant 0.000000e+00 : f32
    %broadcast_in_dim3A_0 = vector.broadcast %broadcast_in_dim3A : f32 to vector<16xf32>
    %scan3A = arith.constant 0 : i32
    %scan3A_1 = arith.constant 0 : i32
    %scan3A_2 = arith.constant 98 : i32
    %scan3A_3 = arith.addi %scan3A_1, %scan3A_2 : i32
    %scan3A_4 = arith.constant 1 : i32
    %scan3A_5 = scf.for %scan3A_106 = %scan3A_1 to %scan3A_3 step %scan3A_4 iter_args(%scan3A_107 = %scan3A) -> (i32)  : i32 {
      %mul3A_108 = arith.constant 16 : i32
      %mul3A_109 = arith.muli %scan3A_106, %mul3A_108 : i32
      %swap3A_110 = arith.index_cast %mul3A_109 : i32 to index
      %swap3A_111 = tpu.vector_load %arg5[%swap3A_110] {strides = array<i32>} : memref<1568xf32, #tpu.memory_space<vmem>>, vector<16xf32>,
      %swap3A_112 = vector.shape_cast %swap3A_111 : vector<16xf32> to vector<16xf32>
      %swap3A_113 = vector.shape_cast %broadcast_in_dim3A_0 : vector<16xf32> to vector<16xf32>
      tpu.vector_store %arg5[%swap3A_110], %swap3A_113 {strides = array<i32>} : memref<1568xf32, #tpu.memory_space<vmem>>, vector<16xf32>,
      %scan3A_114 = arith.constant 0 : i32
      scf.yield %scan3A_114 : i32
    }
    %scan3A_6 = arith.constant 98 : i32
    %mul3A = arith.constant 1568 : i32
    %mul3A_7 = arith.muli %arg1, %mul3A : i32
    "tpu.region"() ({
      %run_scoped3A = tpu.sem_alloc : memref<!tpu.dma_semaphore, #tpu.memory_space<semaphore_mem>>
      %dma_start3A = tpu.memref_slice %arg6[%mul3A_7] : memref<25088xf32, #tpu.memory_space<vmem_shared>> -> memref<1568xf32, #tpu.memory_space<vmem_shared>>
      %dma_start3A_106 = tpu.memref_slice %arg6[%mul3A_7] : memref<25088xf32, #tpu.memory_space<vmem_shared>> -> memref<1568xf32, #tpu.memory_space<vmem_shared>>
      tpu.enqueue_dma source(%arg5 : memref<1568xf32, #tpu.memory_space<vmem>>) target(%dma_start3A_106 : memref<1568xf32, #tpu.memory_space<vmem_shared>>) target_semaphore(%run_scoped3A : memref<!tpu.dma_semaphore, #tpu.memory_space<semaphore_mem>>)
      %dma_wait3A = tpu.memref_slice %arg6[%mul3A_7] : memref<25088xf32, #tpu.memory_space<vmem_shared>> -> memref<1568xf32, #tpu.memory_space<vmem_shared>>
      %dma_wait3A_107 = tpu.memref_slice %arg6[%mul3A_7] : memref<25088xf32, #tpu.memory_space<vmem_shared>> -> memref<1568xf32, #tpu.memory_space<vmem_shared>>
      tpu.wait_dma2 semaphore(%run_scoped3A : memref<!tpu.dma_semaphore, #tpu.memory_space<semaphore_mem>>) src(%arg5 : memref<1568xf32, #tpu.memory_space<vmem>>) dst(%dma_wait3A_107 : memref<1568xf32, #tpu.memory_space<vmem_shared>>)
      tpu.yield
    }) : () -> ()
    %mul3A_8 = arith.constant 1568 : i32
    %mul3A_9 = arith.muli %arg1, %mul3A_8 : i32
    "tpu.region"() ({
      %run_scoped3A = tpu.sem_alloc : memref<!tpu.dma_semaphore, #tpu.memory_space<semaphore_mem>>
      %dma_start3A = tpu.memref_slice %arg7[%mul3A_9] : memref<25088xf32, #tpu.memory_space<vmem_shared>> -> memref<1568xf32, #tpu.memory_space<vmem_shared>>
      %dma_start3A_106 = tpu.memref_slice %arg7[%mul3A_9] : memref<25088xf32, #tpu.memory_space<vmem_shared>> -> memref<1568xf32, #tpu.memory_space<vmem_shared>>
      tpu.enqueue_dma source(%arg5 : memref<1568xf32, #tpu.memory_space<vmem>>) target(%dma_start3A_106 : memref<1568xf32, #tpu.memory_space<vmem_shared>>) target_semaphore(%run_scoped3A : memref<!tpu.dma_semaphore, #tpu.memory_space<semaphore_mem>>)
      %dma_wait3A = tpu.memref_slice %arg7[%mul3A_9] : memref<25088xf32, #tpu.memory_space<vmem_shared>> -> memref<1568xf32, #tpu.memory_space<vmem_shared>>
      %dma_wait3A_107 = tpu.memref_slice %arg7[%mul3A_9] : memref<25088xf32, #tpu.memory_space<vmem_shared>> -> memref<1568xf32, #tpu.memory_space<vmem_shared>>
      tpu.wait_dma2 semaphore(%run_scoped3A : memref<!tpu.dma_semaphore, #tpu.memory_space<semaphore_mem>>) src(%arg5 : memref<1568xf32, #tpu.memory_space<vmem>>) dst(%dma_wait3A_107 : memref<1568xf32, #tpu.memory_space<vmem_shared>>)
      tpu.yield
    }) : () -> ()
    %mul3A_10 = arith.constant 1568 : i32
    %mul3A_11 = arith.muli %arg1, %mul3A_10 : i32
    "tpu.region"() ({
      %run_scoped3A = tpu.sem_alloc : memref<!tpu.dma_semaphore, #tpu.memory_space<semaphore_mem>>
      %dma_start3A = tpu.memref_slice %arg8[%mul3A_11] : memref<25088xf32, #tpu.memory_space<vmem_shared>> -> memref<1568xf32, #tpu.memory_space<vmem_shared>>
      %dma_start3A_106 = tpu.memref_slice %arg8[%mul3A_11] : memref<25088xf32, #tpu.memory_space<vmem_shared>> -> memref<1568xf32, #tpu.memory_space<vmem_shared>>
      tpu.enqueue_dma source(%arg5 : memref<1568xf32, #tpu.memory_space<vmem>>) target(%dma_start3A_106 : memref<1568xf32, #tpu.memory_space<vmem_shared>>) target_semaphore(%run_scoped3A : memref<!tpu.dma_semaphore, #tpu.memory_space<semaphore_mem>>)
      %dma_wait3A = tpu.memref_slice %arg8[%mul3A_11] : memref<25088xf32, #tpu.memory_space<vmem_shared>> -> memref<1568xf32, #tpu.memory_space<vmem_shared>>
      %dma_wait3A_107 = tpu.memref_slice %arg8[%mul3A_11] : memref<25088xf32, #tpu.memory_space<vmem_shared>> -> memref<1568xf32, #tpu.memory_space<vmem_shared>>
      tpu.wait_dma2 semaphore(%run_scoped3A : memref<!tpu.dma_semaphore, #tpu.memory_space<semaphore_mem>>) src(%arg5 : memref<1568xf32, #tpu.memory_space<vmem>>) dst(%dma_wait3A_107 : memref<1568xf32, #tpu.memory_space<vmem_shared>>)
      tpu.yield
    }) : () -> ()
    %mul3A_12 = arith.constant 1568 : i32
    %mul3A_13 = arith.muli %arg1, %mul3A_12 : i32
    "tpu.region"() ({
      %run_scoped3A = tpu.sem_alloc : memref<!tpu.dma_semaphore, #tpu.memory_space<semaphore_mem>>
      %dma_start3A = tpu.memref_slice %arg9[%mul3A_13] : memref<25088xf32, #tpu.memory_space<vmem_shared>> -> memref<1568xf32, #tpu.memory_space<vmem_shared>>
      %dma_start3A_106 = tpu.memref_slice %arg9[%mul3A_13] : memref<25088xf32, #tpu.memory_space<vmem_shared>> -> memref<1568xf32, #tpu.memory_space<vmem_shared>>
      tpu.enqueue_dma source(%arg5 : memref<1568xf32, #tpu.memory_space<vmem>>) target(%dma_start3A_106 : memref<1568xf32, #tpu.memory_space<vmem_shared>>) target_semaphore(%run_scoped3A : memref<!tpu.dma_semaphore, #tpu.memory_space<semaphore_mem>>)
      %dma_wait3A = tpu.memref_slice %arg9[%mul3A_13] : memref<25088xf32, #tpu.memory_space<vmem_shared>> -> memref<1568xf32, #tpu.memory_space<vmem_shared>>
      %dma_wait3A_107 = tpu.memref_slice %arg9[%mul3A_13] : memref<25088xf32, #tpu.memory_space<vmem_shared>> -> memref<1568xf32, #tpu.memory_space<vmem_shared>>
      tpu.wait_dma2 semaphore(%run_scoped3A : memref<!tpu.dma_semaphore, #tpu.memory_space<semaphore_mem>>) src(%arg5 : memref<1568xf32, #tpu.memory_space<vmem>>) dst(%dma_wait3A_107 : memref<1568xf32, #tpu.memory_space<vmem_shared>>)
      tpu.yield
    }) : () -> ()
    %broadcast_in_dim3A_14 = arith.constant 1.000000e+00 : f32
    %broadcast_in_dim3A_15 = vector.broadcast %broadcast_in_dim3A_14 : f32 to vector<16xf32>
    %swap3A = arith.constant 0 : index
    %swap3A_16 = tpu.vector_load %arg10[%swap3A] {strides = array<i32>} : memref<16xf32, #tpu.memory_space<vmem>>, vector<16xf32>,
    %swap3A_17 = vector.shape_cast %swap3A_16 : vector<16xf32> to vector<16xf32>
    %swap3A_18 = vector.shape_cast %broadcast_in_dim3A_15 : vector<16xf32> to vector<16xf32>
    tpu.vector_store %arg10[%swap3A], %swap3A_18 {strides = array<i32>} : memref<16xf32, #tpu.memory_space<vmem>>, vector<16xf32>,
    %barrier3A = arith.constant 0 : index
    tpu.barrier barrier_id(%barrier3A)
    %mul3A_19 = arith.constant 25000 : i32
    %mul3A_20 = arith.muli %arg0, %mul3A_19 : i32
    %iota3A = tpu.iota {dimensions = array<i32: 0>} : vector<16xi32>
    %and3A = arith.constant 7 : i32
    %and3A_21 = vector.broadcast %and3A : i32 to vector<16xi32>
    %and3A_22 = arith.andi %iota3A, %and3A_21 : vector<16xi32>
    %add3A = arith.constant 25000 : i32
    %add3A_23 = vector.broadcast %add3A : i32 to vector<16xi32>
    %add3A_24 = arith.addi %add3A_23, %and3A_22 : vector<16xi32>
    %mul3A_25 = arith.constant 15632 : i32
    %mul3A_26 = arith.muli %arg1, %mul3A_25 : i32
    %add3A_27 = arith.constant 0 : i32
    %add3A_28 = arith.addi %add3A_27, %mul3A_26 : i32
    "tpu.region"() ({
      %run_scoped3A = tpu.sem_alloc : memref<!tpu.dma_semaphore, #tpu.memory_space<semaphore_mem>>
      %dma_start3A = tpu.memref_slice %arg2[%add3A_28] : memref<1000448xi32, #tpu.memory_space<hbm>> -> memref<15632xi32, #tpu.memory_space<hbm>>
      %dma_start3A_106 = tpu.memref_slice %arg2[%add3A_28] : memref<1000448xi32, #tpu.memory_space<hbm>> -> memref<15632xi32, #tpu.memory_space<hbm>>
      tpu.enqueue_dma source(%dma_start3A_106 : memref<15632xi32, #tpu.memory_space<hbm>>) target(%arg4 : memref<15632xi32, #tpu.memory_space<vmem>>) target_semaphore(%run_scoped3A : memref<!tpu.dma_semaphore, #tpu.memory_space<semaphore_mem>>)
      %dma_wait3A = tpu.memref_slice %arg2[%add3A_28] : memref<1000448xi32, #tpu.memory_space<hbm>> -> memref<15632xi32, #tpu.memory_space<hbm>>
      %dma_wait3A_107 = tpu.memref_slice %arg2[%add3A_28] : memref<1000448xi32, #tpu.memory_space<hbm>> -> memref<15632xi32, #tpu.memory_space<hbm>>
      tpu.wait_dma2 semaphore(%run_scoped3A : memref<!tpu.dma_semaphore, #tpu.memory_space<semaphore_mem>>) src(%dma_wait3A_107 : memref<15632xi32, #tpu.memory_space<hbm>>) dst(%arg4 : memref<15632xi32, #tpu.memory_space<vmem>>)
      tpu.yield
    }) : () -> ()
    %scan3A_29 = arith.constant 0 : i32
    %scan3A_30 = arith.constant 0 : i32
    %scan3A_31 = arith.constant 977 : i32
    %scan3A_32 = arith.addi %scan3A_30, %scan3A_31 : i32
    %scan3A_33 = arith.constant 1 : i32
    %scan3A_34 = scf.for %scan3A_106 = %scan3A_30 to %scan3A_32 step %scan3A_33 iter_args(%scan3A_107 = %scan3A_29) -> (i32)  : i32 {
      %mul3A_108 = arith.constant 16 : i32
      %mul3A_109 = arith.muli %scan3A_106, %mul3A_108 : i32
      %get3A = arith.index_cast %mul3A_109 : i32 to index
      %get3A_110 = tpu.vector_load %arg4[%get3A] {strides = array<i32>} : memref<15632xi32, #tpu.memory_space<vmem>>, vector<16xi32>,
      %get3A_111 = vector.shape_cast %get3A_110 : vector<16xi32> to vector<16xi32>
      %sub3A = vector.broadcast %mul3A_20 : i32 to vector<16xi32>
      %sub3A_112 = arith.subi %get3A_111, %sub3A : vector<16xi32>
      %ge3A = arith.constant 0 : i32
      %ge3A_113 = vector.broadcast %ge3A : i32 to vector<16xi32>
      %ge3A_114 = arith.cmpi sge, %sub3A_112, %ge3A_113 : vector<16xi32>
      %lt3A = arith.constant 25000 : i32
      %lt3A_115 = vector.broadcast %lt3A : i32 to vector<16xi32>
      %lt3A_116 = arith.cmpi slt, %sub3A_112, %lt3A_115 : vector<16xi32>
      %and3A_117 = arith.andi %ge3A_114, %lt3A_116 : vector<16xi1>
      %select_n3A = arith.select %and3A_117, %sub3A_112, %add3A_24 : vector<16xi1>, vector<16xi32>
      "tpu.region"() ({
        %run_scoped3A = tpu.sem_alloc : memref<!tpu.dma_semaphore, #tpu.memory_space<semaphore_mem>>
        %dma_start3A = arith.constant 0 : i32
        %dma_start3A_119 = tpu.memref_slice %arg6[%dma_start3A] : memref<25088xf32, #tpu.memory_space<vmem_shared>> -> memref<25088xf32, #tpu.memory_space<vmem_shared>>
        tpu.enqueue_indirect_dma source(%arg10 : memref<16xf32, #tpu.memory_space<vmem>>) target(%dma_start3A_119 : memref<25088xf32, #tpu.memory_space<vmem_shared>>) offsets(%select_n3A : vector<16xi32>) semaphore(%run_scoped3A : memref<!tpu.dma_semaphore, #tpu.memory_space<semaphore_mem>>) {add = true}
        %dma_wait3A = arith.constant 0 : i32
        %dma_wait3A_120 = tpu.memref_slice %arg6[%dma_wait3A] : memref<25088xf32, #tpu.memory_space<vmem_shared>> -> memref<25088xf32, #tpu.memory_space<vmem_shared>>
        tpu.wait_indirect_dma semaphore(%run_scoped3A : memref<!tpu.dma_semaphore, #tpu.memory_space<semaphore_mem>>) src(%arg10 : memref<16xf32, #tpu.memory_space<vmem>>) dst(%dma_wait3A_120 : memref<25088xf32, #tpu.memory_space<vmem_shared>>)
        tpu.yield
      }) : () -> ()
      %scan3A_118 = arith.constant 0 : i32
      scf.yield %scan3A_118 : i32
    }
    %scan3A_35 = arith.constant 977 : i32
    %mul3A_36 = arith.constant 15632 : i32
    %mul3A_37 = arith.muli %arg1, %mul3A_36 : i32
    %add3A_38 = arith.constant 250112 : i32
    %add3A_39 = arith.addi %add3A_38, %mul3A_37 : i32
    "tpu.region"() ({
      %run_scoped3A = tpu.sem_alloc : memref<!tpu.dma_semaphore, #tpu.memory_space<semaphore_mem>>
      %dma_start3A = tpu.memref_slice %arg2[%add3A_39] : memref<1000448xi32, #tpu.memory_space<hbm>> -> memref<15632xi32, #tpu.memory_space<hbm>>
      %dma_start3A_106 = tpu.memref_slice %arg2[%add3A_39] : memref<1000448xi32, #tpu.memory_space<hbm>> -> memref<15632xi32, #tpu.memory_space<hbm>>
      tpu.enqueue_dma source(%dma_start3A_106 : memref<15632xi32, #tpu.memory_space<hbm>>) target(%arg4 : memref<15632xi32, #tpu.memory_space<vmem>>) target_semaphore(%run_scoped3A : memref<!tpu.dma_semaphore, #tpu.memory_space<semaphore_mem>>)
      %dma_wait3A = tpu.memref_slice %arg2[%add3A_39] : memref<1000448xi32, #tpu.memory_space<hbm>> -> memref<15632xi32, #tpu.memory_space<hbm>>
      %dma_wait3A_107 = tpu.memref_slice %arg2[%add3A_39] : memref<1000448xi32, #tpu.memory_space<hbm>> -> memref<15632xi32, #tpu.memory_space<hbm>>
      tpu.wait_dma2 semaphore(%run_scoped3A : memref<!tpu.dma_semaphore, #tpu.memory_space<semaphore_mem>>) src(%dma_wait3A_107 : memref<15632xi32, #tpu.memory_space<hbm>>) dst(%arg4 : memref<15632xi32, #tpu.memory_space<vmem>>)
      tpu.yield
    }) : () -> ()
    %scan3A_40 = arith.constant 0 : i32
    %scan3A_41 = arith.constant 0 : i32
    %scan3A_42 = arith.constant 977 : i32
    %scan3A_43 = arith.addi %scan3A_41, %scan3A_42 : i32
    %scan3A_44 = arith.constant 1 : i32
    %scan3A_45 = scf.for %scan3A_106 = %scan3A_41 to %scan3A_43 step %scan3A_44 iter_args(%scan3A_107 = %scan3A_40) -> (i32)  : i32 {
      %mul3A_108 = arith.constant 16 : i32
      %mul3A_109 = arith.muli %scan3A_106, %mul3A_108 : i32
      %get3A = arith.index_cast %mul3A_109 : i32 to index
      %get3A_110 = tpu.vector_load %arg4[%get3A] {strides = array<i32>} : memref<15632xi32, #tpu.memory_space<vmem>>, vector<16xi32>,
      %get3A_111 = vector.shape_cast %get3A_110 : vector<16xi32> to vector<16xi32>
      %sub3A = vector.broadcast %mul3A_20 : i32 to vector<16xi32>
      %sub3A_112 = arith.subi %get3A_111, %sub3A : vector<16xi32>
      %ge3A = arith.constant 0 : i32
      %ge3A_113 = vector.broadcast %ge3A : i32 to vector<16xi32>
      %ge3A_114 = arith.cmpi sge, %sub3A_112, %ge3A_113 : vector<16xi32>
      %lt3A = arith.constant 25000 : i32
      %lt3A_115 = vector.broadcast %lt3A : i32 to vector<16xi32>
      %lt3A_116 = arith.cmpi slt, %sub3A_112, %lt3A_115 : vector<16xi32>
      %and3A_117 = arith.andi %ge3A_114, %lt3A_116 : vector<16xi1>
      %select_n3A = arith.select %and3A_117, %sub3A_112, %add3A_24 : vector<16xi1>, vector<16xi32>
      "tpu.region"() ({
        %run_scoped3A = tpu.sem_alloc : memref<!tpu.dma_semaphore, #tpu.memory_space<semaphore_mem>>
        %dma_start3A = arith.constant 0 : i32
        %dma_start3A_119 = tpu.memref_slice %arg7[%dma_start3A] : memref<25088xf32, #tpu.memory_space<vmem_shared>> -> memref<25088xf32, #tpu.memory_space<vmem_shared>>
        tpu.enqueue_indirect_dma source(%arg10 : memref<16xf32, #tpu.memory_space<vmem>>) target(%dma_start3A_119 : memref<25088xf32, #tpu.memory_space<vmem_shared>>) offsets(%select_n3A : vector<16xi32>) semaphore(%run_scoped3A : memref<!tpu.dma_semaphore, #tpu.memory_space<semaphore_mem>>) {add = true}
        %dma_wait3A = arith.constant 0 : i32
        %dma_wait3A_120 = tpu.memref_slice %arg7[%dma_wait3A] : memref<25088xf32, #tpu.memory_space<vmem_shared>> -> memref<25088xf32, #tpu.memory_space<vmem_shared>>
        tpu.wait_indirect_dma semaphore(%run_scoped3A : memref<!tpu.dma_semaphore, #tpu.memory_space<semaphore_mem>>) src(%arg10 : memref<16xf32, #tpu.memory_space<vmem>>) dst(%dma_wait3A_120 : memref<25088xf32, #tpu.memory_space<vmem_shared>>)
        tpu.yield
      }) : () -> ()
      %scan3A_118 = arith.constant 0 : i32
      scf.yield %scan3A_118 : i32
    }
    %scan3A_46 = arith.constant 977 : i32
    %mul3A_47 = arith.constant 15632 : i32
    %mul3A_48 = arith.muli %arg1, %mul3A_47 : i32
    %add3A_49 = arith.constant 500224 : i32
    %add3A_50 = arith.addi %add3A_49, %mul3A_48 : i32
    "tpu.region"() ({
      %run_scoped3A = tpu.sem_alloc : memref<!tpu.dma_semaphore, #tpu.memory_space<semaphore_mem>>
      %dma_start3A = tpu.memref_slice %arg2[%add3A_50] : memref<1000448xi32, #tpu.memory_space<hbm>> -> memref<15632xi32, #tpu.memory_space<hbm>>
      %dma_start3A_106 = tpu.memref_slice %arg2[%add3A_50] : memref<1000448xi32, #tpu.memory_space<hbm>> -> memref<15632xi32, #tpu.memory_space<hbm>>
      tpu.enqueue_dma source(%dma_start3A_106 : memref<15632xi32, #tpu.memory_space<hbm>>) target(%arg4 : memref<15632xi32, #tpu.memory_space<vmem>>) target_semaphore(%run_scoped3A : memref<!tpu.dma_semaphore, #tpu.memory_space<semaphore_mem>>)
      %dma_wait3A = tpu.memref_slice %arg2[%add3A_50] : memref<1000448xi32, #tpu.memory_space<hbm>> -> memref<15632xi32, #tpu.memory_space<hbm>>
      %dma_wait3A_107 = tpu.memref_slice %arg2[%add3A_50] : memref<1000448xi32, #tpu.memory_space<hbm>> -> memref<15632xi32, #tpu.memory_space<hbm>>
      tpu.wait_dma2 semaphore(%run_scoped3A : memref<!tpu.dma_semaphore, #tpu.memory_space<semaphore_mem>>) src(%dma_wait3A_107 : memref<15632xi32, #tpu.memory_space<hbm>>) dst(%arg4 : memref<15632xi32, #tpu.memory_space<vmem>>)
      tpu.yield
    }) : () -> ()
    %scan3A_51 = arith.constant 0 : i32
    %scan3A_52 = arith.constant 0 : i32
    %scan3A_53 = arith.constant 977 : i32
    %scan3A_54 = arith.addi %scan3A_52, %scan3A_53 : i32
    %scan3A_55 = arith.constant 1 : i32
    %scan3A_56 = scf.for %scan3A_106 = %scan3A_52 to %scan3A_54 step %scan3A_55 iter_args(%scan3A_107 = %scan3A_51) -> (i32)  : i32 {
      %mul3A_108 = arith.constant 16 : i32
      %mul3A_109 = arith.muli %scan3A_106, %mul3A_108 : i32
      %get3A = arith.index_cast %mul3A_109 : i32 to index
      %get3A_110 = tpu.vector_load %arg4[%get3A] {strides = array<i32>} : memref<15632xi32, #tpu.memory_space<vmem>>, vector<16xi32>,
      %get3A_111 = vector.shape_cast %get3A_110 : vector<16xi32> to vector<16xi32>
      %sub3A = vector.broadcast %mul3A_20 : i32 to vector<16xi32>
      %sub3A_112 = arith.subi %get3A_111, %sub3A : vector<16xi32>
      %ge3A = arith.constant 0 : i32
      %ge3A_113 = vector.broadcast %ge3A : i32 to vector<16xi32>
      %ge3A_114 = arith.cmpi sge, %sub3A_112, %ge3A_113 : vector<16xi32>
      %lt3A = arith.constant 25000 : i32
      %lt3A_115 = vector.broadcast %lt3A : i32 to vector<16xi32>
      %lt3A_116 = arith.cmpi slt, %sub3A_112, %lt3A_115 : vector<16xi32>
      %and3A_117 = arith.andi %ge3A_114, %lt3A_116 : vector<16xi1>
      %select_n3A = arith.select %and3A_117, %sub3A_112, %add3A_24 : vector<16xi1>, vector<16xi32>
      "tpu.region"() ({
        %run_scoped3A = tpu.sem_alloc : memref<!tpu.dma_semaphore, #tpu.memory_space<semaphore_mem>>
        %dma_start3A = arith.constant 0 : i32
        %dma_start3A_119 = tpu.memref_slice %arg8[%dma_start3A] : memref<25088xf32, #tpu.memory_space<vmem_shared>> -> memref<25088xf32, #tpu.memory_space<vmem_shared>>
        tpu.enqueue_indirect_dma source(%arg10 : memref<16xf32, #tpu.memory_space<vmem>>) target(%dma_start3A_119 : memref<25088xf32, #tpu.memory_space<vmem_shared>>) offsets(%select_n3A : vector<16xi32>) semaphore(%run_scoped3A : memref<!tpu.dma_semaphore, #tpu.memory_space<semaphore_mem>>) {add = true}
        %dma_wait3A = arith.constant 0 : i32
        %dma_wait3A_120 = tpu.memref_slice %arg8[%dma_wait3A] : memref<25088xf32, #tpu.memory_space<vmem_shared>> -> memref<25088xf32, #tpu.memory_space<vmem_shared>>
        tpu.wait_indirect_dma semaphore(%run_scoped3A : memref<!tpu.dma_semaphore, #tpu.memory_space<semaphore_mem>>) src(%arg10 : memref<16xf32, #tpu.memory_space<vmem>>) dst(%dma_wait3A_120 : memref<25088xf32, #tpu.memory_space<vmem_shared>>)
        tpu.yield
      }) : () -> ()
      %scan3A_118 = arith.constant 0 : i32
      scf.yield %scan3A_118 : i32
    }
    %scan3A_57 = arith.constant 977 : i32
    %mul3A_58 = arith.constant 15632 : i32
    %mul3A_59 = arith.muli %arg1, %mul3A_58 : i32
    %add3A_60 = arith.constant 750336 : i32
    %add3A_61 = arith.addi %add3A_60, %mul3A_59 : i32
    "tpu.region"() ({
      %run_scoped3A = tpu.sem_alloc : memref<!tpu.dma_semaphore, #tpu.memory_space<semaphore_mem>>
      %dma_start3A = tpu.memref_slice %arg2[%add3A_61] : memref<1000448xi32, #tpu.memory_space<hbm>> -> memref<15632xi32, #tpu.memory_space<hbm>>
      %dma_start3A_106 = tpu.memref_slice %arg2[%add3A_61] : memref<1000448xi32, #tpu.memory_space<hbm>> -> memref<15632xi32, #tpu.memory_space<hbm>>
      tpu.enqueue_dma source(%dma_start3A_106 : memref<15632xi32, #tpu.memory_space<hbm>>) target(%arg4 : memref<15632xi32, #tpu.memory_space<vmem>>) target_semaphore(%run_scoped3A : memref<!tpu.dma_semaphore, #tpu.memory_space<semaphore_mem>>)
      %dma_wait3A = tpu.memref_slice %arg2[%add3A_61] : memref<1000448xi32, #tpu.memory_space<hbm>> -> memref<15632xi32, #tpu.memory_space<hbm>>
      %dma_wait3A_107 = tpu.memref_slice %arg2[%add3A_61] : memref<1000448xi32, #tpu.memory_space<hbm>> -> memref<15632xi32, #tpu.memory_space<hbm>>
      tpu.wait_dma2 semaphore(%run_scoped3A : memref<!tpu.dma_semaphore, #tpu.memory_space<semaphore_mem>>) src(%dma_wait3A_107 : memref<15632xi32, #tpu.memory_space<hbm>>) dst(%arg4 : memref<15632xi32, #tpu.memory_space<vmem>>)
      tpu.yield
    }) : () -> ()
    %scan3A_62 = arith.constant 0 : i32
    %scan3A_63 = arith.constant 0 : i32
    %scan3A_64 = arith.constant 977 : i32
    %scan3A_65 = arith.addi %scan3A_63, %scan3A_64 : i32
    %scan3A_66 = arith.constant 1 : i32
    %scan3A_67 = scf.for %scan3A_106 = %scan3A_63 to %scan3A_65 step %scan3A_66 iter_args(%scan3A_107 = %scan3A_62) -> (i32)  : i32 {
      %mul3A_108 = arith.constant 16 : i32
      %mul3A_109 = arith.muli %scan3A_106, %mul3A_108 : i32
      %get3A = arith.index_cast %mul3A_109 : i32 to index
      %get3A_110 = tpu.vector_load %arg4[%get3A] {strides = array<i32>} : memref<15632xi32, #tpu.memory_space<vmem>>, vector<16xi32>,
      %get3A_111 = vector.shape_cast %get3A_110 : vector<16xi32> to vector<16xi32>
      %sub3A = vector.broadcast %mul3A_20 : i32 to vector<16xi32>
      %sub3A_112 = arith.subi %get3A_111, %sub3A : vector<16xi32>
      %ge3A = arith.constant 0 : i32
      %ge3A_113 = vector.broadcast %ge3A : i32 to vector<16xi32>
      %ge3A_114 = arith.cmpi sge, %sub3A_112, %ge3A_113 : vector<16xi32>
      %lt3A = arith.constant 25000 : i32
      %lt3A_115 = vector.broadcast %lt3A : i32 to vector<16xi32>
      %lt3A_116 = arith.cmpi slt, %sub3A_112, %lt3A_115 : vector<16xi32>
      %and3A_117 = arith.andi %ge3A_114, %lt3A_116 : vector<16xi1>
      %select_n3A = arith.select %and3A_117, %sub3A_112, %add3A_24 : vector<16xi1>, vector<16xi32>
      "tpu.region"() ({
        %run_scoped3A = tpu.sem_alloc : memref<!tpu.dma_semaphore, #tpu.memory_space<semaphore_mem>>
        %dma_start3A = arith.constant 0 : i32
        %dma_start3A_119 = tpu.memref_slice %arg9[%dma_start3A] : memref<25088xf32, #tpu.memory_space<vmem_shared>> -> memref<25088xf32, #tpu.memory_space<vmem_shared>>
        tpu.enqueue_indirect_dma source(%arg10 : memref<16xf32, #tpu.memory_space<vmem>>) target(%dma_start3A_119 : memref<25088xf32, #tpu.memory_space<vmem_shared>>) offsets(%select_n3A : vector<16xi32>) semaphore(%run_scoped3A : memref<!tpu.dma_semaphore, #tpu.memory_space<semaphore_mem>>) {add = true}
        %dma_wait3A = arith.constant 0 : i32
        %dma_wait3A_120 = tpu.memref_slice %arg9[%dma_wait3A] : memref<25088xf32, #tpu.memory_space<vmem_shared>> -> memref<25088xf32, #tpu.memory_space<vmem_shared>>
        tpu.wait_indirect_dma semaphore(%run_scoped3A : memref<!tpu.dma_semaphore, #tpu.memory_space<semaphore_mem>>) src(%arg10 : memref<16xf32, #tpu.memory_space<vmem>>) dst(%dma_wait3A_120 : memref<25088xf32, #tpu.memory_space<vmem_shared>>)
        tpu.yield
      }) : () -> ()
      %scan3A_118 = arith.constant 0 : i32
      scf.yield %scan3A_118 : i32
    }
    %scan3A_68 = arith.constant 977 : i32
    %barrier3A_69 = arith.constant 0 : index
    tpu.barrier barrier_id(%barrier3A_69)
    %mul3A_70 = arith.constant 1568 : i32
    %mul3A_71 = arith.muli %arg1, %mul3A_70 : i32
    "tpu.region"() ({
      %run_scoped3A = tpu.sem_alloc : memref<!tpu.dma_semaphore, #tpu.memory_space<semaphore_mem>>
      %dma_start3A = tpu.memref_slice %arg6[%mul3A_71] : memref<25088xf32, #tpu.memory_space<vmem_shared>> -> memref<1568xf32, #tpu.memory_space<vmem_shared>>
      %dma_start3A_106 = tpu.memref_slice %arg6[%mul3A_71] : memref<25088xf32, #tpu.memory_space<vmem_shared>> -> memref<1568xf32, #tpu.memory_space<vmem_shared>>
      tpu.enqueue_dma source(%dma_start3A_106 : memref<1568xf32, #tpu.memory_space<vmem_shared>>) target(%arg5 : memref<1568xf32, #tpu.memory_space<vmem>>) target_semaphore(%run_scoped3A : memref<!tpu.dma_semaphore, #tpu.memory_space<semaphore_mem>>)
      %dma_wait3A = tpu.memref_slice %arg6[%mul3A_71] : memref<25088xf32, #tpu.memory_space<vmem_shared>> -> memref<1568xf32, #tpu.memory_space<vmem_shared>>
      %dma_wait3A_107 = tpu.memref_slice %arg6[%mul3A_71] : memref<25088xf32, #tpu.memory_space<vmem_shared>> -> memref<1568xf32, #tpu.memory_space<vmem_shared>>
      tpu.wait_dma2 semaphore(%run_scoped3A : memref<!tpu.dma_semaphore, #tpu.memory_space<semaphore_mem>>) src(%dma_wait3A_107 : memref<1568xf32, #tpu.memory_space<vmem_shared>>) dst(%arg5 : memref<1568xf32, #tpu.memory_space<vmem>>)
      tpu.yield
    }) : () -> ()
    %add3A_72 = arith.constant 0 : i32
    %add3A_73 = arith.addi %add3A_72, %arg0 : i32
    %mul3A_74 = arith.constant 25088 : i32
    %mul3A_75 = arith.muli %add3A_73, %mul3A_74 : i32
    %mul3A_76 = arith.constant 1568 : i32
    %mul3A_77 = arith.muli %arg1, %mul3A_76 : i32
    %add3A_78 = arith.addi %mul3A_75, %mul3A_77 : i32
    "tpu.region"() ({
      %run_scoped3A = tpu.sem_alloc : memref<!tpu.dma_semaphore, #tpu.memory_space<semaphore_mem>>
      %dma_start3A = tpu.memref_slice %arg3[%add3A_78] : memref<200704xf32, #tpu.memory_space<hbm>> -> memref<1568xf32, #tpu.memory_space<hbm>>
      %dma_start3A_106 = tpu.memref_slice %arg3[%add3A_78] : memref<200704xf32, #tpu.memory_space<hbm>> -> memref<1568xf32, #tpu.memory_space<hbm>>
      tpu.enqueue_dma source(%arg5 : memref<1568xf32, #tpu.memory_space<vmem>>) target(%dma_start3A_106 : memref<1568xf32, #tpu.memory_space<hbm>>) target_semaphore(%run_scoped3A : memref<!tpu.dma_semaphore, #tpu.memory_space<semaphore_mem>>)
      %dma_wait3A = tpu.memref_slice %arg3[%add3A_78] : memref<200704xf32, #tpu.memory_space<hbm>> -> memref<1568xf32, #tpu.memory_space<hbm>>
      %dma_wait3A_107 = tpu.memref_slice %arg3[%add3A_78] : memref<200704xf32, #tpu.memory_space<hbm>> -> memref<1568xf32, #tpu.memory_space<hbm>>
      tpu.wait_dma2 semaphore(%run_scoped3A : memref<!tpu.dma_semaphore, #tpu.memory_space<semaphore_mem>>) src(%arg5 : memref<1568xf32, #tpu.memory_space<vmem>>) dst(%dma_wait3A_107 : memref<1568xf32, #tpu.memory_space<hbm>>)
      tpu.yield
    }) : () -> ()
    %mul3A_79 = arith.constant 1568 : i32
    %mul3A_80 = arith.muli %arg1, %mul3A_79 : i32
    "tpu.region"() ({
      %run_scoped3A = tpu.sem_alloc : memref<!tpu.dma_semaphore, #tpu.memory_space<semaphore_mem>>
      %dma_start3A = tpu.memref_slice %arg7[%mul3A_80] : memref<25088xf32, #tpu.memory_space<vmem_shared>> -> memref<1568xf32, #tpu.memory_space<vmem_shared>>
      %dma_start3A_106 = tpu.memref_slice %arg7[%mul3A_80] : memref<25088xf32, #tpu.memory_space<vmem_shared>> -> memref<1568xf32, #tpu.memory_space<vmem_shared>>
      tpu.enqueue_dma source(%dma_start3A_106 : memref<1568xf32, #tpu.memory_space<vmem_shared>>) target(%arg5 : memref<1568xf32, #tpu.memory_space<vmem>>) target_semaphore(%run_scoped3A : memref<!tpu.dma_semaphore, #tpu.memory_space<semaphore_mem>>)
      %dma_wait3A = tpu.memref_slice %arg7[%mul3A_80] : memref<25088xf32, #tpu.memory_space<vmem_shared>> -> memref<1568xf32, #tpu.memory_space<vmem_shared>>
      %dma_wait3A_107 = tpu.memref_slice %arg7[%mul3A_80] : memref<25088xf32, #tpu.memory_space<vmem_shared>> -> memref<1568xf32, #tpu.memory_space<vmem_shared>>
      tpu.wait_dma2 semaphore(%run_scoped3A : memref<!tpu.dma_semaphore, #tpu.memory_space<semaphore_mem>>) src(%dma_wait3A_107 : memref<1568xf32, #tpu.memory_space<vmem_shared>>) dst(%arg5 : memref<1568xf32, #tpu.memory_space<vmem>>)
      tpu.yield
    }) : () -> ()
    %add3A_81 = arith.constant 2 : i32
    %add3A_82 = arith.addi %add3A_81, %arg0 : i32
    %mul3A_83 = arith.constant 25088 : i32
    %mul3A_84 = arith.muli %add3A_82, %mul3A_83 : i32
    %mul3A_85 = arith.constant 1568 : i32
    %mul3A_86 = arith.muli %arg1, %mul3A_85 : i32
    %add3A_87 = arith.addi %mul3A_84, %mul3A_86 : i32
    "tpu.region"() ({
      %run_scoped3A = tpu.sem_alloc : memref<!tpu.dma_semaphore, #tpu.memory_space<semaphore_mem>>
      %dma_start3A = tpu.memref_slice %arg3[%add3A_87] : memref<200704xf32, #tpu.memory_space<hbm>> -> memref<1568xf32, #tpu.memory_space<hbm>>
      %dma_start3A_106 = tpu.memref_slice %arg3[%add3A_87] : memref<200704xf32, #tpu.memory_space<hbm>> -> memref<1568xf32, #tpu.memory_space<hbm>>
      tpu.enqueue_dma source(%arg5 : memref<1568xf32, #tpu.memory_space<vmem>>) target(%dma_start3A_106 : memref<1568xf32, #tpu.memory_space<hbm>>) target_semaphore(%run_scoped3A : memref<!tpu.dma_semaphore, #tpu.memory_space<semaphore_mem>>)
      %dma_wait3A = tpu.memref_slice %arg3[%add3A_87] : memref<200704xf32, #tpu.memory_space<hbm>> -> memref<1568xf32, #tpu.memory_space<hbm>>
      %dma_wait3A_107 = tpu.memref_slice %arg3[%add3A_87] : memref<200704xf32, #tpu.memory_space<hbm>> -> memref<1568xf32, #tpu.memory_space<hbm>>
      tpu.wait_dma2 semaphore(%run_scoped3A : memref<!tpu.dma_semaphore, #tpu.memory_space<semaphore_mem>>) src(%arg5 : memref<1568xf32, #tpu.memory_space<vmem>>) dst(%dma_wait3A_107 : memref<1568xf32, #tpu.memory_space<hbm>>)
      tpu.yield
    }) : () -> ()
    %mul3A_88 = arith.constant 1568 : i32
    %mul3A_89 = arith.muli %arg1, %mul3A_88 : i32
    "tpu.region"() ({
      %run_scoped3A = tpu.sem_alloc : memref<!tpu.dma_semaphore, #tpu.memory_space<semaphore_mem>>
      %dma_start3A = tpu.memref_slice %arg8[%mul3A_89] : memref<25088xf32, #tpu.memory_space<vmem_shared>> -> memref<1568xf32, #tpu.memory_space<vmem_shared>>
      %dma_start3A_106 = tpu.memref_slice %arg8[%mul3A_89] : memref<25088xf32, #tpu.memory_space<vmem_shared>> -> memref<1568xf32, #tpu.memory_space<vmem_shared>>
      tpu.enqueue_dma source(%dma_start3A_106 : memref<1568xf32, #tpu.memory_space<vmem_shared>>) target(%arg5 : memref<1568xf32, #tpu.memory_space<vmem>>) target_semaphore(%run_scoped3A : memref<!tpu.dma_semaphore, #tpu.memory_space<semaphore_mem>>)
      %dma_wait3A = tpu.memref_slice %arg8[%mul3A_89] : memref<25088xf32, #tpu.memory_space<vmem_shared>> -> memref<1568xf32, #tpu.memory_space<vmem_shared>>
      %dma_wait3A_107 = tpu.memref_slice %arg8[%mul3A_89] : memref<25088xf32, #tpu.memory_space<vmem_shared>> -> memref<1568xf32, #tpu.memory_space<vmem_shared>>
      tpu.wait_dma2 semaphore(%run_scoped3A : memref<!tpu.dma_semaphore, #tpu.memory_space<semaphore_mem>>) src(%dma_wait3A_107 : memref<1568xf32, #tpu.memory_space<vmem_shared>>) dst(%arg5 : memref<1568xf32, #tpu.memory_space<vmem>>)
      tpu.yield
    }) : () -> ()
    %add3A_90 = arith.constant 4 : i32
    %add3A_91 = arith.addi %add3A_90, %arg0 : i32
    %mul3A_92 = arith.constant 25088 : i32
    %mul3A_93 = arith.muli %add3A_91, %mul3A_92 : i32
    %mul3A_94 = arith.constant 1568 : i32
    %mul3A_95 = arith.muli %arg1, %mul3A_94 : i32
    %add3A_96 = arith.addi %mul3A_93, %mul3A_95 : i32
    "tpu.region"() ({
      %run_scoped3A = tpu.sem_alloc : memref<!tpu.dma_semaphore, #tpu.memory_space<semaphore_mem>>
      %dma_start3A = tpu.memref_slice %arg3[%add3A_96] : memref<200704xf32, #tpu.memory_space<hbm>> -> memref<1568xf32, #tpu.memory_space<hbm>>
      %dma_start3A_106 = tpu.memref_slice %arg3[%add3A_96] : memref<200704xf32, #tpu.memory_space<hbm>> -> memref<1568xf32, #tpu.memory_space<hbm>>
      tpu.enqueue_dma source(%arg5 : memref<1568xf32, #tpu.memory_space<vmem>>) target(%dma_start3A_106 : memref<1568xf32, #tpu.memory_space<hbm>>) target_semaphore(%run_scoped3A : memref<!tpu.dma_semaphore, #tpu.memory_space<semaphore_mem>>)
      %dma_wait3A = tpu.memref_slice %arg3[%add3A_96] : memref<200704xf32, #tpu.memory_space<hbm>> -> memref<1568xf32, #tpu.memory_space<hbm>>
      %dma_wait3A_107 = tpu.memref_slice %arg3[%add3A_96] : memref<200704xf32, #tpu.memory_space<hbm>> -> memref<1568xf32, #tpu.memory_space<hbm>>
      tpu.wait_dma2 semaphore(%run_scoped3A : memref<!tpu.dma_semaphore, #tpu.memory_space<semaphore_mem>>) src(%arg5 : memref<1568xf32, #tpu.memory_space<vmem>>) dst(%dma_wait3A_107 : memref<1568xf32, #tpu.memory_space<hbm>>)
      tpu.yield
    }) : () -> ()
    %mul3A_97 = arith.constant 1568 : i32
    %mul3A_98 = arith.muli %arg1, %mul3A_97 : i32
    "tpu.region"() ({
      %run_scoped3A = tpu.sem_alloc : memref<!tpu.dma_semaphore, #tpu.memory_space<semaphore_mem>>
      %dma_start3A = tpu.memref_slice %arg9[%mul3A_98] : memref<25088xf32, #tpu.memory_space<vmem_shared>> -> memref<1568xf32, #tpu.memory_space<vmem_shared>>
      %dma_start3A_106 = tpu.memref_slice %arg9[%mul3A_98] : memref<25088xf32, #tpu.memory_space<vmem_shared>> -> memref<1568xf32, #tpu.memory_space<vmem_shared>>
      tpu.enqueue_dma source(%dma_start3A_106 : memref<1568xf32, #tpu.memory_space<vmem_shared>>) target(%arg5 : memref<1568xf32, #tpu.memory_space<vmem>>) target_semaphore(%run_scoped3A : memref<!tpu.dma_semaphore, #tpu.memory_space<semaphore_mem>>)
      %dma_wait3A = tpu.memref_slice %arg9[%mul3A_98] : memref<25088xf32, #tpu.memory_space<vmem_shared>> -> memref<1568xf32, #tpu.memory_space<vmem_shared>>
      %dma_wait3A_107 = tpu.memref_slice %arg9[%mul3A_98] : memref<25088xf32, #tpu.memory_space<vmem_shared>> -> memref<1568xf32, #tpu.memory_space<vmem_shared>>
      tpu.wait_dma2 semaphore(%run_scoped3A : memref<!tpu.dma_semaphore, #tpu.memory_space<semaphore_mem>>) src(%dma_wait3A_107 : memref<1568xf32, #tpu.memory_space<vmem_shared>>) dst(%arg5 : memref<1568xf32, #tpu.memory_space<vmem>>)
      tpu.yield
    }) : () -> ()
    %add3A_99 = arith.constant 6 : i32
    %add3A_100 = arith.addi %add3A_99, %arg0 : i32
    %mul3A_101 = arith.constant 25088 : i32
    %mul3A_102 = arith.muli %add3A_100, %mul3A_101 : i32
    %mul3A_103 = arith.constant 1568 : i32
    %mul3A_104 = arith.muli %arg1, %mul3A_103 : i32
    %add3A_105 = arith.addi %mul3A_102, %mul3A_104 : i32
    "tpu.region"() ({
      %run_scoped3A = tpu.sem_alloc : memref<!tpu.dma_semaphore, #tpu.memory_space<semaphore_mem>>
      %dma_start3A = tpu.memref_slice %arg3[%add3A_105] : memref<200704xf32, #tpu.memory_space<hbm>> -> memref<1568xf32, #tpu.memory_space<hbm>>
      %dma_start3A_106 = tpu.memref_slice %arg3[%add3A_105] : memref<200704xf32, #tpu.memory_space<hbm>> -> memref<1568xf32, #tpu.memory_space<hbm>>
      tpu.enqueue_dma source(%arg5 : memref<1568xf32, #tpu.memory_space<vmem>>) target(%dma_start3A_106 : memref<1568xf32, #tpu.memory_space<hbm>>) target_semaphore(%run_scoped3A : memref<!tpu.dma_semaphore, #tpu.memory_space<semaphore_mem>>)
      %dma_wait3A = tpu.memref_slice %arg3[%add3A_105] : memref<200704xf32, #tpu.memory_space<hbm>> -> memref<1568xf32, #tpu.memory_space<hbm>>
      %dma_wait3A_107 = tpu.memref_slice %arg3[%add3A_105] : memref<200704xf32, #tpu.memory_space<hbm>> -> memref<1568xf32, #tpu.memory_space<hbm>>
      tpu.wait_dma2 semaphore(%run_scoped3A : memref<!tpu.dma_semaphore, #tpu.memory_space<semaphore_mem>>) src(%arg5 : memref<1568xf32, #tpu.memory_space<vmem>>) dst(%dma_wait3A_107 : memref<1568xf32, #tpu.memory_space<hbm>>)
      tpu.yield
    }) : () -> ()
    return
  }
}

#map = affine_map<(d0, d1) -> (0, 0)>
#map1 = affine_map<(d0, d1) -> (0)>
module attributes {stable_mosaic.version = 14 : i64} {
  func.func @_agg_body(%arg0: i32, %arg1: i32, %arg2: memref<102400x128xf32, #tpu.memory_space<hbm>>, %arg3: memref<1000448xi32, #tpu.memory_space<hbm>>, %arg4: memref<102400x128xf32, #tpu.memory_space<hbm>>, %arg5: memref<15632xi32, #tpu.memory_space<vmem>>, %arg6: memref<15632xi32, #tpu.memory_space<vmem>>, %arg7: memref<15664xi32, #tpu.memory_space<vmem>>, %arg8: memref<15664xi32, #tpu.memory_space<vmem>>, %arg9: memref<16x128xf32, #tpu.memory_space<vmem>>, %arg10: memref<16x128xf32, #tpu.memory_space<vmem>>, %arg11: memref<16x128xf32, #tpu.memory_space<vmem>>, %arg12: memref<16x128xf32, #tpu.memory_space<vmem>>, %arg13: memref<16x128xf32, #tpu.memory_space<vmem>>, %arg14: memref<16x128xf32, #tpu.memory_space<vmem>>, %arg15: memref<16x128xf32, #tpu.memory_space<vmem>>, %arg16: memref<16x128xf32, #tpu.memory_space<vmem>>, %arg17: memref<32x128xf32, #tpu.memory_space<vmem>>, %arg18: memref<32x128xf32, #tpu.memory_space<vmem>>, %arg19: memref<16xi32, #tpu.memory_space<vmem>>, %arg20: memref<!tpu.dma_semaphore, #tpu.memory_space<semaphore_mem>>, %arg21: memref<!tpu.dma_semaphore, #tpu.memory_space<semaphore_mem>>, %arg22: memref<5128x128xf32, #tpu.memory_space<vmem_shared>>) attributes {dimension_semantics = [#tpu.dimension_semantics<core_parallel>, #tpu.dimension_semantics<subcore_parallel>], iteration_bounds = array<i64: 2, 16>, scalar_prefetch = 0 : i64, scratch_operands = 18 : i64, tpu.core_type = #tpu.core_type<sc_vector_subcore>, window_params = [{transform_indices = #map}, {transform_indices = #map1}, {transform_indices = #map}]} {
    %broadcast_in_dim3A = arith.constant 0.000000e+00 : f32
    %broadcast_in_dim3A_0 = vector.broadcast %broadcast_in_dim3A : f32 to vector<16xf32>
    %iota3A = tpu.iota {dimensions = array<i32: 0>} : vector<16xi32>
    %mul3A = arith.constant 51200 : i32
    %mul3A_1 = arith.muli %arg0, %mul3A : i32
    %mul3A_2 = arith.constant 2 : i32
    %mul3A_3 = arith.muli %mul3A_2, %arg0 : i32
    %mul3A_4 = arith.constant 250112 : i32
    %mul3A_5 = arith.muli %mul3A_3, %mul3A_4 : i32
    %mul3A_6 = arith.constant 15632 : i32
    %mul3A_7 = arith.muli %arg1, %mul3A_6 : i32
    %add3A = arith.addi %mul3A_5, %mul3A_7 : i32
    %mul3A_8 = arith.constant 16 : i32
    %mul3A_9 = arith.muli %arg1, %mul3A_8 : i32
    %add3A_10 = vector.broadcast %mul3A_9 : i32 to vector<16xi32>
    %add3A_11 = arith.addi %add3A_10, %iota3A : vector<16xi32>
    %and3A = arith.constant 127 : i32
    %and3A_12 = vector.broadcast %and3A : i32 to vector<16xi32>
    %and3A_13 = arith.andi %add3A_11, %and3A_12 : vector<16xi32>
    %add3A_14 = arith.constant 50000 : i32
    %add3A_15 = vector.broadcast %add3A_14 : i32 to vector<16xi32>
    %add3A_16 = arith.addi %add3A_15, %and3A_13 : vector<16xi32>
    %scan3A = arith.constant 0 : i32
    %scan3A_17 = arith.constant 0 : i32
    %scan3A_18 = arith.constant 32 : i32
    %scan3A_19 = arith.addi %scan3A_17, %scan3A_18 : i32
    %scan3A_20 = arith.constant 1 : i32
    %scan3A_21 = scf.for %scan3A_30 = %scan3A_17 to %scan3A_19 step %scan3A_20 iter_args(%scan3A_31 = %scan3A) -> (i32)  : i32 {
      %swap3A = arith.index_cast %scan3A_30 : i32 to index
      %swap3A_32 = arith.constant 0 : index
      %swap3A_33 = tpu.vector_load %arg17[%swap3A, %swap3A_32] {strides = array<i32>} : memref<32x128xf32, #tpu.memory_space<vmem>>, vector<16xf32>,
      tpu.vector_store %arg17[%swap3A, %swap3A_32], %broadcast_in_dim3A_0 {strides = array<i32>} : memref<32x128xf32, #tpu.memory_space<vmem>>, vector<16xf32>,
      %swap3A_34 = arith.index_cast %scan3A_30 : i32 to index
      %swap3A_35 = arith.constant 16 : index
      %swap3A_36 = tpu.vector_load %arg17[%swap3A_34, %swap3A_35] {strides = array<i32>} : memref<32x128xf32, #tpu.memory_space<vmem>>, vector<16xf32>,
      tpu.vector_store %arg17[%swap3A_34, %swap3A_35], %broadcast_in_dim3A_0 {strides = array<i32>} : memref<32x128xf32, #tpu.memory_space<vmem>>, vector<16xf32>,
      %swap3A_37 = arith.index_cast %scan3A_30 : i32 to index
      %swap3A_38 = arith.constant 32 : index
      %swap3A_39 = tpu.vector_load %arg17[%swap3A_37, %swap3A_38] {strides = array<i32>} : memref<32x128xf32, #tpu.memory_space<vmem>>, vector<16xf32>,
      tpu.vector_store %arg17[%swap3A_37, %swap3A_38], %broadcast_in_dim3A_0 {strides = array<i32>} : memref<32x128xf32, #tpu.memory_space<vmem>>, vector<16xf32>,
      %swap3A_40 = arith.index_cast %scan3A_30 : i32 to index
      %swap3A_41 = arith.constant 48 : index
      %swap3A_42 = tpu.vector_load %arg17[%swap3A_40, %swap3A_41] {strides = array<i32>} : memref<32x128xf32, #tpu.memory_space<vmem>>, vector<16xf32>,
      tpu.vector_store %arg17[%swap3A_40, %swap3A_41], %broadcast_in_dim3A_0 {strides = array<i32>} : memref<32x128xf32, #tpu.memory_space<vmem>>, vector<16xf32>,
      %swap3A_43 = arith.index_cast %scan3A_30 : i32 to index
      %swap3A_44 = arith.constant 64 : index
      %swap3A_45 = tpu.vector_load %arg17[%swap3A_43, %swap3A_44] {strides = array<i32>} : memref<32x128xf32, #tpu.memory_space<vmem>>, vector<16xf32>,
      tpu.vector_store %arg17[%swap3A_43, %swap3A_44], %broadcast_in_dim3A_0 {strides = array<i32>} : memref<32x128xf32, #tpu.memory_space<vmem>>, vector<16xf32>,
      %swap3A_46 = arith.index_cast %scan3A_30 : i32 to index
      %swap3A_47 = arith.constant 80 : index
      %swap3A_48 = tpu.vector_load %arg17[%swap3A_46, %swap3A_47] {strides = array<i32>} : memref<32x128xf32, #tpu.memory_space<vmem>>, vector<16xf32>,
      tpu.vector_store %arg17[%swap3A_46, %swap3A_47], %broadcast_in_dim3A_0 {strides = array<i32>} : memref<32x128xf32, #tpu.memory_space<vmem>>, vector<16xf32>,
      %swap3A_49 = arith.index_cast %scan3A_30 : i32 to index
      %swap3A_50 = arith.constant 96 : index
      %swap3A_51 = tpu.vector_load %arg17[%swap3A_49, %swap3A_50] {strides = array<i32>} : memref<32x128xf32, #tpu.memory_space<vmem>>, vector<16xf32>,
      tpu.vector_store %arg17[%swap3A_49, %swap3A_50], %broadcast_in_dim3A_0 {strides = array<i32>} : memref<32x128xf32, #tpu.memory_space<vmem>>, vector<16xf32>,
      %swap3A_52 = arith.index_cast %scan3A_30 : i32 to index
      %swap3A_53 = arith.constant 112 : index
      %swap3A_54 = tpu.vector_load %arg17[%swap3A_52, %swap3A_53] {strides = array<i32>} : memref<32x128xf32, #tpu.memory_space<vmem>>, vector<16xf32>,
      tpu.vector_store %arg17[%swap3A_52, %swap3A_53], %broadcast_in_dim3A_0 {strides = array<i32>} : memref<32x128xf32, #tpu.memory_space<vmem>>, vector<16xf32>,
      %scan3A_55 = arith.constant 0 : i32
      scf.yield %scan3A_55 : i32
    }
    %scan3A_22 = arith.constant 32 : i32
    %scan3A_23 = arith.constant 0 : i32
    %scan3A_24 = arith.constant 0 : i32
    %scan3A_25 = arith.constant 10 : i32
    %scan3A_26 = arith.addi %scan3A_24, %scan3A_25 : i32
    %scan3A_27 = arith.constant 1 : i32
    %scan3A_28 = scf.for %scan3A_30 = %scan3A_24 to %scan3A_26 step %scan3A_27 iter_args(%scan3A_31 = %scan3A_23) -> (i32)  : i32 {
      %mul3A_32 = arith.constant 5120 : i32
      %mul3A_33 = arith.muli %scan3A_30, %mul3A_32 : i32
      %mul3A_34 = arith.constant 320 : i32
      %mul3A_35 = arith.muli %arg1, %mul3A_34 : i32
      %add3A_36 = arith.constant 0 : i32
      %add3A_37 = arith.addi %mul3A_35, %add3A_36 : i32
      "tpu.region"() ({
        %run_scoped3A = tpu.sem_alloc : memref<!tpu.dma_semaphore, #tpu.memory_space<semaphore_mem>>
        %dma_start3A = arith.constant 0 : i32
        %dma_start3A_275 = tpu.memref_slice %arg22[%add3A_37, %dma_start3A] : memref<5128x128xf32, #tpu.memory_space<vmem_shared>> -> memref<32x128xf32, #tpu.memory_space<vmem_shared>>
        %dma_start3A_276 = arith.constant 0 : i32
        %dma_start3A_277 = tpu.memref_slice %arg22[%add3A_37, %dma_start3A_276] : memref<5128x128xf32, #tpu.memory_space<vmem_shared>> -> memref<32x128xf32, #tpu.memory_space<vmem_shared>>
        tpu.enqueue_dma source(%arg17 : memref<32x128xf32, #tpu.memory_space<vmem>>) target(%dma_start3A_277 : memref<32x128xf32, #tpu.memory_space<vmem_shared>>) target_semaphore(%run_scoped3A : memref<!tpu.dma_semaphore, #tpu.memory_space<semaphore_mem>>)
        %dma_wait3A = arith.constant 0 : i32
        %dma_wait3A_278 = tpu.memref_slice %arg22[%add3A_37, %dma_wait3A] : memref<5128x128xf32, #tpu.memory_space<vmem_shared>> -> memref<32x128xf32, #tpu.memory_space<vmem_shared>>
        %dma_wait3A_279 = arith.constant 0 : i32
        %dma_wait3A_280 = tpu.memref_slice %arg22[%add3A_37, %dma_wait3A_279] : memref<5128x128xf32, #tpu.memory_space<vmem_shared>> -> memref<32x128xf32, #tpu.memory_space<vmem_shared>>
        tpu.wait_dma2 semaphore(%run_scoped3A : memref<!tpu.dma_semaphore, #tpu.memory_space<semaphore_mem>>) src(%arg17 : memref<32x128xf32, #tpu.memory_space<vmem>>) dst(%dma_wait3A_280 : memref<32x128xf32, #tpu.memory_space<vmem_shared>>)
        tpu.yield
      }) : () -> ()
      %mul3A_38 = arith.constant 320 : i32
      %mul3A_39 = arith.muli %arg1, %mul3A_38 : i32
      %add3A_40 = arith.constant 32 : i32
      %add3A_41 = arith.addi %mul3A_39, %add3A_40 : i32
      "tpu.region"() ({
        %run_scoped3A = tpu.sem_alloc : memref<!tpu.dma_semaphore, #tpu.memory_space<semaphore_mem>>
        %dma_start3A = arith.constant 0 : i32
        %dma_start3A_275 = tpu.memref_slice %arg22[%add3A_41, %dma_start3A] : memref<5128x128xf32, #tpu.memory_space<vmem_shared>> -> memref<32x128xf32, #tpu.memory_space<vmem_shared>>
        %dma_start3A_276 = arith.constant 0 : i32
        %dma_start3A_277 = tpu.memref_slice %arg22[%add3A_41, %dma_start3A_276] : memref<5128x128xf32, #tpu.memory_space<vmem_shared>> -> memref<32x128xf32, #tpu.memory_space<vmem_shared>>
        tpu.enqueue_dma source(%arg17 : memref<32x128xf32, #tpu.memory_space<vmem>>) target(%dma_start3A_277 : memref<32x128xf32, #tpu.memory_space<vmem_shared>>) target_semaphore(%run_scoped3A : memref<!tpu.dma_semaphore, #tpu.memory_space<semaphore_mem>>)
        %dma_wait3A = arith.constant 0 : i32
        %dma_wait3A_278 = tpu.memref_slice %arg22[%add3A_41, %dma_wait3A] : memref<5128x128xf32, #tpu.memory_space<vmem_shared>> -> memref<32x128xf32, #tpu.memory_space<vmem_shared>>
        %dma_wait3A_279 = arith.constant 0 : i32
        %dma_wait3A_280 = tpu.memref_slice %arg22[%add3A_41, %dma_wait3A_279] : memref<5128x128xf32, #tpu.memory_space<vmem_shared>> -> memref<32x128xf32, #tpu.memory_space<vmem_shared>>
        tpu.wait_dma2 semaphore(%run_scoped3A : memref<!tpu.dma_semaphore, #tpu.memory_space<semaphore_mem>>) src(%arg17 : memref<32x128xf32, #tpu.memory_space<vmem>>) dst(%dma_wait3A_280 : memref<32x128xf32, #tpu.memory_space<vmem_shared>>)
        tpu.yield
      }) : () -> ()
      %mul3A_42 = arith.constant 320 : i32
      %mul3A_43 = arith.muli %arg1, %mul3A_42 : i32
      %add3A_44 = arith.constant 64 : i32
      %add3A_45 = arith.addi %mul3A_43, %add3A_44 : i32
      "tpu.region"() ({
        %run_scoped3A = tpu.sem_alloc : memref<!tpu.dma_semaphore, #tpu.memory_space<semaphore_mem>>
        %dma_start3A = arith.constant 0 : i32
        %dma_start3A_275 = tpu.memref_slice %arg22[%add3A_45, %dma_start3A] : memref<5128x128xf32, #tpu.memory_space<vmem_shared>> -> memref<32x128xf32, #tpu.memory_space<vmem_shared>>
        %dma_start3A_276 = arith.constant 0 : i32
        %dma_start3A_277 = tpu.memref_slice %arg22[%add3A_45, %dma_start3A_276] : memref<5128x128xf32, #tpu.memory_space<vmem_shared>> -> memref<32x128xf32, #tpu.memory_space<vmem_shared>>
        tpu.enqueue_dma source(%arg17 : memref<32x128xf32, #tpu.memory_space<vmem>>) target(%dma_start3A_277 : memref<32x128xf32, #tpu.memory_space<vmem_shared>>) target_semaphore(%run_scoped3A : memref<!tpu.dma_semaphore, #tpu.memory_space<semaphore_mem>>)
        %dma_wait3A = arith.constant 0 : i32
        %dma_wait3A_278 = tpu.memref_slice %arg22[%add3A_45, %dma_wait3A] : memref<5128x128xf32, #tpu.memory_space<vmem_shared>> -> memref<32x128xf32, #tpu.memory_space<vmem_shared>>
        %dma_wait3A_279 = arith.constant 0 : i32
        %dma_wait3A_280 = tpu.memref_slice %arg22[%add3A_45, %dma_wait3A_279] : memref<5128x128xf32, #tpu.memory_space<vmem_shared>> -> memref<32x128xf32, #tpu.memory_space<vmem_shared>>
        tpu.wait_dma2 semaphore(%run_scoped3A : memref<!tpu.dma_semaphore, #tpu.memory_space<semaphore_mem>>) src(%arg17 : memref<32x128xf32, #tpu.memory_space<vmem>>) dst(%dma_wait3A_280 : memref<32x128xf32, #tpu.memory_space<vmem_shared>>)
        tpu.yield
      }) : () -> ()
      %mul3A_46 = arith.constant 320 : i32
      %mul3A_47 = arith.muli %arg1, %mul3A_46 : i32
      %add3A_48 = arith.constant 96 : i32
      %add3A_49 = arith.addi %mul3A_47, %add3A_48 : i32
      "tpu.region"() ({
        %run_scoped3A = tpu.sem_alloc : memref<!tpu.dma_semaphore, #tpu.memory_space<semaphore_mem>>
        %dma_start3A = arith.constant 0 : i32
        %dma_start3A_275 = tpu.memref_slice %arg22[%add3A_49, %dma_start3A] : memref<5128x128xf32, #tpu.memory_space<vmem_shared>> -> memref<32x128xf32, #tpu.memory_space<vmem_shared>>
        %dma_start3A_276 = arith.constant 0 : i32
        %dma_start3A_277 = tpu.memref_slice %arg22[%add3A_49, %dma_start3A_276] : memref<5128x128xf32, #tpu.memory_space<vmem_shared>> -> memref<32x128xf32, #tpu.memory_space<vmem_shared>>
        tpu.enqueue_dma source(%arg17 : memref<32x128xf32, #tpu.memory_space<vmem>>) target(%dma_start3A_277 : memref<32x128xf32, #tpu.memory_space<vmem_shared>>) target_semaphore(%run_scoped3A : memref<!tpu.dma_semaphore, #tpu.memory_space<semaphore_mem>>)
        %dma_wait3A = arith.constant 0 : i32
        %dma_wait3A_278 = tpu.memref_slice %arg22[%add3A_49, %dma_wait3A] : memref<5128x128xf32, #tpu.memory_space<vmem_shared>> -> memref<32x128xf32, #tpu.memory_space<vmem_shared>>
        %dma_wait3A_279 = arith.constant 0 : i32
        %dma_wait3A_280 = tpu.memref_slice %arg22[%add3A_49, %dma_wait3A_279] : memref<5128x128xf32, #tpu.memory_space<vmem_shared>> -> memref<32x128xf32, #tpu.memory_space<vmem_shared>>
        tpu.wait_dma2 semaphore(%run_scoped3A : memref<!tpu.dma_semaphore, #tpu.memory_space<semaphore_mem>>) src(%arg17 : memref<32x128xf32, #tpu.memory_space<vmem>>) dst(%dma_wait3A_280 : memref<32x128xf32, #tpu.memory_space<vmem_shared>>)
        tpu.yield
      }) : () -> ()
      %mul3A_50 = arith.constant 320 : i32
      %mul3A_51 = arith.muli %arg1, %mul3A_50 : i32
      %add3A_52 = arith.constant 128 : i32
      %add3A_53 = arith.addi %mul3A_51, %add3A_52 : i32
      "tpu.region"() ({
        %run_scoped3A = tpu.sem_alloc : memref<!tpu.dma_semaphore, #tpu.memory_space<semaphore_mem>>
        %dma_start3A = arith.constant 0 : i32
        %dma_start3A_275 = tpu.memref_slice %arg22[%add3A_53, %dma_start3A] : memref<5128x128xf32, #tpu.memory_space<vmem_shared>> -> memref<32x128xf32, #tpu.memory_space<vmem_shared>>
        %dma_start3A_276 = arith.constant 0 : i32
        %dma_start3A_277 = tpu.memref_slice %arg22[%add3A_53, %dma_start3A_276] : memref<5128x128xf32, #tpu.memory_space<vmem_shared>> -> memref<32x128xf32, #tpu.memory_space<vmem_shared>>
        tpu.enqueue_dma source(%arg17 : memref<32x128xf32, #tpu.memory_space<vmem>>) target(%dma_start3A_277 : memref<32x128xf32, #tpu.memory_space<vmem_shared>>) target_semaphore(%run_scoped3A : memref<!tpu.dma_semaphore, #tpu.memory_space<semaphore_mem>>)
        %dma_wait3A = arith.constant 0 : i32
        %dma_wait3A_278 = tpu.memref_slice %arg22[%add3A_53, %dma_wait3A] : memref<5128x128xf32, #tpu.memory_space<vmem_shared>> -> memref<32x128xf32, #tpu.memory_space<vmem_shared>>
        %dma_wait3A_279 = arith.constant 0 : i32
        %dma_wait3A_280 = tpu.memref_slice %arg22[%add3A_53, %dma_wait3A_279] : memref<5128x128xf32, #tpu.memory_space<vmem_shared>> -> memref<32x128xf32, #tpu.memory_space<vmem_shared>>
        tpu.wait_dma2 semaphore(%run_scoped3A : memref<!tpu.dma_semaphore, #tpu.memory_space<semaphore_mem>>) src(%arg17 : memref<32x128xf32, #tpu.memory_space<vmem>>) dst(%dma_wait3A_280 : memref<32x128xf32, #tpu.memory_space<vmem_shared>>)
        tpu.yield
      }) : () -> ()
      %mul3A_54 = arith.constant 320 : i32
      %mul3A_55 = arith.muli %arg1, %mul3A_54 : i32
      %add3A_56 = arith.constant 160 : i32
      %add3A_57 = arith.addi %mul3A_55, %add3A_56 : i32
      "tpu.region"() ({
        %run_scoped3A = tpu.sem_alloc : memref<!tpu.dma_semaphore, #tpu.memory_space<semaphore_mem>>
        %dma_start3A = arith.constant 0 : i32
        %dma_start3A_275 = tpu.memref_slice %arg22[%add3A_57, %dma_start3A] : memref<5128x128xf32, #tpu.memory_space<vmem_shared>> -> memref<32x128xf32, #tpu.memory_space<vmem_shared>>
        %dma_start3A_276 = arith.constant 0 : i32
        %dma_start3A_277 = tpu.memref_slice %arg22[%add3A_57, %dma_start3A_276] : memref<5128x128xf32, #tpu.memory_space<vmem_shared>> -> memref<32x128xf32, #tpu.memory_space<vmem_shared>>
        tpu.enqueue_dma source(%arg17 : memref<32x128xf32, #tpu.memory_space<vmem>>) target(%dma_start3A_277 : memref<32x128xf32, #tpu.memory_space<vmem_shared>>) target_semaphore(%run_scoped3A : memref<!tpu.dma_semaphore, #tpu.memory_space<semaphore_mem>>)
        %dma_wait3A = arith.constant 0 : i32
        %dma_wait3A_278 = tpu.memref_slice %arg22[%add3A_57, %dma_wait3A] : memref<5128x128xf32, #tpu.memory_space<vmem_shared>> -> memref<32x128xf32, #tpu.memory_space<vmem_shared>>
        %dma_wait3A_279 = arith.constant 0 : i32
        %dma_wait3A_280 = tpu.memref_slice %arg22[%add3A_57, %dma_wait3A_279] : memref<5128x128xf32, #tpu.memory_space<vmem_shared>> -> memref<32x128xf32, #tpu.memory_space<vmem_shared>>
        tpu.wait_dma2 semaphore(%run_scoped3A : memref<!tpu.dma_semaphore, #tpu.memory_space<semaphore_mem>>) src(%arg17 : memref<32x128xf32, #tpu.memory_space<vmem>>) dst(%dma_wait3A_280 : memref<32x128xf32, #tpu.memory_space<vmem_shared>>)
        tpu.yield
      }) : () -> ()
      %mul3A_58 = arith.constant 320 : i32
      %mul3A_59 = arith.muli %arg1, %mul3A_58 : i32
      %add3A_60 = arith.constant 192 : i32
      %add3A_61 = arith.addi %mul3A_59, %add3A_60 : i32
      "tpu.region"() ({
        %run_scoped3A = tpu.sem_alloc : memref<!tpu.dma_semaphore, #tpu.memory_space<semaphore_mem>>
        %dma_start3A = arith.constant 0 : i32
        %dma_start3A_275 = tpu.memref_slice %arg22[%add3A_61, %dma_start3A] : memref<5128x128xf32, #tpu.memory_space<vmem_shared>> -> memref<32x128xf32, #tpu.memory_space<vmem_shared>>
        %dma_start3A_276 = arith.constant 0 : i32
        %dma_start3A_277 = tpu.memref_slice %arg22[%add3A_61, %dma_start3A_276] : memref<5128x128xf32, #tpu.memory_space<vmem_shared>> -> memref<32x128xf32, #tpu.memory_space<vmem_shared>>
        tpu.enqueue_dma source(%arg17 : memref<32x128xf32, #tpu.memory_space<vmem>>) target(%dma_start3A_277 : memref<32x128xf32, #tpu.memory_space<vmem_shared>>) target_semaphore(%run_scoped3A : memref<!tpu.dma_semaphore, #tpu.memory_space<semaphore_mem>>)
        %dma_wait3A = arith.constant 0 : i32
        %dma_wait3A_278 = tpu.memref_slice %arg22[%add3A_61, %dma_wait3A] : memref<5128x128xf32, #tpu.memory_space<vmem_shared>> -> memref<32x128xf32, #tpu.memory_space<vmem_shared>>
        %dma_wait3A_279 = arith.constant 0 : i32
        %dma_wait3A_280 = tpu.memref_slice %arg22[%add3A_61, %dma_wait3A_279] : memref<5128x128xf32, #tpu.memory_space<vmem_shared>> -> memref<32x128xf32, #tpu.memory_space<vmem_shared>>
        tpu.wait_dma2 semaphore(%run_scoped3A : memref<!tpu.dma_semaphore, #tpu.memory_space<semaphore_mem>>) src(%arg17 : memref<32x128xf32, #tpu.memory_space<vmem>>) dst(%dma_wait3A_280 : memref<32x128xf32, #tpu.memory_space<vmem_shared>>)
        tpu.yield
      }) : () -> ()
      %mul3A_62 = arith.constant 320 : i32
      %mul3A_63 = arith.muli %arg1, %mul3A_62 : i32
      %add3A_64 = arith.constant 224 : i32
      %add3A_65 = arith.addi %mul3A_63, %add3A_64 : i32
      "tpu.region"() ({
        %run_scoped3A = tpu.sem_alloc : memref<!tpu.dma_semaphore, #tpu.memory_space<semaphore_mem>>
        %dma_start3A = arith.constant 0 : i32
        %dma_start3A_275 = tpu.memref_slice %arg22[%add3A_65, %dma_start3A] : memref<5128x128xf32, #tpu.memory_space<vmem_shared>> -> memref<32x128xf32, #tpu.memory_space<vmem_shared>>
        %dma_start3A_276 = arith.constant 0 : i32
        %dma_start3A_277 = tpu.memref_slice %arg22[%add3A_65, %dma_start3A_276] : memref<5128x128xf32, #tpu.memory_space<vmem_shared>> -> memref<32x128xf32, #tpu.memory_space<vmem_shared>>
        tpu.enqueue_dma source(%arg17 : memref<32x128xf32, #tpu.memory_space<vmem>>) target(%dma_start3A_277 : memref<32x128xf32, #tpu.memory_space<vmem_shared>>) target_semaphore(%run_scoped3A : memref<!tpu.dma_semaphore, #tpu.memory_space<semaphore_mem>>)
        %dma_wait3A = arith.constant 0 : i32
        %dma_wait3A_278 = tpu.memref_slice %arg22[%add3A_65, %dma_wait3A] : memref<5128x128xf32, #tpu.memory_space<vmem_shared>> -> memref<32x128xf32, #tpu.memory_space<vmem_shared>>
        %dma_wait3A_279 = arith.constant 0 : i32
        %dma_wait3A_280 = tpu.memref_slice %arg22[%add3A_65, %dma_wait3A_279] : memref<5128x128xf32, #tpu.memory_space<vmem_shared>> -> memref<32x128xf32, #tpu.memory_space<vmem_shared>>
        tpu.wait_dma2 semaphore(%run_scoped3A : memref<!tpu.dma_semaphore, #tpu.memory_space<semaphore_mem>>) src(%arg17 : memref<32x128xf32, #tpu.memory_space<vmem>>) dst(%dma_wait3A_280 : memref<32x128xf32, #tpu.memory_space<vmem_shared>>)
        tpu.yield
      }) : () -> ()
      %mul3A_66 = arith.constant 320 : i32
      %mul3A_67 = arith.muli %arg1, %mul3A_66 : i32
      %add3A_68 = arith.constant 256 : i32
      %add3A_69 = arith.addi %mul3A_67, %add3A_68 : i32
      "tpu.region"() ({
        %run_scoped3A = tpu.sem_alloc : memref<!tpu.dma_semaphore, #tpu.memory_space<semaphore_mem>>
        %dma_start3A = arith.constant 0 : i32
        %dma_start3A_275 = tpu.memref_slice %arg22[%add3A_69, %dma_start3A] : memref<5128x128xf32, #tpu.memory_space<vmem_shared>> -> memref<32x128xf32, #tpu.memory_space<vmem_shared>>
        %dma_start3A_276 = arith.constant 0 : i32
        %dma_start3A_277 = tpu.memref_slice %arg22[%add3A_69, %dma_start3A_276] : memref<5128x128xf32, #tpu.memory_space<vmem_shared>> -> memref<32x128xf32, #tpu.memory_space<vmem_shared>>
        tpu.enqueue_dma source(%arg17 : memref<32x128xf32, #tpu.memory_space<vmem>>) target(%dma_start3A_277 : memref<32x128xf32, #tpu.memory_space<vmem_shared>>) target_semaphore(%run_scoped3A : memref<!tpu.dma_semaphore, #tpu.memory_space<semaphore_mem>>)
        %dma_wait3A = arith.constant 0 : i32
        %dma_wait3A_278 = tpu.memref_slice %arg22[%add3A_69, %dma_wait3A] : memref<5128x128xf32, #tpu.memory_space<vmem_shared>> -> memref<32x128xf32, #tpu.memory_space<vmem_shared>>
        %dma_wait3A_279 = arith.constant 0 : i32
        %dma_wait3A_280 = tpu.memref_slice %arg22[%add3A_69, %dma_wait3A_279] : memref<5128x128xf32, #tpu.memory_space<vmem_shared>> -> memref<32x128xf32, #tpu.memory_space<vmem_shared>>
        tpu.wait_dma2 semaphore(%run_scoped3A : memref<!tpu.dma_semaphore, #tpu.memory_space<semaphore_mem>>) src(%arg17 : memref<32x128xf32, #tpu.memory_space<vmem>>) dst(%dma_wait3A_280 : memref<32x128xf32, #tpu.memory_space<vmem_shared>>)
        tpu.yield
      }) : () -> ()
      %mul3A_70 = arith.constant 320 : i32
      %mul3A_71 = arith.muli %arg1, %mul3A_70 : i32
      %add3A_72 = arith.constant 288 : i32
      %add3A_73 = arith.addi %mul3A_71, %add3A_72 : i32
      "tpu.region"() ({
        %run_scoped3A = tpu.sem_alloc : memref<!tpu.dma_semaphore, #tpu.memory_space<semaphore_mem>>
        %dma_start3A = arith.constant 0 : i32
        %dma_start3A_275 = tpu.memref_slice %arg22[%add3A_73, %dma_start3A] : memref<5128x128xf32, #tpu.memory_space<vmem_shared>> -> memref<32x128xf32, #tpu.memory_space<vmem_shared>>
        %dma_start3A_276 = arith.constant 0 : i32
        %dma_start3A_277 = tpu.memref_slice %arg22[%add3A_73, %dma_start3A_276] : memref<5128x128xf32, #tpu.memory_space<vmem_shared>> -> memref<32x128xf32, #tpu.memory_space<vmem_shared>>
        tpu.enqueue_dma source(%arg17 : memref<32x128xf32, #tpu.memory_space<vmem>>) target(%dma_start3A_277 : memref<32x128xf32, #tpu.memory_space<vmem_shared>>) target_semaphore(%run_scoped3A : memref<!tpu.dma_semaphore, #tpu.memory_space<semaphore_mem>>)
        %dma_wait3A = arith.constant 0 : i32
        %dma_wait3A_278 = tpu.memref_slice %arg22[%add3A_73, %dma_wait3A] : memref<5128x128xf32, #tpu.memory_space<vmem_shared>> -> memref<32x128xf32, #tpu.memory_space<vmem_shared>>
        %dma_wait3A_279 = arith.constant 0 : i32
        %dma_wait3A_280 = tpu.memref_slice %arg22[%add3A_73, %dma_wait3A_279] : memref<5128x128xf32, #tpu.memory_space<vmem_shared>> -> memref<32x128xf32, #tpu.memory_space<vmem_shared>>
        tpu.wait_dma2 semaphore(%run_scoped3A : memref<!tpu.dma_semaphore, #tpu.memory_space<semaphore_mem>>) src(%arg17 : memref<32x128xf32, #tpu.memory_space<vmem>>) dst(%dma_wait3A_280 : memref<32x128xf32, #tpu.memory_space<vmem_shared>>)
        tpu.yield
      }) : () -> ()
      %barrier3A = arith.constant 0 : index
      tpu.barrier barrier_id(%barrier3A)
      "tpu.region"() ({
        %run_scoped3A = tpu.sem_alloc : memref<!tpu.dma_semaphore, #tpu.memory_space<semaphore_mem>>
        %dma_start3A = tpu.memref_slice %arg3[%add3A] : memref<1000448xi32, #tpu.memory_space<hbm>> -> memref<15632xi32, #tpu.memory_space<hbm>>
        %dma_start3A_275 = tpu.memref_slice %arg3[%add3A] : memref<1000448xi32, #tpu.memory_space<hbm>> -> memref<15632xi32, #tpu.memory_space<hbm>>
        tpu.enqueue_dma source(%dma_start3A_275 : memref<15632xi32, #tpu.memory_space<hbm>>) target(%arg5 : memref<15632xi32, #tpu.memory_space<vmem>>) target_semaphore(%run_scoped3A : memref<!tpu.dma_semaphore, #tpu.memory_space<semaphore_mem>>)
        %dma_wait3A = tpu.memref_slice %arg3[%add3A] : memref<1000448xi32, #tpu.memory_space<hbm>> -> memref<15632xi32, #tpu.memory_space<hbm>>
        %dma_wait3A_276 = tpu.memref_slice %arg3[%add3A] : memref<1000448xi32, #tpu.memory_space<hbm>> -> memref<15632xi32, #tpu.memory_space<hbm>>
        tpu.wait_dma2 semaphore(%run_scoped3A : memref<!tpu.dma_semaphore, #tpu.memory_space<semaphore_mem>>) src(%dma_wait3A_276 : memref<15632xi32, #tpu.memory_space<hbm>>) dst(%arg5 : memref<15632xi32, #tpu.memory_space<vmem>>)
        tpu.yield
      }) : () -> ()
      %add3A_74 = arith.constant 250112 : i32
      %add3A_75 = arith.addi %add3A, %add3A_74 : i32
      "tpu.region"() ({
        %run_scoped3A = tpu.sem_alloc : memref<!tpu.dma_semaphore, #tpu.memory_space<semaphore_mem>>
        %dma_start3A = tpu.memref_slice %arg3[%add3A_75] : memref<1000448xi32, #tpu.memory_space<hbm>> -> memref<15632xi32, #tpu.memory_space<hbm>>
        %dma_start3A_275 = tpu.memref_slice %arg3[%add3A_75] : memref<1000448xi32, #tpu.memory_space<hbm>> -> memref<15632xi32, #tpu.memory_space<hbm>>
        tpu.enqueue_dma source(%dma_start3A_275 : memref<15632xi32, #tpu.memory_space<hbm>>) target(%arg6 : memref<15632xi32, #tpu.memory_space<vmem>>) target_semaphore(%run_scoped3A : memref<!tpu.dma_semaphore, #tpu.memory_space<semaphore_mem>>)
        %dma_wait3A = tpu.memref_slice %arg3[%add3A_75] : memref<1000448xi32, #tpu.memory_space<hbm>> -> memref<15632xi32, #tpu.memory_space<hbm>>
        %dma_wait3A_276 = tpu.memref_slice %arg3[%add3A_75] : memref<1000448xi32, #tpu.memory_space<hbm>> -> memref<15632xi32, #tpu.memory_space<hbm>>
        tpu.wait_dma2 semaphore(%run_scoped3A : memref<!tpu.dma_semaphore, #tpu.memory_space<semaphore_mem>>) src(%dma_wait3A_276 : memref<15632xi32, #tpu.memory_space<hbm>>) dst(%arg6 : memref<15632xi32, #tpu.memory_space<vmem>>)
        tpu.yield
      }) : () -> ()
      %add3A_76 = arith.constant 15648 : i32
      %add3A_77 = vector.broadcast %add3A_76 : i32 to vector<16xi32>
      %add3A_78 = arith.addi %add3A_77, %iota3A : vector<16xi32>
      %broadcast_in_dim3A_79 = arith.constant 0 : i32
      %broadcast_in_dim3A_80 = vector.broadcast %broadcast_in_dim3A_79 : i32 to vector<16xi32>
      %scan3A_81 = arith.constant 0 : i32
      %scan3A_82 = arith.constant 977 : i32
      %scan3A_83 = arith.addi %scan3A_81, %scan3A_82 : i32
      %scan3A_84 = arith.constant 1 : i32
      %scan3A_85 = scf.for %scan3A_275 = %scan3A_81 to %scan3A_83 step %scan3A_84 iter_args(%scan3A_276 = %broadcast_in_dim3A_80) -> (vector<16xi32>)  : i32 {
        %mul3A_277 = arith.constant 16 : i32
        %mul3A_278 = arith.muli %scan3A_275, %mul3A_277 : i32
        %get3A_279 = arith.index_cast %mul3A_278 : i32 to index
        %get3A_280 = tpu.vector_load %arg5[%get3A_279] {strides = array<i32>} : memref<15632xi32, #tpu.memory_space<vmem>>, vector<16xi32>,
        %get3A_281 = vector.shape_cast %get3A_280 : vector<16xi32> to vector<16xi32>
        %mul3A_282 = arith.constant 16 : i32
        %mul3A_283 = arith.muli %scan3A_275, %mul3A_282 : i32
        %get3A_284 = arith.index_cast %mul3A_283 : i32 to index
        %get3A_285 = tpu.vector_load %arg6[%get3A_284] {strides = array<i32>} : memref<15632xi32, #tpu.memory_space<vmem>>, vector<16xi32>,
        %get3A_286 = vector.shape_cast %get3A_285 : vector<16xi32> to vector<16xi32>
        %sub3A_287 = vector.broadcast %mul3A_33 : i32 to vector<16xi32>
        %sub3A_288 = arith.subi %get3A_286, %sub3A_287 : vector<16xi32>
        %ge3A = arith.constant 0 : i32
        %ge3A_289 = vector.broadcast %ge3A : i32 to vector<16xi32>
        %ge3A_290 = arith.cmpi sge, %sub3A_288, %ge3A_289 : vector<16xi32>
        %lt3A_291 = arith.constant 5120 : i32
        %lt3A_292 = vector.broadcast %lt3A_291 : i32 to vector<16xi32>
        %lt3A_293 = arith.cmpi slt, %sub3A_288, %lt3A_292 : vector<16xi32>
        %and3A_294 = arith.andi %ge3A_290, %lt3A_293 : vector<16xi1>
        %mul3A_295 = arith.constant 16 : i32
        %mul3A_296 = vector.broadcast %mul3A_295 : i32 to vector<16xi32>
        %mul3A_297 = arith.muli %scan3A_276, %mul3A_296 : vector<16xi32>
        %add3A_298 = arith.addi %mul3A_297, %iota3A : vector<16xi32>
        %select_n3A_299 = arith.select %and3A_294, %add3A_298, %add3A_78 : vector<16xi1>, vector<16xi32>
        tpu.vector_store_idx %arg7[%select_n3A_299], %get3A_281 : memref<15664xi32, #tpu.memory_space<vmem>>[vector<16xi32>], vector<16xi32>,
        tpu.vector_store_idx %arg8[%select_n3A_299], %sub3A_288 : memref<15664xi32, #tpu.memory_space<vmem>>[vector<16xi32>], vector<16xi32>,
        %jit3A_300 = arith.constant 1 : i32
        %jit3A_301 = arith.constant 0 : i32
        %broadcast_in_dim3A_302 = vector.broadcast %jit3A_300 : i32 to vector<16xi32>
        %broadcast_in_dim3A_303 = vector.broadcast %jit3A_301 : i32 to vector<16xi32>
        %select_n3A_304 = arith.select %and3A_294, %broadcast_in_dim3A_302, %broadcast_in_dim3A_303 : vector<16xi1>, vector<16xi32>
        %add3A_305 = arith.addi %scan3A_276, %select_n3A_304 : vector<16xi32>
        scf.yield %add3A_305 : vector<16xi32>
      }
      %scan3A_86 = arith.constant 977 : i32
      %xor3A = arith.constant 1 : i32
      %xor3A_87 = vector.broadcast %xor3A : i32 to vector<16xi32>
      %xor3A_88 = arith.xori %iota3A, %xor3A_87 : vector<16xi32>
      %lt3A = arith.constant 0 : i32
      %lt3A_89 = vector.broadcast %lt3A : i32 to vector<16xi32>
      %lt3A_90 = arith.cmpi slt, %xor3A_88, %lt3A_89 : vector<16xi32>
      %add3A_91 = arith.constant 16 : i32
      %add3A_92 = vector.broadcast %add3A_91 : i32 to vector<16xi32>
      %add3A_93 = arith.addi %xor3A_88, %add3A_92 : vector<16xi32>
      %select_n3A = arith.select %lt3A_90, %add3A_93, %xor3A_88 : vector<16xi1>, vector<16xi32>
      %broadcast_in_dim3A_94 = vector.shape_cast %select_n3A : vector<16xi32> to vector<16x1xi32>
      %gather3A = vector.shape_cast %broadcast_in_dim3A_94 : vector<16x1xi32> to vector<16xi32>
      %gather3A_95 = tpu.dynamic_gather %scan3A_85[%gather3A] in [0] : vector<16xi32>, vector<16xi32> -> vector<16xi32>
      %max3A = arith.maxsi %scan3A_85, %gather3A_95 : vector<16xi32>
      %xor3A_96 = arith.constant 2 : i32
      %xor3A_97 = vector.broadcast %xor3A_96 : i32 to vector<16xi32>
      %xor3A_98 = arith.xori %iota3A, %xor3A_97 : vector<16xi32>
      %lt3A_99 = arith.constant 0 : i32
      %lt3A_100 = vector.broadcast %lt3A_99 : i32 to vector<16xi32>
      %lt3A_101 = arith.cmpi slt, %xor3A_98, %lt3A_100 : vector<16xi32>
      %add3A_102 = arith.constant 16 : i32
      %add3A_103 = vector.broadcast %add3A_102 : i32 to vector<16xi32>
      %add3A_104 = arith.addi %xor3A_98, %add3A_103 : vector<16xi32>
      %select_n3A_105 = arith.select %lt3A_101, %add3A_104, %xor3A_98 : vector<16xi1>, vector<16xi32>
      %broadcast_in_dim3A_106 = vector.shape_cast %select_n3A_105 : vector<16xi32> to vector<16x1xi32>
      %gather3A_107 = vector.shape_cast %broadcast_in_dim3A_106 : vector<16x1xi32> to vector<16xi32>
      %gather3A_108 = tpu.dynamic_gather %max3A[%gather3A_107] in [0] : vector<16xi32>, vector<16xi32> -> vector<16xi32>
      %max3A_109 = arith.maxsi %max3A, %gather3A_108 : vector<16xi32>
      %xor3A_110 = arith.constant 4 : i32
      %xor3A_111 = vector.broadcast %xor3A_110 : i32 to vector<16xi32>
      %xor3A_112 = arith.xori %iota3A, %xor3A_111 : vector<16xi32>
      %lt3A_113 = arith.constant 0 : i32
      %lt3A_114 = vector.broadcast %lt3A_113 : i32 to vector<16xi32>
      %lt3A_115 = arith.cmpi slt, %xor3A_112, %lt3A_114 : vector<16xi32>
      %add3A_116 = arith.constant 16 : i32
      %add3A_117 = vector.broadcast %add3A_116 : i32 to vector<16xi32>
      %add3A_118 = arith.addi %xor3A_112, %add3A_117 : vector<16xi32>
      %select_n3A_119 = arith.select %lt3A_115, %add3A_118, %xor3A_112 : vector<16xi1>, vector<16xi32>
      %broadcast_in_dim3A_120 = vector.shape_cast %select_n3A_119 : vector<16xi32> to vector<16x1xi32>
      %gather3A_121 = vector.shape_cast %broadcast_in_dim3A_120 : vector<16x1xi32> to vector<16xi32>
      %gather3A_122 = tpu.dynamic_gather %max3A_109[%gather3A_121] in [0] : vector<16xi32>, vector<16xi32> -> vector<16xi32>
      %max3A_123 = arith.maxsi %max3A_109, %gather3A_122 : vector<16xi32>
      %xor3A_124 = arith.constant 8 : i32
      %xor3A_125 = vector.broadcast %xor3A_124 : i32 to vector<16xi32>
      %xor3A_126 = arith.xori %iota3A, %xor3A_125 : vector<16xi32>
      %lt3A_127 = arith.constant 0 : i32
      %lt3A_128 = vector.broadcast %lt3A_127 : i32 to vector<16xi32>
      %lt3A_129 = arith.cmpi slt, %xor3A_126, %lt3A_128 : vector<16xi32>
      %add3A_130 = arith.constant 16 : i32
      %add3A_131 = vector.broadcast %add3A_130 : i32 to vector<16xi32>
      %add3A_132 = arith.addi %xor3A_126, %add3A_131 : vector<16xi32>
      %select_n3A_133 = arith.select %lt3A_129, %add3A_132, %xor3A_126 : vector<16xi1>, vector<16xi32>
      %broadcast_in_dim3A_134 = vector.shape_cast %select_n3A_133 : vector<16xi32> to vector<16x1xi32>
      %gather3A_135 = vector.shape_cast %broadcast_in_dim3A_134 : vector<16x1xi32> to vector<16xi32>
      %gather3A_136 = tpu.dynamic_gather %max3A_123[%gather3A_135] in [0] : vector<16xi32>, vector<16xi32> -> vector<16xi32>
      %max3A_137 = arith.maxsi %max3A_123, %gather3A_136 : vector<16xi32>
      %swap3A = arith.constant 0 : index
      %swap3A_138 = tpu.vector_load %arg19[%swap3A] {strides = array<i32>} : memref<16xi32, #tpu.memory_space<vmem>>, vector<16xi32>,
      tpu.vector_store %arg19[%swap3A], %max3A_137 {strides = array<i32>} : memref<16xi32, #tpu.memory_space<vmem>>, vector<16xi32>,
      %get3A = arith.constant 0 : index
      %get3A_139 = tpu.vector_load %arg19[%get3A] {strides = array<i32>} : memref<16xi32, #tpu.memory_space<vmem>>, vector<16xi32>,
      %slice3A = vector.extract_strided_slice %get3A_139 {offsets = [0], sizes = [1], strides = [1]} : vector<16xi32> to vector<1xi32>
      %squeeze3A = vector.extract %slice3A[0] : i32 from vector<1xi32>
      %add3A_140 = arith.constant 7 : i32
      %add3A_141 = arith.addi %squeeze3A, %add3A_140 : i32
      %jit3A = arith.constant 8 : i32
      %div3A = arith.divsi %add3A_141, %jit3A : i32
      %sign3A = arith.constant 0 : i32
      %sign3A_142 = arith.cmpi sgt, %add3A_141, %sign3A : i32
      %sign3A_143 = arith.extui %sign3A_142 : i1 to i32
      %sign3A_144 = arith.constant 0 : i32
      %sign3A_145 = arith.cmpi slt, %add3A_141, %sign3A_144 : i32
      %sign3A_146 = arith.extui %sign3A_145 : i1 to i32
      %sign3A_147 = arith.subi %sign3A_143, %sign3A_146 : i32
      %sign3A_148 = arith.constant 0 : i32
      %sign3A_149 = arith.cmpi sgt, %jit3A, %sign3A_148 : i32
      %sign3A_150 = arith.extui %sign3A_149 : i1 to i32
      %sign3A_151 = arith.constant 0 : i32
      %sign3A_152 = arith.cmpi slt, %jit3A, %sign3A_151 : i32
      %sign3A_153 = arith.extui %sign3A_152 : i1 to i32
      %sign3A_154 = arith.subi %sign3A_150, %sign3A_153 : i32
      %ne3A = arith.cmpi ne, %sign3A_147, %sign3A_154 : i32
      %rem3A = arith.remsi %add3A_141, %jit3A : i32
      %ne3A_155 = arith.constant 0 : i32
      %ne3A_156 = arith.cmpi ne, %rem3A, %ne3A_155 : i32
      %and3A_157 = arith.andi %ne3A, %ne3A_156 : i1
      %sub3A = arith.constant 1 : i32
      %sub3A_158 = arith.subi %div3A, %sub3A : i32
      %select_n3A_159 = arith.select %and3A_157, %sub3A_158, %div3A : i32
      %broadcast_in_dim3A_160 = arith.constant 0 : i32
      %broadcast_in_dim3A_161 = vector.broadcast %broadcast_in_dim3A_160 : i32 to vector<16xi32>
      %while3A = arith.constant 0 : i32
      %while3A_162 = arith.subi %select_n3A_159, %while3A : i32
      %while3A_163 = arith.addi %while3A, %while3A_162 : i32
      %while3A_164 = arith.constant 1 : i32
      %while3A_165 = arith.divsi %while3A_162, %while3A_164 : i32
      %while3A_166 = arith.muli %while3A_165, %while3A_164 : i32
      %while3A_167 = arith.addi %while3A, %while3A_166 : i32
      %while3A_168 = arith.constant 1 : i32
      %while3A_169 = scf.for %while3A_275 = %while3A to %while3A_167 step %while3A_168 iter_args(%while3A_276 = %broadcast_in_dim3A_161) -> (vector<16xi32>)  : i32 {
        %mul3A_277 = arith.constant 8 : i32
        %mul3A_278 = arith.muli %while3A_275, %mul3A_277 : i32
        %add3A_279 = arith.constant 0 : i32
        %add3A_280 = arith.addi %mul3A_278, %add3A_279 : i32
        %lt3A_281 = arith.cmpi slt, %while3A_276, %scan3A_85 : vector<16xi32>
        %mul3A_282 = arith.constant 16 : i32
        %mul3A_283 = arith.muli %add3A_280, %mul3A_282 : i32
        %get3A_284 = arith.index_cast %mul3A_283 : i32 to index
        %get3A_285 = tpu.vector_load %arg7[%get3A_284] {strides = array<i32>} : memref<15664xi32, #tpu.memory_space<vmem>>, vector<16xi32>,
        %select_n3A_286 = arith.select %lt3A_281, %get3A_285, %add3A_16 : vector<16xi1>, vector<16xi32>
        %add3A_287 = vector.broadcast %mul3A_1 : i32 to vector<16xi32>
        %add3A_288 = arith.addi %add3A_287, %select_n3A_286 : vector<16xi32>
        %mul3A_289 = arith.constant 16 : i32
        %mul3A_290 = arith.muli %add3A_280, %mul3A_289 : i32
        %get3A_291 = arith.index_cast %mul3A_290 : i32 to index
        %get3A_292 = tpu.vector_load %arg8[%get3A_291] {strides = array<i32>} : memref<15664xi32, #tpu.memory_space<vmem>>, vector<16xi32>,
        %and3A_293 = arith.constant 7 : i32
        %and3A_294 = vector.broadcast %and3A_293 : i32 to vector<16xi32>
        %and3A_295 = arith.andi %iota3A, %and3A_294 : vector<16xi32>
        %add3A_296 = arith.constant 5120 : i32
        %add3A_297 = vector.broadcast %add3A_296 : i32 to vector<16xi32>
        %add3A_298 = arith.addi %add3A_297, %and3A_295 : vector<16xi32>
        %select_n3A_299 = arith.select %lt3A_281, %get3A_292, %add3A_298 : vector<16xi1>, vector<16xi32>
        %dma_start3A = arith.constant 0 : i32
        %dma_start3A_300 = arith.constant 0 : i32
        %dma_start3A_301 = tpu.memref_slice %arg2[%dma_start3A, %dma_start3A_300] : memref<102400x128xf32, #tpu.memory_space<hbm>> -> memref<102400x128xf32, #tpu.memory_space<hbm>>
        tpu.enqueue_indirect_dma source(%dma_start3A_301 : memref<102400x128xf32, #tpu.memory_space<hbm>>) target(%arg9 : memref<16x128xf32, #tpu.memory_space<vmem>>) offsets(%add3A_288 : vector<16xi32>) semaphore(%arg21 : memref<!tpu.dma_semaphore, #tpu.memory_space<semaphore_mem>>)
        %add3A_302 = arith.constant 1 : i32
        %add3A_303 = vector.broadcast %add3A_302 : i32 to vector<16xi32>
        %add3A_304 = arith.addi %while3A_276, %add3A_303 : vector<16xi32>
        %mul3A_305 = arith.constant 8 : i32
        %mul3A_306 = arith.muli %while3A_275, %mul3A_305 : i32
        %add3A_307 = arith.constant 1 : i32
        %add3A_308 = arith.addi %mul3A_306, %add3A_307 : i32
        %lt3A_309 = arith.cmpi slt, %add3A_304, %scan3A_85 : vector<16xi32>
        %mul3A_310 = arith.constant 16 : i32
        %mul3A_311 = arith.muli %add3A_308, %mul3A_310 : i32
        %get3A_312 = arith.index_cast %mul3A_311 : i32 to index
        %get3A_313 = tpu.vector_load %arg7[%get3A_312] {strides = array<i32>} : memref<15664xi32, #tpu.memory_space<vmem>>, vector<16xi32>,
        %select_n3A_314 = arith.select %lt3A_309, %get3A_313, %add3A_16 : vector<16xi1>, vector<16xi32>
        %add3A_315 = vector.broadcast %mul3A_1 : i32 to vector<16xi32>
        %add3A_316 = arith.addi %add3A_315, %select_n3A_314 : vector<16xi32>
        %mul3A_317 = arith.constant 16 : i32
        %mul3A_318 = arith.muli %add3A_308, %mul3A_317 : i32
        %get3A_319 = arith.index_cast %mul3A_318 : i32 to index
        %get3A_320 = tpu.vector_load %arg8[%get3A_319] {strides = array<i32>} : memref<15664xi32, #tpu.memory_space<vmem>>, vector<16xi32>,
        %and3A_321 = arith.constant 7 : i32
        %and3A_322 = vector.broadcast %and3A_321 : i32 to vector<16xi32>
        %and3A_323 = arith.andi %iota3A, %and3A_322 : vector<16xi32>
        %add3A_324 = arith.constant 5120 : i32
        %add3A_325 = vector.broadcast %add3A_324 : i32 to vector<16xi32>
        %add3A_326 = arith.addi %add3A_325, %and3A_323 : vector<16xi32>
        %select_n3A_327 = arith.select %lt3A_309, %get3A_320, %add3A_326 : vector<16xi1>, vector<16xi32>
        %dma_start3A_328 = arith.constant 0 : i32
        %dma_start3A_329 = arith.constant 0 : i32
        %dma_start3A_330 = tpu.memref_slice %arg2[%dma_start3A_328, %dma_start3A_329] : memref<102400x128xf32, #tpu.memory_space<hbm>> -> memref<102400x128xf32, #tpu.memory_space<hbm>>
        tpu.enqueue_indirect_dma source(%dma_start3A_330 : memref<102400x128xf32, #tpu.memory_space<hbm>>) target(%arg10 : memref<16x128xf32, #tpu.memory_space<vmem>>) offsets(%add3A_316 : vector<16xi32>) semaphore(%arg21 : memref<!tpu.dma_semaphore, #tpu.memory_space<semaphore_mem>>)
        %add3A_331 = arith.constant 1 : i32
        %add3A_332 = vector.broadcast %add3A_331 : i32 to vector<16xi32>
        %add3A_333 = arith.addi %add3A_304, %add3A_332 : vector<16xi32>
        %mul3A_334 = arith.constant 8 : i32
        %mul3A_335 = arith.muli %while3A_275, %mul3A_334 : i32
        %add3A_336 = arith.constant 2 : i32
        %add3A_337 = arith.addi %mul3A_335, %add3A_336 : i32
        %lt3A_338 = arith.cmpi slt, %add3A_333, %scan3A_85 : vector<16xi32>
        %mul3A_339 = arith.constant 16 : i32
        %mul3A_340 = arith.muli %add3A_337, %mul3A_339 : i32
        %get3A_341 = arith.index_cast %mul3A_340 : i32 to index
        %get3A_342 = tpu.vector_load %arg7[%get3A_341] {strides = array<i32>} : memref<15664xi32, #tpu.memory_space<vmem>>, vector<16xi32>,
        %select_n3A_343 = arith.select %lt3A_338, %get3A_342, %add3A_16 : vector<16xi1>, vector<16xi32>
        %add3A_344 = vector.broadcast %mul3A_1 : i32 to vector<16xi32>
        %add3A_345 = arith.addi %add3A_344, %select_n3A_343 : vector<16xi32>
        %mul3A_346 = arith.constant 16 : i32
        %mul3A_347 = arith.muli %add3A_337, %mul3A_346 : i32
        %get3A_348 = arith.index_cast %mul3A_347 : i32 to index
        %get3A_349 = tpu.vector_load %arg8[%get3A_348] {strides = array<i32>} : memref<15664xi32, #tpu.memory_space<vmem>>, vector<16xi32>,
        %and3A_350 = arith.constant 7 : i32
        %and3A_351 = vector.broadcast %and3A_350 : i32 to vector<16xi32>
        %and3A_352 = arith.andi %iota3A, %and3A_351 : vector<16xi32>
        %add3A_353 = arith.constant 5120 : i32
        %add3A_354 = vector.broadcast %add3A_353 : i32 to vector<16xi32>
        %add3A_355 = arith.addi %add3A_354, %and3A_352 : vector<16xi32>
        %select_n3A_356 = arith.select %lt3A_338, %get3A_349, %add3A_355 : vector<16xi1>, vector<16xi32>
        %dma_start3A_357 = arith.constant 0 : i32
        %dma_start3A_358 = arith.constant 0 : i32
        %dma_start3A_359 = tpu.memref_slice %arg2[%dma_start3A_357, %dma_start3A_358] : memref<102400x128xf32, #tpu.memory_space<hbm>> -> memref<102400x128xf32, #tpu.memory_space<hbm>>
        tpu.enqueue_indirect_dma source(%dma_start3A_359 : memref<102400x128xf32, #tpu.memory_space<hbm>>) target(%arg11 : memref<16x128xf32, #tpu.memory_space<vmem>>) offsets(%add3A_345 : vector<16xi32>) semaphore(%arg21 : memref<!tpu.dma_semaphore, #tpu.memory_space<semaphore_mem>>)
        %add3A_360 = arith.constant 1 : i32
        %add3A_361 = vector.broadcast %add3A_360 : i32 to vector<16xi32>
        %add3A_362 = arith.addi %add3A_333, %add3A_361 : vector<16xi32>
        %mul3A_363 = arith.constant 8 : i32
        %mul3A_364 = arith.muli %while3A_275, %mul3A_363 : i32
        %add3A_365 = arith.constant 3 : i32
        %add3A_366 = arith.addi %mul3A_364, %add3A_365 : i32
        %lt3A_367 = arith.cmpi slt, %add3A_362, %scan3A_85 : vector<16xi32>
        %mul3A_368 = arith.constant 16 : i32
        %mul3A_369 = arith.muli %add3A_366, %mul3A_368 : i32
        %get3A_370 = arith.index_cast %mul3A_369 : i32 to index
        %get3A_371 = tpu.vector_load %arg7[%get3A_370] {strides = array<i32>} : memref<15664xi32, #tpu.memory_space<vmem>>, vector<16xi32>,
        %select_n3A_372 = arith.select %lt3A_367, %get3A_371, %add3A_16 : vector<16xi1>, vector<16xi32>
        %add3A_373 = vector.broadcast %mul3A_1 : i32 to vector<16xi32>
        %add3A_374 = arith.addi %add3A_373, %select_n3A_372 : vector<16xi32>
        %mul3A_375 = arith.constant 16 : i32
        %mul3A_376 = arith.muli %add3A_366, %mul3A_375 : i32
        %get3A_377 = arith.index_cast %mul3A_376 : i32 to index
        %get3A_378 = tpu.vector_load %arg8[%get3A_377] {strides = array<i32>} : memref<15664xi32, #tpu.memory_space<vmem>>, vector<16xi32>,
        %and3A_379 = arith.constant 7 : i32
        %and3A_380 = vector.broadcast %and3A_379 : i32 to vector<16xi32>
        %and3A_381 = arith.andi %iota3A, %and3A_380 : vector<16xi32>
        %add3A_382 = arith.constant 5120 : i32
        %add3A_383 = vector.broadcast %add3A_382 : i32 to vector<16xi32>
        %add3A_384 = arith.addi %add3A_383, %and3A_381 : vector<16xi32>
        %select_n3A_385 = arith.select %lt3A_367, %get3A_378, %add3A_384 : vector<16xi1>, vector<16xi32>
        %dma_start3A_386 = arith.constant 0 : i32
        %dma_start3A_387 = arith.constant 0 : i32
        %dma_start3A_388 = tpu.memref_slice %arg2[%dma_start3A_386, %dma_start3A_387] : memref<102400x128xf32, #tpu.memory_space<hbm>> -> memref<102400x128xf32, #tpu.memory_space<hbm>>
        tpu.enqueue_indirect_dma source(%dma_start3A_388 : memref<102400x128xf32, #tpu.memory_space<hbm>>) target(%arg12 : memref<16x128xf32, #tpu.memory_space<vmem>>) offsets(%add3A_374 : vector<16xi32>) semaphore(%arg21 : memref<!tpu.dma_semaphore, #tpu.memory_space<semaphore_mem>>)
        %add3A_389 = arith.constant 1 : i32
        %add3A_390 = vector.broadcast %add3A_389 : i32 to vector<16xi32>
        %add3A_391 = arith.addi %add3A_362, %add3A_390 : vector<16xi32>
        %mul3A_392 = arith.constant 8 : i32
        %mul3A_393 = arith.muli %while3A_275, %mul3A_392 : i32
        %add3A_394 = arith.constant 4 : i32
        %add3A_395 = arith.addi %mul3A_393, %add3A_394 : i32
        %lt3A_396 = arith.cmpi slt, %add3A_391, %scan3A_85 : vector<16xi32>
        %mul3A_397 = arith.constant 16 : i32
        %mul3A_398 = arith.muli %add3A_395, %mul3A_397 : i32
        %get3A_399 = arith.index_cast %mul3A_398 : i32 to index
        %get3A_400 = tpu.vector_load %arg7[%get3A_399] {strides = array<i32>} : memref<15664xi32, #tpu.memory_space<vmem>>, vector<16xi32>,
        %select_n3A_401 = arith.select %lt3A_396, %get3A_400, %add3A_16 : vector<16xi1>, vector<16xi32>
        %add3A_402 = vector.broadcast %mul3A_1 : i32 to vector<16xi32>
        %add3A_403 = arith.addi %add3A_402, %select_n3A_401 : vector<16xi32>
        %mul3A_404 = arith.constant 16 : i32
        %mul3A_405 = arith.muli %add3A_395, %mul3A_404 : i32
        %get3A_406 = arith.index_cast %mul3A_405 : i32 to index
        %get3A_407 = tpu.vector_load %arg8[%get3A_406] {strides = array<i32>} : memref<15664xi32, #tpu.memory_space<vmem>>, vector<16xi32>,
        %and3A_408 = arith.constant 7 : i32
        %and3A_409 = vector.broadcast %and3A_408 : i32 to vector<16xi32>
        %and3A_410 = arith.andi %iota3A, %and3A_409 : vector<16xi32>
        %add3A_411 = arith.constant 5120 : i32
        %add3A_412 = vector.broadcast %add3A_411 : i32 to vector<16xi32>
        %add3A_413 = arith.addi %add3A_412, %and3A_410 : vector<16xi32>
        %select_n3A_414 = arith.select %lt3A_396, %get3A_407, %add3A_413 : vector<16xi1>, vector<16xi32>
        %dma_start3A_415 = arith.constant 0 : i32
        %dma_start3A_416 = arith.constant 0 : i32
        %dma_start3A_417 = tpu.memref_slice %arg2[%dma_start3A_415, %dma_start3A_416] : memref<102400x128xf32, #tpu.memory_space<hbm>> -> memref<102400x128xf32, #tpu.memory_space<hbm>>
        tpu.enqueue_indirect_dma source(%dma_start3A_417 : memref<102400x128xf32, #tpu.memory_space<hbm>>) target(%arg13 : memref<16x128xf32, #tpu.memory_space<vmem>>) offsets(%add3A_403 : vector<16xi32>) semaphore(%arg21 : memref<!tpu.dma_semaphore, #tpu.memory_space<semaphore_mem>>)
        %add3A_418 = arith.constant 1 : i32
        %add3A_419 = vector.broadcast %add3A_418 : i32 to vector<16xi32>
        %add3A_420 = arith.addi %add3A_391, %add3A_419 : vector<16xi32>
        %mul3A_421 = arith.constant 8 : i32
        %mul3A_422 = arith.muli %while3A_275, %mul3A_421 : i32
        %add3A_423 = arith.constant 5 : i32
        %add3A_424 = arith.addi %mul3A_422, %add3A_423 : i32
        %lt3A_425 = arith.cmpi slt, %add3A_420, %scan3A_85 : vector<16xi32>
        %mul3A_426 = arith.constant 16 : i32
        %mul3A_427 = arith.muli %add3A_424, %mul3A_426 : i32
        %get3A_428 = arith.index_cast %mul3A_427 : i32 to index
        %get3A_429 = tpu.vector_load %arg7[%get3A_428] {strides = array<i32>} : memref<15664xi32, #tpu.memory_space<vmem>>, vector<16xi32>,
        %select_n3A_430 = arith.select %lt3A_425, %get3A_429, %add3A_16 : vector<16xi1>, vector<16xi32>
        %add3A_431 = vector.broadcast %mul3A_1 : i32 to vector<16xi32>
        %add3A_432 = arith.addi %add3A_431, %select_n3A_430 : vector<16xi32>
        %mul3A_433 = arith.constant 16 : i32
        %mul3A_434 = arith.muli %add3A_424, %mul3A_433 : i32
        %get3A_435 = arith.index_cast %mul3A_434 : i32 to index
        %get3A_436 = tpu.vector_load %arg8[%get3A_435] {strides = array<i32>} : memref<15664xi32, #tpu.memory_space<vmem>>, vector<16xi32>,
        %and3A_437 = arith.constant 7 : i32
        %and3A_438 = vector.broadcast %and3A_437 : i32 to vector<16xi32>
        %and3A_439 = arith.andi %iota3A, %and3A_438 : vector<16xi32>
        %add3A_440 = arith.constant 5120 : i32
        %add3A_441 = vector.broadcast %add3A_440 : i32 to vector<16xi32>
        %add3A_442 = arith.addi %add3A_441, %and3A_439 : vector<16xi32>
        %select_n3A_443 = arith.select %lt3A_425, %get3A_436, %add3A_442 : vector<16xi1>, vector<16xi32>
        %dma_start3A_444 = arith.constant 0 : i32
        %dma_start3A_445 = arith.constant 0 : i32
        %dma_start3A_446 = tpu.memref_slice %arg2[%dma_start3A_444, %dma_start3A_445] : memref<102400x128xf32, #tpu.memory_space<hbm>> -> memref<102400x128xf32, #tpu.memory_space<hbm>>
        tpu.enqueue_indirect_dma source(%dma_start3A_446 : memref<102400x128xf32, #tpu.memory_space<hbm>>) target(%arg14 : memref<16x128xf32, #tpu.memory_space<vmem>>) offsets(%add3A_432 : vector<16xi32>) semaphore(%arg21 : memref<!tpu.dma_semaphore, #tpu.memory_space<semaphore_mem>>)
        %add3A_447 = arith.constant 1 : i32
        %add3A_448 = vector.broadcast %add3A_447 : i32 to vector<16xi32>
        %add3A_449 = arith.addi %add3A_420, %add3A_448 : vector<16xi32>
        %mul3A_450 = arith.constant 8 : i32
        %mul3A_451 = arith.muli %while3A_275, %mul3A_450 : i32
        %add3A_452 = arith.constant 6 : i32
        %add3A_453 = arith.addi %mul3A_451, %add3A_452 : i32
        %lt3A_454 = arith.cmpi slt, %add3A_449, %scan3A_85 : vector<16xi32>
        %mul3A_455 = arith.constant 16 : i32
        %mul3A_456 = arith.muli %add3A_453, %mul3A_455 : i32
        %get3A_457 = arith.index_cast %mul3A_456 : i32 to index
        %get3A_458 = tpu.vector_load %arg7[%get3A_457] {strides = array<i32>} : memref<15664xi32, #tpu.memory_space<vmem>>, vector<16xi32>,
        %select_n3A_459 = arith.select %lt3A_454, %get3A_458, %add3A_16 : vector<16xi1>, vector<16xi32>
        %add3A_460 = vector.broadcast %mul3A_1 : i32 to vector<16xi32>
        %add3A_461 = arith.addi %add3A_460, %select_n3A_459 : vector<16xi32>
        %mul3A_462 = arith.constant 16 : i32
        %mul3A_463 = arith.muli %add3A_453, %mul3A_462 : i32
        %get3A_464 = arith.index_cast %mul3A_463 : i32 to index
        %get3A_465 = tpu.vector_load %arg8[%get3A_464] {strides = array<i32>} : memref<15664xi32, #tpu.memory_space<vmem>>, vector<16xi32>,
        %and3A_466 = arith.constant 7 : i32
        %and3A_467 = vector.broadcast %and3A_466 : i32 to vector<16xi32>
        %and3A_468 = arith.andi %iota3A, %and3A_467 : vector<16xi32>
        %add3A_469 = arith.constant 5120 : i32
        %add3A_470 = vector.broadcast %add3A_469 : i32 to vector<16xi32>
        %add3A_471 = arith.addi %add3A_470, %and3A_468 : vector<16xi32>
        %select_n3A_472 = arith.select %lt3A_454, %get3A_465, %add3A_471 : vector<16xi1>, vector<16xi32>
        %dma_start3A_473 = arith.constant 0 : i32
        %dma_start3A_474 = arith.constant 0 : i32
        %dma_start3A_475 = tpu.memref_slice %arg2[%dma_start3A_473, %dma_start3A_474] : memref<102400x128xf32, #tpu.memory_space<hbm>> -> memref<102400x128xf32, #tpu.memory_space<hbm>>
        tpu.enqueue_indirect_dma source(%dma_start3A_475 : memref<102400x128xf32, #tpu.memory_space<hbm>>) target(%arg15 : memref<16x128xf32, #tpu.memory_space<vmem>>) offsets(%add3A_461 : vector<16xi32>) semaphore(%arg21 : memref<!tpu.dma_semaphore, #tpu.memory_space<semaphore_mem>>)
        %add3A_476 = arith.constant 1 : i32
        %add3A_477 = vector.broadcast %add3A_476 : i32 to vector<16xi32>
        %add3A_478 = arith.addi %add3A_449, %add3A_477 : vector<16xi32>
        %mul3A_479 = arith.constant 8 : i32
        %mul3A_480 = arith.muli %while3A_275, %mul3A_479 : i32
        %add3A_481 = arith.constant 7 : i32
        %add3A_482 = arith.addi %mul3A_480, %add3A_481 : i32
        %lt3A_483 = arith.cmpi slt, %add3A_478, %scan3A_85 : vector<16xi32>
        %mul3A_484 = arith.constant 16 : i32
        %mul3A_485 = arith.muli %add3A_482, %mul3A_484 : i32
        %get3A_486 = arith.index_cast %mul3A_485 : i32 to index
        %get3A_487 = tpu.vector_load %arg7[%get3A_486] {strides = array<i32>} : memref<15664xi32, #tpu.memory_space<vmem>>, vector<16xi32>,
        %select_n3A_488 = arith.select %lt3A_483, %get3A_487, %add3A_16 : vector<16xi1>, vector<16xi32>
        %add3A_489 = vector.broadcast %mul3A_1 : i32 to vector<16xi32>
        %add3A_490 = arith.addi %add3A_489, %select_n3A_488 : vector<16xi32>
        %mul3A_491 = arith.constant 16 : i32
        %mul3A_492 = arith.muli %add3A_482, %mul3A_491 : i32
        %get3A_493 = arith.index_cast %mul3A_492 : i32 to index
        %get3A_494 = tpu.vector_load %arg8[%get3A_493] {strides = array<i32>} : memref<15664xi32, #tpu.memory_space<vmem>>, vector<16xi32>,
        %and3A_495 = arith.constant 7 : i32
        %and3A_496 = vector.broadcast %and3A_495 : i32 to vector<16xi32>
        %and3A_497 = arith.andi %iota3A, %and3A_496 : vector<16xi32>
        %add3A_498 = arith.constant 5120 : i32
        %add3A_499 = vector.broadcast %add3A_498 : i32 to vector<16xi32>
        %add3A_500 = arith.addi %add3A_499, %and3A_497 : vector<16xi32>
        %select_n3A_501 = arith.select %lt3A_483, %get3A_494, %add3A_500 : vector<16xi1>, vector<16xi32>
        %dma_start3A_502 = arith.constant 0 : i32
        %dma_start3A_503 = arith.constant 0 : i32
        %dma_start3A_504 = tpu.memref_slice %arg2[%dma_start3A_502, %dma_start3A_503] : memref<102400x128xf32, #tpu.memory_space<hbm>> -> memref<102400x128xf32, #tpu.memory_space<hbm>>
        tpu.enqueue_indirect_dma source(%dma_start3A_504 : memref<102400x128xf32, #tpu.memory_space<hbm>>) target(%arg16 : memref<16x128xf32, #tpu.memory_space<vmem>>) offsets(%add3A_490 : vector<16xi32>) semaphore(%arg21 : memref<!tpu.dma_semaphore, #tpu.memory_space<semaphore_mem>>)
        %add3A_505 = arith.constant 1 : i32
        %add3A_506 = vector.broadcast %add3A_505 : i32 to vector<16xi32>
        %add3A_507 = arith.addi %add3A_478, %add3A_506 : vector<16xi32>
        %dma_wait3A = arith.constant 0 : i32
        %dma_wait3A_508 = arith.constant 0 : i32
        %dma_wait3A_509 = tpu.memref_slice %arg2[%dma_wait3A, %dma_wait3A_508] : memref<102400x128xf32, #tpu.memory_space<hbm>> -> memref<102400x128xf32, #tpu.memory_space<hbm>>
        tpu.wait_indirect_dma semaphore(%arg21 : memref<!tpu.dma_semaphore, #tpu.memory_space<semaphore_mem>>) src(%dma_wait3A_509 : memref<102400x128xf32, #tpu.memory_space<hbm>>) dst(%arg9 : memref<16x128xf32, #tpu.memory_space<vmem>>)
        %dma_start3A_510 = arith.constant 0 : i32
        %dma_start3A_511 = arith.constant 0 : i32
        %dma_start3A_512 = tpu.memref_slice %arg22[%dma_start3A_510, %dma_start3A_511] : memref<5128x128xf32, #tpu.memory_space<vmem_shared>> -> memref<5128x128xf32, #tpu.memory_space<vmem_shared>>
        tpu.enqueue_indirect_dma source(%arg9 : memref<16x128xf32, #tpu.memory_space<vmem>>) target(%dma_start3A_512 : memref<5128x128xf32, #tpu.memory_space<vmem_shared>>) offsets(%select_n3A_299 : vector<16xi32>) semaphore(%arg20 : memref<!tpu.dma_semaphore, #tpu.memory_space<semaphore_mem>>) {add = true}
        %dma_wait3A_513 = arith.constant 0 : i32
        %dma_wait3A_514 = arith.constant 0 : i32
        %dma_wait3A_515 = tpu.memref_slice %arg2[%dma_wait3A_513, %dma_wait3A_514] : memref<102400x128xf32, #tpu.memory_space<hbm>> -> memref<102400x128xf32, #tpu.memory_space<hbm>>
        tpu.wait_indirect_dma semaphore(%arg21 : memref<!tpu.dma_semaphore, #tpu.memory_space<semaphore_mem>>) src(%dma_wait3A_515 : memref<102400x128xf32, #tpu.memory_space<hbm>>) dst(%arg10 : memref<16x128xf32, #tpu.memory_space<vmem>>)
        %dma_start3A_516 = arith.constant 0 : i32
        %dma_start3A_517 = arith.constant 0 : i32
        %dma_start3A_518 = tpu.memref_slice %arg22[%dma_start3A_516, %dma_start3A_517] : memref<5128x128xf32, #tpu.memory_space<vmem_shared>> -> memref<5128x128xf32, #tpu.memory_space<vmem_shared>>
        tpu.enqueue_indirect_dma source(%arg10 : memref<16x128xf32, #tpu.memory_space<vmem>>) target(%dma_start3A_518 : memref<5128x128xf32, #tpu.memory_space<vmem_shared>>) offsets(%select_n3A_327 : vector<16xi32>) semaphore(%arg20 : memref<!tpu.dma_semaphore, #tpu.memory_space<semaphore_mem>>) {add = true}
        %dma_wait3A_519 = arith.constant 0 : i32
        %dma_wait3A_520 = arith.constant 0 : i32
        %dma_wait3A_521 = tpu.memref_slice %arg2[%dma_wait3A_519, %dma_wait3A_520] : memref<102400x128xf32, #tpu.memory_space<hbm>> -> memref<102400x128xf32, #tpu.memory_space<hbm>>
        tpu.wait_indirect_dma semaphore(%arg21 : memref<!tpu.dma_semaphore, #tpu.memory_space<semaphore_mem>>) src(%dma_wait3A_521 : memref<102400x128xf32, #tpu.memory_space<hbm>>) dst(%arg11 : memref<16x128xf32, #tpu.memory_space<vmem>>)
        %dma_start3A_522 = arith.constant 0 : i32
        %dma_start3A_523 = arith.constant 0 : i32
        %dma_start3A_524 = tpu.memref_slice %arg22[%dma_start3A_522, %dma_start3A_523] : memref<5128x128xf32, #tpu.memory_space<vmem_shared>> -> memref<5128x128xf32, #tpu.memory_space<vmem_shared>>
        tpu.enqueue_indirect_dma source(%arg11 : memref<16x128xf32, #tpu.memory_space<vmem>>) target(%dma_start3A_524 : memref<5128x128xf32, #tpu.memory_space<vmem_shared>>) offsets(%select_n3A_356 : vector<16xi32>) semaphore(%arg20 : memref<!tpu.dma_semaphore, #tpu.memory_space<semaphore_mem>>) {add = true}
        %dma_wait3A_525 = arith.constant 0 : i32
        %dma_wait3A_526 = arith.constant 0 : i32
        %dma_wait3A_527 = tpu.memref_slice %arg2[%dma_wait3A_525, %dma_wait3A_526] : memref<102400x128xf32, #tpu.memory_space<hbm>> -> memref<102400x128xf32, #tpu.memory_space<hbm>>
        tpu.wait_indirect_dma semaphore(%arg21 : memref<!tpu.dma_semaphore, #tpu.memory_space<semaphore_mem>>) src(%dma_wait3A_527 : memref<102400x128xf32, #tpu.memory_space<hbm>>) dst(%arg12 : memref<16x128xf32, #tpu.memory_space<vmem>>)
        %dma_start3A_528 = arith.constant 0 : i32
        %dma_start3A_529 = arith.constant 0 : i32
        %dma_start3A_530 = tpu.memref_slice %arg22[%dma_start3A_528, %dma_start3A_529] : memref<5128x128xf32, #tpu.memory_space<vmem_shared>> -> memref<5128x128xf32, #tpu.memory_space<vmem_shared>>
        tpu.enqueue_indirect_dma source(%arg12 : memref<16x128xf32, #tpu.memory_space<vmem>>) target(%dma_start3A_530 : memref<5128x128xf32, #tpu.memory_space<vmem_shared>>) offsets(%select_n3A_385 : vector<16xi32>) semaphore(%arg20 : memref<!tpu.dma_semaphore, #tpu.memory_space<semaphore_mem>>) {add = true}
        %dma_wait3A_531 = arith.constant 0 : i32
        %dma_wait3A_532 = arith.constant 0 : i32
        %dma_wait3A_533 = tpu.memref_slice %arg2[%dma_wait3A_531, %dma_wait3A_532] : memref<102400x128xf32, #tpu.memory_space<hbm>> -> memref<102400x128xf32, #tpu.memory_space<hbm>>
        tpu.wait_indirect_dma semaphore(%arg21 : memref<!tpu.dma_semaphore, #tpu.memory_space<semaphore_mem>>) src(%dma_wait3A_533 : memref<102400x128xf32, #tpu.memory_space<hbm>>) dst(%arg13 : memref<16x128xf32, #tpu.memory_space<vmem>>)
        %dma_start3A_534 = arith.constant 0 : i32
        %dma_start3A_535 = arith.constant 0 : i32
        %dma_start3A_536 = tpu.memref_slice %arg22[%dma_start3A_534, %dma_start3A_535] : memref<5128x128xf32, #tpu.memory_space<vmem_shared>> -> memref<5128x128xf32, #tpu.memory_space<vmem_shared>>
        tpu.enqueue_indirect_dma source(%arg13 : memref<16x128xf32, #tpu.memory_space<vmem>>) target(%dma_start3A_536 : memref<5128x128xf32, #tpu.memory_space<vmem_shared>>) offsets(%select_n3A_414 : vector<16xi32>) semaphore(%arg20 : memref<!tpu.dma_semaphore, #tpu.memory_space<semaphore_mem>>) {add = true}
        %dma_wait3A_537 = arith.constant 0 : i32
        %dma_wait3A_538 = arith.constant 0 : i32
        %dma_wait3A_539 = tpu.memref_slice %arg2[%dma_wait3A_537, %dma_wait3A_538] : memref<102400x128xf32, #tpu.memory_space<hbm>> -> memref<102400x128xf32, #tpu.memory_space<hbm>>
        tpu.wait_indirect_dma semaphore(%arg21 : memref<!tpu.dma_semaphore, #tpu.memory_space<semaphore_mem>>) src(%dma_wait3A_539 : memref<102400x128xf32, #tpu.memory_space<hbm>>) dst(%arg14 : memref<16x128xf32, #tpu.memory_space<vmem>>)
        %dma_start3A_540 = arith.constant 0 : i32
        %dma_start3A_541 = arith.constant 0 : i32
        %dma_start3A_542 = tpu.memref_slice %arg22[%dma_start3A_540, %dma_start3A_541] : memref<5128x128xf32, #tpu.memory_space<vmem_shared>> -> memref<5128x128xf32, #tpu.memory_space<vmem_shared>>
        tpu.enqueue_indirect_dma source(%arg14 : memref<16x128xf32, #tpu.memory_space<vmem>>) target(%dma_start3A_542 : memref<5128x128xf32, #tpu.memory_space<vmem_shared>>) offsets(%select_n3A_443 : vector<16xi32>) semaphore(%arg20 : memref<!tpu.dma_semaphore, #tpu.memory_space<semaphore_mem>>) {add = true}
        %dma_wait3A_543 = arith.constant 0 : i32
        %dma_wait3A_544 = arith.constant 0 : i32
        %dma_wait3A_545 = tpu.memref_slice %arg2[%dma_wait3A_543, %dma_wait3A_544] : memref<102400x128xf32, #tpu.memory_space<hbm>> -> memref<102400x128xf32, #tpu.memory_space<hbm>>
        tpu.wait_indirect_dma semaphore(%arg21 : memref<!tpu.dma_semaphore, #tpu.memory_space<semaphore_mem>>) src(%dma_wait3A_545 : memref<102400x128xf32, #tpu.memory_space<hbm>>) dst(%arg15 : memref<16x128xf32, #tpu.memory_space<vmem>>)
        %dma_start3A_546 = arith.constant 0 : i32
        %dma_start3A_547 = arith.constant 0 : i32
        %dma_start3A_548 = tpu.memref_slice %arg22[%dma_start3A_546, %dma_start3A_547] : memref<5128x128xf32, #tpu.memory_space<vmem_shared>> -> memref<5128x128xf32, #tpu.memory_space<vmem_shared>>
        tpu.enqueue_indirect_dma source(%arg15 : memref<16x128xf32, #tpu.memory_space<vmem>>) target(%dma_start3A_548 : memref<5128x128xf32, #tpu.memory_space<vmem_shared>>) offsets(%select_n3A_472 : vector<16xi32>) semaphore(%arg20 : memref<!tpu.dma_semaphore, #tpu.memory_space<semaphore_mem>>) {add = true}
        %dma_wait3A_549 = arith.constant 0 : i32
        %dma_wait3A_550 = arith.constant 0 : i32
        %dma_wait3A_551 = tpu.memref_slice %arg2[%dma_wait3A_549, %dma_wait3A_550] : memref<102400x128xf32, #tpu.memory_space<hbm>> -> memref<102400x128xf32, #tpu.memory_space<hbm>>
        tpu.wait_indirect_dma semaphore(%arg21 : memref<!tpu.dma_semaphore, #tpu.memory_space<semaphore_mem>>) src(%dma_wait3A_551 : memref<102400x128xf32, #tpu.memory_space<hbm>>) dst(%arg16 : memref<16x128xf32, #tpu.memory_space<vmem>>)
        %dma_start3A_552 = arith.constant 0 : i32
        %dma_start3A_553 = arith.constant 0 : i32
        %dma_start3A_554 = tpu.memref_slice %arg22[%dma_start3A_552, %dma_start3A_553] : memref<5128x128xf32, #tpu.memory_space<vmem_shared>> -> memref<5128x128xf32, #tpu.memory_space<vmem_shared>>
        tpu.enqueue_indirect_dma source(%arg16 : memref<16x128xf32, #tpu.memory_space<vmem>>) target(%dma_start3A_554 : memref<5128x128xf32, #tpu.memory_space<vmem_shared>>) offsets(%select_n3A_501 : vector<16xi32>) semaphore(%arg20 : memref<!tpu.dma_semaphore, #tpu.memory_space<semaphore_mem>>) {add = true}
        %dma_wait3A_555 = arith.constant 0 : i32
        %dma_wait3A_556 = arith.constant 0 : i32
        %dma_wait3A_557 = tpu.memref_slice %arg22[%dma_wait3A_555, %dma_wait3A_556] : memref<5128x128xf32, #tpu.memory_space<vmem_shared>> -> memref<5128x128xf32, #tpu.memory_space<vmem_shared>>
        tpu.wait_indirect_dma semaphore(%arg20 : memref<!tpu.dma_semaphore, #tpu.memory_space<semaphore_mem>>) src(%arg9 : memref<16x128xf32, #tpu.memory_space<vmem>>) dst(%dma_wait3A_557 : memref<5128x128xf32, #tpu.memory_space<vmem_shared>>)
        %dma_wait3A_558 = arith.constant 0 : i32
        %dma_wait3A_559 = arith.constant 0 : i32
        %dma_wait3A_560 = tpu.memref_slice %arg22[%dma_wait3A_558, %dma_wait3A_559] : memref<5128x128xf32, #tpu.memory_space<vmem_shared>> -> memref<5128x128xf32, #tpu.memory_space<vmem_shared>>
        tpu.wait_indirect_dma semaphore(%arg20 : memref<!tpu.dma_semaphore, #tpu.memory_space<semaphore_mem>>) src(%arg10 : memref<16x128xf32, #tpu.memory_space<vmem>>) dst(%dma_wait3A_560 : memref<5128x128xf32, #tpu.memory_space<vmem_shared>>)
        %dma_wait3A_561 = arith.constant 0 : i32
        %dma_wait3A_562 = arith.constant 0 : i32
        %dma_wait3A_563 = tpu.memref_slice %arg22[%dma_wait3A_561, %dma_wait3A_562] : memref<5128x128xf32, #tpu.memory_space<vmem_shared>> -> memref<5128x128xf32, #tpu.memory_space<vmem_shared>>
        tpu.wait_indirect_dma semaphore(%arg20 : memref<!tpu.dma_semaphore, #tpu.memory_space<semaphore_mem>>) src(%arg11 : memref<16x128xf32, #tpu.memory_space<vmem>>) dst(%dma_wait3A_563 : memref<5128x128xf32, #tpu.memory_space<vmem_shared>>)
        %dma_wait3A_564 = arith.constant 0 : i32
        %dma_wait3A_565 = arith.constant 0 : i32
        %dma_wait3A_566 = tpu.memref_slice %arg22[%dma_wait3A_564, %dma_wait3A_565] : memref<5128x128xf32, #tpu.memory_space<vmem_shared>> -> memref<5128x128xf32, #tpu.memory_space<vmem_shared>>
        tpu.wait_indirect_dma semaphore(%arg20 : memref<!tpu.dma_semaphore, #tpu.memory_space<semaphore_mem>>) src(%arg12 : memref<16x128xf32, #tpu.memory_space<vmem>>) dst(%dma_wait3A_566 : memref<5128x128xf32, #tpu.memory_space<vmem_shared>>)
        %dma_wait3A_567 = arith.constant 0 : i32
        %dma_wait3A_568 = arith.constant 0 : i32
        %dma_wait3A_569 = tpu.memref_slice %arg22[%dma_wait3A_567, %dma_wait3A_568] : memref<5128x128xf32, #tpu.memory_space<vmem_shared>> -> memref<5128x128xf32, #tpu.memory_space<vmem_shared>>
        tpu.wait_indirect_dma semaphore(%arg20 : memref<!tpu.dma_semaphore, #tpu.memory_space<semaphore_mem>>) src(%arg13 : memref<16x128xf32, #tpu.memory_space<vmem>>) dst(%dma_wait3A_569 : memref<5128x128xf32, #tpu.memory_space<vmem_shared>>)
        %dma_wait3A_570 = arith.constant 0 : i32
        %dma_wait3A_571 = arith.constant 0 : i32
        %dma_wait3A_572 = tpu.memref_slice %arg22[%dma_wait3A_570, %dma_wait3A_571] : memref<5128x128xf32, #tpu.memory_space<vmem_shared>> -> memref<5128x128xf32, #tpu.memory_space<vmem_shared>>
        tpu.wait_indirect_dma semaphore(%arg20 : memref<!tpu.dma_semaphore, #tpu.memory_space<semaphore_mem>>) src(%arg14 : memref<16x128xf32, #tpu.memory_space<vmem>>) dst(%dma_wait3A_572 : memref<5128x128xf32, #tpu.memory_space<vmem_shared>>)
        %dma_wait3A_573 = arith.constant 0 : i32
        %dma_wait3A_574 = arith.constant 0 : i32
        %dma_wait3A_575 = tpu.memref_slice %arg22[%dma_wait3A_573, %dma_wait3A_574] : memref<5128x128xf32, #tpu.memory_space<vmem_shared>> -> memref<5128x128xf32, #tpu.memory_space<vmem_shared>>
        tpu.wait_indirect_dma semaphore(%arg20 : memref<!tpu.dma_semaphore, #tpu.memory_space<semaphore_mem>>) src(%arg15 : memref<16x128xf32, #tpu.memory_space<vmem>>) dst(%dma_wait3A_575 : memref<5128x128xf32, #tpu.memory_space<vmem_shared>>)
        %dma_wait3A_576 = arith.constant 0 : i32
        %dma_wait3A_577 = arith.constant 0 : i32
        %dma_wait3A_578 = tpu.memref_slice %arg22[%dma_wait3A_576, %dma_wait3A_577] : memref<5128x128xf32, #tpu.memory_space<vmem_shared>> -> memref<5128x128xf32, #tpu.memory_space<vmem_shared>>
        tpu.wait_indirect_dma semaphore(%arg20 : memref<!tpu.dma_semaphore, #tpu.memory_space<semaphore_mem>>) src(%arg16 : memref<16x128xf32, #tpu.memory_space<vmem>>) dst(%dma_wait3A_578 : memref<5128x128xf32, #tpu.memory_space<vmem_shared>>)
        scf.yield %add3A_507 : vector<16xi32>
      }
      %while3A_170 = arith.constant 1 : i32
      %while3A_171 = scf.for %while3A_275 = %while3A_167 to %while3A_163 step %while3A_170 iter_args(%while3A_276 = %while3A_169) -> (vector<16xi32>)  : i32 {
        %mul3A_277 = arith.constant 8 : i32
        %mul3A_278 = arith.muli %while3A_275, %mul3A_277 : i32
        %add3A_279 = arith.constant 0 : i32
        %add3A_280 = arith.addi %mul3A_278, %add3A_279 : i32
        %lt3A_281 = arith.cmpi slt, %while3A_276, %scan3A_85 : vector<16xi32>
        %mul3A_282 = arith.constant 16 : i32
        %mul3A_283 = arith.muli %add3A_280, %mul3A_282 : i32
        %get3A_284 = arith.index_cast %mul3A_283 : i32 to index
        %get3A_285 = tpu.vector_load %arg7[%get3A_284] {strides = array<i32>} : memref<15664xi32, #tpu.memory_space<vmem>>, vector<16xi32>,
        %select_n3A_286 = arith.select %lt3A_281, %get3A_285, %add3A_16 : vector<16xi1>, vector<16xi32>
        %add3A_287 = vector.broadcast %mul3A_1 : i32 to vector<16xi32>
        %add3A_288 = arith.addi %add3A_287, %select_n3A_286 : vector<16xi32>
        %mul3A_289 = arith.constant 16 : i32
        %mul3A_290 = arith.muli %add3A_280, %mul3A_289 : i32
        %get3A_291 = arith.index_cast %mul3A_290 : i32 to index
        %get3A_292 = tpu.vector_load %arg8[%get3A_291] {strides = array<i32>} : memref<15664xi32, #tpu.memory_space<vmem>>, vector<16xi32>,
        %and3A_293 = arith.constant 7 : i32
        %and3A_294 = vector.broadcast %and3A_293 : i32 to vector<16xi32>
        %and3A_295 = arith.andi %iota3A, %and3A_294 : vector<16xi32>
        %add3A_296 = arith.constant 5120 : i32
        %add3A_297 = vector.broadcast %add3A_296 : i32 to vector<16xi32>
        %add3A_298 = arith.addi %add3A_297, %and3A_295 : vector<16xi32>
        %select_n3A_299 = arith.select %lt3A_281, %get3A_292, %add3A_298 : vector<16xi1>, vector<16xi32>
        %dma_start3A = arith.constant 0 : i32
        %dma_start3A_300 = arith.constant 0 : i32
        %dma_start3A_301 = tpu.memref_slice %arg2[%dma_start3A, %dma_start3A_300] : memref<102400x128xf32, #tpu.memory_space<hbm>> -> memref<102400x128xf32, #tpu.memory_space<hbm>>
        tpu.enqueue_indirect_dma source(%dma_start3A_301 : memref<102400x128xf32, #tpu.memory_space<hbm>>) target(%arg9 : memref<16x128xf32, #tpu.memory_space<vmem>>) offsets(%add3A_288 : vector<16xi32>) semaphore(%arg21 : memref<!tpu.dma_semaphore, #tpu.memory_space<semaphore_mem>>)
        %add3A_302 = arith.constant 1 : i32
        %add3A_303 = vector.broadcast %add3A_302 : i32 to vector<16xi32>
        %add3A_304 = arith.addi %while3A_276, %add3A_303 : vector<16xi32>
        %mul3A_305 = arith.constant 8 : i32
        %mul3A_306 = arith.muli %while3A_275, %mul3A_305 : i32
        %add3A_307 = arith.constant 1 : i32
        %add3A_308 = arith.addi %mul3A_306, %add3A_307 : i32
        %lt3A_309 = arith.cmpi slt, %add3A_304, %scan3A_85 : vector<16xi32>
        %mul3A_310 = arith.constant 16 : i32
        %mul3A_311 = arith.muli %add3A_308, %mul3A_310 : i32
        %get3A_312 = arith.index_cast %mul3A_311 : i32 to index
        %get3A_313 = tpu.vector_load %arg7[%get3A_312] {strides = array<i32>} : memref<15664xi32, #tpu.memory_space<vmem>>, vector<16xi32>,
        %select_n3A_314 = arith.select %lt3A_309, %get3A_313, %add3A_16 : vector<16xi1>, vector<16xi32>
        %add3A_315 = vector.broadcast %mul3A_1 : i32 to vector<16xi32>
        %add3A_316 = arith.addi %add3A_315, %select_n3A_314 : vector<16xi32>
        %mul3A_317 = arith.constant 16 : i32
        %mul3A_318 = arith.muli %add3A_308, %mul3A_317 : i32
        %get3A_319 = arith.index_cast %mul3A_318 : i32 to index
        %get3A_320 = tpu.vector_load %arg8[%get3A_319] {strides = array<i32>} : memref<15664xi32, #tpu.memory_space<vmem>>, vector<16xi32>,
        %and3A_321 = arith.constant 7 : i32
        %and3A_322 = vector.broadcast %and3A_321 : i32 to vector<16xi32>
        %and3A_323 = arith.andi %iota3A, %and3A_322 : vector<16xi32>
        %add3A_324 = arith.constant 5120 : i32
        %add3A_325 = vector.broadcast %add3A_324 : i32 to vector<16xi32>
        %add3A_326 = arith.addi %add3A_325, %and3A_323 : vector<16xi32>
        %select_n3A_327 = arith.select %lt3A_309, %get3A_320, %add3A_326 : vector<16xi1>, vector<16xi32>
        %dma_start3A_328 = arith.constant 0 : i32
        %dma_start3A_329 = arith.constant 0 : i32
        %dma_start3A_330 = tpu.memref_slice %arg2[%dma_start3A_328, %dma_start3A_329] : memref<102400x128xf32, #tpu.memory_space<hbm>> -> memref<102400x128xf32, #tpu.memory_space<hbm>>
        tpu.enqueue_indirect_dma source(%dma_start3A_330 : memref<102400x128xf32, #tpu.memory_space<hbm>>) target(%arg10 : memref<16x128xf32, #tpu.memory_space<vmem>>) offsets(%add3A_316 : vector<16xi32>) semaphore(%arg21 : memref<!tpu.dma_semaphore, #tpu.memory_space<semaphore_mem>>)
        %add3A_331 = arith.constant 1 : i32
        %add3A_332 = vector.broadcast %add3A_331 : i32 to vector<16xi32>
        %add3A_333 = arith.addi %add3A_304, %add3A_332 : vector<16xi32>
        %mul3A_334 = arith.constant 8 : i32
        %mul3A_335 = arith.muli %while3A_275, %mul3A_334 : i32
        %add3A_336 = arith.constant 2 : i32
        %add3A_337 = arith.addi %mul3A_335, %add3A_336 : i32
        %lt3A_338 = arith.cmpi slt, %add3A_333, %scan3A_85 : vector<16xi32>
        %mul3A_339 = arith.constant 16 : i32
        %mul3A_340 = arith.muli %add3A_337, %mul3A_339 : i32
        %get3A_341 = arith.index_cast %mul3A_340 : i32 to index
        %get3A_342 = tpu.vector_load %arg7[%get3A_341] {strides = array<i32>} : memref<15664xi32, #tpu.memory_space<vmem>>, vector<16xi32>,
        %select_n3A_343 = arith.select %lt3A_338, %get3A_342, %add3A_16 : vector<16xi1>, vector<16xi32>
        %add3A_344 = vector.broadcast %mul3A_1 : i32 to vector<16xi32>
        %add3A_345 = arith.addi %add3A_344, %select_n3A_343 : vector<16xi32>
        %mul3A_346 = arith.constant 16 : i32
        %mul3A_347 = arith.muli %add3A_337, %mul3A_346 : i32
        %get3A_348 = arith.index_cast %mul3A_347 : i32 to index
        %get3A_349 = tpu.vector_load %arg8[%get3A_348] {strides = array<i32>} : memref<15664xi32, #tpu.memory_space<vmem>>, vector<16xi32>,
        %and3A_350 = arith.constant 7 : i32
        %and3A_351 = vector.broadcast %and3A_350 : i32 to vector<16xi32>
        %and3A_352 = arith.andi %iota3A, %and3A_351 : vector<16xi32>
        %add3A_353 = arith.constant 5120 : i32
        %add3A_354 = vector.broadcast %add3A_353 : i32 to vector<16xi32>
        %add3A_355 = arith.addi %add3A_354, %and3A_352 : vector<16xi32>
        %select_n3A_356 = arith.select %lt3A_338, %get3A_349, %add3A_355 : vector<16xi1>, vector<16xi32>
        %dma_start3A_357 = arith.constant 0 : i32
        %dma_start3A_358 = arith.constant 0 : i32
        %dma_start3A_359 = tpu.memref_slice %arg2[%dma_start3A_357, %dma_start3A_358] : memref<102400x128xf32, #tpu.memory_space<hbm>> -> memref<102400x128xf32, #tpu.memory_space<hbm>>
        tpu.enqueue_indirect_dma source(%dma_start3A_359 : memref<102400x128xf32, #tpu.memory_space<hbm>>) target(%arg11 : memref<16x128xf32, #tpu.memory_space<vmem>>) offsets(%add3A_345 : vector<16xi32>) semaphore(%arg21 : memref<!tpu.dma_semaphore, #tpu.memory_space<semaphore_mem>>)
        %add3A_360 = arith.constant 1 : i32
        %add3A_361 = vector.broadcast %add3A_360 : i32 to vector<16xi32>
        %add3A_362 = arith.addi %add3A_333, %add3A_361 : vector<16xi32>
        %mul3A_363 = arith.constant 8 : i32
        %mul3A_364 = arith.muli %while3A_275, %mul3A_363 : i32
        %add3A_365 = arith.constant 3 : i32
        %add3A_366 = arith.addi %mul3A_364, %add3A_365 : i32
        %lt3A_367 = arith.cmpi slt, %add3A_362, %scan3A_85 : vector<16xi32>
        %mul3A_368 = arith.constant 16 : i32
        %mul3A_369 = arith.muli %add3A_366, %mul3A_368 : i32
        %get3A_370 = arith.index_cast %mul3A_369 : i32 to index
        %get3A_371 = tpu.vector_load %arg7[%get3A_370] {strides = array<i32>} : memref<15664xi32, #tpu.memory_space<vmem>>, vector<16xi32>,
        %select_n3A_372 = arith.select %lt3A_367, %get3A_371, %add3A_16 : vector<16xi1>, vector<16xi32>
        %add3A_373 = vector.broadcast %mul3A_1 : i32 to vector<16xi32>
        %add3A_374 = arith.addi %add3A_373, %select_n3A_372 : vector<16xi32>
        %mul3A_375 = arith.constant 16 : i32
        %mul3A_376 = arith.muli %add3A_366, %mul3A_375 : i32
        %get3A_377 = arith.index_cast %mul3A_376 : i32 to index
        %get3A_378 = tpu.vector_load %arg8[%get3A_377] {strides = array<i32>} : memref<15664xi32, #tpu.memory_space<vmem>>, vector<16xi32>,
        %and3A_379 = arith.constant 7 : i32
        %and3A_380 = vector.broadcast %and3A_379 : i32 to vector<16xi32>
        %and3A_381 = arith.andi %iota3A, %and3A_380 : vector<16xi32>
        %add3A_382 = arith.constant 5120 : i32
        %add3A_383 = vector.broadcast %add3A_382 : i32 to vector<16xi32>
        %add3A_384 = arith.addi %add3A_383, %and3A_381 : vector<16xi32>
        %select_n3A_385 = arith.select %lt3A_367, %get3A_378, %add3A_384 : vector<16xi1>, vector<16xi32>
        %dma_start3A_386 = arith.constant 0 : i32
        %dma_start3A_387 = arith.constant 0 : i32
        %dma_start3A_388 = tpu.memref_slice %arg2[%dma_start3A_386, %dma_start3A_387] : memref<102400x128xf32, #tpu.memory_space<hbm>> -> memref<102400x128xf32, #tpu.memory_space<hbm>>
        tpu.enqueue_indirect_dma source(%dma_start3A_388 : memref<102400x128xf32, #tpu.memory_space<hbm>>) target(%arg12 : memref<16x128xf32, #tpu.memory_space<vmem>>) offsets(%add3A_374 : vector<16xi32>) semaphore(%arg21 : memref<!tpu.dma_semaphore, #tpu.memory_space<semaphore_mem>>)
        %add3A_389 = arith.constant 1 : i32
        %add3A_390 = vector.broadcast %add3A_389 : i32 to vector<16xi32>
        %add3A_391 = arith.addi %add3A_362, %add3A_390 : vector<16xi32>
        %mul3A_392 = arith.constant 8 : i32
        %mul3A_393 = arith.muli %while3A_275, %mul3A_392 : i32
        %add3A_394 = arith.constant 4 : i32
        %add3A_395 = arith.addi %mul3A_393, %add3A_394 : i32
        %lt3A_396 = arith.cmpi slt, %add3A_391, %scan3A_85 : vector<16xi32>
        %mul3A_397 = arith.constant 16 : i32
        %mul3A_398 = arith.muli %add3A_395, %mul3A_397 : i32
        %get3A_399 = arith.index_cast %mul3A_398 : i32 to index
        %get3A_400 = tpu.vector_load %arg7[%get3A_399] {strides = array<i32>} : memref<15664xi32, #tpu.memory_space<vmem>>, vector<16xi32>,
        %select_n3A_401 = arith.select %lt3A_396, %get3A_400, %add3A_16 : vector<16xi1>, vector<16xi32>
        %add3A_402 = vector.broadcast %mul3A_1 : i32 to vector<16xi32>
        %add3A_403 = arith.addi %add3A_402, %select_n3A_401 : vector<16xi32>
        %mul3A_404 = arith.constant 16 : i32
        %mul3A_405 = arith.muli %add3A_395, %mul3A_404 : i32
        %get3A_406 = arith.index_cast %mul3A_405 : i32 to index
        %get3A_407 = tpu.vector_load %arg8[%get3A_406] {strides = array<i32>} : memref<15664xi32, #tpu.memory_space<vmem>>, vector<16xi32>,
        %and3A_408 = arith.constant 7 : i32
        %and3A_409 = vector.broadcast %and3A_408 : i32 to vector<16xi32>
        %and3A_410 = arith.andi %iota3A, %and3A_409 : vector<16xi32>
        %add3A_411 = arith.constant 5120 : i32
        %add3A_412 = vector.broadcast %add3A_411 : i32 to vector<16xi32>
        %add3A_413 = arith.addi %add3A_412, %and3A_410 : vector<16xi32>
        %select_n3A_414 = arith.select %lt3A_396, %get3A_407, %add3A_413 : vector<16xi1>, vector<16xi32>
        %dma_start3A_415 = arith.constant 0 : i32
        %dma_start3A_416 = arith.constant 0 : i32
        %dma_start3A_417 = tpu.memref_slice %arg2[%dma_start3A_415, %dma_start3A_416] : memref<102400x128xf32, #tpu.memory_space<hbm>> -> memref<102400x128xf32, #tpu.memory_space<hbm>>
        tpu.enqueue_indirect_dma source(%dma_start3A_417 : memref<102400x128xf32, #tpu.memory_space<hbm>>) target(%arg13 : memref<16x128xf32, #tpu.memory_space<vmem>>) offsets(%add3A_403 : vector<16xi32>) semaphore(%arg21 : memref<!tpu.dma_semaphore, #tpu.memory_space<semaphore_mem>>)
        %add3A_418 = arith.constant 1 : i32
        %add3A_419 = vector.broadcast %add3A_418 : i32 to vector<16xi32>
        %add3A_420 = arith.addi %add3A_391, %add3A_419 : vector<16xi32>
        %mul3A_421 = arith.constant 8 : i32
        %mul3A_422 = arith.muli %while3A_275, %mul3A_421 : i32
        %add3A_423 = arith.constant 5 : i32
        %add3A_424 = arith.addi %mul3A_422, %add3A_423 : i32
        %lt3A_425 = arith.cmpi slt, %add3A_420, %scan3A_85 : vector<16xi32>
        %mul3A_426 = arith.constant 16 : i32
        %mul3A_427 = arith.muli %add3A_424, %mul3A_426 : i32
        %get3A_428 = arith.index_cast %mul3A_427 : i32 to index
        %get3A_429 = tpu.vector_load %arg7[%get3A_428] {strides = array<i32>} : memref<15664xi32, #tpu.memory_space<vmem>>, vector<16xi32>,
        %select_n3A_430 = arith.select %lt3A_425, %get3A_429, %add3A_16 : vector<16xi1>, vector<16xi32>
        %add3A_431 = vector.broadcast %mul3A_1 : i32 to vector<16xi32>
        %add3A_432 = arith.addi %add3A_431, %select_n3A_430 : vector<16xi32>
        %mul3A_433 = arith.constant 16 : i32
        %mul3A_434 = arith.muli %add3A_424, %mul3A_433 : i32
        %get3A_435 = arith.index_cast %mul3A_434 : i32 to index
        %get3A_436 = tpu.vector_load %arg8[%get3A_435] {strides = array<i32>} : memref<15664xi32, #tpu.memory_space<vmem>>, vector<16xi32>,
        %and3A_437 = arith.constant 7 : i32
        %and3A_438 = vector.broadcast %and3A_437 : i32 to vector<16xi32>
        %and3A_439 = arith.andi %iota3A, %and3A_438 : vector<16xi32>
        %add3A_440 = arith.constant 5120 : i32
        %add3A_441 = vector.broadcast %add3A_440 : i32 to vector<16xi32>
        %add3A_442 = arith.addi %add3A_441, %and3A_439 : vector<16xi32>
        %select_n3A_443 = arith.select %lt3A_425, %get3A_436, %add3A_442 : vector<16xi1>, vector<16xi32>
        %dma_start3A_444 = arith.constant 0 : i32
        %dma_start3A_445 = arith.constant 0 : i32
        %dma_start3A_446 = tpu.memref_slice %arg2[%dma_start3A_444, %dma_start3A_445] : memref<102400x128xf32, #tpu.memory_space<hbm>> -> memref<102400x128xf32, #tpu.memory_space<hbm>>
        tpu.enqueue_indirect_dma source(%dma_start3A_446 : memref<102400x128xf32, #tpu.memory_space<hbm>>) target(%arg14 : memref<16x128xf32, #tpu.memory_space<vmem>>) offsets(%add3A_432 : vector<16xi32>) semaphore(%arg21 : memref<!tpu.dma_semaphore, #tpu.memory_space<semaphore_mem>>)
        %add3A_447 = arith.constant 1 : i32
        %add3A_448 = vector.broadcast %add3A_447 : i32 to vector<16xi32>
        %add3A_449 = arith.addi %add3A_420, %add3A_448 : vector<16xi32>
        %mul3A_450 = arith.constant 8 : i32
        %mul3A_451 = arith.muli %while3A_275, %mul3A_450 : i32
        %add3A_452 = arith.constant 6 : i32
        %add3A_453 = arith.addi %mul3A_451, %add3A_452 : i32
        %lt3A_454 = arith.cmpi slt, %add3A_449, %scan3A_85 : vector<16xi32>
        %mul3A_455 = arith.constant 16 : i32
        %mul3A_456 = arith.muli %add3A_453, %mul3A_455 : i32
        %get3A_457 = arith.index_cast %mul3A_456 : i32 to index
        %get3A_458 = tpu.vector_load %arg7[%get3A_457] {strides = array<i32>} : memref<15664xi32, #tpu.memory_space<vmem>>, vector<16xi32>,
        %select_n3A_459 = arith.select %lt3A_454, %get3A_458, %add3A_16 : vector<16xi1>, vector<16xi32>
        %add3A_460 = vector.broadcast %mul3A_1 : i32 to vector<16xi32>
        %add3A_461 = arith.addi %add3A_460, %select_n3A_459 : vector<16xi32>
        %mul3A_462 = arith.constant 16 : i32
        %mul3A_463 = arith.muli %add3A_453, %mul3A_462 : i32
        %get3A_464 = arith.index_cast %mul3A_463 : i32 to index
        %get3A_465 = tpu.vector_load %arg8[%get3A_464] {strides = array<i32>} : memref<15664xi32, #tpu.memory_space<vmem>>, vector<16xi32>,
        %and3A_466 = arith.constant 7 : i32
        %and3A_467 = vector.broadcast %and3A_466 : i32 to vector<16xi32>
        %and3A_468 = arith.andi %iota3A, %and3A_467 : vector<16xi32>
        %add3A_469 = arith.constant 5120 : i32
        %add3A_470 = vector.broadcast %add3A_469 : i32 to vector<16xi32>
        %add3A_471 = arith.addi %add3A_470, %and3A_468 : vector<16xi32>
        %select_n3A_472 = arith.select %lt3A_454, %get3A_465, %add3A_471 : vector<16xi1>, vector<16xi32>
        %dma_start3A_473 = arith.constant 0 : i32
        %dma_start3A_474 = arith.constant 0 : i32
        %dma_start3A_475 = tpu.memref_slice %arg2[%dma_start3A_473, %dma_start3A_474] : memref<102400x128xf32, #tpu.memory_space<hbm>> -> memref<102400x128xf32, #tpu.memory_space<hbm>>
        tpu.enqueue_indirect_dma source(%dma_start3A_475 : memref<102400x128xf32, #tpu.memory_space<hbm>>) target(%arg15 : memref<16x128xf32, #tpu.memory_space<vmem>>) offsets(%add3A_461 : vector<16xi32>) semaphore(%arg21 : memref<!tpu.dma_semaphore, #tpu.memory_space<semaphore_mem>>)
        %add3A_476 = arith.constant 1 : i32
        %add3A_477 = vector.broadcast %add3A_476 : i32 to vector<16xi32>
        %add3A_478 = arith.addi %add3A_449, %add3A_477 : vector<16xi32>
        %mul3A_479 = arith.constant 8 : i32
        %mul3A_480 = arith.muli %while3A_275, %mul3A_479 : i32
        %add3A_481 = arith.constant 7 : i32
        %add3A_482 = arith.addi %mul3A_480, %add3A_481 : i32
        %lt3A_483 = arith.cmpi slt, %add3A_478, %scan3A_85 : vector<16xi32>
        %mul3A_484 = arith.constant 16 : i32
        %mul3A_485 = arith.muli %add3A_482, %mul3A_484 : i32
        %get3A_486 = arith.index_cast %mul3A_485 : i32 to index
        %get3A_487 = tpu.vector_load %arg7[%get3A_486] {strides = array<i32>} : memref<15664xi32, #tpu.memory_space<vmem>>, vector<16xi32>,
        %select_n3A_488 = arith.select %lt3A_483, %get3A_487, %add3A_16 : vector<16xi1>, vector<16xi32>
        %add3A_489 = vector.broadcast %mul3A_1 : i32 to vector<16xi32>
        %add3A_490 = arith.addi %add3A_489, %select_n3A_488 : vector<16xi32>
        %mul3A_491 = arith.constant 16 : i32
        %mul3A_492 = arith.muli %add3A_482, %mul3A_491 : i32
        %get3A_493 = arith.index_cast %mul3A_492 : i32 to index
        %get3A_494 = tpu.vector_load %arg8[%get3A_493] {strides = array<i32>} : memref<15664xi32, #tpu.memory_space<vmem>>, vector<16xi32>,
        %and3A_495 = arith.constant 7 : i32
        %and3A_496 = vector.broadcast %and3A_495 : i32 to vector<16xi32>
        %and3A_497 = arith.andi %iota3A, %and3A_496 : vector<16xi32>
        %add3A_498 = arith.constant 5120 : i32
        %add3A_499 = vector.broadcast %add3A_498 : i32 to vector<16xi32>
        %add3A_500 = arith.addi %add3A_499, %and3A_497 : vector<16xi32>
        %select_n3A_501 = arith.select %lt3A_483, %get3A_494, %add3A_500 : vector<16xi1>, vector<16xi32>
        %dma_start3A_502 = arith.constant 0 : i32
        %dma_start3A_503 = arith.constant 0 : i32
        %dma_start3A_504 = tpu.memref_slice %arg2[%dma_start3A_502, %dma_start3A_503] : memref<102400x128xf32, #tpu.memory_space<hbm>> -> memref<102400x128xf32, #tpu.memory_space<hbm>>
        tpu.enqueue_indirect_dma source(%dma_start3A_504 : memref<102400x128xf32, #tpu.memory_space<hbm>>) target(%arg16 : memref<16x128xf32, #tpu.memory_space<vmem>>) offsets(%add3A_490 : vector<16xi32>) semaphore(%arg21 : memref<!tpu.dma_semaphore, #tpu.memory_space<semaphore_mem>>)
        %add3A_505 = arith.constant 1 : i32
        %add3A_506 = vector.broadcast %add3A_505 : i32 to vector<16xi32>
        %add3A_507 = arith.addi %add3A_478, %add3A_506 : vector<16xi32>
        %dma_wait3A = arith.constant 0 : i32
        %dma_wait3A_508 = arith.constant 0 : i32
        %dma_wait3A_509 = tpu.memref_slice %arg2[%dma_wait3A, %dma_wait3A_508] : memref<102400x128xf32, #tpu.memory_space<hbm>> -> memref<102400x128xf32, #tpu.memory_space<hbm>>
        tpu.wait_indirect_dma semaphore(%arg21 : memref<!tpu.dma_semaphore, #tpu.memory_space<semaphore_mem>>) src(%dma_wait3A_509 : memref<102400x128xf32, #tpu.memory_space<hbm>>) dst(%arg9 : memref<16x128xf32, #tpu.memory_space<vmem>>)
        %dma_start3A_510 = arith.constant 0 : i32
        %dma_start3A_511 = arith.constant 0 : i32
        %dma_start3A_512 = tpu.memref_slice %arg22[%dma_start3A_510, %dma_start3A_511] : memref<5128x128xf32, #tpu.memory_space<vmem_shared>> -> memref<5128x128xf32, #tpu.memory_space<vmem_shared>>
        tpu.enqueue_indirect_dma source(%arg9 : memref<16x128xf32, #tpu.memory_space<vmem>>) target(%dma_start3A_512 : memref<5128x128xf32, #tpu.memory_space<vmem_shared>>) offsets(%select_n3A_299 : vector<16xi32>) semaphore(%arg20 : memref<!tpu.dma_semaphore, #tpu.memory_space<semaphore_mem>>) {add = true}
        %dma_wait3A_513 = arith.constant 0 : i32
        %dma_wait3A_514 = arith.constant 0 : i32
        %dma_wait3A_515 = tpu.memref_slice %arg2[%dma_wait3A_513, %dma_wait3A_514] : memref<102400x128xf32, #tpu.memory_space<hbm>> -> memref<102400x128xf32, #tpu.memory_space<hbm>>
        tpu.wait_indirect_dma semaphore(%arg21 : memref<!tpu.dma_semaphore, #tpu.memory_space<semaphore_mem>>) src(%dma_wait3A_515 : memref<102400x128xf32, #tpu.memory_space<hbm>>) dst(%arg10 : memref<16x128xf32, #tpu.memory_space<vmem>>)
        %dma_start3A_516 = arith.constant 0 : i32
        %dma_start3A_517 = arith.constant 0 : i32
        %dma_start3A_518 = tpu.memref_slice %arg22[%dma_start3A_516, %dma_start3A_517] : memref<5128x128xf32, #tpu.memory_space<vmem_shared>> -> memref<5128x128xf32, #tpu.memory_space<vmem_shared>>
        tpu.enqueue_indirect_dma source(%arg10 : memref<16x128xf32, #tpu.memory_space<vmem>>) target(%dma_start3A_518 : memref<5128x128xf32, #tpu.memory_space<vmem_shared>>) offsets(%select_n3A_327 : vector<16xi32>) semaphore(%arg20 : memref<!tpu.dma_semaphore, #tpu.memory_space<semaphore_mem>>) {add = true}
        %dma_wait3A_519 = arith.constant 0 : i32
        %dma_wait3A_520 = arith.constant 0 : i32
        %dma_wait3A_521 = tpu.memref_slice %arg2[%dma_wait3A_519, %dma_wait3A_520] : memref<102400x128xf32, #tpu.memory_space<hbm>> -> memref<102400x128xf32, #tpu.memory_space<hbm>>
        tpu.wait_indirect_dma semaphore(%arg21 : memref<!tpu.dma_semaphore, #tpu.memory_space<semaphore_mem>>) src(%dma_wait3A_521 : memref<102400x128xf32, #tpu.memory_space<hbm>>) dst(%arg11 : memref<16x128xf32, #tpu.memory_space<vmem>>)
        %dma_start3A_522 = arith.constant 0 : i32
        %dma_start3A_523 = arith.constant 0 : i32
        %dma_start3A_524 = tpu.memref_slice %arg22[%dma_start3A_522, %dma_start3A_523] : memref<5128x128xf32, #tpu.memory_space<vmem_shared>> -> memref<5128x128xf32, #tpu.memory_space<vmem_shared>>
        tpu.enqueue_indirect_dma source(%arg11 : memref<16x128xf32, #tpu.memory_space<vmem>>) target(%dma_start3A_524 : memref<5128x128xf32, #tpu.memory_space<vmem_shared>>) offsets(%select_n3A_356 : vector<16xi32>) semaphore(%arg20 : memref<!tpu.dma_semaphore, #tpu.memory_space<semaphore_mem>>) {add = true}
        %dma_wait3A_525 = arith.constant 0 : i32
        %dma_wait3A_526 = arith.constant 0 : i32
        %dma_wait3A_527 = tpu.memref_slice %arg2[%dma_wait3A_525, %dma_wait3A_526] : memref<102400x128xf32, #tpu.memory_space<hbm>> -> memref<102400x128xf32, #tpu.memory_space<hbm>>
        tpu.wait_indirect_dma semaphore(%arg21 : memref<!tpu.dma_semaphore, #tpu.memory_space<semaphore_mem>>) src(%dma_wait3A_527 : memref<102400x128xf32, #tpu.memory_space<hbm>>) dst(%arg12 : memref<16x128xf32, #tpu.memory_space<vmem>>)
        %dma_start3A_528 = arith.constant 0 : i32
        %dma_start3A_529 = arith.constant 0 : i32
        %dma_start3A_530 = tpu.memref_slice %arg22[%dma_start3A_528, %dma_start3A_529] : memref<5128x128xf32, #tpu.memory_space<vmem_shared>> -> memref<5128x128xf32, #tpu.memory_space<vmem_shared>>
        tpu.enqueue_indirect_dma source(%arg12 : memref<16x128xf32, #tpu.memory_space<vmem>>) target(%dma_start3A_530 : memref<5128x128xf32, #tpu.memory_space<vmem_shared>>) offsets(%select_n3A_385 : vector<16xi32>) semaphore(%arg20 : memref<!tpu.dma_semaphore, #tpu.memory_space<semaphore_mem>>) {add = true}
        %dma_wait3A_531 = arith.constant 0 : i32
        %dma_wait3A_532 = arith.constant 0 : i32
        %dma_wait3A_533 = tpu.memref_slice %arg2[%dma_wait3A_531, %dma_wait3A_532] : memref<102400x128xf32, #tpu.memory_space<hbm>> -> memref<102400x128xf32, #tpu.memory_space<hbm>>
        tpu.wait_indirect_dma semaphore(%arg21 : memref<!tpu.dma_semaphore, #tpu.memory_space<semaphore_mem>>) src(%dma_wait3A_533 : memref<102400x128xf32, #tpu.memory_space<hbm>>) dst(%arg13 : memref<16x128xf32, #tpu.memory_space<vmem>>)
        %dma_start3A_534 = arith.constant 0 : i32
        %dma_start3A_535 = arith.constant 0 : i32
        %dma_start3A_536 = tpu.memref_slice %arg22[%dma_start3A_534, %dma_start3A_535] : memref<5128x128xf32, #tpu.memory_space<vmem_shared>> -> memref<5128x128xf32, #tpu.memory_space<vmem_shared>>
        tpu.enqueue_indirect_dma source(%arg13 : memref<16x128xf32, #tpu.memory_space<vmem>>) target(%dma_start3A_536 : memref<5128x128xf32, #tpu.memory_space<vmem_shared>>) offsets(%select_n3A_414 : vector<16xi32>) semaphore(%arg20 : memref<!tpu.dma_semaphore, #tpu.memory_space<semaphore_mem>>) {add = true}
        %dma_wait3A_537 = arith.constant 0 : i32
        %dma_wait3A_538 = arith.constant 0 : i32
        %dma_wait3A_539 = tpu.memref_slice %arg2[%dma_wait3A_537, %dma_wait3A_538] : memref<102400x128xf32, #tpu.memory_space<hbm>> -> memref<102400x128xf32, #tpu.memory_space<hbm>>
        tpu.wait_indirect_dma semaphore(%arg21 : memref<!tpu.dma_semaphore, #tpu.memory_space<semaphore_mem>>) src(%dma_wait3A_539 : memref<102400x128xf32, #tpu.memory_space<hbm>>) dst(%arg14 : memref<16x128xf32, #tpu.memory_space<vmem>>)
        %dma_start3A_540 = arith.constant 0 : i32
        %dma_start3A_541 = arith.constant 0 : i32
        %dma_start3A_542 = tpu.memref_slice %arg22[%dma_start3A_540, %dma_start3A_541] : memref<5128x128xf32, #tpu.memory_space<vmem_shared>> -> memref<5128x128xf32, #tpu.memory_space<vmem_shared>>
        tpu.enqueue_indirect_dma source(%arg14 : memref<16x128xf32, #tpu.memory_space<vmem>>) target(%dma_start3A_542 : memref<5128x128xf32, #tpu.memory_space<vmem_shared>>) offsets(%select_n3A_443 : vector<16xi32>) semaphore(%arg20 : memref<!tpu.dma_semaphore, #tpu.memory_space<semaphore_mem>>) {add = true}
        %dma_wait3A_543 = arith.constant 0 : i32
        %dma_wait3A_544 = arith.constant 0 : i32
        %dma_wait3A_545 = tpu.memref_slice %arg2[%dma_wait3A_543, %dma_wait3A_544] : memref<102400x128xf32, #tpu.memory_space<hbm>> -> memref<102400x128xf32, #tpu.memory_space<hbm>>
        tpu.wait_indirect_dma semaphore(%arg21 : memref<!tpu.dma_semaphore, #tpu.memory_space<semaphore_mem>>) src(%dma_wait3A_545 : memref<102400x128xf32, #tpu.memory_space<hbm>>) dst(%arg15 : memref<16x128xf32, #tpu.memory_space<vmem>>)
        %dma_start3A_546 = arith.constant 0 : i32
        %dma_start3A_547 = arith.constant 0 : i32
        %dma_start3A_548 = tpu.memref_slice %arg22[%dma_start3A_546, %dma_start3A_547] : memref<5128x128xf32, #tpu.memory_space<vmem_shared>> -> memref<5128x128xf32, #tpu.memory_space<vmem_shared>>
        tpu.enqueue_indirect_dma source(%arg15 : memref<16x128xf32, #tpu.memory_space<vmem>>) target(%dma_start3A_548 : memref<5128x128xf32, #tpu.memory_space<vmem_shared>>) offsets(%select_n3A_472 : vector<16xi32>) semaphore(%arg20 : memref<!tpu.dma_semaphore, #tpu.memory_space<semaphore_mem>>) {add = true}
        %dma_wait3A_549 = arith.constant 0 : i32
        %dma_wait3A_550 = arith.constant 0 : i32
        %dma_wait3A_551 = tpu.memref_slice %arg2[%dma_wait3A_549, %dma_wait3A_550] : memref<102400x128xf32, #tpu.memory_space<hbm>> -> memref<102400x128xf32, #tpu.memory_space<hbm>>
        tpu.wait_indirect_dma semaphore(%arg21 : memref<!tpu.dma_semaphore, #tpu.memory_space<semaphore_mem>>) src(%dma_wait3A_551 : memref<102400x128xf32, #tpu.memory_space<hbm>>) dst(%arg16 : memref<16x128xf32, #tpu.memory_space<vmem>>)
        %dma_start3A_552 = arith.constant 0 : i32
        %dma_start3A_553 = arith.constant 0 : i32
        %dma_start3A_554 = tpu.memref_slice %arg22[%dma_start3A_552, %dma_start3A_553] : memref<5128x128xf32, #tpu.memory_space<vmem_shared>> -> memref<5128x128xf32, #tpu.memory_space<vmem_shared>>
        tpu.enqueue_indirect_dma source(%arg16 : memref<16x128xf32, #tpu.memory_space<vmem>>) target(%dma_start3A_554 : memref<5128x128xf32, #tpu.memory_space<vmem_shared>>) offsets(%select_n3A_501 : vector<16xi32>) semaphore(%arg20 : memref<!tpu.dma_semaphore, #tpu.memory_space<semaphore_mem>>) {add = true}
        %dma_wait3A_555 = arith.constant 0 : i32
        %dma_wait3A_556 = arith.constant 0 : i32
        %dma_wait3A_557 = tpu.memref_slice %arg22[%dma_wait3A_555, %dma_wait3A_556] : memref<5128x128xf32, #tpu.memory_space<vmem_shared>> -> memref<5128x128xf32, #tpu.memory_space<vmem_shared>>
        tpu.wait_indirect_dma semaphore(%arg20 : memref<!tpu.dma_semaphore, #tpu.memory_space<semaphore_mem>>) src(%arg9 : memref<16x128xf32, #tpu.memory_space<vmem>>) dst(%dma_wait3A_557 : memref<5128x128xf32, #tpu.memory_space<vmem_shared>>)
        %dma_wait3A_558 = arith.constant 0 : i32
        %dma_wait3A_559 = arith.constant 0 : i32
        %dma_wait3A_560 = tpu.memref_slice %arg22[%dma_wait3A_558, %dma_wait3A_559] : memref<5128x128xf32, #tpu.memory_space<vmem_shared>> -> memref<5128x128xf32, #tpu.memory_space<vmem_shared>>
        tpu.wait_indirect_dma semaphore(%arg20 : memref<!tpu.dma_semaphore, #tpu.memory_space<semaphore_mem>>) src(%arg10 : memref<16x128xf32, #tpu.memory_space<vmem>>) dst(%dma_wait3A_560 : memref<5128x128xf32, #tpu.memory_space<vmem_shared>>)
        %dma_wait3A_561 = arith.constant 0 : i32
        %dma_wait3A_562 = arith.constant 0 : i32
        %dma_wait3A_563 = tpu.memref_slice %arg22[%dma_wait3A_561, %dma_wait3A_562] : memref<5128x128xf32, #tpu.memory_space<vmem_shared>> -> memref<5128x128xf32, #tpu.memory_space<vmem_shared>>
        tpu.wait_indirect_dma semaphore(%arg20 : memref<!tpu.dma_semaphore, #tpu.memory_space<semaphore_mem>>) src(%arg11 : memref<16x128xf32, #tpu.memory_space<vmem>>) dst(%dma_wait3A_563 : memref<5128x128xf32, #tpu.memory_space<vmem_shared>>)
        %dma_wait3A_564 = arith.constant 0 : i32
        %dma_wait3A_565 = arith.constant 0 : i32
        %dma_wait3A_566 = tpu.memref_slice %arg22[%dma_wait3A_564, %dma_wait3A_565] : memref<5128x128xf32, #tpu.memory_space<vmem_shared>> -> memref<5128x128xf32, #tpu.memory_space<vmem_shared>>
        tpu.wait_indirect_dma semaphore(%arg20 : memref<!tpu.dma_semaphore, #tpu.memory_space<semaphore_mem>>) src(%arg12 : memref<16x128xf32, #tpu.memory_space<vmem>>) dst(%dma_wait3A_566 : memref<5128x128xf32, #tpu.memory_space<vmem_shared>>)
        %dma_wait3A_567 = arith.constant 0 : i32
        %dma_wait3A_568 = arith.constant 0 : i32
        %dma_wait3A_569 = tpu.memref_slice %arg22[%dma_wait3A_567, %dma_wait3A_568] : memref<5128x128xf32, #tpu.memory_space<vmem_shared>> -> memref<5128x128xf32, #tpu.memory_space<vmem_shared>>
        tpu.wait_indirect_dma semaphore(%arg20 : memref<!tpu.dma_semaphore, #tpu.memory_space<semaphore_mem>>) src(%arg13 : memref<16x128xf32, #tpu.memory_space<vmem>>) dst(%dma_wait3A_569 : memref<5128x128xf32, #tpu.memory_space<vmem_shared>>)
        %dma_wait3A_570 = arith.constant 0 : i32
        %dma_wait3A_571 = arith.constant 0 : i32
        %dma_wait3A_572 = tpu.memref_slice %arg22[%dma_wait3A_570, %dma_wait3A_571] : memref<5128x128xf32, #tpu.memory_space<vmem_shared>> -> memref<5128x128xf32, #tpu.memory_space<vmem_shared>>
        tpu.wait_indirect_dma semaphore(%arg20 : memref<!tpu.dma_semaphore, #tpu.memory_space<semaphore_mem>>) src(%arg14 : memref<16x128xf32, #tpu.memory_space<vmem>>) dst(%dma_wait3A_572 : memref<5128x128xf32, #tpu.memory_space<vmem_shared>>)
        %dma_wait3A_573 = arith.constant 0 : i32
        %dma_wait3A_574 = arith.constant 0 : i32
        %dma_wait3A_575 = tpu.memref_slice %arg22[%dma_wait3A_573, %dma_wait3A_574] : memref<5128x128xf32, #tpu.memory_space<vmem_shared>> -> memref<5128x128xf32, #tpu.memory_space<vmem_shared>>
        tpu.wait_indirect_dma semaphore(%arg20 : memref<!tpu.dma_semaphore, #tpu.memory_space<semaphore_mem>>) src(%arg15 : memref<16x128xf32, #tpu.memory_space<vmem>>) dst(%dma_wait3A_575 : memref<5128x128xf32, #tpu.memory_space<vmem_shared>>)
        %dma_wait3A_576 = arith.constant 0 : i32
        %dma_wait3A_577 = arith.constant 0 : i32
        %dma_wait3A_578 = tpu.memref_slice %arg22[%dma_wait3A_576, %dma_wait3A_577] : memref<5128x128xf32, #tpu.memory_space<vmem_shared>> -> memref<5128x128xf32, #tpu.memory_space<vmem_shared>>
        tpu.wait_indirect_dma semaphore(%arg20 : memref<!tpu.dma_semaphore, #tpu.memory_space<semaphore_mem>>) src(%arg16 : memref<16x128xf32, #tpu.memory_space<vmem>>) dst(%dma_wait3A_578 : memref<5128x128xf32, #tpu.memory_space<vmem_shared>>)
        scf.yield %add3A_507 : vector<16xi32>
      }
      %barrier3A_172 = arith.constant 0 : index
      tpu.barrier barrier_id(%barrier3A_172)
      %mul3A_173 = arith.constant 320 : i32
      %mul3A_174 = arith.muli %arg1, %mul3A_173 : i32
      %add3A_175 = arith.constant 0 : i32
      %add3A_176 = arith.addi %mul3A_174, %add3A_175 : i32
      "tpu.region"() ({
        %run_scoped3A = tpu.sem_alloc : memref<!tpu.dma_semaphore, #tpu.memory_space<semaphore_mem>>
        %dma_start3A = arith.constant 0 : i32
        %dma_start3A_275 = tpu.memref_slice %arg22[%add3A_176, %dma_start3A] : memref<5128x128xf32, #tpu.memory_space<vmem_shared>> -> memref<32x128xf32, #tpu.memory_space<vmem_shared>>
        %dma_start3A_276 = arith.constant 0 : i32
        %dma_start3A_277 = tpu.memref_slice %arg22[%add3A_176, %dma_start3A_276] : memref<5128x128xf32, #tpu.memory_space<vmem_shared>> -> memref<32x128xf32, #tpu.memory_space<vmem_shared>>
        tpu.enqueue_dma source(%dma_start3A_277 : memref<32x128xf32, #tpu.memory_space<vmem_shared>>) target(%arg18 : memref<32x128xf32, #tpu.memory_space<vmem>>) target_semaphore(%run_scoped3A : memref<!tpu.dma_semaphore, #tpu.memory_space<semaphore_mem>>)
        %dma_wait3A = arith.constant 0 : i32
        %dma_wait3A_278 = tpu.memref_slice %arg22[%add3A_176, %dma_wait3A] : memref<5128x128xf32, #tpu.memory_space<vmem_shared>> -> memref<32x128xf32, #tpu.memory_space<vmem_shared>>
        %dma_wait3A_279 = arith.constant 0 : i32
        %dma_wait3A_280 = tpu.memref_slice %arg22[%add3A_176, %dma_wait3A_279] : memref<5128x128xf32, #tpu.memory_space<vmem_shared>> -> memref<32x128xf32, #tpu.memory_space<vmem_shared>>
        tpu.wait_dma2 semaphore(%run_scoped3A : memref<!tpu.dma_semaphore, #tpu.memory_space<semaphore_mem>>) src(%dma_wait3A_280 : memref<32x128xf32, #tpu.memory_space<vmem_shared>>) dst(%arg18 : memref<32x128xf32, #tpu.memory_space<vmem>>)
        tpu.yield
      }) : () -> ()
      %add3A_177 = arith.addi %mul3A_1, %mul3A_33 : i32
      %mul3A_178 = arith.constant 320 : i32
      %mul3A_179 = arith.muli %arg1, %mul3A_178 : i32
      %add3A_180 = arith.addi %add3A_177, %mul3A_179 : i32
      %add3A_181 = arith.constant 0 : i32
      %add3A_182 = arith.addi %add3A_180, %add3A_181 : i32
      "tpu.region"() ({
        %run_scoped3A = tpu.sem_alloc : memref<!tpu.dma_semaphore, #tpu.memory_space<semaphore_mem>>
        %dma_start3A = arith.constant 0 : i32
        %dma_start3A_275 = tpu.memref_slice %arg4[%add3A_182, %dma_start3A] : memref<102400x128xf32, #tpu.memory_space<hbm>> -> memref<32x128xf32, #tpu.memory_space<hbm>>
        %dma_start3A_276 = arith.constant 0 : i32
        %dma_start3A_277 = tpu.memref_slice %arg4[%add3A_182, %dma_start3A_276] : memref<102400x128xf32, #tpu.memory_space<hbm>> -> memref<32x128xf32, #tpu.memory_space<hbm>>
        tpu.enqueue_dma source(%arg18 : memref<32x128xf32, #tpu.memory_space<vmem>>) target(%dma_start3A_277 : memref<32x128xf32, #tpu.memory_space<hbm>>) target_semaphore(%run_scoped3A : memref<!tpu.dma_semaphore, #tpu.memory_space<semaphore_mem>>)
        %dma_wait3A = arith.constant 0 : i32
        %dma_wait3A_278 = tpu.memref_slice %arg4[%add3A_182, %dma_wait3A] : memref<102400x128xf32, #tpu.memory_space<hbm>> -> memref<32x128xf32, #tpu.memory_space<hbm>>
        %dma_wait3A_279 = arith.constant 0 : i32
        %dma_wait3A_280 = tpu.memref_slice %arg4[%add3A_182, %dma_wait3A_279] : memref<102400x128xf32, #tpu.memory_space<hbm>> -> memref<32x128xf32, #tpu.memory_space<hbm>>
        tpu.wait_dma2 semaphore(%run_scoped3A : memref<!tpu.dma_semaphore, #tpu.memory_space<semaphore_mem>>) src(%arg18 : memref<32x128xf32, #tpu.memory_space<vmem>>) dst(%dma_wait3A_280 : memref<32x128xf32, #tpu.memory_space<hbm>>)
        tpu.yield
      }) : () -> ()
      %mul3A_183 = arith.constant 320 : i32
      %mul3A_184 = arith.muli %arg1, %mul3A_183 : i32
      %add3A_185 = arith.constant 32 : i32
      %add3A_186 = arith.addi %mul3A_184, %add3A_185 : i32
      "tpu.region"() ({
        %run_scoped3A = tpu.sem_alloc : memref<!tpu.dma_semaphore, #tpu.memory_space<semaphore_mem>>
        %dma_start3A = arith.constant 0 : i32
        %dma_start3A_275 = tpu.memref_slice %arg22[%add3A_186, %dma_start3A] : memref<5128x128xf32, #tpu.memory_space<vmem_shared>> -> memref<32x128xf32, #tpu.memory_space<vmem_shared>>
        %dma_start3A_276 = arith.constant 0 : i32
        %dma_start3A_277 = tpu.memref_slice %arg22[%add3A_186, %dma_start3A_276] : memref<5128x128xf32, #tpu.memory_space<vmem_shared>> -> memref<32x128xf32, #tpu.memory_space<vmem_shared>>
        tpu.enqueue_dma source(%dma_start3A_277 : memref<32x128xf32, #tpu.memory_space<vmem_shared>>) target(%arg18 : memref<32x128xf32, #tpu.memory_space<vmem>>) target_semaphore(%run_scoped3A : memref<!tpu.dma_semaphore, #tpu.memory_space<semaphore_mem>>)
        %dma_wait3A = arith.constant 0 : i32
        %dma_wait3A_278 = tpu.memref_slice %arg22[%add3A_186, %dma_wait3A] : memref<5128x128xf32, #tpu.memory_space<vmem_shared>> -> memref<32x128xf32, #tpu.memory_space<vmem_shared>>
        %dma_wait3A_279 = arith.constant 0 : i32
        %dma_wait3A_280 = tpu.memref_slice %arg22[%add3A_186, %dma_wait3A_279] : memref<5128x128xf32, #tpu.memory_space<vmem_shared>> -> memref<32x128xf32, #tpu.memory_space<vmem_shared>>
        tpu.wait_dma2 semaphore(%run_scoped3A : memref<!tpu.dma_semaphore, #tpu.memory_space<semaphore_mem>>) src(%dma_wait3A_280 : memref<32x128xf32, #tpu.memory_space<vmem_shared>>) dst(%arg18 : memref<32x128xf32, #tpu.memory_space<vmem>>)
        tpu.yield
      }) : () -> ()
      %add3A_187 = arith.addi %mul3A_1, %mul3A_33 : i32
      %mul3A_188 = arith.constant 320 : i32
      %mul3A_189 = arith.muli %arg1, %mul3A_188 : i32
      %add3A_190 = arith.addi %add3A_187, %mul3A_189 : i32
      %add3A_191 = arith.constant 32 : i32
      %add3A_192 = arith.addi %add3A_190, %add3A_191 : i32
      "tpu.region"() ({
        %run_scoped3A = tpu.sem_alloc : memref<!tpu.dma_semaphore, #tpu.memory_space<semaphore_mem>>
        %dma_start3A = arith.constant 0 : i32
        %dma_start3A_275 = tpu.memref_slice %arg4[%add3A_192, %dma_start3A] : memref<102400x128xf32, #tpu.memory_space<hbm>> -> memref<32x128xf32, #tpu.memory_space<hbm>>
        %dma_start3A_276 = arith.constant 0 : i32
        %dma_start3A_277 = tpu.memref_slice %arg4[%add3A_192, %dma_start3A_276] : memref<102400x128xf32, #tpu.memory_space<hbm>> -> memref<32x128xf32, #tpu.memory_space<hbm>>
        tpu.enqueue_dma source(%arg18 : memref<32x128xf32, #tpu.memory_space<vmem>>) target(%dma_start3A_277 : memref<32x128xf32, #tpu.memory_space<hbm>>) target_semaphore(%run_scoped3A : memref<!tpu.dma_semaphore, #tpu.memory_space<semaphore_mem>>)
        %dma_wait3A = arith.constant 0 : i32
        %dma_wait3A_278 = tpu.memref_slice %arg4[%add3A_192, %dma_wait3A] : memref<102400x128xf32, #tpu.memory_space<hbm>> -> memref<32x128xf32, #tpu.memory_space<hbm>>
        %dma_wait3A_279 = arith.constant 0 : i32
        %dma_wait3A_280 = tpu.memref_slice %arg4[%add3A_192, %dma_wait3A_279] : memref<102400x128xf32, #tpu.memory_space<hbm>> -> memref<32x128xf32, #tpu.memory_space<hbm>>
        tpu.wait_dma2 semaphore(%run_scoped3A : memref<!tpu.dma_semaphore, #tpu.memory_space<semaphore_mem>>) src(%arg18 : memref<32x128xf32, #tpu.memory_space<vmem>>) dst(%dma_wait3A_280 : memref<32x128xf32, #tpu.memory_space<hbm>>)
        tpu.yield
      }) : () -> ()
      %mul3A_193 = arith.constant 320 : i32
      %mul3A_194 = arith.muli %arg1, %mul3A_193 : i32
      %add3A_195 = arith.constant 64 : i32
      %add3A_196 = arith.addi %mul3A_194, %add3A_195 : i32
      "tpu.region"() ({
        %run_scoped3A = tpu.sem_alloc : memref<!tpu.dma_semaphore, #tpu.memory_space<semaphore_mem>>
        %dma_start3A = arith.constant 0 : i32
        %dma_start3A_275 = tpu.memref_slice %arg22[%add3A_196, %dma_start3A] : memref<5128x128xf32, #tpu.memory_space<vmem_shared>> -> memref<32x128xf32, #tpu.memory_space<vmem_shared>>
        %dma_start3A_276 = arith.constant 0 : i32
        %dma_start3A_277 = tpu.memref_slice %arg22[%add3A_196, %dma_start3A_276] : memref<5128x128xf32, #tpu.memory_space<vmem_shared>> -> memref<32x128xf32, #tpu.memory_space<vmem_shared>>
        tpu.enqueue_dma source(%dma_start3A_277 : memref<32x128xf32, #tpu.memory_space<vmem_shared>>) target(%arg18 : memref<32x128xf32, #tpu.memory_space<vmem>>) target_semaphore(%run_scoped3A : memref<!tpu.dma_semaphore, #tpu.memory_space<semaphore_mem>>)
        %dma_wait3A = arith.constant 0 : i32
        %dma_wait3A_278 = tpu.memref_slice %arg22[%add3A_196, %dma_wait3A] : memref<5128x128xf32, #tpu.memory_space<vmem_shared>> -> memref<32x128xf32, #tpu.memory_space<vmem_shared>>
        %dma_wait3A_279 = arith.constant 0 : i32
        %dma_wait3A_280 = tpu.memref_slice %arg22[%add3A_196, %dma_wait3A_279] : memref<5128x128xf32, #tpu.memory_space<vmem_shared>> -> memref<32x128xf32, #tpu.memory_space<vmem_shared>>
        tpu.wait_dma2 semaphore(%run_scoped3A : memref<!tpu.dma_semaphore, #tpu.memory_space<semaphore_mem>>) src(%dma_wait3A_280 : memref<32x128xf32, #tpu.memory_space<vmem_shared>>) dst(%arg18 : memref<32x128xf32, #tpu.memory_space<vmem>>)
        tpu.yield
      }) : () -> ()
      %add3A_197 = arith.addi %mul3A_1, %mul3A_33 : i32
      %mul3A_198 = arith.constant 320 : i32
      %mul3A_199 = arith.muli %arg1, %mul3A_198 : i32
      %add3A_200 = arith.addi %add3A_197, %mul3A_199 : i32
      %add3A_201 = arith.constant 64 : i32
      %add3A_202 = arith.addi %add3A_200, %add3A_201 : i32
      "tpu.region"() ({
        %run_scoped3A = tpu.sem_alloc : memref<!tpu.dma_semaphore, #tpu.memory_space<semaphore_mem>>
        %dma_start3A = arith.constant 0 : i32
        %dma_start3A_275 = tpu.memref_slice %arg4[%add3A_202, %dma_start3A] : memref<102400x128xf32, #tpu.memory_space<hbm>> -> memref<32x128xf32, #tpu.memory_space<hbm>>
        %dma_start3A_276 = arith.constant 0 : i32
        %dma_start3A_277 = tpu.memref_slice %arg4[%add3A_202, %dma_start3A_276] : memref<102400x128xf32, #tpu.memory_space<hbm>> -> memref<32x128xf32, #tpu.memory_space<hbm>>
        tpu.enqueue_dma source(%arg18 : memref<32x128xf32, #tpu.memory_space<vmem>>) target(%dma_start3A_277 : memref<32x128xf32, #tpu.memory_space<hbm>>) target_semaphore(%run_scoped3A : memref<!tpu.dma_semaphore, #tpu.memory_space<semaphore_mem>>)
        %dma_wait3A = arith.constant 0 : i32
        %dma_wait3A_278 = tpu.memref_slice %arg4[%add3A_202, %dma_wait3A] : memref<102400x128xf32, #tpu.memory_space<hbm>> -> memref<32x128xf32, #tpu.memory_space<hbm>>
        %dma_wait3A_279 = arith.constant 0 : i32
        %dma_wait3A_280 = tpu.memref_slice %arg4[%add3A_202, %dma_wait3A_279] : memref<102400x128xf32, #tpu.memory_space<hbm>> -> memref<32x128xf32, #tpu.memory_space<hbm>>
        tpu.wait_dma2 semaphore(%run_scoped3A : memref<!tpu.dma_semaphore, #tpu.memory_space<semaphore_mem>>) src(%arg18 : memref<32x128xf32, #tpu.memory_space<vmem>>) dst(%dma_wait3A_280 : memref<32x128xf32, #tpu.memory_space<hbm>>)
        tpu.yield
      }) : () -> ()
      %mul3A_203 = arith.constant 320 : i32
      %mul3A_204 = arith.muli %arg1, %mul3A_203 : i32
      %add3A_205 = arith.constant 96 : i32
      %add3A_206 = arith.addi %mul3A_204, %add3A_205 : i32
      "tpu.region"() ({
        %run_scoped3A = tpu.sem_alloc : memref<!tpu.dma_semaphore, #tpu.memory_space<semaphore_mem>>
        %dma_start3A = arith.constant 0 : i32
        %dma_start3A_275 = tpu.memref_slice %arg22[%add3A_206, %dma_start3A] : memref<5128x128xf32, #tpu.memory_space<vmem_shared>> -> memref<32x128xf32, #tpu.memory_space<vmem_shared>>
        %dma_start3A_276 = arith.constant 0 : i32
        %dma_start3A_277 = tpu.memref_slice %arg22[%add3A_206, %dma_start3A_276] : memref<5128x128xf32, #tpu.memory_space<vmem_shared>> -> memref<32x128xf32, #tpu.memory_space<vmem_shared>>
        tpu.enqueue_dma source(%dma_start3A_277 : memref<32x128xf32, #tpu.memory_space<vmem_shared>>) target(%arg18 : memref<32x128xf32, #tpu.memory_space<vmem>>) target_semaphore(%run_scoped3A : memref<!tpu.dma_semaphore, #tpu.memory_space<semaphore_mem>>)
        %dma_wait3A = arith.constant 0 : i32
        %dma_wait3A_278 = tpu.memref_slice %arg22[%add3A_206, %dma_wait3A] : memref<5128x128xf32, #tpu.memory_space<vmem_shared>> -> memref<32x128xf32, #tpu.memory_space<vmem_shared>>
        %dma_wait3A_279 = arith.constant 0 : i32
        %dma_wait3A_280 = tpu.memref_slice %arg22[%add3A_206, %dma_wait3A_279] : memref<5128x128xf32, #tpu.memory_space<vmem_shared>> -> memref<32x128xf32, #tpu.memory_space<vmem_shared>>
        tpu.wait_dma2 semaphore(%run_scoped3A : memref<!tpu.dma_semaphore, #tpu.memory_space<semaphore_mem>>) src(%dma_wait3A_280 : memref<32x128xf32, #tpu.memory_space<vmem_shared>>) dst(%arg18 : memref<32x128xf32, #tpu.memory_space<vmem>>)
        tpu.yield
      }) : () -> ()
      %add3A_207 = arith.addi %mul3A_1, %mul3A_33 : i32
      %mul3A_208 = arith.constant 320 : i32
      %mul3A_209 = arith.muli %arg1, %mul3A_208 : i32
      %add3A_210 = arith.addi %add3A_207, %mul3A_209 : i32
      %add3A_211 = arith.constant 96 : i32
      %add3A_212 = arith.addi %add3A_210, %add3A_211 : i32
      "tpu.region"() ({
        %run_scoped3A = tpu.sem_alloc : memref<!tpu.dma_semaphore, #tpu.memory_space<semaphore_mem>>
        %dma_start3A = arith.constant 0 : i32
        %dma_start3A_275 = tpu.memref_slice %arg4[%add3A_212, %dma_start3A] : memref<102400x128xf32, #tpu.memory_space<hbm>> -> memref<32x128xf32, #tpu.memory_space<hbm>>
        %dma_start3A_276 = arith.constant 0 : i32
        %dma_start3A_277 = tpu.memref_slice %arg4[%add3A_212, %dma_start3A_276] : memref<102400x128xf32, #tpu.memory_space<hbm>> -> memref<32x128xf32, #tpu.memory_space<hbm>>
        tpu.enqueue_dma source(%arg18 : memref<32x128xf32, #tpu.memory_space<vmem>>) target(%dma_start3A_277 : memref<32x128xf32, #tpu.memory_space<hbm>>) target_semaphore(%run_scoped3A : memref<!tpu.dma_semaphore, #tpu.memory_space<semaphore_mem>>)
        %dma_wait3A = arith.constant 0 : i32
        %dma_wait3A_278 = tpu.memref_slice %arg4[%add3A_212, %dma_wait3A] : memref<102400x128xf32, #tpu.memory_space<hbm>> -> memref<32x128xf32, #tpu.memory_space<hbm>>
        %dma_wait3A_279 = arith.constant 0 : i32
        %dma_wait3A_280 = tpu.memref_slice %arg4[%add3A_212, %dma_wait3A_279] : memref<102400x128xf32, #tpu.memory_space<hbm>> -> memref<32x128xf32, #tpu.memory_space<hbm>>
        tpu.wait_dma2 semaphore(%run_scoped3A : memref<!tpu.dma_semaphore, #tpu.memory_space<semaphore_mem>>) src(%arg18 : memref<32x128xf32, #tpu.memory_space<vmem>>) dst(%dma_wait3A_280 : memref<32x128xf32, #tpu.memory_space<hbm>>)
        tpu.yield
      }) : () -> ()
      %mul3A_213 = arith.constant 320 : i32
      %mul3A_214 = arith.muli %arg1, %mul3A_213 : i32
      %add3A_215 = arith.constant 128 : i32
      %add3A_216 = arith.addi %mul3A_214, %add3A_215 : i32
      "tpu.region"() ({
        %run_scoped3A = tpu.sem_alloc : memref<!tpu.dma_semaphore, #tpu.memory_space<semaphore_mem>>
        %dma_start3A = arith.constant 0 : i32
        %dma_start3A_275 = tpu.memref_slice %arg22[%add3A_216, %dma_start3A] : memref<5128x128xf32, #tpu.memory_space<vmem_shared>> -> memref<32x128xf32, #tpu.memory_space<vmem_shared>>
        %dma_start3A_276 = arith.constant 0 : i32
        %dma_start3A_277 = tpu.memref_slice %arg22[%add3A_216, %dma_start3A_276] : memref<5128x128xf32, #tpu.memory_space<vmem_shared>> -> memref<32x128xf32, #tpu.memory_space<vmem_shared>>
        tpu.enqueue_dma source(%dma_start3A_277 : memref<32x128xf32, #tpu.memory_space<vmem_shared>>) target(%arg18 : memref<32x128xf32, #tpu.memory_space<vmem>>) target_semaphore(%run_scoped3A : memref<!tpu.dma_semaphore, #tpu.memory_space<semaphore_mem>>)
        %dma_wait3A = arith.constant 0 : i32
        %dma_wait3A_278 = tpu.memref_slice %arg22[%add3A_216, %dma_wait3A] : memref<5128x128xf32, #tpu.memory_space<vmem_shared>> -> memref<32x128xf32, #tpu.memory_space<vmem_shared>>
        %dma_wait3A_279 = arith.constant 0 : i32
        %dma_wait3A_280 = tpu.memref_slice %arg22[%add3A_216, %dma_wait3A_279] : memref<5128x128xf32, #tpu.memory_space<vmem_shared>> -> memref<32x128xf32, #tpu.memory_space<vmem_shared>>
        tpu.wait_dma2 semaphore(%run_scoped3A : memref<!tpu.dma_semaphore, #tpu.memory_space<semaphore_mem>>) src(%dma_wait3A_280 : memref<32x128xf32, #tpu.memory_space<vmem_shared>>) dst(%arg18 : memref<32x128xf32, #tpu.memory_space<vmem>>)
        tpu.yield
      }) : () -> ()
      %add3A_217 = arith.addi %mul3A_1, %mul3A_33 : i32
      %mul3A_218 = arith.constant 320 : i32
      %mul3A_219 = arith.muli %arg1, %mul3A_218 : i32
      %add3A_220 = arith.addi %add3A_217, %mul3A_219 : i32
      %add3A_221 = arith.constant 128 : i32
      %add3A_222 = arith.addi %add3A_220, %add3A_221 : i32
      "tpu.region"() ({
        %run_scoped3A = tpu.sem_alloc : memref<!tpu.dma_semaphore, #tpu.memory_space<semaphore_mem>>
        %dma_start3A = arith.constant 0 : i32
        %dma_start3A_275 = tpu.memref_slice %arg4[%add3A_222, %dma_start3A] : memref<102400x128xf32, #tpu.memory_space<hbm>> -> memref<32x128xf32, #tpu.memory_space<hbm>>
        %dma_start3A_276 = arith.constant 0 : i32
        %dma_start3A_277 = tpu.memref_slice %arg4[%add3A_222, %dma_start3A_276] : memref<102400x128xf32, #tpu.memory_space<hbm>> -> memref<32x128xf32, #tpu.memory_space<hbm>>
        tpu.enqueue_dma source(%arg18 : memref<32x128xf32, #tpu.memory_space<vmem>>) target(%dma_start3A_277 : memref<32x128xf32, #tpu.memory_space<hbm>>) target_semaphore(%run_scoped3A : memref<!tpu.dma_semaphore, #tpu.memory_space<semaphore_mem>>)
        %dma_wait3A = arith.constant 0 : i32
        %dma_wait3A_278 = tpu.memref_slice %arg4[%add3A_222, %dma_wait3A] : memref<102400x128xf32, #tpu.memory_space<hbm>> -> memref<32x128xf32, #tpu.memory_space<hbm>>
        %dma_wait3A_279 = arith.constant 0 : i32
        %dma_wait3A_280 = tpu.memref_slice %arg4[%add3A_222, %dma_wait3A_279] : memref<102400x128xf32, #tpu.memory_space<hbm>> -> memref<32x128xf32, #tpu.memory_space<hbm>>
        tpu.wait_dma2 semaphore(%run_scoped3A : memref<!tpu.dma_semaphore, #tpu.memory_space<semaphore_mem>>) src(%arg18 : memref<32x128xf32, #tpu.memory_space<vmem>>) dst(%dma_wait3A_280 : memref<32x128xf32, #tpu.memory_space<hbm>>)
        tpu.yield
      }) : () -> ()
      %mul3A_223 = arith.constant 320 : i32
      %mul3A_224 = arith.muli %arg1, %mul3A_223 : i32
      %add3A_225 = arith.constant 160 : i32
      %add3A_226 = arith.addi %mul3A_224, %add3A_225 : i32
      "tpu.region"() ({
        %run_scoped3A = tpu.sem_alloc : memref<!tpu.dma_semaphore, #tpu.memory_space<semaphore_mem>>
        %dma_start3A = arith.constant 0 : i32
        %dma_start3A_275 = tpu.memref_slice %arg22[%add3A_226, %dma_start3A] : memref<5128x128xf32, #tpu.memory_space<vmem_shared>> -> memref<32x128xf32, #tpu.memory_space<vmem_shared>>
        %dma_start3A_276 = arith.constant 0 : i32
        %dma_start3A_277 = tpu.memref_slice %arg22[%add3A_226, %dma_start3A_276] : memref<5128x128xf32, #tpu.memory_space<vmem_shared>> -> memref<32x128xf32, #tpu.memory_space<vmem_shared>>
        tpu.enqueue_dma source(%dma_start3A_277 : memref<32x128xf32, #tpu.memory_space<vmem_shared>>) target(%arg18 : memref<32x128xf32, #tpu.memory_space<vmem>>) target_semaphore(%run_scoped3A : memref<!tpu.dma_semaphore, #tpu.memory_space<semaphore_mem>>)
        %dma_wait3A = arith.constant 0 : i32
        %dma_wait3A_278 = tpu.memref_slice %arg22[%add3A_226, %dma_wait3A] : memref<5128x128xf32, #tpu.memory_space<vmem_shared>> -> memref<32x128xf32, #tpu.memory_space<vmem_shared>>
        %dma_wait3A_279 = arith.constant 0 : i32
        %dma_wait3A_280 = tpu.memref_slice %arg22[%add3A_226, %dma_wait3A_279] : memref<5128x128xf32, #tpu.memory_space<vmem_shared>> -> memref<32x128xf32, #tpu.memory_space<vmem_shared>>
        tpu.wait_dma2 semaphore(%run_scoped3A : memref<!tpu.dma_semaphore, #tpu.memory_space<semaphore_mem>>) src(%dma_wait3A_280 : memref<32x128xf32, #tpu.memory_space<vmem_shared>>) dst(%arg18 : memref<32x128xf32, #tpu.memory_space<vmem>>)
        tpu.yield
      }) : () -> ()
      %add3A_227 = arith.addi %mul3A_1, %mul3A_33 : i32
      %mul3A_228 = arith.constant 320 : i32
      %mul3A_229 = arith.muli %arg1, %mul3A_228 : i32
      %add3A_230 = arith.addi %add3A_227, %mul3A_229 : i32
      %add3A_231 = arith.constant 160 : i32
      %add3A_232 = arith.addi %add3A_230, %add3A_231 : i32
      "tpu.region"() ({
        %run_scoped3A = tpu.sem_alloc : memref<!tpu.dma_semaphore, #tpu.memory_space<semaphore_mem>>
        %dma_start3A = arith.constant 0 : i32
        %dma_start3A_275 = tpu.memref_slice %arg4[%add3A_232, %dma_start3A] : memref<102400x128xf32, #tpu.memory_space<hbm>> -> memref<32x128xf32, #tpu.memory_space<hbm>>
        %dma_start3A_276 = arith.constant 0 : i32
        %dma_start3A_277 = tpu.memref_slice %arg4[%add3A_232, %dma_start3A_276] : memref<102400x128xf32, #tpu.memory_space<hbm>> -> memref<32x128xf32, #tpu.memory_space<hbm>>
        tpu.enqueue_dma source(%arg18 : memref<32x128xf32, #tpu.memory_space<vmem>>) target(%dma_start3A_277 : memref<32x128xf32, #tpu.memory_space<hbm>>) target_semaphore(%run_scoped3A : memref<!tpu.dma_semaphore, #tpu.memory_space<semaphore_mem>>)
        %dma_wait3A = arith.constant 0 : i32
        %dma_wait3A_278 = tpu.memref_slice %arg4[%add3A_232, %dma_wait3A] : memref<102400x128xf32, #tpu.memory_space<hbm>> -> memref<32x128xf32, #tpu.memory_space<hbm>>
        %dma_wait3A_279 = arith.constant 0 : i32
        %dma_wait3A_280 = tpu.memref_slice %arg4[%add3A_232, %dma_wait3A_279] : memref<102400x128xf32, #tpu.memory_space<hbm>> -> memref<32x128xf32, #tpu.memory_space<hbm>>
        tpu.wait_dma2 semaphore(%run_scoped3A : memref<!tpu.dma_semaphore, #tpu.memory_space<semaphore_mem>>) src(%arg18 : memref<32x128xf32, #tpu.memory_space<vmem>>) dst(%dma_wait3A_280 : memref<32x128xf32, #tpu.memory_space<hbm>>)
        tpu.yield
      }) : () -> ()
      %mul3A_233 = arith.constant 320 : i32
      %mul3A_234 = arith.muli %arg1, %mul3A_233 : i32
      %add3A_235 = arith.constant 192 : i32
      %add3A_236 = arith.addi %mul3A_234, %add3A_235 : i32
      "tpu.region"() ({
        %run_scoped3A = tpu.sem_alloc : memref<!tpu.dma_semaphore, #tpu.memory_space<semaphore_mem>>
        %dma_start3A = arith.constant 0 : i32
        %dma_start3A_275 = tpu.memref_slice %arg22[%add3A_236, %dma_start3A] : memref<5128x128xf32, #tpu.memory_space<vmem_shared>> -> memref<32x128xf32, #tpu.memory_space<vmem_shared>>
        %dma_start3A_276 = arith.constant 0 : i32
        %dma_start3A_277 = tpu.memref_slice %arg22[%add3A_236, %dma_start3A_276] : memref<5128x128xf32, #tpu.memory_space<vmem_shared>> -> memref<32x128xf32, #tpu.memory_space<vmem_shared>>
        tpu.enqueue_dma source(%dma_start3A_277 : memref<32x128xf32, #tpu.memory_space<vmem_shared>>) target(%arg18 : memref<32x128xf32, #tpu.memory_space<vmem>>) target_semaphore(%run_scoped3A : memref<!tpu.dma_semaphore, #tpu.memory_space<semaphore_mem>>)
        %dma_wait3A = arith.constant 0 : i32
        %dma_wait3A_278 = tpu.memref_slice %arg22[%add3A_236, %dma_wait3A] : memref<5128x128xf32, #tpu.memory_space<vmem_shared>> -> memref<32x128xf32, #tpu.memory_space<vmem_shared>>
        %dma_wait3A_279 = arith.constant 0 : i32
        %dma_wait3A_280 = tpu.memref_slice %arg22[%add3A_236, %dma_wait3A_279] : memref<5128x128xf32, #tpu.memory_space<vmem_shared>> -> memref<32x128xf32, #tpu.memory_space<vmem_shared>>
        tpu.wait_dma2 semaphore(%run_scoped3A : memref<!tpu.dma_semaphore, #tpu.memory_space<semaphore_mem>>) src(%dma_wait3A_280 : memref<32x128xf32, #tpu.memory_space<vmem_shared>>) dst(%arg18 : memref<32x128xf32, #tpu.memory_space<vmem>>)
        tpu.yield
      }) : () -> ()
      %add3A_237 = arith.addi %mul3A_1, %mul3A_33 : i32
      %mul3A_238 = arith.constant 320 : i32
      %mul3A_239 = arith.muli %arg1, %mul3A_238 : i32
      %add3A_240 = arith.addi %add3A_237, %mul3A_239 : i32
      %add3A_241 = arith.constant 192 : i32
      %add3A_242 = arith.addi %add3A_240, %add3A_241 : i32
      "tpu.region"() ({
        %run_scoped3A = tpu.sem_alloc : memref<!tpu.dma_semaphore, #tpu.memory_space<semaphore_mem>>
        %dma_start3A = arith.constant 0 : i32
        %dma_start3A_275 = tpu.memref_slice %arg4[%add3A_242, %dma_start3A] : memref<102400x128xf32, #tpu.memory_space<hbm>> -> memref<32x128xf32, #tpu.memory_space<hbm>>
        %dma_start3A_276 = arith.constant 0 : i32
        %dma_start3A_277 = tpu.memref_slice %arg4[%add3A_242, %dma_start3A_276] : memref<102400x128xf32, #tpu.memory_space<hbm>> -> memref<32x128xf32, #tpu.memory_space<hbm>>
        tpu.enqueue_dma source(%arg18 : memref<32x128xf32, #tpu.memory_space<vmem>>) target(%dma_start3A_277 : memref<32x128xf32, #tpu.memory_space<hbm>>) target_semaphore(%run_scoped3A : memref<!tpu.dma_semaphore, #tpu.memory_space<semaphore_mem>>)
        %dma_wait3A = arith.constant 0 : i32
        %dma_wait3A_278 = tpu.memref_slice %arg4[%add3A_242, %dma_wait3A] : memref<102400x128xf32, #tpu.memory_space<hbm>> -> memref<32x128xf32, #tpu.memory_space<hbm>>
        %dma_wait3A_279 = arith.constant 0 : i32
        %dma_wait3A_280 = tpu.memref_slice %arg4[%add3A_242, %dma_wait3A_279] : memref<102400x128xf32, #tpu.memory_space<hbm>> -> memref<32x128xf32, #tpu.memory_space<hbm>>
        tpu.wait_dma2 semaphore(%run_scoped3A : memref<!tpu.dma_semaphore, #tpu.memory_space<semaphore_mem>>) src(%arg18 : memref<32x128xf32, #tpu.memory_space<vmem>>) dst(%dma_wait3A_280 : memref<32x128xf32, #tpu.memory_space<hbm>>)
        tpu.yield
      }) : () -> ()
      %mul3A_243 = arith.constant 320 : i32
      %mul3A_244 = arith.muli %arg1, %mul3A_243 : i32
      %add3A_245 = arith.constant 224 : i32
      %add3A_246 = arith.addi %mul3A_244, %add3A_245 : i32
      "tpu.region"() ({
        %run_scoped3A = tpu.sem_alloc : memref<!tpu.dma_semaphore, #tpu.memory_space<semaphore_mem>>
        %dma_start3A = arith.constant 0 : i32
        %dma_start3A_275 = tpu.memref_slice %arg22[%add3A_246, %dma_start3A] : memref<5128x128xf32, #tpu.memory_space<vmem_shared>> -> memref<32x128xf32, #tpu.memory_space<vmem_shared>>
        %dma_start3A_276 = arith.constant 0 : i32
        %dma_start3A_277 = tpu.memref_slice %arg22[%add3A_246, %dma_start3A_276] : memref<5128x128xf32, #tpu.memory_space<vmem_shared>> -> memref<32x128xf32, #tpu.memory_space<vmem_shared>>
        tpu.enqueue_dma source(%dma_start3A_277 : memref<32x128xf32, #tpu.memory_space<vmem_shared>>) target(%arg18 : memref<32x128xf32, #tpu.memory_space<vmem>>) target_semaphore(%run_scoped3A : memref<!tpu.dma_semaphore, #tpu.memory_space<semaphore_mem>>)
        %dma_wait3A = arith.constant 0 : i32
        %dma_wait3A_278 = tpu.memref_slice %arg22[%add3A_246, %dma_wait3A] : memref<5128x128xf32, #tpu.memory_space<vmem_shared>> -> memref<32x128xf32, #tpu.memory_space<vmem_shared>>
        %dma_wait3A_279 = arith.constant 0 : i32
        %dma_wait3A_280 = tpu.memref_slice %arg22[%add3A_246, %dma_wait3A_279] : memref<5128x128xf32, #tpu.memory_space<vmem_shared>> -> memref<32x128xf32, #tpu.memory_space<vmem_shared>>
        tpu.wait_dma2 semaphore(%run_scoped3A : memref<!tpu.dma_semaphore, #tpu.memory_space<semaphore_mem>>) src(%dma_wait3A_280 : memref<32x128xf32, #tpu.memory_space<vmem_shared>>) dst(%arg18 : memref<32x128xf32, #tpu.memory_space<vmem>>)
        tpu.yield
      }) : () -> ()
      %add3A_247 = arith.addi %mul3A_1, %mul3A_33 : i32
      %mul3A_248 = arith.constant 320 : i32
      %mul3A_249 = arith.muli %arg1, %mul3A_248 : i32
      %add3A_250 = arith.addi %add3A_247, %mul3A_249 : i32
      %add3A_251 = arith.constant 224 : i32
      %add3A_252 = arith.addi %add3A_250, %add3A_251 : i32
      "tpu.region"() ({
        %run_scoped3A = tpu.sem_alloc : memref<!tpu.dma_semaphore, #tpu.memory_space<semaphore_mem>>
        %dma_start3A = arith.constant 0 : i32
        %dma_start3A_275 = tpu.memref_slice %arg4[%add3A_252, %dma_start3A] : memref<102400x128xf32, #tpu.memory_space<hbm>> -> memref<32x128xf32, #tpu.memory_space<hbm>>
        %dma_start3A_276 = arith.constant 0 : i32
        %dma_start3A_277 = tpu.memref_slice %arg4[%add3A_252, %dma_start3A_276] : memref<102400x128xf32, #tpu.memory_space<hbm>> -> memref<32x128xf32, #tpu.memory_space<hbm>>
        tpu.enqueue_dma source(%arg18 : memref<32x128xf32, #tpu.memory_space<vmem>>) target(%dma_start3A_277 : memref<32x128xf32, #tpu.memory_space<hbm>>) target_semaphore(%run_scoped3A : memref<!tpu.dma_semaphore, #tpu.memory_space<semaphore_mem>>)
        %dma_wait3A = arith.constant 0 : i32
        %dma_wait3A_278 = tpu.memref_slice %arg4[%add3A_252, %dma_wait3A] : memref<102400x128xf32, #tpu.memory_space<hbm>> -> memref<32x128xf32, #tpu.memory_space<hbm>>
        %dma_wait3A_279 = arith.constant 0 : i32
        %dma_wait3A_280 = tpu.memref_slice %arg4[%add3A_252, %dma_wait3A_279] : memref<102400x128xf32, #tpu.memory_space<hbm>> -> memref<32x128xf32, #tpu.memory_space<hbm>>
        tpu.wait_dma2 semaphore(%run_scoped3A : memref<!tpu.dma_semaphore, #tpu.memory_space<semaphore_mem>>) src(%arg18 : memref<32x128xf32, #tpu.memory_space<vmem>>) dst(%dma_wait3A_280 : memref<32x128xf32, #tpu.memory_space<hbm>>)
        tpu.yield
      }) : () -> ()
      %mul3A_253 = arith.constant 320 : i32
      %mul3A_254 = arith.muli %arg1, %mul3A_253 : i32
      %add3A_255 = arith.constant 256 : i32
      %add3A_256 = arith.addi %mul3A_254, %add3A_255 : i32
      "tpu.region"() ({
        %run_scoped3A = tpu.sem_alloc : memref<!tpu.dma_semaphore, #tpu.memory_space<semaphore_mem>>
        %dma_start3A = arith.constant 0 : i32
        %dma_start3A_275 = tpu.memref_slice %arg22[%add3A_256, %dma_start3A] : memref<5128x128xf32, #tpu.memory_space<vmem_shared>> -> memref<32x128xf32, #tpu.memory_space<vmem_shared>>
        %dma_start3A_276 = arith.constant 0 : i32
        %dma_start3A_277 = tpu.memref_slice %arg22[%add3A_256, %dma_start3A_276] : memref<5128x128xf32, #tpu.memory_space<vmem_shared>> -> memref<32x128xf32, #tpu.memory_space<vmem_shared>>
        tpu.enqueue_dma source(%dma_start3A_277 : memref<32x128xf32, #tpu.memory_space<vmem_shared>>) target(%arg18 : memref<32x128xf32, #tpu.memory_space<vmem>>) target_semaphore(%run_scoped3A : memref<!tpu.dma_semaphore, #tpu.memory_space<semaphore_mem>>)
        %dma_wait3A = arith.constant 0 : i32
        %dma_wait3A_278 = tpu.memref_slice %arg22[%add3A_256, %dma_wait3A] : memref<5128x128xf32, #tpu.memory_space<vmem_shared>> -> memref<32x128xf32, #tpu.memory_space<vmem_shared>>
        %dma_wait3A_279 = arith.constant 0 : i32
        %dma_wait3A_280 = tpu.memref_slice %arg22[%add3A_256, %dma_wait3A_279] : memref<5128x128xf32, #tpu.memory_space<vmem_shared>> -> memref<32x128xf32, #tpu.memory_space<vmem_shared>>
        tpu.wait_dma2 semaphore(%run_scoped3A : memref<!tpu.dma_semaphore, #tpu.memory_space<semaphore_mem>>) src(%dma_wait3A_280 : memref<32x128xf32, #tpu.memory_space<vmem_shared>>) dst(%arg18 : memref<32x128xf32, #tpu.memory_space<vmem>>)
        tpu.yield
      }) : () -> ()
      %add3A_257 = arith.addi %mul3A_1, %mul3A_33 : i32
      %mul3A_258 = arith.constant 320 : i32
      %mul3A_259 = arith.muli %arg1, %mul3A_258 : i32
      %add3A_260 = arith.addi %add3A_257, %mul3A_259 : i32
      %add3A_261 = arith.constant 256 : i32
      %add3A_262 = arith.addi %add3A_260, %add3A_261 : i32
      "tpu.region"() ({
        %run_scoped3A = tpu.sem_alloc : memref<!tpu.dma_semaphore, #tpu.memory_space<semaphore_mem>>
        %dma_start3A = arith.constant 0 : i32
        %dma_start3A_275 = tpu.memref_slice %arg4[%add3A_262, %dma_start3A] : memref<102400x128xf32, #tpu.memory_space<hbm>> -> memref<32x128xf32, #tpu.memory_space<hbm>>
        %dma_start3A_276 = arith.constant 0 : i32
        %dma_start3A_277 = tpu.memref_slice %arg4[%add3A_262, %dma_start3A_276] : memref<102400x128xf32, #tpu.memory_space<hbm>> -> memref<32x128xf32, #tpu.memory_space<hbm>>
        tpu.enqueue_dma source(%arg18 : memref<32x128xf32, #tpu.memory_space<vmem>>) target(%dma_start3A_277 : memref<32x128xf32, #tpu.memory_space<hbm>>) target_semaphore(%run_scoped3A : memref<!tpu.dma_semaphore, #tpu.memory_space<semaphore_mem>>)
        %dma_wait3A = arith.constant 0 : i32
        %dma_wait3A_278 = tpu.memref_slice %arg4[%add3A_262, %dma_wait3A] : memref<102400x128xf32, #tpu.memory_space<hbm>> -> memref<32x128xf32, #tpu.memory_space<hbm>>
        %dma_wait3A_279 = arith.constant 0 : i32
        %dma_wait3A_280 = tpu.memref_slice %arg4[%add3A_262, %dma_wait3A_279] : memref<102400x128xf32, #tpu.memory_space<hbm>> -> memref<32x128xf32, #tpu.memory_space<hbm>>
        tpu.wait_dma2 semaphore(%run_scoped3A : memref<!tpu.dma_semaphore, #tpu.memory_space<semaphore_mem>>) src(%arg18 : memref<32x128xf32, #tpu.memory_space<vmem>>) dst(%dma_wait3A_280 : memref<32x128xf32, #tpu.memory_space<hbm>>)
        tpu.yield
      }) : () -> ()
      %mul3A_263 = arith.constant 320 : i32
      %mul3A_264 = arith.muli %arg1, %mul3A_263 : i32
      %add3A_265 = arith.constant 288 : i32
      %add3A_266 = arith.addi %mul3A_264, %add3A_265 : i32
      "tpu.region"() ({
        %run_scoped3A = tpu.sem_alloc : memref<!tpu.dma_semaphore, #tpu.memory_space<semaphore_mem>>
        %dma_start3A = arith.constant 0 : i32
        %dma_start3A_275 = tpu.memref_slice %arg22[%add3A_266, %dma_start3A] : memref<5128x128xf32, #tpu.memory_space<vmem_shared>> -> memref<32x128xf32, #tpu.memory_space<vmem_shared>>
        %dma_start3A_276 = arith.constant 0 : i32
        %dma_start3A_277 = tpu.memref_slice %arg22[%add3A_266, %dma_start3A_276] : memref<5128x128xf32, #tpu.memory_space<vmem_shared>> -> memref<32x128xf32, #tpu.memory_space<vmem_shared>>
        tpu.enqueue_dma source(%dma_start3A_277 : memref<32x128xf32, #tpu.memory_space<vmem_shared>>) target(%arg18 : memref<32x128xf32, #tpu.memory_space<vmem>>) target_semaphore(%run_scoped3A : memref<!tpu.dma_semaphore, #tpu.memory_space<semaphore_mem>>)
        %dma_wait3A = arith.constant 0 : i32
        %dma_wait3A_278 = tpu.memref_slice %arg22[%add3A_266, %dma_wait3A] : memref<5128x128xf32, #tpu.memory_space<vmem_shared>> -> memref<32x128xf32, #tpu.memory_space<vmem_shared>>
        %dma_wait3A_279 = arith.constant 0 : i32
        %dma_wait3A_280 = tpu.memref_slice %arg22[%add3A_266, %dma_wait3A_279] : memref<5128x128xf32, #tpu.memory_space<vmem_shared>> -> memref<32x128xf32, #tpu.memory_space<vmem_shared>>
        tpu.wait_dma2 semaphore(%run_scoped3A : memref<!tpu.dma_semaphore, #tpu.memory_space<semaphore_mem>>) src(%dma_wait3A_280 : memref<32x128xf32, #tpu.memory_space<vmem_shared>>) dst(%arg18 : memref<32x128xf32, #tpu.memory_space<vmem>>)
        tpu.yield
      }) : () -> ()
      %add3A_267 = arith.addi %mul3A_1, %mul3A_33 : i32
      %mul3A_268 = arith.constant 320 : i32
      %mul3A_269 = arith.muli %arg1, %mul3A_268 : i32
      %add3A_270 = arith.addi %add3A_267, %mul3A_269 : i32
      %add3A_271 = arith.constant 288 : i32
      %add3A_272 = arith.addi %add3A_270, %add3A_271 : i32
      "tpu.region"() ({
        %run_scoped3A = tpu.sem_alloc : memref<!tpu.dma_semaphore, #tpu.memory_space<semaphore_mem>>
        %dma_start3A = arith.constant 0 : i32
        %dma_start3A_275 = tpu.memref_slice %arg4[%add3A_272, %dma_start3A] : memref<102400x128xf32, #tpu.memory_space<hbm>> -> memref<32x128xf32, #tpu.memory_space<hbm>>
        %dma_start3A_276 = arith.constant 0 : i32
        %dma_start3A_277 = tpu.memref_slice %arg4[%add3A_272, %dma_start3A_276] : memref<102400x128xf32, #tpu.memory_space<hbm>> -> memref<32x128xf32, #tpu.memory_space<hbm>>
        tpu.enqueue_dma source(%arg18 : memref<32x128xf32, #tpu.memory_space<vmem>>) target(%dma_start3A_277 : memref<32x128xf32, #tpu.memory_space<hbm>>) target_semaphore(%run_scoped3A : memref<!tpu.dma_semaphore, #tpu.memory_space<semaphore_mem>>)
        %dma_wait3A = arith.constant 0 : i32
        %dma_wait3A_278 = tpu.memref_slice %arg4[%add3A_272, %dma_wait3A] : memref<102400x128xf32, #tpu.memory_space<hbm>> -> memref<32x128xf32, #tpu.memory_space<hbm>>
        %dma_wait3A_279 = arith.constant 0 : i32
        %dma_wait3A_280 = tpu.memref_slice %arg4[%add3A_272, %dma_wait3A_279] : memref<102400x128xf32, #tpu.memory_space<hbm>> -> memref<32x128xf32, #tpu.memory_space<hbm>>
        tpu.wait_dma2 semaphore(%run_scoped3A : memref<!tpu.dma_semaphore, #tpu.memory_space<semaphore_mem>>) src(%arg18 : memref<32x128xf32, #tpu.memory_space<vmem>>) dst(%dma_wait3A_280 : memref<32x128xf32, #tpu.memory_space<hbm>>)
        tpu.yield
      }) : () -> ()
      %barrier3A_273 = arith.constant 0 : index
      tpu.barrier barrier_id(%barrier3A_273)
      %scan3A_274 = arith.constant 0 : i32
      scf.yield %scan3A_274 : i32
    }
    %scan3A_29 = arith.constant 10 : i32
    return
  }
}

module attributes {stable_mosaic.version = 14 : i64} {
  func.func @_norms_body(%arg0: memref<4x51200xf32, #tpu.memory_space<vmem>>, %arg1: memref<4x51200xf32, #tpu.memory_space<vmem>>) attributes {dimension_semantics = [], scalar_prefetch = 0 : i64, scratch_operands = 0 : i64, tpu.core_type = #tpu.core_type<tc>} {
    %get3A = arith.constant 0 : index
    %get3A_0 = arith.constant 0 : index
    %get3A_1 = vector.load %arg0[%get3A, %get3A_0] : memref<4x51200xf32, #tpu.memory_space<vmem>>, vector<4x51200xf32>
    %gt3A = arith.constant 0.000000e+00 : f32
    %gt3A_2 = vector.broadcast %gt3A : f32 to vector<4x51200xf32>
    %gt3A_3 = arith.cmpf ogt, %get3A_1, %gt3A_2 : vector<4x51200xf32>
    %jit3A = arith.constant 1.000000e+00 : f32
    %broadcast_in_dim3A = vector.broadcast %jit3A : f32 to vector<4x51200xf32>
    %select_n3A = arith.select %gt3A_3, %get3A_1, %broadcast_in_dim3A : vector<4x51200xi1>, vector<4x51200xf32>
    %rsqrt3A = math.rsqrt %select_n3A : vector<4x51200xf32>
    %swap3A = arith.constant 0 : index
    %swap3A_4 = arith.constant 0 : index
    %swap3A_5 = vector.load %arg1[%swap3A, %swap3A_4] : memref<4x51200xf32, #tpu.memory_space<vmem>>, vector<4x51200xf32>
    tpu.vector_store %arg1[%swap3A, %swap3A_4], %rsqrt3A {strides = array<i32>} : memref<4x51200xf32, #tpu.memory_space<vmem>>, vector<4x51200xf32>,
    return
  }
}

module attributes {stable_mosaic.version = 14 : i64} {
  func.func @_mm_body(%arg0: i32, %arg1: i32, %arg2: memref<512x128xf32, #tpu.memory_space<vmem>>, %arg3: memref<1x1x512x1xf32, #tpu.memory_space<vmem>>, %arg4: memref<1x128x128xf32, #tpu.memory_space<vmem>>, %arg5: memref<512x128xf32, #tpu.memory_space<vmem>>) attributes {dimension_semantics = [#tpu.dimension_semantics<arbitrary>, #tpu.dimension_semantics<arbitrary>], iteration_bounds = array<i64: 2, 98>, scalar_prefetch = 0 : i64, scratch_operands = 0 : i64, tpu.core_type = #tpu.core_type<tc>, window_params = [{transform_indices = @transform_0, window_bounds = array<i64: 512, 128>}, {transform_indices = @transform_1, window_bounds = array<i64: 1, 1, 512, 1>}, {transform_indices = @transform_2, window_bounds = array<i64: 1, 128, 128>}, {transform_indices = @transform_3, window_bounds = array<i64: 512, 128>}]} {
    %get3A = arith.constant 0 : index
    %get3A_0 = arith.constant 0 : index
    %get3A_1 = arith.constant 0 : index
    %get3A_2 = arith.constant 0 : index
    %get3A_3 = vector.load %arg3[%get3A, %get3A_0, %get3A_1, %get3A_2] : memref<1x1x512x1xf32, #tpu.memory_space<vmem>>, vector<1x1x512x1xf32>
    %reshape3A = vector.shape_cast %get3A_3 : vector<1x1x512x1xf32> to vector<512x1xf32>
    %get3A_4 = arith.constant 0 : index
    %get3A_5 = arith.constant 0 : index
    %get3A_6 = vector.load %arg2[%get3A_4, %get3A_5] : memref<512x128xf32, #tpu.memory_space<vmem>>, vector<512x128xf32>
    %mul3A = vector.broadcast %reshape3A : vector<512x1xf32> to vector<512x128xf32>
    %mul3A_7 = arith.mulf %get3A_6, %mul3A : vector<512x128xf32>
    %get3A_8 = arith.constant 0 : index
    %get3A_9 = arith.constant 0 : index
    %get3A_10 = arith.constant 0 : index
    %get3A_11 = vector.load %arg4[%get3A_8, %get3A_9, %get3A_10] : memref<1x128x128xf32, #tpu.memory_space<vmem>>, vector<1x128x128xf32>
    %reshape3A_12 = vector.shape_cast %get3A_11 : vector<1x128x128xf32> to vector<128x128xf32>
    %dot_general3A = arith.constant dense<0.000000e+00> : vector<512x128xf32>
    %dot_general3A_13 = tpu.matmul %mul3A_7, %reshape3A_12, %dot_general3A {dimension_numbers = #tpu.dot_dimension_numbers<[1], [0], [0], [1], [0, 0, 1, 1], [], []>, transpose_lhs_hint = false} : vector<512x128xf32>, vector<128x128xf32>, vector<512x128xf32> -> vector<512x128xf32>
    %swap3A = arith.constant 0 : index
    %swap3A_14 = arith.constant 0 : index
    %swap3A_15 = vector.load %arg5[%swap3A, %swap3A_14] : memref<512x128xf32, #tpu.memory_space<vmem>>, vector<512x128xf32>
    tpu.vector_store %arg5[%swap3A, %swap3A_14], %dot_general3A_13 {strides = array<i32>} : memref<512x128xf32, #tpu.memory_space<vmem>>, vector<512x128xf32>,
    return
  }
  func.func @transform_0(%arg0: i32, %arg1: i32) -> (i32, i32) {
    %c0_i32 = arith.constant 0 : i32
    %c0_i32_0 = arith.constant 0 : i32
    return %arg1, %c0_i32 : i32, i32
  }
  func.func @transform_1(%arg0: i32, %arg1: i32) -> (i32, i32, i32, i32) {
    %c0_i32 = arith.constant 0 : i32
    %c0_i32_0 = arith.constant 0 : i32
    %c0_i32_1 = arith.constant 0 : i32
    return %arg0, %arg1, %c0_i32, %c0_i32_0 : i32, i32, i32, i32
  }
  func.func @transform_2(%arg0: i32, %arg1: i32) -> (i32, i32, i32) {
    %c0_i32 = arith.constant 0 : i32
    %c0_i32_0 = arith.constant 0 : i32
    %c0_i32_1 = arith.constant 0 : i32
    return %arg0, %c0_i32, %c0_i32_0 : i32, i32, i32
  }
  func.func @transform_3(%arg0: i32, %arg1: i32) -> (i32, i32) {
    %mul3A = arith.constant 100 : i32
    %mul3A_0 = arith.muli %arg0, %mul3A : i32
    %add3A = arith.addi %mul3A_0, %arg1 : i32
    %c0_i32 = arith.constant 0 : i32
    %c0_i32_1 = arith.constant 0 : i32
    return %add3A, %c0_i32 : i32, i32
  }
}

module attributes {stable_mosaic.version = 14 : i64} {
  func.func @_comb_body(%arg0: i32, %arg1: memref<512x128xf32, #tpu.memory_space<vmem>>, %arg2: memref<512x128xf32, #tpu.memory_space<vmem>>, %arg3: memref<1x1x512x1xf32, #tpu.memory_space<vmem>>, %arg4: memref<1x1x512x1xf32, #tpu.memory_space<vmem>>, %arg5: memref<1x128xf32, #tpu.memory_space<vmem>>, %arg6: memref<512x128xf32, #tpu.memory_space<vmem>>) attributes {dimension_semantics = [#tpu.dimension_semantics<arbitrary>], iteration_bounds = array<i64: 100>, scalar_prefetch = 0 : i64, scratch_operands = 0 : i64, tpu.core_type = #tpu.core_type<tc>, window_params = [{transform_indices = @transform_0, window_bounds = array<i64: 512, 128>}, {transform_indices = @transform_1, window_bounds = array<i64: 512, 128>}, {transform_indices = @transform_2, window_bounds = array<i64: 1, 1, 512, 1>}, {transform_indices = @transform_3, window_bounds = array<i64: 1, 1, 512, 1>}, {pipeline_mode = #tpu.pipeline_mode<synchronous>, transform_indices = @transform_4, window_bounds = array<i64: 1, 128>}, {transform_indices = @transform_5, window_bounds = array<i64: 512, 128>}]} {
    %get3A = arith.constant 0 : index
    %get3A_0 = arith.constant 0 : index
    %get3A_1 = arith.constant 0 : index
    %get3A_2 = arith.constant 0 : index
    %get3A_3 = vector.load %arg3[%get3A, %get3A_0, %get3A_1, %get3A_2] : memref<1x1x512x1xf32, #tpu.memory_space<vmem>>, vector<1x1x512x1xf32>
    %reshape3A = vector.shape_cast %get3A_3 : vector<1x1x512x1xf32> to vector<512x1xf32>
    %get3A_4 = arith.constant 0 : index
    %get3A_5 = arith.constant 0 : index
    %get3A_6 = arith.constant 0 : index
    %get3A_7 = arith.constant 0 : index
    %get3A_8 = vector.load %arg4[%get3A_4, %get3A_5, %get3A_6, %get3A_7] : memref<1x1x512x1xf32, #tpu.memory_space<vmem>>, vector<1x1x512x1xf32>
    %reshape3A_9 = vector.shape_cast %get3A_8 : vector<1x1x512x1xf32> to vector<512x1xf32>
    %get3A_10 = arith.constant 0 : index
    %get3A_11 = arith.constant 0 : index
    %get3A_12 = vector.load %arg1[%get3A_10, %get3A_11] : memref<512x128xf32, #tpu.memory_space<vmem>>, vector<512x128xf32>
    %mul3A = vector.broadcast %reshape3A : vector<512x1xf32> to vector<512x128xf32>
    %mul3A_13 = arith.mulf %get3A_12, %mul3A : vector<512x128xf32>
    %get3A_14 = arith.constant 0 : index
    %get3A_15 = arith.constant 0 : index
    %get3A_16 = vector.load %arg2[%get3A_14, %get3A_15] : memref<512x128xf32, #tpu.memory_space<vmem>>, vector<512x128xf32>
    %mul3A_17 = vector.broadcast %reshape3A_9 : vector<512x1xf32> to vector<512x128xf32>
    %mul3A_18 = arith.mulf %get3A_16, %mul3A_17 : vector<512x128xf32>
    %add3A = arith.addf %mul3A_13, %mul3A_18 : vector<512x128xf32>
    %get3A_19 = arith.constant 0 : index
    %get3A_20 = arith.constant 0 : index
    %get3A_21 = vector.load %arg5[%get3A_19, %get3A_20] : memref<1x128xf32, #tpu.memory_space<vmem>>, vector<1x128xf32>
    %add3A_22 = vector.broadcast %get3A_21 : vector<1x128xf32> to vector<512x128xf32>
    %add3A_23 = arith.addf %add3A, %add3A_22 : vector<512x128xf32>
    %max3A = arith.constant 0.000000e+00 : f32
    %max3A_24 = vector.broadcast %max3A : f32 to vector<512x128xf32>
    %max3A_25 = arith.maximumf %add3A_23, %max3A_24 : vector<512x128xf32>
    %swap3A = arith.constant 0 : index
    %swap3A_26 = arith.constant 0 : index
    %swap3A_27 = vector.load %arg6[%swap3A, %swap3A_26] : memref<512x128xf32, #tpu.memory_space<vmem>>, vector<512x128xf32>
    tpu.vector_store %arg6[%swap3A, %swap3A_26], %max3A_25 {strides = array<i32>} : memref<512x128xf32, #tpu.memory_space<vmem>>, vector<512x128xf32>,
    return
  }
  func.func @transform_0(%arg0: i32) -> (i32, i32) {
    %c0_i32 = arith.constant 0 : i32
    %c0_i32_0 = arith.constant 0 : i32
    return %arg0, %c0_i32 : i32, i32
  }
  func.func @transform_1(%arg0: i32) -> (i32, i32) {
    %add3A = arith.constant 100 : i32
    %add3A_0 = arith.addi %add3A, %arg0 : i32
    %c0_i32 = arith.constant 0 : i32
    %c0_i32_1 = arith.constant 0 : i32
    return %add3A_0, %c0_i32 : i32, i32
  }
  func.func @transform_2(%arg0: i32) -> (i32, i32, i32, i32) {
    %c0_i32 = arith.constant 0 : i32
    %c0_i32_0 = arith.constant 0 : i32
    %c0_i32_1 = arith.constant 0 : i32
    %c0_i32_2 = arith.constant 0 : i32
    return %c0_i32, %arg0, %c0_i32_0, %c0_i32_1 : i32, i32, i32, i32
  }
  func.func @transform_3(%arg0: i32) -> (i32, i32, i32, i32) {
    %c1_i32 = arith.constant 1 : i32
    %c0_i32 = arith.constant 0 : i32
    %c0_i32_0 = arith.constant 0 : i32
    %c0_i32_1 = arith.constant 0 : i32
    return %c1_i32, %arg0, %c0_i32, %c0_i32_0 : i32, i32, i32, i32
  }
  func.func @transform_4(%arg0: i32) -> (i32, i32) {
    %c0_i32 = arith.constant 0 : i32
    %c0_i32_0 = arith.constant 0 : i32
    %c0_i32_1 = arith.constant 0 : i32
    return %c0_i32, %c0_i32_0 : i32, i32
  }
  func.func @transform_5(%arg0: i32) -> (i32, i32) {
    %c0_i32 = arith.constant 0 : i32
    %c0_i32_0 = arith.constant 0 : i32
    return %arg0, %c0_i32 : i32, i32
  }
}

module attributes {stable_mosaic.version = 14 : i64} {
  func.func @_mm_body(%arg0: i32, %arg1: i32, %arg2: memref<512x128xf32, #tpu.memory_space<vmem>>, %arg3: memref<1x1x512x1xf32, #tpu.memory_space<vmem>>, %arg4: memref<1x128x128xf32, #tpu.memory_space<vmem>>, %arg5: memref<512x128xf32, #tpu.memory_space<vmem>>) attributes {dimension_semantics = [#tpu.dimension_semantics<arbitrary>, #tpu.dimension_semantics<arbitrary>], iteration_bounds = array<i64: 2, 98>, scalar_prefetch = 0 : i64, scratch_operands = 0 : i64, tpu.core_type = #tpu.core_type<tc>, window_params = [{transform_indices = @transform_0, window_bounds = array<i64: 512, 128>}, {transform_indices = @transform_1, window_bounds = array<i64: 1, 1, 512, 1>}, {transform_indices = @transform_2, window_bounds = array<i64: 1, 128, 128>}, {transform_indices = @transform_3, window_bounds = array<i64: 512, 128>}]} {
    %get3A = arith.constant 0 : index
    %get3A_0 = arith.constant 0 : index
    %get3A_1 = arith.constant 0 : index
    %get3A_2 = arith.constant 0 : index
    %get3A_3 = vector.load %arg3[%get3A, %get3A_0, %get3A_1, %get3A_2] : memref<1x1x512x1xf32, #tpu.memory_space<vmem>>, vector<1x1x512x1xf32>
    %reshape3A = vector.shape_cast %get3A_3 : vector<1x1x512x1xf32> to vector<512x1xf32>
    %get3A_4 = arith.constant 0 : index
    %get3A_5 = arith.constant 0 : index
    %get3A_6 = vector.load %arg2[%get3A_4, %get3A_5] : memref<512x128xf32, #tpu.memory_space<vmem>>, vector<512x128xf32>
    %mul3A = vector.broadcast %reshape3A : vector<512x1xf32> to vector<512x128xf32>
    %mul3A_7 = arith.mulf %get3A_6, %mul3A : vector<512x128xf32>
    %get3A_8 = arith.constant 0 : index
    %get3A_9 = arith.constant 0 : index
    %get3A_10 = arith.constant 0 : index
    %get3A_11 = vector.load %arg4[%get3A_8, %get3A_9, %get3A_10] : memref<1x128x128xf32, #tpu.memory_space<vmem>>, vector<1x128x128xf32>
    %reshape3A_12 = vector.shape_cast %get3A_11 : vector<1x128x128xf32> to vector<128x128xf32>
    %dot_general3A = arith.constant dense<0.000000e+00> : vector<512x128xf32>
    %dot_general3A_13 = tpu.matmul %mul3A_7, %reshape3A_12, %dot_general3A {dimension_numbers = #tpu.dot_dimension_numbers<[1], [0], [0], [1], [0, 0, 1, 1], [], []>, transpose_lhs_hint = false} : vector<512x128xf32>, vector<128x128xf32>, vector<512x128xf32> -> vector<512x128xf32>
    %swap3A = arith.constant 0 : index
    %swap3A_14 = arith.constant 0 : index
    %swap3A_15 = vector.load %arg5[%swap3A, %swap3A_14] : memref<512x128xf32, #tpu.memory_space<vmem>>, vector<512x128xf32>
    tpu.vector_store %arg5[%swap3A, %swap3A_14], %dot_general3A_13 {strides = array<i32>} : memref<512x128xf32, #tpu.memory_space<vmem>>, vector<512x128xf32>,
    return
  }
  func.func @transform_0(%arg0: i32, %arg1: i32) -> (i32, i32) {
    %c0_i32 = arith.constant 0 : i32
    %c0_i32_0 = arith.constant 0 : i32
    return %arg1, %c0_i32 : i32, i32
  }
  func.func @transform_1(%arg0: i32, %arg1: i32) -> (i32, i32, i32, i32) {
    %c0_i32 = arith.constant 0 : i32
    %c0_i32_0 = arith.constant 0 : i32
    %c0_i32_1 = arith.constant 0 : i32
    return %arg0, %arg1, %c0_i32, %c0_i32_0 : i32, i32, i32, i32
  }
  func.func @transform_2(%arg0: i32, %arg1: i32) -> (i32, i32, i32) {
    %c0_i32 = arith.constant 0 : i32
    %c0_i32_0 = arith.constant 0 : i32
    %c0_i32_1 = arith.constant 0 : i32
    return %arg0, %c0_i32, %c0_i32_0 : i32, i32, i32
  }
  func.func @transform_3(%arg0: i32, %arg1: i32) -> (i32, i32) {
    %mul3A = arith.constant 100 : i32
    %mul3A_0 = arith.muli %arg0, %mul3A : i32
    %add3A = arith.addi %mul3A_0, %arg1 : i32
    %c0_i32 = arith.constant 0 : i32
    %c0_i32_1 = arith.constant 0 : i32
    return %add3A, %c0_i32 : i32, i32
  }
}

module attributes {stable_mosaic.version = 14 : i64} {
  func.func @_comb_body(%arg0: i32, %arg1: memref<512x128xf32, #tpu.memory_space<vmem>>, %arg2: memref<512x128xf32, #tpu.memory_space<vmem>>, %arg3: memref<1x1x512x1xf32, #tpu.memory_space<vmem>>, %arg4: memref<1x1x512x1xf32, #tpu.memory_space<vmem>>, %arg5: memref<1x128xf32, #tpu.memory_space<vmem>>, %arg6: memref<512x128xf32, #tpu.memory_space<vmem>>) attributes {dimension_semantics = [#tpu.dimension_semantics<arbitrary>], iteration_bounds = array<i64: 98>, scalar_prefetch = 0 : i64, scratch_operands = 0 : i64, tpu.core_type = #tpu.core_type<tc>, window_params = [{transform_indices = @transform_0, window_bounds = array<i64: 512, 128>}, {transform_indices = @transform_1, window_bounds = array<i64: 512, 128>}, {transform_indices = @transform_2, window_bounds = array<i64: 1, 1, 512, 1>}, {transform_indices = @transform_3, window_bounds = array<i64: 1, 1, 512, 1>}, {pipeline_mode = #tpu.pipeline_mode<synchronous>, transform_indices = @transform_4, window_bounds = array<i64: 1, 128>}, {transform_indices = @transform_5, window_bounds = array<i64: 512, 128>}]} {
    %get3A = arith.constant 0 : index
    %get3A_0 = arith.constant 0 : index
    %get3A_1 = arith.constant 0 : index
    %get3A_2 = arith.constant 0 : index
    %get3A_3 = vector.load %arg3[%get3A, %get3A_0, %get3A_1, %get3A_2] : memref<1x1x512x1xf32, #tpu.memory_space<vmem>>, vector<1x1x512x1xf32>
    %reshape3A = vector.shape_cast %get3A_3 : vector<1x1x512x1xf32> to vector<512x1xf32>
    %get3A_4 = arith.constant 0 : index
    %get3A_5 = arith.constant 0 : index
    %get3A_6 = arith.constant 0 : index
    %get3A_7 = arith.constant 0 : index
    %get3A_8 = vector.load %arg4[%get3A_4, %get3A_5, %get3A_6, %get3A_7] : memref<1x1x512x1xf32, #tpu.memory_space<vmem>>, vector<1x1x512x1xf32>
    %reshape3A_9 = vector.shape_cast %get3A_8 : vector<1x1x512x1xf32> to vector<512x1xf32>
    %get3A_10 = arith.constant 0 : index
    %get3A_11 = arith.constant 0 : index
    %get3A_12 = vector.load %arg1[%get3A_10, %get3A_11] : memref<512x128xf32, #tpu.memory_space<vmem>>, vector<512x128xf32>
    %mul3A = vector.broadcast %reshape3A : vector<512x1xf32> to vector<512x128xf32>
    %mul3A_13 = arith.mulf %get3A_12, %mul3A : vector<512x128xf32>
    %get3A_14 = arith.constant 0 : index
    %get3A_15 = arith.constant 0 : index
    %get3A_16 = vector.load %arg2[%get3A_14, %get3A_15] : memref<512x128xf32, #tpu.memory_space<vmem>>, vector<512x128xf32>
    %mul3A_17 = vector.broadcast %reshape3A_9 : vector<512x1xf32> to vector<512x128xf32>
    %mul3A_18 = arith.mulf %get3A_16, %mul3A_17 : vector<512x128xf32>
    %add3A = arith.addf %mul3A_13, %mul3A_18 : vector<512x128xf32>
    %get3A_19 = arith.constant 0 : index
    %get3A_20 = arith.constant 0 : index
    %get3A_21 = vector.load %arg5[%get3A_19, %get3A_20] : memref<1x128xf32, #tpu.memory_space<vmem>>, vector<1x128xf32>
    %add3A_22 = vector.broadcast %get3A_21 : vector<1x128xf32> to vector<512x128xf32>
    %add3A_23 = arith.addf %add3A, %add3A_22 : vector<512x128xf32>
    %max3A = arith.constant 0.000000e+00 : f32
    %max3A_24 = vector.broadcast %max3A : f32 to vector<512x128xf32>
    %max3A_25 = arith.maximumf %add3A_23, %max3A_24 : vector<512x128xf32>
    %swap3A = arith.constant 0 : index
    %swap3A_26 = arith.constant 0 : index
    %swap3A_27 = vector.load %arg6[%swap3A, %swap3A_26] : memref<512x128xf32, #tpu.memory_space<vmem>>, vector<512x128xf32>
    tpu.vector_store %arg6[%swap3A, %swap3A_26], %max3A_25 {strides = array<i32>} : memref<512x128xf32, #tpu.memory_space<vmem>>, vector<512x128xf32>,
    return
  }
  func.func @transform_0(%arg0: i32) -> (i32, i32) {
    %c0_i32 = arith.constant 0 : i32
    %c0_i32_0 = arith.constant 0 : i32
    return %arg0, %c0_i32 : i32, i32
  }
  func.func @transform_1(%arg0: i32) -> (i32, i32) {
    %add3A = arith.constant 100 : i32
    %add3A_0 = arith.addi %add3A, %arg0 : i32
    %c0_i32 = arith.constant 0 : i32
    %c0_i32_1 = arith.constant 0 : i32
    return %add3A_0, %c0_i32 : i32, i32
  }
  func.func @transform_2(%arg0: i32) -> (i32, i32, i32, i32) {
    %c0_i32 = arith.constant 0 : i32
    %c0_i32_0 = arith.constant 0 : i32
    %c0_i32_1 = arith.constant 0 : i32
    %c0_i32_2 = arith.constant 0 : i32
    return %c0_i32, %arg0, %c0_i32_0, %c0_i32_1 : i32, i32, i32, i32
  }
  func.func @transform_3(%arg0: i32) -> (i32, i32, i32, i32) {
    %c1_i32 = arith.constant 1 : i32
    %c0_i32 = arith.constant 0 : i32
    %c0_i32_0 = arith.constant 0 : i32
    %c0_i32_1 = arith.constant 0 : i32
    return %c1_i32, %arg0, %c0_i32, %c0_i32_0 : i32, i32, i32, i32
  }
  func.func @transform_4(%arg0: i32) -> (i32, i32) {
    %c0_i32 = arith.constant 0 : i32
    %c0_i32_0 = arith.constant 0 : i32
    %c0_i32_1 = arith.constant 0 : i32
    return %c0_i32, %c0_i32_0 : i32, i32
  }
  func.func @transform_5(%arg0: i32) -> (i32, i32) {
    %c0_i32 = arith.constant 0 : i32
    %c0_i32_0 = arith.constant 0 : i32
    return %arg0, %c0_i32 : i32, i32
  }
}

</mosaic_0001>

<sc_bundles>
// kernel: kernel.10.cloned.1.call-start
scs
__scs_entry_jumppad:
0x0: {  	(pc) =	sbr.rel $0x88, $3  }
0x1: {  	(tag) =	ssettag $0x0;
	lr =	simm.s32 $0x1  }
0x2: {  	[smem:$0x3F96] =	sst lr;
	_ =	strace $0xD0000000  }
0x3: {  	_ = 	snop  }
0x4: {  	_ = 	snop  }
0x5: {  	_ = 	snop  }
0x6: {  	_ = 	snop  }
0x7: {  	_ = 	snop  }
__scs_overlays_trampoline_lowered:
0x8: {  	[smem:$0x3FA5] =	sst s0  }
0x9: {  	[smem:$0x3FA6] =	sst s1  }
0xa: {  	[smem:$0x3FA7] =	sst s2  }
0xb: {  	[smem:$0x3FA8] =	sst s3  }
0xc: {  	[smem:$0x3FA9] =	sst s4  }
0xd: {  	[smem:$0x3FAA] =	sst s5  }
0xe: {  	[smem:$0x3FAB] =	sst s6  }
0xf: {  	[smem:$0x3FAC] =	sst s7  }
0x10: {  	[smem:$0x3FAD] =	sst s8  }
0x11: {  	[smem:$0x3FAE] =	sst s9;
	s0 =	simm.s32 @!p0 $0x0  }
0x12: {  	s1 =	sld [smem:$0x3F94];
	s0 =	simm.s32 @p0 $0x1  }
0x13: {  	[smem:$0x3FAF] =	sst s0;
	s0 =	simm.s32 @!p1 $0x0  }
0x14: {  	s2 =	sld [smem:$0x3F93];
	s0 =	simm.s32 @p1 $0x1  }
0x15: {  	[smem:$0x3FB0] =	sst s0;
	s0 =	simm.s32 @!p2 $0x0  }
0x16: {  	s3 =	sld [smem:$0x3FDB];
	s0 =	simm.s32 @p2 $0x1  }
0x17: {  	s4 =	simm.s32 $0x1BF5;
	[smem:$0x3FB2] =	sst s0  }
0x18: {  	s0 =	sld [smem:$0x3F95];
	_ =	swait.ge [sflag:s4], $0x0  }
0x19: {  	s7 =	sld [smem:$0x3F96]  }
0x1a: {  	s8 =	sadd.s32 $0xFFFFE003, lr  }
0x1b: {  	s9 =	sadd.s32 $0xFFFFFEF7, lr;
	s5 =	simm.s32 $0xFFFFFFFF;
	p2 =	slt.u32 s8, $0xFFFFF086  }
0x1c: {  	p1 =	slt.u32 s9, $0xF7A;
	s5 =	simm.s32 @!p2 $0x0  }
0x1d: {  	s5 =	simm.s32 @p1 $0x1;
	p0 =	seq.s32 s7, s2  }
0x1e: {  	s7 =	smul.u32 @!p0 $0xF7A, s2;
	p2 =	seq.s32 @!p0 s5, $0x0  }
0x1f: {  	s9 =	smul.u32 $0xF7A, s1;
	s8 =	simm.s32 @!p0 $0x1BF5;
	p2 =	por !p2, p0  }
0x20: {  	[sflag:s8] =	ssyncset.s32 @!p0 $0xFFFFF086;
	s6 =	sadd.s32 @!p0 s3, s7;
	s7 =	simm.s32 @!p0 $0x108  }
0x21: {  	s3 =	sadd.s32 s3, s9;
	s6 =	sadd.s32 @!p0 $0x88, s6;
	s7 =	simm.s32 @p2 $0x1082  }
0x22: {  	[simem:s7], [sflag:s8] =	dma.local @!p0 [hbm:s6], $0xF7A  }
0x23: {  	s9 =	sor.u32 $0xD0000000, s2;
	s6 =	simm.s32 $0x108;
	_ =	swait.ge @!p0 [sflag:s8], $0x0  }
0x24: {  	s3 =	sadd.s32 $0x88, s3;
	s6 =	simm.s32 @!p1 $0x1082;
	[sflag:s4] =	ssyncset.s32 $0xFFFFF086  }
0x25: {  	[simem:s6], [sflag:s4] =	dma.local [hbm:s3], $0xF7A  }
0x26: {  	[smem:$0x3F96] =	sst s1;
	(tag) =	ssettag s2;
	_ =	strace s9  }
0x27: {  	s1 =	sld [smem:$0x3FA6]  }
0x28: {  	s2 =	sld [smem:$0x3FA7]  }
0x29: {  	s4 =	sld [smem:$0x3FA9]  }
0x2a: {  	p0 =	seq.s32 s5, $0x0;
	s5 =	sld [smem:$0x3FAA]  }
0x2b: {  	s6 =	sld [smem:$0x3FAB]  }
0x2c: {  	s7 =	sld [smem:$0x3FAC]  }
0x2d: {  	s3 =	simm.s32 $0x108;
	s8 =	sld [smem:$0x3FAD]  }
0x2e: {  	s3 =	simm.s32 @!p0 $0x1082;
	s9 =	sld [smem:$0x3FAE]  }
0x2f: {  	lr =	sadd.s32 s0, s3;
	s0 =	sld [smem:$0x3FA5]  }
0x30: {  	s3 =	sld [smem:$0x3FA8]  }
0x31: {  	[smem:$0x3FB1] =	sst s10  }
0x32: {  	s10 =	sld [smem:$0x3FAF];
	_ =	sdelay $0x3  }
0x33: {  	p0 =	seq.s32 s10, $0x1;
	s10 =	sld [smem:$0x3FB1];
	_ =	sdelay $0x3  }
0x34: {  	[smem:$0x3FB1] =	sst s10  }
0x35: {  	s10 =	sld [smem:$0x3FB0];
	_ =	sdelay $0x3  }
0x36: {  	p1 =	seq.s32 s10, $0x1;
	s10 =	sld [smem:$0x3FB1];
	_ =	sdelay $0x3  }
0x37: {  	[smem:$0x3FB1] =	sst s10  }
0x38: {  	s10 =	sld [smem:$0x3FB2]  }
0x39: {  	_ = 	snop;
	(pc) =	sbr.ind lr, $3  }
0x3a: {  	_ = 	snop  }
0x3b: {  	_ = 	snop  }
0x3c: {  	p2 =	seq.s32 s10, $0x1;
	s10 =	sld [smem:$0x3FB1]  }
0x3d: {  	_ =	shalt  }
0x3e: {  	_ =	shalt  }
0x3f: {  	_ =	shalt  }
0x40: {  	_ =	shalt  }
0x41: {  	_ =	shalt  }
0x42: {  	_ =	shalt  }
0x43: {  	_ =	shalt  }
0x44: {  	_ =	shalt  }
0x45: {  	_ =	shalt  }
0x46: {  	_ =	shalt  }
0x47: {  	_ =	shalt  }
0x48: {  	_ =	shalt  }
0x49: {  	_ =	shalt  }
0x4a: {  	_ =	shalt  }
0x4b: {  	_ =	shalt  }
0x4c: {  	_ =	shalt  }
0x4d: {  	_ =	shalt  }
0x4e: {  	_ =	shalt  }
0x4f: {  	_ =	shalt  }
0x50: {  	_ =	shalt  }
0x51: {  	_ =	shalt  }
0x52: {  	_ =	shalt  }
0x53: {  	_ =	shalt  }
0x54: {  	_ =	shalt  }
0x55: {  	_ =	shalt  }
0x56: {  	_ =	shalt  }
0x57: {  	_ =	shalt  }
0x58: {  	_ =	shalt  }
0x59: {  	_ =	shalt  }
0x5a: {  	_ =	shalt  }
0x5b: {  	_ =	shalt  }
0x5c: {  	_ =	shalt  }
0x5d: {  	_ =	shalt  }
0x5e: {  	_ =	shalt  }
0x5f: {  	_ =	shalt  }
0x60: {  	_ =	shalt  }
0x61: {  	_ =	shalt  }
0x62: {  	_ =	shalt  }
0x63: {  	_ =	shalt  }
0x64: {  	_ =	shalt  }
0x65: {  	_ =	shalt  }
0x66: {  	_ =	shalt  }
0x67: {  	_ =	shalt  }
0x68: {  	_ =	shalt  }
0x69: {  	_ =	shalt  }
0x6a: {  	_ =	shalt  }
0x6b: {  	_ =	shalt  }
0x6c: {  	_ =	shalt  }
0x6d: {  	_ =	shalt  }
0x6e: {  	_ =	shalt  }
0x6f: {  	_ =	shalt  }
0x70: {  	_ =	shalt  }
0x71: {  	_ =	shalt  }
0x72: {  	_ =	shalt  }
0x73: {  	_ =	shalt  }
0x74: {  	_ =	shalt  }
0x75: {  	_ =	shalt  }
0x76: {  	_ =	shalt  }
0x77: {  	_ =	shalt  }
0x78: {  	_ =	shalt  }
0x79: {  	_ =	shalt  }
0x7a: {  	_ =	shalt  }
0x7b: {  	_ =	shalt  }
0x7c: {  	_ =	shalt  }
0x7d: {  	_ =	shalt  }
0x7e: {  	_ =	shalt  }
0x7f: {  	_ =	shalt  }
0x80: {  	_ =	shalt  }
0x81: {  	_ =	shalt  }
0x82: {  	_ =	shalt  }
0x83: {  	_ =	shalt  }
0x84: {  	_ =	shalt  }
0x85: {  	_ =	shalt  }
0x86: {  	_ =	shalt  }
0x87: {  	_ =	shalt  }
.Lfunc_end0:
.L_simem_size_0:
called_computation_lowered:
.L_overlay_start_0:
0x88: {  	s2 =	sld [smem:$0x3FD9]  }
0x89: {  	s3 =	sld [smem:$0x3FFE];
	_ =	sdelay $0x1  }
0x8a: {  	s1 =	srdreg.scid  }
0x8b: {  	s0 =	sand.u32 $0x1, s1  }
0x8c: {  	s17 =	sshll.u32 s0, $0xA;
	s2 =	sadd.s32 s3, s2  }
0x8d: {  	s2 =	sadd.s32 s2, s17  }
0x8e: {  	[smem:$0x3FBD] =	sst s2  }
0x8f: {  	_ = 	snop  }
0x90: {  	s2 =	sld [smem:$0x3FD0];
	(tm) =	ssettm $0x1  }
0x91: {  	s18 =	sld [smem:$0x3FFB];
	_ =	sdelay $0x3  }
0x92: {  	_ =	strace s18  }
0x93: {  	s3 =	sld [smem:$0x3FFC];
	_ =	sdelay $0x3  }
0x94: {  	_ =	strace s3  }
0x95: {  	s3 =	sld [smem:$0x3FFD];
	_ =	sdelay $0x3  }
0x96: {  	_ =	strace s3  }
0x97: {  	_ =	strace $0x8FFFFFFF  }
0x98: {  	s19 =	sld [smem:$0x3FDB];
	_ =	sdelay $0x1  }
0x99: {  	s4 =	simm.s32 $_scs_section_size  }
0x9a: {  	s5 =	simm.s32 $_size__tile_overlayer_lowered;
	s6 =	simm.s32 $_tile_overlayer_lowered  }
0x9b: {  	s22 =	simm.s32 $0x1BFF;
	s21 =	sshll.u32 s6, $0x1;
	s3 =	sadd.s32 s4, s19  }
0x9c: {  	s7 =	simm.s32 $0x0;
	s20 =	sshll.u32 s5, $0x1;
	s5 =	sadd.s32 s21, s3  }
0x9d: {  	[timem:s7], [sflag:s22] =	dma.local [hbm:s5], s20  }
0x9e: {  	_ =	swait.ge [sflag:s22], s20  }
0x9f: {  	s4 =	ssub.s32 $0x0, s20;
	[sflag:s22] =	ssyncset.done $0x0  }
0xa0: {  	[sflag:s22] =	ssyncadd.s32 s4;
	_ =	sdelay $0x1  }
0xa1: {  	s23 =	simm.s32 $0x1B8B  }
0xa2: {  	_ =	swait.ge [sflag:s23], $0x1  }
0xa3: {  	[sflag:s23] =	ssyncset.done $0x0  }
0xa4: {  	s25 =	simm.s32 $0x1B8E;
	s24 =	sld [smem:$0x3FFE];
	[sflag:s23] =	ssyncadd.s32 $0xFFFFFFFF  }
0xa5: {  	s26 =	simm.s32 $execute0_lowered;
	[smem:$0x3FD2] =	sst s25  }
0xa6: {  	s5 =	sshll.u32 s26, $0x1;
	_ =	strace $0x80000046;
	[dreg:$0x1] =	wrdreg $0xFFFFFFFF  }
0xa7: {  	s28 =	simm.s32 $_size_execute0_lowered;
	s3 =	sadd.s32 s3, s5;
	[dreg:$0x0] =	wrdreg $0x0  }
0xa8: {  	s5 =	sshll.u32 s28, $0x1;
	[dreg:$0x2] =	wrdreg s3  }
0xa9: {  	[dreg:$0x3] =	wrdreg s5  }
0xaa: {  	[dreg:$0x4] =	wrdreg $0xC0  }
0xab: {  	_ =	task [dreg:s7], $0x5FFFF  }
0xac: {  	[dreg:$0x1] =	wrdreg $0xFFFFFFFF  }
0xad: {  	[dreg:$0x0] =	wrdreg $0x60  }
0xae: {  	[dreg:$0x2] =	wrdreg s2  }
0xaf: {  	[dreg:$0x3] =	wrdreg s24  }
0xb0: {  	[dreg:$0x4] =	wrdreg $0x44000  }
0xb1: {  	[dreg:$0x5] =	wrdreg $0x4A200  }
0xb2: {  	[dreg:$0x6] =	wrdreg $0x50400  }
0xb3: {  	[dreg:$0x7] =	wrdreg $0x56600  }
0xb4: {  	[dreg:$0x8] =	wrdreg $0x9  }
0xb5: {  	_ =	task.clear_ibuf [dreg:s7], $0x9FFFF;
	_ =	strace $0x90000046  }
0xb6: {  	s29 =	simm.s32 $0x9;
	_ =	strace $0x80000048  }
0xb7: {  	_ =	swait.ge [sflag:s29], $0x1  }
0xb8: {  	[sflag:s29] =	ssyncadd.s32 $0xFFFFFFFF  }
0xb9: {  	_ =	strace $0x90000048  }
0xba: {  	_ =	sfence  }
0xbb: {  	s30 =	sld [smem:$0x0];
	_ =	sdelay $0x2  }
0xbc: {  	s31 =	sshll.u32 s1, $0xD;
	s1 =	sshrl.u32 s1, $0x2  }
0xbd: {  	s3 =	sand.u32 $0x4000, s31;
	s1 =	sadd.s32 s1, s30  }
0xbe: {  	s0 =	sor.u32 s3, s0;
	s1 =	sshll.u32 s1, $0x11  }
0xbf: {  	s0 =	sor.u32 s1, s0  }
0xc0: {  	s0 =	sadd.s32 $0x8F2B, s0  }
0xc1: {  	[sflag:s0] =	ssyncadd.remote.s32 $0x1  }
0xc2: {  	_ =	sfence.sel $0xFFFF  }
0xc3: {  	[dreg:$0x0] =	wrdreg $0xFFFFFFFF;
	(pc) =	sbr.abs _section_cstart, $3  }
0xc4: {  	[dreg:$0x1] =	wrdreg $0xFFFFFFFF  }
0xc5: {  	_ =	task.clear_ibuf [dreg:s7], $0x2FFFF;
	_ =	strace $0x9FFFFFFF  }
0xc6: {  	(tm) =	ssettm $0x7FFFFFFF  }
0xc7: {  	_ =	shalt  }
tec
execute0_lowered:
.L_overlay_start_1:
0x0: {  	(tag) =	ssettag $0x1  }
0x1: {  	s11 =	rddreg [dreg:$0x0]  }
0x2: {  	s7 =	rddreg [dreg:$0x1]  }
0x3: {  	s1 =	rddreg [dreg:$0x2]  }
0x4: {  	s2 =	rddreg [dreg:$0x3]  }
0x5: {  	s4 =	rddreg [dreg:$0x4];
	s3 =	srdreg.scid  }
0x6: {  	s0 =	stileid.u32;
	s5 =	rddreg [dreg:$0x5]  }
0x7: {  	s6 =	simm.s32 $0x0;
	s21 =	simm.s32 $0x1;
	s22 =	simm.s32 $0x5C80  }
0x8: {  	s12 =	sand.u32 $0x1, s3;
	s10 =	smul.u32 $0x620, s0;
	s3 =	rddreg [dreg:$0x6]  }
0x9: {  	s23 =	simm.s32 $0x0;
	[smem:$0x7FF] =	sst s6;
	s14 =	smul.u32 $0x3D10, s0  }
0xa: {  	s8 =	smul.u32 $0x6200, s12;
	_ =	strace $0x80000047;
	s9 =	ssub.s32 $0x2, s12  }
0xb: {  	s20 =	smul.u32 $0x61A8, s12;
	s13 =	sshrl.u32 s9, $0x1;
	s31 =	sshrl.u32 s14, $0x3  }
0xc: {  	s8 =	sadd.s32 s10, s8;
	s19 =	ssub.s32 s9, s13;
	s9 =	sadd.s32 s10, s4  }
0xd: {  	s11 =	sadd.s32 s11, s31;
	v0 =	vmov s20;
	s20 =	simm.s32 $0x3D80;
	s8 =	sshrl.u32 s8, $0x3  }
0xe: {  	s12 =	sadd.s32 $0x7A20, s11;
	s13 =	sadd.s32 $0xF440, s11;
	s14 =	sadd.s32 $0x16E60, s11  }
0xf: {  	s19 =	smax.u32 s19, $0x1;
	s18 =	sadd.s32 s8, s7;
	s7 =	sadd.s32 s10, s1  }
0x10: {  	v1 =	vimm.f32 $0.0e+00;
	v3 =	vlaneseq.u32;
	s8 =	sadd.s32 s10, s2;
	s10 =	sadd.s32 s10, s5;
	s15 =	sadd.s32 $0xE00, s18  }
0x11: {  	v2 =	vimm.f32 $1.000000000e+00;
	vm0 =	vmmov $0xffff;
	v3 =	vor.u32 $0x61A8, v3;
	s16 =	sadd.s32 $0x2680, s18;
	s17 =	sadd.s32 $0x3F00, s18;
	s18 =	sadd.s32 $0x5780, s18  }
.LBB2_1:
0x12: {  	s24 =	simm.s32 $0x40;
	s25 =	simm.s32 $0x0  }
.LBB2_2:
0x13: {  	p0 =	sne.s32 s24, $0x1840;
	[tilespmem:s25+$0x3D80] =	vst v1;
	s25 =	smov.u32 s24;
	s24 =	sadd.s32 $0x40, s24  }
.Ltmp0:
0x14: {  	(pc) =	sbr.rel @p0 .LBB2_2-.Ltmp0, $2  }
0x15: {  	_ =	sdelay $0x2  }
0x16: {  	s25 =	sshra.s32 s25, $0x2  }
0x17: {  	[tilespmem:s25+$0x3D80] =	vst v1  }
0x18: {  	[spmem:s7] =	stream.linear.scatter [tilespmem:s20], [sflag:$0x1], $0x620, $0x38;
	[tilespmem:$0x5D00] =	vst v63  }
0x19: {  	_ =	swait.ge [sflag:s21], $0x620  }
0x1a: {  	[sflag:s21] =	ssyncset.done $0x0  }
0x1b: {  	[sflag:s21] =	ssyncadd.s32 $0xFFFFF9E0  }
0x1c: {  	[spmem:s8] =	stream.linear.scatter [tilespmem:s20], [sflag:$0x1], $0x620, $0x38;
	[tilespmem:$0x5D00] =	vst v63  }
0x1d: {  	_ =	swait.ge [sflag:s21], $0x620  }
0x1e: {  	[sflag:s21] =	ssyncset.done $0x0  }
0x1f: {  	[sflag:s21] =	ssyncadd.s32 $0xFFFFF9E0  }
0x20: {  	[spmem:s9] =	stream.linear.scatter [tilespmem:s20], [sflag:$0x1], $0x620, $0x38;
	[tilespmem:$0x5D00] =	vst v63  }
0x21: {  	_ =	swait.ge [sflag:s21], $0x620  }
0x22: {  	[sflag:s21] =	ssyncset.done $0x0  }
0x23: {  	[sflag:s21] =	ssyncadd.s32 $0xFFFFF9E0  }
0x24: {  	[spmem:s10] =	stream.linear.scatter [tilespmem:s20], [sflag:$0x1], $0x620, $0x38;
	[tilespmem:$0x5D00] =	vst v63  }
0x25: {  	_ =	swait.ge [sflag:s21], $0x620  }
0x26: {  	[sflag:s21] =	ssyncset.done $0x0  }
0x27: {  	[sflag:s21] =	ssyncadd.s32 $0xFFFFF9E0  }
0x28: {  	[tilespmem:$0x5C80] =	vst v2  }
0x29: {  	s24 =	simm.s32 $0x0;
	[bflag:$0x0] =	sbarrier.arrive $0xFFFF  }
0x2a: {  	[tilespmem:s24], [sflag:$0x1] =	stream.linear.gather [hbm4b:s11+s24], $0x3D10, $0x38;
	[tilespmem:$0x5D00] =	vst v63  }
0x2b: {  	_ =	swait.ge [sflag:s21], $0x3D10  }
0x2c: {  	[sflag:s21] =	ssyncset.done $0x0  }
0x2d: {  	s31 =	simm.s32 $0x0;
	[sflag:s21] =	ssyncadd.s32 $0xFFFFC2F0  }
0x2e: {  	v4 =	vld [tilespmem:s31+$0x0];
	_ =	sdelay $0x4  }
0x2f: {  	v4 =	vsub.s32 v4, v0  }
0x30: {  	vm1 =	vlt.u32 v4, $0x61A8  }
0x31: {  	v4 =	vsel vm1, v4, v3;
	_ =	sdelay $0x4  }
0x32: {  	[spmem:s1] =	stream.indirect_vreg.scatter.add.f32 [tilespmem:s22], [sflag:$0x1], $0x1, v4, vm0, $0xb8;
	[tilespmem:$0x5D00] =	vst v63  }
0x33: {  	_ =	swait.ge [sflag:s21], $0x10  }
0x34: {  	s25 =	simm.s32 $0x80;
	s24 =	simm.s32 $0x40;
	[sflag:s21] =	ssyncset.done $0x0  }
.LBB2_4:
0x35: {  	s26 =	sshra.s32 s24, $0x2  }
0x36: {  	[sflag:s21] =	ssyncadd.s32 $0xFFFFFFF0;
	s24 =	smov.u32 s25;
	s28 =	sadd.s32 $0x40, s25  }
0x37: {  	p0 =	sne.s32 s25, $0xF400;
	v4 =	vld [tilespmem:s26+$0x0];
	_ =	sdelay $0x4  }
0x38: {  	v4 =	vsub.s32 v4, v0  }
0x39: {  	vm1 =	vlt.u32 v4, $0x61A8  }
0x3a: {  	v4 =	vsel vm1, v4, v3;
	_ =	sdelay $0x2  }
.Ltmp1:
0x3b: {  	(pc) =	sbr.rel @p0 .LBB2_4-.Ltmp1, $4  }
0x3c: {  	_ = 	snop  }
0x3d: {  	[spmem:s1] =	stream.indirect_vreg.scatter.add.f32 [tilespmem:s22], [sflag:$0x1], $0x1, v4, vm0, $0xb8;
	[tilespmem:$0x5D00] =	vst v63  }
0x3e: {  	_ =	swait.ge [sflag:s21], $0x10  }
0x3f: {  	s25 =	smov.u32 s28;
	[sflag:s21] =	ssyncset.done $0x0  }
0x40: {  	s24 =	sshra.s32 s24, $0x2;
	[sflag:s21] =	ssyncadd.s32 $0xFFFFFFF0  }
0x41: {  	v4 =	vld [tilespmem:s24+$0x0];
	_ =	sdelay $0x4  }
0x42: {  	v4 =	vsub.s32 v4, v0  }
0x43: {  	vm1 =	vlt.u32 v4, $0x61A8  }
0x44: {  	v4 =	vsel vm1, v4, v3;
	_ =	sdelay $0x4  }
0x45: {  	[spmem:s1] =	stream.indirect_vreg.scatter.add.f32 [tilespmem:s22], [sflag:$0x1], $0x1, v4, vm0, $0xb8;
	[tilespmem:$0x5D00] =	vst v63  }
0x46: {  	_ =	swait.ge [sflag:s21], $0x10  }
0x47: {  	[sflag:s21] =	ssyncset.done $0x0  }
0x48: {  	s30 =	simm.s32 $0x0;
	[sflag:s21] =	ssyncadd.s32 $0xFFFFFFF0  }
0x49: {  	[tilespmem:s30], [sflag:$0x1] =	stream.linear.gather [hbm4b:s12+s30], $0x3D10, $0x38;
	[tilespmem:$0x5D00] =	vst v63  }
0x4a: {  	_ =	swait.ge [sflag:s21], $0x3D10  }
0x4b: {  	[sflag:s21] =	ssyncset.done $0x0  }
0x4c: {  	s31 =	simm.s32 $0x0;
	[sflag:s21] =	ssyncadd.s32 $0xFFFFC2F0  }
0x4d: {  	v4 =	vld [tilespmem:s31+$0x0];
	_ =	sdelay $0x4  }
0x4e: {  	v4 =	vsub.s32 v4, v0  }
0x4f: {  	vm1 =	vlt.u32 v4, $0x61A8  }
0x50: {  	v4 =	vsel vm1, v4, v3;
	_ =	sdelay $0x4  }
0x51: {  	[spmem:s2] =	stream.indirect_vreg.scatter.add.f32 [tilespmem:s22], [sflag:$0x1], $0x1, v4, vm0, $0xb8;
	[tilespmem:$0x5D00] =	vst v63  }
0x52: {  	_ =	swait.ge [sflag:s21], $0x10  }
0x53: {  	s25 =	simm.s32 $0x80;
	s24 =	simm.s32 $0x40;
	[sflag:s21] =	ssyncset.done $0x0  }
.LBB2_6:
0x54: {  	s26 =	sshra.s32 s24, $0x2  }
0x55: {  	[sflag:s21] =	ssyncadd.s32 $0xFFFFFFF0;
	s24 =	smov.u32 s25;
	s28 =	sadd.s32 $0x40, s25  }
0x56: {  	p0 =	sne.s32 s25, $0xF400;
	v4 =	vld [tilespmem:s26+$0x0];
	_ =	sdelay $0x4  }
0x57: {  	v4 =	vsub.s32 v4, v0  }
0x58: {  	vm1 =	vlt.u32 v4, $0x61A8  }
0x59: {  	v4 =	vsel vm1, v4, v3;
	_ =	sdelay $0x2  }
.Ltmp2:
0x5a: {  	(pc) =	sbr.rel @p0 .LBB2_6-.Ltmp2, $4  }
0x5b: {  	_ = 	snop  }
0x5c: {  	[spmem:s2] =	stream.indirect_vreg.scatter.add.f32 [tilespmem:s22], [sflag:$0x1], $0x1, v4, vm0, $0xb8;
	[tilespmem:$0x5D00] =	vst v63  }
0x5d: {  	_ =	swait.ge [sflag:s21], $0x10  }
0x5e: {  	s25 =	smov.u32 s28;
	[sflag:s21] =	ssyncset.done $0x0  }
0x5f: {  	s24 =	sshra.s32 s24, $0x2;
	[sflag:s21] =	ssyncadd.s32 $0xFFFFFFF0  }
0x60: {  	v4 =	vld [tilespmem:s24+$0x0];
	_ =	sdelay $0x4  }
0x61: {  	v4 =	vsub.s32 v4, v0  }
0x62: {  	vm1 =	vlt.u32 v4, $0x61A8  }
0x63: {  	v4 =	vsel vm1, v4, v3;
	_ =	sdelay $0x4  }
0x64: {  	[spmem:s2] =	stream.indirect_vreg.scatter.add.f32 [tilespmem:s22], [sflag:$0x1], $0x1, v4, vm0, $0xb8;
	[tilespmem:$0x5D00] =	vst v63  }
0x65: {  	_ =	swait.ge [sflag:s21], $0x10  }
0x66: {  	[sflag:s21] =	ssyncset.done $0x0  }
0x67: {  	s30 =	simm.s32 $0x0;
	[sflag:s21] =	ssyncadd.s32 $0xFFFFFFF0  }
0x68: {  	[tilespmem:s30], [sflag:$0x1] =	stream.linear.gather [hbm4b:s13+s30], $0x3D10, $0x38;
	[tilespmem:$0x5D00] =	vst v63  }
0x69: {  	_ =	swait.ge [sflag:s21], $0x3D10  }
0x6a: {  	[sflag:s21] =	ssyncset.done $0x0  }
0x6b: {  	s31 =	simm.s32 $0x0;
	[sflag:s21] =	ssyncadd.s32 $0xFFFFC2F0  }
0x6c: {  	v4 =	vld [tilespmem:s31+$0x0];
	_ =	sdelay $0x4  }
0x6d: {  	v4 =	vsub.s32 v4, v0  }
0x6e: {  	vm1 =	vlt.u32 v4, $0x61A8  }
0x6f: {  	v4 =	vsel vm1, v4, v3;
	_ =	sdelay $0x4  }
0x70: {  	[spmem:s4] =	stream.indirect_vreg.scatter.add.f32 [tilespmem:s22], [sflag:$0x1], $0x1, v4, vm0, $0xb8;
	[tilespmem:$0x5D00] =	vst v63  }
0x71: {  	_ =	swait.ge [sflag:s21], $0x10  }
0x72: {  	s25 =	simm.s32 $0x80;
	s24 =	simm.s32 $0x40;
	[sflag:s21] =	ssyncset.done $0x0  }
.LBB2_8:
0x73: {  	s26 =	sshra.s32 s24, $0x2  }
0x74: {  	[sflag:s21] =	ssyncadd.s32 $0xFFFFFFF0;
	s24 =	smov.u32 s25;
	s28 =	sadd.s32 $0x40, s25  }
0x75: {  	p0 =	sne.s32 s25, $0xF400;
	v4 =	vld [tilespmem:s26+$0x0];
	_ =	sdelay $0x4  }
0x76: {  	v4 =	vsub.s32 v4, v0  }
0x77: {  	vm1 =	vlt.u32 v4, $0x61A8  }
0x78: {  	v4 =	vsel vm1, v4, v3;
	_ =	sdelay $0x2  }
.Ltmp3:
0x79: {  	(pc) =	sbr.rel @p0 .LBB2_8-.Ltmp3, $4  }
0x7a: {  	_ = 	snop  }
0x7b: {  	[spmem:s4] =	stream.indirect_vreg.scatter.add.f32 [tilespmem:s22], [sflag:$0x1], $0x1, v4, vm0, $0xb8;
	[tilespmem:$0x5D00] =	vst v63  }
0x7c: {  	_ =	swait.ge [sflag:s21], $0x10  }
0x7d: {  	s25 =	smov.u32 s28;
	[sflag:s21] =	ssyncset.done $0x0  }
0x7e: {  	s24 =	sshra.s32 s24, $0x2;
	[sflag:s21] =	ssyncadd.s32 $0xFFFFFFF0  }
0x7f: {  	v4 =	vld [tilespmem:s24+$0x0];
	_ =	sdelay $0x4  }
0x80: {  	v4 =	vsub.s32 v4, v0  }
0x81: {  	vm1 =	vlt.u32 v4, $0x61A8  }
0x82: {  	v4 =	vsel vm1, v4, v3;
	_ =	sdelay $0x4  }
0x83: {  	[spmem:s4] =	stream.indirect_vreg.scatter.add.f32 [tilespmem:s22], [sflag:$0x1], $0x1, v4, vm0, $0xb8;
	[tilespmem:$0x5D00] =	vst v63  }
0x84: {  	_ =	swait.ge [sflag:s21], $0x10  }
0x85: {  	[sflag:s21] =	ssyncset.done $0x0  }
0x86: {  	s30 =	simm.s32 $0x0;
	[sflag:s21] =	ssyncadd.s32 $0xFFFFFFF0  }
0x87: {  	[tilespmem:s30], [sflag:$0x1] =	stream.linear.gather [hbm4b:s14+s30], $0x3D10, $0x38;
	[tilespmem:$0x5D00] =	vst v63  }
0x88: {  	_ =	swait.ge [sflag:s21], $0x3D10  }
0x89: {  	[sflag:s21] =	ssyncset.done $0x0  }
0x8a: {  	s31 =	simm.s32 $0x0;
	[sflag:s21] =	ssyncadd.s32 $0xFFFFC2F0  }
0x8b: {  	v4 =	vld [tilespmem:s31+$0x0];
	_ =	sdelay $0x4  }
0x8c: {  	v4 =	vsub.s32 v4, v0  }
0x8d: {  	vm1 =	vlt.u32 v4, $0x61A8  }
0x8e: {  	v4 =	vsel vm1, v4, v3;
	_ =	sdelay $0x4  }
0x8f: {  	[spmem:s5] =	stream.indirect_vreg.scatter.add.f32 [tilespmem:s22], [sflag:$0x1], $0x1, v4, vm0, $0xb8;
	[tilespmem:$0x5D00] =	vst v63  }
0x90: {  	_ =	swait.ge [sflag:s21], $0x10  }
0x91: {  	s25 =	simm.s32 $0x80;
	s24 =	simm.s32 $0x40;
	[sflag:s21] =	ssyncset.done $0x0  }
.LBB2_10:
0x92: {  	s26 =	sshra.s32 s24, $0x2  }
0x93: {  	[sflag:s21] =	ssyncadd.s32 $0xFFFFFFF0;
	s24 =	smov.u32 s25;
	s28 =	sadd.s32 $0x40, s25  }
0x94: {  	p0 =	sne.s32 s25, $0xF400;
	v4 =	vld [tilespmem:s26+$0x0];
	_ =	sdelay $0x4  }
0x95: {  	v4 =	vsub.s32 v4, v0  }
0x96: {  	vm1 =	vlt.u32 v4, $0x61A8  }
0x97: {  	v4 =	vsel vm1, v4, v3;
	_ =	sdelay $0x2  }
.Ltmp4:
0x98: {  	(pc) =	sbr.rel @p0 .LBB2_10-.Ltmp4, $4  }
0x99: {  	_ = 	snop  }
0x9a: {  	[spmem:s5] =	stream.indirect_vreg.scatter.add.f32 [tilespmem:s22], [sflag:$0x1], $0x1, v4, vm0, $0xb8;
	[tilespmem:$0x5D00] =	vst v63  }
0x9b: {  	_ =	swait.ge [sflag:s21], $0x10  }
0x9c: {  	s25 =	smov.u32 s28;
	[sflag:s21] =	ssyncset.done $0x0  }
0x9d: {  	s24 =	sshra.s32 s24, $0x2;
	[sflag:s21] =	ssyncadd.s32 $0xFFFFFFF0  }
0x9e: {  	v4 =	vld [tilespmem:s24+$0x0];
	_ =	sdelay $0x4  }
0x9f: {  	v4 =	vsub.s32 v4, v0  }
0xa0: {  	vm1 =	vlt.u32 v4, $0x61A8  }
0xa1: {  	v4 =	vsel vm1, v4, v3;
	_ =	sdelay $0x4  }
0xa2: {  	[spmem:s5] =	stream.indirect_vreg.scatter.add.f32 [tilespmem:s22], [sflag:$0x1], $0x1, v4, vm0, $0xb8;
	[tilespmem:$0x5D00] =	vst v63  }
0xa3: {  	_ =	swait.ge [sflag:s21], $0x10  }
0xa4: {  	[sflag:s21] =	ssyncset.done $0x0  }
0xa5: {  	[sflag:s21] =	ssyncadd.s32 $0xFFFFFFF0  }
0xa6: {  	[bflag:$0x0] =	sbarrier.arrive $0xFFFF  }
0xa7: {  	[tilespmem:s20], [sflag:$0x1] =	stream.linear.gather [spmem:s7], $0x620, $0x38;
	[tilespmem:$0x5D00] =	vst v63  }
0xa8: {  	_ =	swait.ge [sflag:s21], $0x620  }
0xa9: {  	[sflag:s21] =	ssyncset.done $0x0  }
0xaa: {  	[sflag:s21] =	ssyncadd.s32 $0xFFFFF9E0  }
0xab: {  	[hbm4b:s15+s6] =	stream.linear.scatter [tilespmem:s20], [sflag:$0x1], $0x620, $0x38;
	[tilespmem:$0x5D00] =	vst v63  }
0xac: {  	_ =	swait.ge [sflag:s21], $0x620  }
0xad: {  	[sflag:s21] =	ssyncset.done $0x0  }
0xae: {  	[sflag:s21] =	ssyncadd.s32 $0xFFFFF9E0  }
0xaf: {  	[tilespmem:s20], [sflag:$0x1] =	stream.linear.gather [spmem:s8], $0x620, $0x38;
	[tilespmem:$0x5D00] =	vst v63  }
0xb0: {  	_ =	swait.ge [sflag:s21], $0x620  }
0xb1: {  	[sflag:s21] =	ssyncset.done $0x0  }
0xb2: {  	[sflag:s21] =	ssyncadd.s32 $0xFFFFF9E0  }
0xb3: {  	[hbm4b:s16+s6] =	stream.linear.scatter [tilespmem:s20], [sflag:$0x1], $0x620, $0x38;
	[tilespmem:$0x5D00] =	vst v63  }
0xb4: {  	_ =	swait.ge [sflag:s21], $0x620  }
0xb5: {  	[sflag:s21] =	ssyncset.done $0x0  }
0xb6: {  	[sflag:s21] =	ssyncadd.s32 $0xFFFFF9E0  }
0xb7: {  	[tilespmem:s20], [sflag:$0x1] =	stream.linear.gather [spmem:s9], $0x620, $0x38;
	[tilespmem:$0x5D00] =	vst v63  }
0xb8: {  	_ =	swait.ge [sflag:s21], $0x620  }
0xb9: {  	[sflag:s21] =	ssyncset.done $0x0  }
0xba: {  	[sflag:s21] =	ssyncadd.s32 $0xFFFFF9E0  }
0xbb: {  	[hbm4b:s17+s6] =	stream.linear.scatter [tilespmem:s20], [sflag:$0x1], $0x620, $0x38;
	[tilespmem:$0x5D00] =	vst v63  }
0xbc: {  	_ =	swait.ge [sflag:s21], $0x620  }
0xbd: {  	[sflag:s21] =	ssyncset.done $0x0  }
0xbe: {  	[sflag:s21] =	ssyncadd.s32 $0xFFFFF9E0  }
0xbf: {  	[tilespmem:s20], [sflag:$0x1] =	stream.linear.gather [spmem:s10], $0x620, $0x38;
	[tilespmem:$0x5D00] =	vst v63  }
0xc0: {  	s23 =	sadd.s32 $0x1, s23;
	_ =	swait.ge [sflag:s21], $0x620  }
0xc1: {  	p0 =	sne.s32 s23, s19;
	[sflag:s21] =	ssyncset.done $0x0  }
.Ltmp5:
0xc2: {  	[sflag:s21] =	ssyncadd.s32 $0xFFFFF9E0;
	(pc) =	sbr.rel @p0 .LBB2_1-.Ltmp5, $4  }
0xc3: {  	[hbm4b:s18+s6] =	stream.linear.scatter [tilespmem:s20], [sflag:$0x1], $0x620, $0x38;
	[tilespmem:$0x5D00] =	vst v63  }
0xc4: {  	_ =	swait.ge [sflag:s21], $0x620  }
0xc5: {  	[sflag:s21] =	ssyncset.done $0x0  }
0xc6: {  	[sflag:s21] =	ssyncadd.s32 $0xFFFFF9E0  }
0xc7: {  	_ =	sfence.sel $0x180000  }
0xc8: {  	[bflag:$0x0] =	sbarrier.arrive $0xFFFF  }
0xc9: {  	p0 =	sne.s32 s0, $0x0;
	_ =	strace $0x90000047  }
0xca: {  	s0 =	sadd.s32 @!p0 $0x100000, s3;
	[bflag:$0x2] =	sbarrier.arrive $0xFFFF  }
0xcb: {  	[sflag:s0] =	ssyncadd.tile.s32 @!p0 $0x1;
	_ =	shalt  }
.Lfunc_end2:
_tile_overlayer_lowered:
.L_overlay_start_2:
0xcc: {  	(tag) =	ssettag $0x2  }
0xcd: {  	s0 =	rddreg [dreg:$0x0];
	s2 =	stileid.u32  }
0xce: {  	s1 =	rddreg [dreg:$0x1];
	p0 =	sne.s32 s2, $0x0  }
0xcf: {  	s3 =	rddreg [dreg:$0x2];
	[bflag:$0x3] =	sbarrier.arrive $0xFFFF;
	s2 =	simm.s32 @!p0 $0x1C01  }
0xd0: {  	[timem:s3], [sflag:s2] =	dma.local @!p0 [hbm:s0], s1  }
0xd1: {  	s0 =	simm.s32 @!p0 $0x1  }
0xd2: {  	_ =	swait.ge @!p0 [sflag:s0], s1  }
0xd3: {  	s1 =	ssub.s32 @!p0 $0x0, s1;
	[sflag:s0] =	ssyncset.done @!p0 $0x0  }
0xd4: {  	[sflag:s0] =	ssyncadd.s32 @!p0 s1  }
0xd5: {  	[bflag:$0x3] =	sbarrier.arrive $0xFFFF  }
0xd6: {  	_ =	shalt  }

// kernel: kernel.13.cloned.1.call-start
scs
__scs_entry_jumppad:
0x0: {  	(pc) =	sbr.rel $0x88, $3  }
0x1: {  	(tag) =	ssettag $0x0;
	lr =	simm.s32 $0x1  }
0x2: {  	[smem:$0x3F96] =	sst lr;
	_ =	strace $0xD0000000  }
0x3: {  	_ = 	snop  }
0x4: {  	_ = 	snop  }
0x5: {  	_ = 	snop  }
0x6: {  	_ = 	snop  }
0x7: {  	_ = 	snop  }
__scs_overlays_trampoline_lowered:
0x8: {  	[smem:$0x3FA5] =	sst s0  }
0x9: {  	[smem:$0x3FA6] =	sst s1  }
0xa: {  	[smem:$0x3FA7] =	sst s2  }
0xb: {  	[smem:$0x3FA8] =	sst s3  }
0xc: {  	[smem:$0x3FA9] =	sst s4  }
0xd: {  	[smem:$0x3FAA] =	sst s5  }
0xe: {  	[smem:$0x3FAB] =	sst s6  }
0xf: {  	[smem:$0x3FAC] =	sst s7  }
0x10: {  	[smem:$0x3FAD] =	sst s8  }
0x11: {  	[smem:$0x3FAE] =	sst s9;
	s0 =	simm.s32 @!p0 $0x0  }
0x12: {  	s1 =	sld [smem:$0x3F94];
	s0 =	simm.s32 @p0 $0x1  }
0x13: {  	[smem:$0x3FAF] =	sst s0;
	s0 =	simm.s32 @!p1 $0x0  }
0x14: {  	s2 =	sld [smem:$0x3F93];
	s0 =	simm.s32 @p1 $0x1  }
0x15: {  	[smem:$0x3FB0] =	sst s0;
	s0 =	simm.s32 @!p2 $0x0  }
0x16: {  	s3 =	sld [smem:$0x3FDB];
	s0 =	simm.s32 @p2 $0x1  }
0x17: {  	s4 =	simm.s32 $0x1BF5;
	[smem:$0x3FB2] =	sst s0  }
0x18: {  	s0 =	sld [smem:$0x3F95];
	_ =	swait.ge [sflag:s4], $0x0  }
0x19: {  	s7 =	sld [smem:$0x3F96]  }
0x1a: {  	s8 =	sadd.s32 $0xFFFFE003, lr  }
0x1b: {  	s9 =	sadd.s32 $0xFFFFFEF7, lr;
	s5 =	simm.s32 $0xFFFFFFFF;
	p2 =	slt.u32 s8, $0xFFFFF086  }
0x1c: {  	p1 =	slt.u32 s9, $0xF7A;
	s5 =	simm.s32 @!p2 $0x0  }
0x1d: {  	s5 =	simm.s32 @p1 $0x1;
	p0 =	seq.s32 s7, s2  }
0x1e: {  	s7 =	smul.u32 @!p0 $0xF7A, s2;
	p2 =	seq.s32 @!p0 s5, $0x0  }
0x1f: {  	s9 =	smul.u32 $0xF7A, s1;
	s8 =	simm.s32 @!p0 $0x1BF5;
	p2 =	por !p2, p0  }
0x20: {  	[sflag:s8] =	ssyncset.s32 @!p0 $0xFFFFF086;
	s6 =	sadd.s32 @!p0 s3, s7;
	s7 =	simm.s32 @!p0 $0x108  }
0x21: {  	s3 =	sadd.s32 s3, s9;
	s6 =	sadd.s32 @!p0 $0x88, s6;
	s7 =	simm.s32 @p2 $0x1082  }
0x22: {  	[simem:s7], [sflag:s8] =	dma.local @!p0 [hbm:s6], $0xF7A  }
0x23: {  	s9 =	sor.u32 $0xD0000000, s2;
	s6 =	simm.s32 $0x108;
	_ =	swait.ge @!p0 [sflag:s8], $0x0  }
0x24: {  	s3 =	sadd.s32 $0x88, s3;
	s6 =	simm.s32 @!p1 $0x1082;
	[sflag:s4] =	ssyncset.s32 $0xFFFFF086  }
0x25: {  	[simem:s6], [sflag:s4] =	dma.local [hbm:s3], $0xF7A  }
0x26: {  	[smem:$0x3F96] =	sst s1;
	(tag) =	ssettag s2;
	_ =	strace s9  }
0x27: {  	s1 =	sld [smem:$0x3FA6]  }
0x28: {  	s2 =	sld [smem:$0x3FA7]  }
0x29: {  	s4 =	sld [smem:$0x3FA9]  }
0x2a: {  	p0 =	seq.s32 s5, $0x0;
	s5 =	sld [smem:$0x3FAA]  }
0x2b: {  	s6 =	sld [smem:$0x3FAB]  }
0x2c: {  	s7 =	sld [smem:$0x3FAC]  }
0x2d: {  	s3 =	simm.s32 $0x108;
	s8 =	sld [smem:$0x3FAD]  }
0x2e: {  	s3 =	simm.s32 @!p0 $0x1082;
	s9 =	sld [smem:$0x3FAE]  }
0x2f: {  	lr =	sadd.s32 s0, s3;
	s0 =	sld [smem:$0x3FA5]  }
0x30: {  	s3 =	sld [smem:$0x3FA8]  }
0x31: {  	[smem:$0x3FB1] =	sst s10  }
0x32: {  	s10 =	sld [smem:$0x3FAF];
	_ =	sdelay $0x3  }
0x33: {  	p0 =	seq.s32 s10, $0x1;
	s10 =	sld [smem:$0x3FB1];
	_ =	sdelay $0x3  }
0x34: {  	[smem:$0x3FB1] =	sst s10  }
0x35: {  	s10 =	sld [smem:$0x3FB0];
	_ =	sdelay $0x3  }
0x36: {  	p1 =	seq.s32 s10, $0x1;
	s10 =	sld [smem:$0x3FB1];
	_ =	sdelay $0x3  }
0x37: {  	[smem:$0x3FB1] =	sst s10  }
0x38: {  	s10 =	sld [smem:$0x3FB2]  }
0x39: {  	_ = 	snop;
	(pc) =	sbr.ind lr, $3  }
0x3a: {  	_ = 	snop  }
0x3b: {  	_ = 	snop  }
0x3c: {  	p2 =	seq.s32 s10, $0x1;
	s10 =	sld [smem:$0x3FB1]  }
0x3d: {  	_ =	shalt  }
0x3e: {  	_ =	shalt  }
0x3f: {  	_ =	shalt  }
0x40: {  	_ =	shalt  }
0x41: {  	_ =	shalt  }
0x42: {  	_ =	shalt  }
0x43: {  	_ =	shalt  }
0x44: {  	_ =	shalt  }
0x45: {  	_ =	shalt  }
0x46: {  	_ =	shalt  }
0x47: {  	_ =	shalt  }
0x48: {  	_ =	shalt  }
0x49: {  	_ =	shalt  }
0x4a: {  	_ =	shalt  }
0x4b: {  	_ =	shalt  }
0x4c: {  	_ =	shalt  }
0x4d: {  	_ =	shalt  }
0x4e: {  	_ =	shalt  }
0x4f: {  	_ =	shalt  }
0x50: {  	_ =	shalt  }
0x51: {  	_ =	shalt  }
0x52: {  	_ =	shalt  }
0x53: {  	_ =	shalt  }
0x54: {  	_ =	shalt  }
0x55: {  	_ =	shalt  }
0x56: {  	_ =	shalt  }
0x57: {  	_ =	shalt  }
0x58: {  	_ =	shalt  }
0x59: {  	_ =	shalt  }
0x5a: {  	_ =	shalt  }
0x5b: {  	_ =	shalt  }
0x5c: {  	_ =	shalt  }
0x5d: {  	_ =	shalt  }
0x5e: {  	_ =	shalt  }
0x5f: {  	_ =	shalt  }
0x60: {  	_ =	shalt  }
0x61: {  	_ =	shalt  }
0x62: {  	_ =	shalt  }
0x63: {  	_ =	shalt  }
0x64: {  	_ =	shalt  }
0x65: {  	_ =	shalt  }
0x66: {  	_ =	shalt  }
0x67: {  	_ =	shalt  }
0x68: {  	_ =	shalt  }
0x69: {  	_ =	shalt  }
0x6a: {  	_ =	shalt  }
0x6b: {  	_ =	shalt  }
0x6c: {  	_ =	shalt  }
0x6d: {  	_ =	shalt  }
0x6e: {  	_ =	shalt  }
0x6f: {  	_ =	shalt  }
0x70: {  	_ =	shalt  }
0x71: {  	_ =	shalt  }
0x72: {  	_ =	shalt  }
0x73: {  	_ =	shalt  }
0x74: {  	_ =	shalt  }
0x75: {  	_ =	shalt  }
0x76: {  	_ =	shalt  }
0x77: {  	_ =	shalt  }
0x78: {  	_ =	shalt  }
0x79: {  	_ =	shalt  }
0x7a: {  	_ =	shalt  }
0x7b: {  	_ =	shalt  }
0x7c: {  	_ =	shalt  }
0x7d: {  	_ =	shalt  }
0x7e: {  	_ =	shalt  }
0x7f: {  	_ =	shalt  }
0x80: {  	_ =	shalt  }
0x81: {  	_ =	shalt  }
0x82: {  	_ =	shalt  }
0x83: {  	_ =	shalt  }
0x84: {  	_ =	shalt  }
0x85: {  	_ =	shalt  }
0x86: {  	_ =	shalt  }
0x87: {  	_ =	shalt  }
.Lfunc_end0:
.L_simem_size_0:
called_computation.1_lowered:
.L_overlay_start_0:
0x88: {  	s2 =	sld [smem:$0x3FD9]  }
0x89: {  	s3 =	sld [smem:$0x3FFE];
	_ =	sdelay $0x1  }
0x8a: {  	s1 =	srdreg.scid  }
0x8b: {  	s0 =	sand.u32 $0x1, s1  }
0x8c: {  	s17 =	sshll.u32 s0, $0xA;
	s2 =	sadd.s32 s3, s2  }
0x8d: {  	s2 =	sadd.s32 s2, s17  }
0x8e: {  	[smem:$0x3FBD] =	sst s2  }
0x8f: {  	_ = 	snop  }
0x90: {  	s2 =	sld [smem:$0x3FD0];
	(tm) =	ssettm $0x1  }
0x91: {  	s18 =	sld [smem:$0x3FFB];
	_ =	sdelay $0x3  }
0x92: {  	_ =	strace s18  }
0x93: {  	s3 =	sld [smem:$0x3FFC];
	_ =	sdelay $0x3  }
0x94: {  	_ =	strace s3  }
0x95: {  	s3 =	sld [smem:$0x3FFD];
	_ =	sdelay $0x3  }
0x96: {  	_ =	strace s3  }
0x97: {  	_ =	strace $0x8FFFFFFF  }
0x98: {  	s19 =	sld [smem:$0x3FDB];
	_ =	sdelay $0x1  }
0x99: {  	s4 =	simm.s32 $_scs_section_size  }
0x9a: {  	s5 =	simm.s32 $_size__tile_overlayer_lowered;
	s6 =	simm.s32 $_tile_overlayer_lowered  }
0x9b: {  	s22 =	simm.s32 $0x1BFF;
	s21 =	sshll.u32 s6, $0x1;
	s3 =	sadd.s32 s4, s19  }
0x9c: {  	s7 =	simm.s32 $0x0;
	s20 =	sshll.u32 s5, $0x1;
	s5 =	sadd.s32 s21, s3  }
0x9d: {  	[timem:s7], [sflag:s22] =	dma.local [hbm:s5], s20  }
0x9e: {  	_ =	swait.ge [sflag:s22], s20  }
0x9f: {  	s4 =	ssub.s32 $0x0, s20;
	[sflag:s22] =	ssyncset.done $0x0  }
0xa0: {  	[sflag:s22] =	ssyncadd.s32 s4;
	_ =	sdelay $0x1  }
0xa1: {  	s23 =	simm.s32 $0x1B8B  }
0xa2: {  	_ =	swait.ge [sflag:s23], $0x1  }
0xa3: {  	[sflag:s23] =	ssyncset.done $0x0  }
0xa4: {  	s25 =	simm.s32 $0x1B8E;
	s24 =	sld [smem:$0x3FFE];
	[sflag:s23] =	ssyncadd.s32 $0xFFFFFFFF  }
0xa5: {  	s26 =	simm.s32 $execute0_lowered;
	[smem:$0x3FD2] =	sst s25  }
0xa6: {  	s5 =	sshll.u32 s26, $0x1;
	_ =	strace $0x80000049;
	[dreg:$0x1] =	wrdreg $0xFFFFFFFF  }
0xa7: {  	s28 =	simm.s32 $_size_execute0_lowered;
	s3 =	sadd.s32 s3, s5;
	[dreg:$0x0] =	wrdreg $0x0  }
0xa8: {  	s5 =	sshll.u32 s28, $0x1;
	[dreg:$0x2] =	wrdreg s3  }
0xa9: {  	[dreg:$0x3] =	wrdreg s5  }
0xaa: {  	[dreg:$0x4] =	wrdreg $0xC0  }
0xab: {  	_ =	task [dreg:s7], $0x5FFFF  }
0xac: {  	[dreg:$0x1] =	wrdreg $0xFFFFFFFF  }
0xad: {  	[dreg:$0x0] =	wrdreg $0x60  }
0xae: {  	[dreg:$0x2] =	wrdreg s24  }
0xaf: {  	[dreg:$0x3] =	wrdreg s2  }
0xb0: {  	[dreg:$0x4] =	wrdreg $0x156800  }
0xb1: {  	[dreg:$0x5] =	wrdreg $0x9  }
0xb2: {  	_ =	task.clear_ibuf [dreg:s7], $0x6FFFF;
	_ =	strace $0x90000049  }
0xb3: {  	s29 =	simm.s32 $0x9;
	_ =	strace $0x8000004B  }
0xb4: {  	_ =	swait.ge [sflag:s29], $0x1  }
0xb5: {  	[sflag:s29] =	ssyncadd.s32 $0xFFFFFFFF  }
0xb6: {  	_ =	strace $0x9000004B  }
0xb7: {  	_ =	sfence  }
0xb8: {  	s30 =	sld [smem:$0x0];
	_ =	sdelay $0x2  }
0xb9: {  	s31 =	sshll.u32 s1, $0xD;
	s1 =	sshrl.u32 s1, $0x2  }
0xba: {  	s3 =	sand.u32 $0x4000, s31;
	s1 =	sadd.s32 s1, s30  }
0xbb: {  	s0 =	sor.u32 s3, s0;
	s1 =	sshll.u32 s1, $0x11  }
0xbc: {  	s0 =	sor.u32 s1, s0  }
0xbd: {  	s0 =	sadd.s32 $0x8F2B, s0  }
0xbe: {  	[sflag:s0] =	ssyncadd.remote.s32 $0x1  }
0xbf: {  	_ =	sfence.sel $0xFFFF  }
0xc0: {  	[dreg:$0x0] =	wrdreg $0xFFFFFFFF;
	(pc) =	sbr.abs _section_cstart, $3  }
0xc1: {  	[dreg:$0x1] =	wrdreg $0xFFFFFFFF  }
0xc2: {  	_ =	task.clear_ibuf [dreg:s7], $0x2FFFF;
	_ =	strace $0x9FFFFFFF  }
0xc3: {  	(tm) =	ssettm $0x7FFFFFFF  }
tec
execute0_lowered:
.L_overlay_start_1:
0x0: {  	(tag) =	ssettag $0x1  }
0x1: {  	s0 =	rddreg [dreg:$0x0]  }
0x2: {  	s2 =	rddreg [dreg:$0x1]  }
0x3: {  	s1 =	rddreg [dreg:$0x2];
	s3 =	simm.s32 $0x0;
	s4 =	srdreg.scid  }
0x4: {  	s9 =	stileid.u32;
	s30 =	simm.s32 $0x13600;
	s31 =	simm.s32 $0x3  }
0x5: {  	[smem:$0x7FF] =	sst s3;
	s5 =	sand.u32 $0x1, s4;
	s8 =	sadd.s32 $0x327200, s0  }
0x6: {  	s25 =	sadd.s32 $0x327400, s0;
	_ =	strace $0x8000004A;
	[dreg:$0x4] =	wrdreg s8  }
0x7: {  	s6 =	smul.u32 $0x28000, s9;
	s26 =	sadd.s32 $0x327600, s0;
	[dreg:$0x8] =	wrdreg s25  }
0x8: {  	s4 =	sadd.s32 $0x197200, s0;
	s17 =	sadd.s32 $0x327800, s0;
	[dreg:$0x9] =	wrdreg s26  }
0x9: {  	s15 =	smul.u32 $0x3D10, s9;
	s18 =	sadd.s32 $0x327A00, s0;
	[dreg:$0xa] =	wrdreg s17  }
0xa: {  	s24 =	smul.u32 $0x140, s9;
	s19 =	sadd.s32 $0x327C00, s0;
	[dreg:$0xb] =	wrdreg s18  }
0xb: {  	s11 =	sshll.u32 s9, $0x4;
	s20 =	sadd.s32 $0x327E00, s0;
	[dreg:$0xc] =	wrdreg s19  }
0xc: {  	s21 =	sadd.s32 $0x328000, s0;
	s22 =	sadd.s32 $0x328200, s0;
	[dreg:$0xd] =	wrdreg s20  }
0xd: {  	s0 =	sadd.s32 $0x328400, s0;
	s7 =	smul.u32 $0xC800, s5;
	[dreg:$0xe] =	wrdreg s21  }
0xe: {  	s14 =	smul.u32 $0x7A200, s5;
	s5 =	ssub.s32 $0x2, s5;
	[dreg:$0xf] =	wrdreg s22  }
0xf: {  	[dreg:$0x12] =	wrdreg s0;
	s0 =	simm.s32 $0x1;
	s17 =	simm.s32 $0x11600  }
0x10: {  	v1 =	vimm.s32 $0xEFCDAB89;
	s18 =	simm.s32 $0x11E00;
	s19 =	simm.s32 $0x12600;
	s20 =	simm.s32 $0x12E00  }
0x11: {  	v2 =	vimm.s32 $0x67452301;
	v6 =	vimm.s32 $0xDCFE98BA;
	v7 =	vimm.s32 $0xBA98FEDC;
	s21 =	simm.s32 $0x2;
	s6 =	sshrl.u32 s6, $0x2;
	s16 =	sshrl.u32 s5, $0x1  }
0x12: {  	v0 =	vlaneseq.u32;
	v8 =	vimm.s32 $0xFEDCBA98;
	v9 =	vimm.s32 $0x32107654;
	s22 =	simm.s32 $0x14600;
	s23 =	sadd.s32 s6, s1;
	s5 =	ssub.s32 s5, s16  }
0x13: {  	v10 =	vimm.s32 $0x76543210;
	vm0 =	vmmov $0xffff;
	v2 =	vunpack.c.l.s4.s8 v2;
	s14 =	sadd.s32 s15, s14;
	s6 =	sadd.s32 s7, s24;
	s15 =	simm.s32 $0x10600  }
0x14: {  	v4 =	vunpack.c.l.s4.s8 v1;
	v8 =	vunpack.c.l.s4.s8 v8;
	v7 =	vunpack.c.l.s4.s8 v7;
	s16 =	simm.s32 $0x10E00;
	[dreg:$0x11] =	wrdreg s6;
	s24 =	smax.u32 s5, $0x1  }
0x15: {  	v9 =	vunpack.c.l.s4.s8 v9;
	v5 =	vunpack.c.0.s8.s32 v2;
	v2 =	vmov s7;
	s7 =	simm.s32 $0x0;
	s28 =	sadd.s32 $0x6000, s23;
	[dreg:$0x13] =	wrdreg s24  }
0x16: {  	v10 =	vunpack.c.l.s4.s8 v10;
	v3 =	vor.u32 s11, v0;
	v4 =	vunpack.c.0.s8.s32 v4;
	s29 =	sadd.s32 $0x1000, s23;
	s9 =	sadd.s32 $0x7000, s23;
	[dreg:$0x5] =	wrdreg s28  }
0x17: {  	v1 =	vand.u32 $0x7F, v3;
	v3 =	vimm.f32 $0.0e+00;
	v8 =	vunpack.c.0.s8.s32 v8;
	s10 =	sadd.s32 $0x2000, s23;
	s13 =	sadd.s32 $0x5000, s23;
	[dreg:$0x6] =	wrdreg s9  }
0x18: {  	s8 =	sadd.s32 $0x3000, s23;
	v4 =	vcombine.low v5, v4;
	v5 =	vunpack.c.l.s4.s8 v6;
	v6 =	vimm.s32 $0x54761032;
	s11 =	sadd.s32 $0x8000, s23;
	[dreg:$0x7] =	wrdreg s13  }
.Ltmp0:
0x19: {  	v7 =	vunpack.c.0.s8.s32 v7;
	v9 =	vunpack.c.0.s8.s32 v9;
	s26 =	sadd.s32 $0x9000, s23;
	v6 =	vunpack.c.l.s4.s8 v6;
	[dreg:$0x14] =	wrdreg s11;
	(pc) =	sbr.rel .LBB2_1-.Ltmp0, $4  }
0x1a: {  	v10 =	vunpack.c.0.s8.s32 v10;
	v1 =	vadd.s32 $0xC350, v1;
	s12 =	sadd.s32 $0x4000, s23;
	s14 =	sshrl.u32 s14, $0x3;
	v8 =	vand.u32 $0xF, v8;
	[dreg:$0x15] =	wrdreg s26  }
0x1b: {  	s5 =	simm.s32 $0xF600;
	v7 =	vcombine.low v9, v7;
	s2 =	sadd.s32 s2, s14;
	[dreg:$0x16] =	wrdreg s12;
	v5 =	vunpack.c.0.s8.s32 v5;
	v6 =	vunpack.c.0.s8.s32 v6  }
0x1c: {  	v9 =	vimm.s32 $0x0;
	s14 =	simm.s32 $0xFE00;
	v8 =	vcombine.low v8, v10;
	v10 =	vand.u32 $0x7, v0;
	[dreg:$0x10] =	wrdreg s2;
	s25 =	sadd.s32 $0x7A20, s2  }
0x1d: {  	s2 =	simm.s32 $0x7B00;
	v10 =	vor.u32 $0x1400, v10;
	[dreg:$0x17] =	wrdreg s25;
	s25 =	simm.s32 $0xB880;
	v5 =	vcombine.low v6, v5;
	v6 =	vor.u32 $0x3D20, v0  }
.LBB2_10:
0x1e: {  	s7 =	rddreg [dreg:$0x18]  }
0x1f: {  	s6 =	rddreg [dreg:$0x13];
	s7 =	sadd.s32 $0x1, s7  }
0x20: {  	p0 =	sne.s32 s7, s6  }
.Ltmp1:
0x21: {  	_ = 	snop;
	(pc) =	sbr.rel @!p0 .LBB2_11-.Ltmp1, $1  }
0x22: {  	_ =	sdelay $0x3  }
.LBB2_1:
0x23: {  	[dreg:$0x18] =	wrdreg s7;
	s6 =	simm.s32 $0x0;
	s7 =	simm.s32 $0x200  }
.LBB2_2:
0x24: {  	p0 =	sne.s32 s7, $0x3E00;
	[tilespmem:s6+$0x13670] =	vst v3  }
0x25: {  	[tilespmem:s6+$0x13600] =	vst v3  }
0x26: {  	[tilespmem:s6+$0x13610] =	vst v3  }
.Ltmp2:
0x27: {  	[tilespmem:s6+$0x13620] =	vst v3;
	(pc) =	sbr.rel @p0 .LBB2_2-.Ltmp2, $4  }
0x28: {  	[tilespmem:s6+$0x13630] =	vst v3  }
0x29: {  	[tilespmem:s6+$0x13640] =	vst v3  }
0x2a: {  	[tilespmem:s6+$0x13650] =	vst v3  }
0x2b: {  	[tilespmem:s6+$0x13660] =	vst v3;
	s6 =	sshra.s32 s7, $0x2;
	s7 =	sadd.s32 $0x200, s7  }
0x2c: {  	[tilespmem:s6+$0x13670] =	vst v3  }
0x2d: {  	[tilespmem:s6+$0x13600] =	vst v3  }
0x2e: {  	[tilespmem:s6+$0x13610] =	vst v3  }
.Ltmp3:
0x2f: {  	[tilespmem:s6+$0x13620] =	vst v3;
	(pc) =	sbr.rel .LBB2_4-.Ltmp3, $4  }
0x30: {  	[tilespmem:s6+$0x13630] =	vst v3  }
0x31: {  	[tilespmem:s6+$0x13640] =	vst v3  }
0x32: {  	[tilespmem:s6+$0x13650] =	vst v3  }
0x33: {  	[tilespmem:s6+$0x13660] =	vst v3;
	s24 =	simm.s32 $0x0  }
.LBB2_9:
0x34: {  	[bflag:$0x0] =	sbarrier.arrive $0xFFFF  }
0x35: {  	[tilespmem:s22], [sflag:$0x3] =	stream.linear.gather [spmem:s8], $0x1000, $0x38;
	[tilespmem:$0x1F6C0] =	vst v63  }
0x36: {  	_ =	swait.ge [sflag:s31], $0x1000  }
0x37: {  	s6 =	rddreg [dreg:$0x11]  }
0x38: {  	s6 =	sadd.s32 s29, s6  }
0x39: {  	[sflag:s31] =	ssyncset.done $0x0;
	s7 =	rddreg [dreg:$0x4];
	s6 =	sshll.u32 s6, $0x4  }
0x3a: {  	[sflag:s31] =	ssyncadd.s32 $0xFFFFF000;
	s7 =	sadd.s32 s7, s6  }
0x3b: {  	[hbm4b:s7+s3] =	stream.linear.scatter [tilespmem:s22], [sflag:$0x3], $0x1000, $0x38;
	[tilespmem:$0x1F6C0] =	vst v63  }
0x3c: {  	_ =	swait.ge [sflag:s31], $0x1000  }
0x3d: {  	[sflag:s31] =	ssyncset.done $0x0  }
0x3e: {  	[sflag:s31] =	ssyncadd.s32 $0xFFFFF000  }
0x3f: {  	[tilespmem:s22], [sflag:$0x3] =	stream.linear.gather [spmem:s12], $0x1000, $0x38;
	[tilespmem:$0x1F6C0] =	vst v63  }
0x40: {  	_ =	swait.ge [sflag:s31], $0x1000  }
0x41: {  	s23 =	smov.u32 s8;
	[sflag:s31] =	ssyncset.done $0x0;
	s8 =	rddreg [dreg:$0x8]  }
0x42: {  	[sflag:s31] =	ssyncadd.s32 $0xFFFFF000;
	s7 =	sadd.s32 s6, s8  }
0x43: {  	[hbm4b:s7+s3] =	stream.linear.scatter [tilespmem:s22], [sflag:$0x3], $0x1000, $0x38;
	[tilespmem:$0x1F6C0] =	vst v63  }
0x44: {  	_ =	swait.ge [sflag:s31], $0x1000  }
0x45: {  	[sflag:s31] =	ssyncset.done $0x0  }
0x46: {  	[sflag:s31] =	ssyncadd.s32 $0xFFFFF000  }
0x47: {  	[tilespmem:s22], [sflag:$0x3] =	stream.linear.gather [spmem:s10], $0x1000, $0x38;
	[tilespmem:$0x1F6C0] =	vst v63  }
0x48: {  	_ =	swait.ge [sflag:s31], $0x1000  }
0x49: {  	[sflag:s31] =	ssyncset.done $0x0;
	s9 =	rddreg [dreg:$0x9]  }
0x4a: {  	[sflag:s31] =	ssyncadd.s32 $0xFFFFF000;
	s7 =	sadd.s32 s6, s9  }
0x4b: {  	[hbm4b:s7+s3] =	stream.linear.scatter [tilespmem:s22], [sflag:$0x3], $0x1000, $0x38;
	[tilespmem:$0x1F6C0] =	vst v63  }
0x4c: {  	_ =	swait.ge [sflag:s31], $0x1000  }
0x4d: {  	[sflag:s31] =	ssyncset.done $0x0  }
0x4e: {  	[sflag:s31] =	ssyncadd.s32 $0xFFFFF000  }
0x4f: {  	[tilespmem:s22], [sflag:$0x3] =	stream.linear.gather [spmem:s11], $0x1000, $0x38;
	[tilespmem:$0x1F6C0] =	vst v63  }
0x50: {  	_ =	swait.ge [sflag:s31], $0x1000  }
0x51: {  	s29 =	smov.u32 s12;
	[sflag:s31] =	ssyncset.done $0x0;
	s12 =	rddreg [dreg:$0xa]  }
0x52: {  	[sflag:s31] =	ssyncadd.s32 $0xFFFFF000;
	s7 =	sadd.s32 s6, s12  }
0x53: {  	[hbm4b:s7+s3] =	stream.linear.scatter [tilespmem:s22], [sflag:$0x3], $0x1000, $0x38;
	[tilespmem:$0x1F6C0] =	vst v63  }
0x54: {  	_ =	swait.ge [sflag:s31], $0x1000  }
0x55: {  	[sflag:s31] =	ssyncset.done $0x0  }
0x56: {  	s12 =	rddreg [dreg:$0x16];
	[sflag:s31] =	ssyncadd.s32 $0xFFFFF000  }
0x57: {  	[tilespmem:s22], [sflag:$0x3] =	stream.linear.gather [spmem:s12], $0x1000, $0x38;
	[tilespmem:$0x1F6C0] =	vst v63  }
0x58: {  	_ =	swait.ge [sflag:s31], $0x1000  }
0x59: {  	[sflag:s31] =	ssyncset.done $0x0;
	s13 =	rddreg [dreg:$0xb]  }
0x5a: {  	[sflag:s31] =	ssyncadd.s32 $0xFFFFF000;
	s7 =	sadd.s32 s6, s13  }
0x5b: {  	[hbm4b:s7+s3] =	stream.linear.scatter [tilespmem:s22], [sflag:$0x3], $0x1000, $0x38;
	[tilespmem:$0x1F6C0] =	vst v63  }
0x5c: {  	_ =	swait.ge [sflag:s31], $0x1000  }
0x5d: {  	[sflag:s31] =	ssyncset.done $0x0  }
0x5e: {  	s13 =	rddreg [dreg:$0x7];
	[sflag:s31] =	ssyncadd.s32 $0xFFFFF000  }
0x5f: {  	[tilespmem:s22], [sflag:$0x3] =	stream.linear.gather [spmem:s13], $0x1000, $0x38;
	[tilespmem:$0x1F6C0] =	vst v63  }
0x60: {  	_ =	swait.ge [sflag:s31], $0x1000  }
0x61: {  	[sflag:s31] =	ssyncset.done $0x0;
	s26 =	rddreg [dreg:$0xc]  }
0x62: {  	[sflag:s31] =	ssyncadd.s32 $0xFFFFF000;
	s7 =	sadd.s32 s6, s26  }
0x63: {  	[hbm4b:s7+s3] =	stream.linear.scatter [tilespmem:s22], [sflag:$0x3], $0x1000, $0x38;
	[tilespmem:$0x1F6C0] =	vst v63  }
0x64: {  	_ =	swait.ge [sflag:s31], $0x1000  }
0x65: {  	[sflag:s31] =	ssyncset.done $0x0  }
0x66: {  	s28 =	rddreg [dreg:$0x5];
	[sflag:s31] =	ssyncadd.s32 $0xFFFFF000  }
0x67: {  	[tilespmem:s22], [sflag:$0x3] =	stream.linear.gather [spmem:s28], $0x1000, $0x38;
	[tilespmem:$0x1F6C0] =	vst v63  }
0x68: {  	_ =	swait.ge [sflag:s31], $0x1000  }
0x69: {  	[sflag:s31] =	ssyncset.done $0x0;
	s9 =	rddreg [dreg:$0xd]  }
0x6a: {  	[sflag:s31] =	ssyncadd.s32 $0xFFFFF000;
	s7 =	sadd.s32 s6, s9  }
0x6b: {  	[hbm4b:s7+s3] =	stream.linear.scatter [tilespmem:s22], [sflag:$0x3], $0x1000, $0x38;
	[tilespmem:$0x1F6C0] =	vst v63  }
0x6c: {  	_ =	swait.ge [sflag:s31], $0x1000  }
0x6d: {  	[sflag:s31] =	ssyncset.done $0x0  }
0x6e: {  	s9 =	rddreg [dreg:$0x6];
	[sflag:s31] =	ssyncadd.s32 $0xFFFFF000  }
0x6f: {  	[tilespmem:s22], [sflag:$0x3] =	stream.linear.gather [spmem:s9], $0x1000, $0x38;
	[tilespmem:$0x1F6C0] =	vst v63  }
0x70: {  	_ =	swait.ge [sflag:s31], $0x1000  }
0x71: {  	s8 =	smov.u32 s11;
	[sflag:s31] =	ssyncset.done $0x0;
	s11 =	rddreg [dreg:$0xe]  }
0x72: {  	[sflag:s31] =	ssyncadd.s32 $0xFFFFF000;
	s7 =	sadd.s32 s6, s11  }
0x73: {  	[hbm4b:s7+s3] =	stream.linear.scatter [tilespmem:s22], [sflag:$0x3], $0x1000, $0x38;
	[tilespmem:$0x1F6C0] =	vst v63  }
0x74: {  	_ =	swait.ge [sflag:s31], $0x1000  }
0x75: {  	[sflag:s31] =	ssyncset.done $0x0  }
0x76: {  	s11 =	rddreg [dreg:$0x14];
	[sflag:s31] =	ssyncadd.s32 $0xFFFFF000  }
0x77: {  	[tilespmem:s22], [sflag:$0x3] =	stream.linear.gather [spmem:s11], $0x1000, $0x38;
	[tilespmem:$0x1F6C0] =	vst v63  }
0x78: {  	_ =	swait.ge [sflag:s31], $0x1000  }
0x79: {  	[sflag:s31] =	ssyncset.done $0x0;
	s26 =	rddreg [dreg:$0xf]  }
0x7a: {  	[sflag:s31] =	ssyncadd.s32 $0xFFFFF000;
	s7 =	sadd.s32 s6, s26  }
0x7b: {  	[hbm4b:s7+s3] =	stream.linear.scatter [tilespmem:s22], [sflag:$0x3], $0x1000, $0x38;
	[tilespmem:$0x1F6C0] =	vst v63  }
0x7c: {  	_ =	swait.ge [sflag:s31], $0x1000  }
0x7d: {  	[sflag:s31] =	ssyncset.done $0x0  }
0x7e: {  	s26 =	rddreg [dreg:$0x15];
	[sflag:s31] =	ssyncadd.s32 $0xFFFFF000  }
0x7f: {  	[tilespmem:s22], [sflag:$0x3] =	stream.linear.gather [spmem:s26], $0x1000, $0x38;
	[tilespmem:$0x1F6C0] =	vst v63  }
0x80: {  	_ =	swait.ge [sflag:s31], $0x1000  }
0x81: {  	s24 =	sadd.s32 $0x1, s24;
	[sflag:s31] =	ssyncset.done $0x0;
	s7 =	rddreg [dreg:$0x12]  }
0x82: {  	p0 =	sne.s32 s24, $0xA;
	[sflag:s31] =	ssyncadd.s32 $0xFFFFF000;
	s6 =	sadd.s32 s6, s7  }
0x83: {  	[hbm4b:s6+s3] =	stream.linear.scatter [tilespmem:s22], [sflag:$0x3], $0x1000, $0x38;
	[tilespmem:$0x1F6C0] =	vst v63  }
.Ltmp4:
0x84: {  	_ =	swait.ge [sflag:s31], $0x1000;
	(pc) =	sbr.rel @!p0 .LBB2_10-.Ltmp4, $3  }
0x85: {  	[sflag:s31] =	ssyncset.done $0x0  }
0x86: {  	[sflag:s31] =	ssyncadd.s32 $0xFFFFF000  }
0x87: {  	[bflag:$0x0] =	sbarrier.arrive $0xFFFF;
	_ =	sdelay $0x1  }
.LBB2_4:
0x88: {  	[spmem:s23] =	stream.linear.scatter [tilespmem:s30], [sflag:$0x3], $0x1000, $0x38;
	[tilespmem:$0x1F6C0] =	vst v63  }
0x89: {  	_ =	swait.ge [sflag:s31], $0x1000  }
0x8a: {  	[sflag:s31] =	ssyncset.done $0x0  }
0x8b: {  	[sflag:s31] =	ssyncadd.s32 $0xFFFFF000  }
0x8c: {  	[spmem:s29] =	stream.linear.scatter [tilespmem:s30], [sflag:$0x3], $0x1000, $0x38;
	[tilespmem:$0x1F6C0] =	vst v63  }
0x8d: {  	_ =	swait.ge [sflag:s31], $0x1000  }
0x8e: {  	[sflag:s31] =	ssyncset.done $0x0  }
0x8f: {  	[sflag:s31] =	ssyncadd.s32 $0xFFFFF000  }
0x90: {  	[spmem:s10] =	stream.linear.scatter [tilespmem:s30], [sflag:$0x3], $0x1000, $0x38;
	[tilespmem:$0x1F6C0] =	vst v63  }
0x91: {  	_ =	swait.ge [sflag:s31], $0x1000  }
0x92: {  	[sflag:s31] =	ssyncset.done $0x0  }
0x93: {  	s7 =	smov.u32 s8;
	[sflag:s31] =	ssyncadd.s32 $0xFFFFF000  }
0x94: {  	[spmem:s7] =	stream.linear.scatter [tilespmem:s30], [sflag:$0x3], $0x1000, $0x38;
	[tilespmem:$0x1F6C0] =	vst v63  }
0x95: {  	_ =	swait.ge [sflag:s31], $0x1000  }
0x96: {  	[sflag:s31] =	ssyncset.done $0x0  }
0x97: {  	s8 =	smov.u32 s23;
	s23 =	smov.u32 s12;
	[sflag:s31] =	ssyncadd.s32 $0xFFFFF000  }
0x98: {  	[spmem:s23] =	stream.linear.scatter [tilespmem:s30], [sflag:$0x3], $0x1000, $0x38;
	[tilespmem:$0x1F6C0] =	vst v63  }
0x99: {  	_ =	swait.ge [sflag:s31], $0x1000  }
0x9a: {  	[sflag:s31] =	ssyncset.done $0x0  }
0x9b: {  	[sflag:s31] =	ssyncadd.s32 $0xFFFFF000  }
0x9c: {  	[spmem:s13] =	stream.linear.scatter [tilespmem:s30], [sflag:$0x3], $0x1000, $0x38;
	[tilespmem:$0x1F6C0] =	vst v63  }
0x9d: {  	_ =	swait.ge [sflag:s31], $0x1000  }
0x9e: {  	[sflag:s31] =	ssyncset.done $0x0  }
0x9f: {  	[sflag:s31] =	ssyncadd.s32 $0xFFFFF000  }
0xa0: {  	[spmem:s28] =	stream.linear.scatter [tilespmem:s30], [sflag:$0x3], $0x1000, $0x38;
	[tilespmem:$0x1F6C0] =	vst v63  }
0xa1: {  	_ =	swait.ge [sflag:s31], $0x1000  }
0xa2: {  	[sflag:s31] =	ssyncset.done $0x0  }
0xa3: {  	[sflag:s31] =	ssyncadd.s32 $0xFFFFF000  }
0xa4: {  	[spmem:s9] =	stream.linear.scatter [tilespmem:s30], [sflag:$0x3], $0x1000, $0x38;
	[tilespmem:$0x1F6C0] =	vst v63  }
0xa5: {  	_ =	swait.ge [sflag:s31], $0x1000  }
0xa6: {  	[sflag:s31] =	ssyncset.done $0x0  }
0xa7: {  	s6 =	smov.u32 s11;
	[sflag:s31] =	ssyncadd.s32 $0xFFFFF000  }
0xa8: {  	[spmem:s6] =	stream.linear.scatter [tilespmem:s30], [sflag:$0x3], $0x1000, $0x38;
	[tilespmem:$0x1F6C0] =	vst v63  }
0xa9: {  	_ =	swait.ge [sflag:s31], $0x1000  }
0xaa: {  	[sflag:s31] =	ssyncset.done $0x0  }
0xab: {  	[sflag:s31] =	ssyncadd.s32 $0xFFFFF000  }
0xac: {  	[spmem:s26] =	stream.linear.scatter [tilespmem:s30], [sflag:$0x3], $0x1000, $0x38;
	[tilespmem:$0x1F6C0] =	vst v63  }
0xad: {  	_ =	swait.ge [sflag:s31], $0x1000  }
0xae: {  	[sflag:s31] =	ssyncset.done $0x0  }
0xaf: {  	[sflag:s31] =	ssyncadd.s32 $0xFFFFF000  }
0xb0: {  	[bflag:$0x0] =	sbarrier.arrive $0xFFFF  }
0xb1: {  	s23 =	simm.s32 $0x0;
	s13 =	rddreg [dreg:$0x10]  }
0xb2: {  	[tilespmem:s23], [sflag:$0x3] =	stream.linear.gather [hbm4b:s13+s23], $0x3D10, $0x38;
	[tilespmem:$0x1F6C0] =	vst v63  }
0xb3: {  	_ =	swait.ge [sflag:s31], $0x3D10  }
0xb4: {  	[sflag:s31] =	ssyncset.done $0x0  }
0xb5: {  	s28 =	simm.s32 $0x3D80;
	s26 =	rddreg [dreg:$0x17];
	[sflag:s31] =	ssyncadd.s32 $0xFFFFC2F0  }
0xb6: {  	[tilespmem:s28], [sflag:$0x3] =	stream.linear.gather [hbm4b:s26+s23], $0x3D10, $0x38;
	[tilespmem:$0x1F6C0] =	vst v63  }
0xb7: {  	_ =	swait.ge [sflag:s31], $0x3D10  }
0xb8: {  	s12 =	smov.u32 s29;
	s29 =	smul.u32 $0x1400, s24;
	[sflag:s31] =	ssyncset.done $0x0  }
0xb9: {  	s6 =	simm.s32 $0x0;
	[sflag:s31] =	ssyncadd.s32 $0xFFFFC2F0  }
0xba: {  	v12 =	vimm.s32 $0x0;
	s11 =	smov.u32 s7;
	v11 =	vmov s29;
	s7 =	simm.s32 $0x40;
	v13 =	vld [tilespmem:s6+$0x3D80]  }
.LBB2_5:
0xbb: {  	p0 =	sne.s32 s7, $0xF400;
	_ =	sdelay $0x3  }
0xbc: {  	v14 =	vshll.u32 v12, $0x4;
	v13 =	vsub.s32 v13, v11  }
0xbd: {  	v14 =	vor.u32 v0, v14;
	vm1 =	vlt.u32 v13, $0x1400  }
0xbe: {  	v15 =	vld [tilespmem:s6+$0x0];
	v14 =	vsel vm1, v14, v6;
	v16 =	vsel vm1, $0x1, v9  }
0xbf: {  	v12 =	vadd.s32 v16, v12;
	_ =	sdelay $0x1  }
.Ltmp5:
0xc0: {  	(pc) =	sbr.rel @p0 .LBB2_5-.Ltmp5, $4  }
0xc1: {  	_ = 	snop  }
0xc2: {  	[tilespmem:v14+s2+$0x0] =	vst.idx.msk $0xffff, v15  }
0xc3: {  	s6 =	sshra.s32 s7, $0x2;
	[tilespmem:v14+s25+$0x0] =	vst.idx.msk $0xffff, v13  }
0xc4: {  	s7 =	sadd.s32 $0x40, s7;
	v13 =	vld [tilespmem:s6+$0x3D80]  }
0xc5: {  	_ =	sdelay $0x3  }
0xc6: {  	v13 =	vsub.s32 v13, v11  }
0xc7: {  	vm1 =	vlt.u32 v13, $0x1400  }
0xc8: {  	v11 =	vsel vm1, $0x1, v9  }
0xc9: {  	v11 =	vadd.s32 v11, v12  }
0xca: {  	v14 =	vperm.xlane v11, v4;
	_ =	sdelay $0x1  }
0xcb: {  	vm2 =	vgt.s32 v11, v14  }
0xcc: {  	v14 =	vsel vm2, v11, v14  }
0xcd: {  	v15 =	vperm.xlane v14, v5;
	_ =	sdelay $0x1  }
0xce: {  	vm2 =	vgt.s32 v14, v15  }
0xcf: {  	v14 =	vsel vm2, v14, v15  }
0xd0: {  	v15 =	vperm.xlane v14, v7;
	_ =	sdelay $0x1  }
0xd1: {  	vm2 =	vgt.s32 v14, v15  }
0xd2: {  	v14 =	vsel vm2, v14, v15  }
0xd3: {  	v15 =	vperm.xlane v14, v8;
	_ =	sdelay $0x1  }
0xd4: {  	vm2 =	vgt.s32 v14, v15  }
0xd5: {  	v14 =	vsel vm2, v14, v15  }
0xd6: {  	(v2sf) =	vpush v14, $0x0;
	_ =	sdelay $0xe  }
0xd7: {  	s7 =	spop (v2sf)  }
0xd8: {  	s7 =	sadd.s32 $0x7, s7  }
0xd9: {  	s26 =	sand.u32 $0x7, s7  }
0xda: {  	s28 =	sshra.s32 s7, $0x1F;
	p1 =	slt.s32 s7, $0x1;
	p0 =	sne.s32 s26, $0x0  }
0xdb: {  	v62 =	vshll.u32 v12, $0x4;
	v63 =	vld [tilespmem:s6+$0x0];
	s6 =	sshrl.u32 s28, $0x1D;
	p0 =	por !p1, !p0  }
0xdc: {  	v12 =	vor.u32 v0, v62;
	s6 =	sadd.s32 s6, s7;
	s7 =	simm.s32 $0x1;
	p0 =	por !p0, !p0  }
0xdd: {  	v12 =	vsel vm1, v12, v6;
	s6 =	sshra.s32 s6, $0x3;
	s7 =	simm.s32 @!p0 $0x0  }
0xde: {  	s23 =	ssub.s32 s6, s7  }
0xdf: {  	p0 =	slt.s32 s23, $0x1  }
.Ltmp6:
0xe0: {  	_ = 	snop;
	(pc) =	sbr.rel @p0 .LBB2_9-.Ltmp6, $4  }
0xe1: {  	_ = 	snop  }
0xe2: {  	[tilespmem:v12+s2+$0x0] =	vst.idx.msk $0xffff, v63  }
0xe3: {  	[tilespmem:v12+s25+$0x0] =	vst.idx.msk $0xffff, v13  }
0xe4: {  	[tilespmem:$0x15600] =	vst v14  }
0xe5: {  	v12 =	vimm.s32 $0x0;
	s7 =	simm.s32 $0x7B40;
	s6 =	simm.s32 $0xB8C0  }
.LBB2_8:
0xe6: {  	v13 =	vld [tilespmem:s7+$0xFFFFFFC0];
	_ =	sdelay $0x3  }
0xe7: {  	vm1 =	vlt.s32 v12, v11  }
0xe8: {  	v13 =	vsel vm1, v13, v1  }
0xe9: {  	v13 =	vadd.s32 v2, v13;
	_ =	sdelay $0x4  }
0xea: {  	v14 =	vld [tilespmem:s6+$0xFFFFFFC0];
	[tilespmem:s5], [sflag:$0x2] =	stream.indirect_vreg.gather [hbm4b:s4+s3], $0x80, v13, vm0, $0xb8  }
0xeb: {  	v13 =	vld [tilespmem:s7+$0xFFFFFFD0];
	_ =	sdelay $0x2  }
0xec: {  	v15 =	vor.u32 $0x1, v12  }
0xed: {  	vm2 =	vlt.s32 v15, v11  }
0xee: {  	v13 =	vsel vm2, v13, v1  }
0xef: {  	v13 =	vadd.s32 v2, v13;
	_ =	sdelay $0x4  }
0xf0: {  	v15 =	vld [tilespmem:s6+$0xFFFFFFD0];
	[tilespmem:s14], [sflag:$0x2] =	stream.indirect_vreg.gather [hbm4b:s4+s3], $0x80, v13, vm0, $0xb8  }
0xf1: {  	v13 =	vld [tilespmem:s7+$0xFFFFFFE0];
	_ =	sdelay $0x2  }
0xf2: {  	v16 =	vor.u32 $0x2, v12  }
0xf3: {  	vm3 =	vlt.s32 v16, v11  }
0xf4: {  	v13 =	vsel vm3, v13, v1  }
0xf5: {  	v13 =	vadd.s32 v2, v13;
	_ =	sdelay $0x4  }
0xf6: {  	v58 =	vld [tilespmem:s6+$0xFFFFFFE0];
	[tilespmem:s15], [sflag:$0x2] =	stream.indirect_vreg.gather [hbm4b:s4+s3], $0x80, v13, vm0, $0xb8  }
0xf7: {  	v13 =	vld [tilespmem:s7+$0xFFFFFFF0];
	_ =	sdelay $0x2  }
0xf8: {  	v17 =	vor.u32 $0x3, v12  }
0xf9: {  	vm4 =	vlt.s32 v17, v11  }
0xfa: {  	v13 =	vsel vm4, v13, v1  }
0xfb: {  	v13 =	vadd.s32 v2, v13;
	_ =	sdelay $0x4  }
0xfc: {  	v59 =	vld [tilespmem:s6+$0xFFFFFFF0];
	[tilespmem:s16], [sflag:$0x2] =	stream.indirect_vreg.gather [hbm4b:s4+s3], $0x80, v13, vm0, $0xb8  }
0xfd: {  	v13 =	vld [tilespmem:s7+$0x0];
	_ =	sdelay $0x2  }
0xfe: {  	v18 =	vor.u32 $0x4, v12  }
0xff: {  	vm5 =	vlt.s32 v18, v11  }
0x100: {  	v13 =	vsel vm5, v13, v1  }
0x101: {  	v13 =	vadd.s32 v2, v13;
	_ =	sdelay $0x4  }
0x102: {  	v60 =	vld [tilespmem:s6+$0x0];
	[tilespmem:s17], [sflag:$0x2] =	stream.indirect_vreg.gather [hbm4b:s4+s3], $0x80, v13, vm0, $0xb8  }
0x103: {  	v13 =	vld [tilespmem:s7+$0x10];
	_ =	sdelay $0x2  }
0x104: {  	v19 =	vor.u32 $0x5, v12  }
0x105: {  	vm6 =	vlt.s32 v19, v11  }
0x106: {  	v13 =	vsel vm6, v13, v1  }
0x107: {  	v13 =	vadd.s32 v2, v13;
	_ =	sdelay $0x4  }
0x108: {  	v61 =	vld [tilespmem:s6+$0x10];
	[tilespmem:s18], [sflag:$0x2] =	stream.indirect_vreg.gather [hbm4b:s4+s3], $0x80, v13, vm0, $0xb8  }
0x109: {  	v13 =	vld [tilespmem:s7+$0x20];
	_ =	sdelay $0x2  }
0x10a: {  	v20 =	vor.u32 $0x6, v12  }
0x10b: {  	vm7 =	vlt.s32 v20, v11  }
0x10c: {  	v13 =	vsel vm7, v13, v1  }
0x10d: {  	v13 =	vadd.s32 v2, v13;
	_ =	sdelay $0x4  }
0x10e: {  	v62 =	vld [tilespmem:s6+$0x20];
	[tilespmem:s19], [sflag:$0x2] =	stream.indirect_vreg.gather [hbm4b:s4+s3], $0x80, v13, vm0, $0xb8  }
0x10f: {  	v13 =	vld [tilespmem:s7+$0x30];
	_ =	sdelay $0x2  }
0x110: {  	v21 =	vor.u32 $0x7, v12  }
0x111: {  	vm8 =	vlt.s32 v21, v11  }
0x112: {  	v13 =	vsel vm8, v13, v1  }
0x113: {  	v13 =	vadd.s32 v2, v13;
	_ =	sdelay $0x3  }
0x114: {  	v14 =	vsel vm1, v14, v10  }
0x115: {  	v63 =	vld [tilespmem:s6+$0x30];
	[tilespmem:s20], [sflag:$0x2] =	stream.indirect_vreg.gather [hbm4b:s4+s3], $0x80, v13, vm0, $0xb8  }
0x116: {  	_ =	swait.ge [sflag:s21], $0x800  }
0x117: {  	[sflag:s21] =	ssyncset.done $0x0  }
0x118: {  	v13 =	vsel vm2, v15, v10;
	[sflag:s21] =	ssyncadd.s32 $0xFFFFF800  }
0x119: {  	[spmem:s1] =	stream.indirect_vreg.scatter.add.f32 [tilespmem:s5], [sflag:$0x1], $0x80, v14, vm0, $0xb8;
	[tilespmem:$0x1F6C0] =	vst v63  }
0x11a: {  	_ =	swait.ge [sflag:s21], $0x800  }
0x11b: {  	[sflag:s21] =	ssyncset.done $0x0  }
0x11c: {  	v14 =	vsel vm3, v58, v10;
	[sflag:s21] =	ssyncadd.s32 $0xFFFFF800  }
0x11d: {  	[spmem:s1] =	stream.indirect_vreg.scatter.add.f32 [tilespmem:s14], [sflag:$0x1], $0x80, v13, vm0, $0xb8;
	[tilespmem:$0x1F6C0] =	vst v63  }
0x11e: {  	_ =	swait.ge [sflag:s21], $0x800  }
0x11f: {  	[sflag:s21] =	ssyncset.done $0x0  }
0x120: {  	v13 =	vsel vm4, v59, v10;
	[sflag:s21] =	ssyncadd.s32 $0xFFFFF800  }
0x121: {  	[spmem:s1] =	stream.indirect_vreg.scatter.add.f32 [tilespmem:s15], [sflag:$0x1], $0x80, v14, vm0, $0xb8;
	[tilespmem:$0x1F6C0] =	vst v63  }
0x122: {  	_ =	swait.ge [sflag:s21], $0x800  }
0x123: {  	[sflag:s21] =	ssyncset.done $0x0  }
0x124: {  	v14 =	vsel vm5, v60, v10;
	[sflag:s21] =	ssyncadd.s32 $0xFFFFF800  }
0x125: {  	[spmem:s1] =	stream.indirect_vreg.scatter.add.f32 [tilespmem:s16], [sflag:$0x1], $0x80, v13, vm0, $0xb8;
	[tilespmem:$0x1F6C0] =	vst v63  }
0x126: {  	_ =	swait.ge [sflag:s21], $0x800  }
0x127: {  	[sflag:s21] =	ssyncset.done $0x0  }
0x128: {  	v13 =	vsel vm6, v61, v10;
	[sflag:s21] =	ssyncadd.s32 $0xFFFFF800  }
0x129: {  	[spmem:s1] =	stream.indirect_vreg.scatter.add.f32 [tilespmem:s17], [sflag:$0x1], $0x80, v14, vm0, $0xb8;
	[tilespmem:$0x1F6C0] =	vst v63  }
0x12a: {  	_ =	swait.ge [sflag:s21], $0x800  }
0x12b: {  	[sflag:s21] =	ssyncset.done $0x0  }
0x12c: {  	v14 =	vsel vm7, v62, v10;
	[sflag:s21] =	ssyncadd.s32 $0xFFFFF800  }
0x12d: {  	[spmem:s1] =	stream.indirect_vreg.scatter.add.f32 [tilespmem:s18], [sflag:$0x1], $0x80, v13, vm0, $0xb8;
	[tilespmem:$0x1F6C0] =	vst v63  }
0x12e: {  	_ =	swait.ge [sflag:s21], $0x800  }
0x12f: {  	[sflag:s21] =	ssyncset.done $0x0  }
0x130: {  	v13 =	vsel vm8, v63, v10;
	[sflag:s21] =	ssyncadd.s32 $0xFFFFF800  }
0x131: {  	[spmem:s1] =	stream.indirect_vreg.scatter.add.f32 [tilespmem:s19], [sflag:$0x1], $0x80, v14, vm0, $0xb8;
	[tilespmem:$0x1F6C0] =	vst v63  }
0x132: {  	_ =	swait.ge [sflag:s21], $0x800  }
0x133: {  	[sflag:s21] =	ssyncset.done $0x0  }
0x134: {  	[sflag:s21] =	ssyncadd.s32 $0xFFFFF800  }
0x135: {  	[spmem:s1] =	stream.indirect_vreg.scatter.add.f32 [tilespmem:s20], [sflag:$0x1], $0x80, v13, vm0, $0xb8;
	[tilespmem:$0x1F6C0] =	vst v63  }
0x136: {  	_ =	swait.ge [sflag:s0], $0x800  }
0x137: {  	[sflag:s0] =	ssyncset.done $0x0  }
0x138: {  	[sflag:s0] =	ssyncadd.s32 $0xFFFFF800  }
0x139: {  	_ =	swait.ge [sflag:s0], $0x800  }
0x13a: {  	[sflag:s0] =	ssyncset.done $0x0  }
0x13b: {  	[sflag:s0] =	ssyncadd.s32 $0xFFFFF800  }
0x13c: {  	_ =	swait.ge [sflag:s0], $0x800  }
0x13d: {  	[sflag:s0] =	ssyncset.done $0x0  }
0x13e: {  	[sflag:s0] =	ssyncadd.s32 $0xFFFFF800  }
0x13f: {  	_ =	swait.ge [sflag:s0], $0x800  }
0x140: {  	[sflag:s0] =	ssyncset.done $0x0  }
0x141: {  	[sflag:s0] =	ssyncadd.s32 $0xFFFFF800  }
0x142: {  	_ =	swait.ge [sflag:s0], $0x800  }
0x143: {  	[sflag:s0] =	ssyncset.done $0x0  }
0x144: {  	[sflag:s0] =	ssyncadd.s32 $0xFFFFF800  }
0x145: {  	_ =	swait.ge [sflag:s0], $0x800  }
0x146: {  	[sflag:s0] =	ssyncset.done $0x0  }
0x147: {  	[sflag:s0] =	ssyncadd.s32 $0xFFFFF800  }
0x148: {  	p0 =	sne.s32 s23, $0x1;
	_ =	swait.ge [sflag:s0], $0x800  }
.Ltmp7:
0x149: {  	[sflag:s0] =	ssyncset.done $0x0;
	(pc) =	sbr.rel @p0 .LBB2_8-.Ltmp7, $4  }
0x14a: {  	[sflag:s0] =	ssyncadd.s32 $0xFFFFF800  }
0x14b: {  	_ =	swait.ge [sflag:s0], $0x800  }
0x14c: {  	s23 =	sadd.s32 $0xFFFFFFFF, s23;
	[sflag:s0] =	ssyncset.done $0x0  }
0x14d: {  	v12 =	vadd.s32 $0x8, v12;
	s7 =	sadd.s32 $0x80, s7;
	s6 =	sadd.s32 $0x80, s6;
	[sflag:s0] =	ssyncadd.s32 $0xFFFFF800  }
.Ltmp8:
0x14e: {  	_ = 	snop;
	(pc) =	sbr.rel .LBB2_9-.Ltmp8, $1  }
0x14f: {  	_ =	sdelay $0x3  }
.LBB2_11:
0x150: {  	_ =	sfence.sel $0x180000  }
0x151: {  	[bflag:$0x0] =	sbarrier.arrive $0xFFFF  }
0x152: {  	_ =	strace $0x9000004A  }
0x153: {  	s0 =	stileid.u32;
	[bflag:$0x2] =	sbarrier.arrive $0xFFFF  }
0x154: {  	p0 =	sne.s32 s0, $0x0;
	s0 =	rddreg [dreg:$0x3]  }
0x155: {  	s0 =	sadd.s32 @!p0 $0x100000, s0  }
0x156: {  	[sflag:s0] =	ssyncadd.tile.s32 @!p0 $0x1;
	_ =	shalt  }
.Lfunc_end2:
_tile_overlayer_lowered:
.L_overlay_start_2:
0x157: {  	(tag) =	ssettag $0x2  }
0x158: {  	s0 =	rddreg [dreg:$0x0];
	s2 =	stileid.u32  }
0x159: {  	s1 =	rddreg [dreg:$0x1];
	p0 =	sne.s32 s2, $0x0  }
0x15a: {  	s3 =	rddreg [dreg:$0x2];
	[bflag:$0x3] =	sbarrier.arrive $0xFFFF;
	s2 =	simm.s32 @!p0 $0x1C03  }
0x15b: {  	[timem:s3], [sflag:s2] =	dma.local @!p0 [hbm:s0], s1  }
0x15c: {  	s0 =	simm.s32 @!p0 $0x3  }
0x15d: {  	_ =	swait.ge @!p0 [sflag:s0], s1  }
0x15e: {  	s1 =	ssub.s32 @!p0 $0x0, s1;
	[sflag:s0] =	ssyncset.done @!p0 $0x0  }
0x15f: {  	[sflag:s0] =	ssyncadd.s32 @!p0 s1  }
0x160: {  	[bflag:$0x3] =	sbarrier.arrive $0xFFFF  }
0x161: {  	_ =	shalt  }

// kernel: kernel.16.cloned.1.call-start
scs
__scs_entry_jumppad:
0x0: {  	(pc) =	sbr.rel $0x88, $3  }
0x1: {  	(tag) =	ssettag $0x0;
	lr =	simm.s32 $0x1  }
0x2: {  	[smem:$0x3F96] =	sst lr;
	_ =	strace $0xD0000000  }
0x3: {  	_ = 	snop  }
0x4: {  	_ = 	snop  }
0x5: {  	_ = 	snop  }
0x6: {  	_ = 	snop  }
0x7: {  	_ = 	snop  }
__scs_overlays_trampoline_lowered:
0x8: {  	[smem:$0x3FA5] =	sst s0  }
0x9: {  	[smem:$0x3FA6] =	sst s1  }
0xa: {  	[smem:$0x3FA7] =	sst s2  }
0xb: {  	[smem:$0x3FA8] =	sst s3  }
0xc: {  	[smem:$0x3FA9] =	sst s4  }
0xd: {  	[smem:$0x3FAA] =	sst s5  }
0xe: {  	[smem:$0x3FAB] =	sst s6  }
0xf: {  	[smem:$0x3FAC] =	sst s7  }
0x10: {  	[smem:$0x3FAD] =	sst s8  }
0x11: {  	[smem:$0x3FAE] =	sst s9;
	s0 =	simm.s32 @!p0 $0x0  }
0x12: {  	s1 =	sld [smem:$0x3F94];
	s0 =	simm.s32 @p0 $0x1  }
0x13: {  	[smem:$0x3FAF] =	sst s0;
	s0 =	simm.s32 @!p1 $0x0  }
0x14: {  	s2 =	sld [smem:$0x3F93];
	s0 =	simm.s32 @p1 $0x1  }
0x15: {  	[smem:$0x3FB0] =	sst s0;
	s0 =	simm.s32 @!p2 $0x0  }
0x16: {  	s3 =	sld [smem:$0x3FDB];
	s0 =	simm.s32 @p2 $0x1  }
0x17: {  	s4 =	simm.s32 $0x1BF5;
	[smem:$0x3FB2] =	sst s0  }
0x18: {  	s0 =	sld [smem:$0x3F95];
	_ =	swait.ge [sflag:s4], $0x0  }
0x19: {  	s7 =	sld [smem:$0x3F96]  }
0x1a: {  	s8 =	sadd.s32 $0xFFFFE003, lr  }
0x1b: {  	s9 =	sadd.s32 $0xFFFFFEF7, lr;
	s5 =	simm.s32 $0xFFFFFFFF;
	p2 =	slt.u32 s8, $0xFFFFF086  }
0x1c: {  	p1 =	slt.u32 s9, $0xF7A;
	s5 =	simm.s32 @!p2 $0x0  }
0x1d: {  	s5 =	simm.s32 @p1 $0x1;
	p0 =	seq.s32 s7, s2  }
0x1e: {  	s7 =	smul.u32 @!p0 $0xF7A, s2;
	p2 =	seq.s32 @!p0 s5, $0x0  }
0x1f: {  	s9 =	smul.u32 $0xF7A, s1;
	s8 =	simm.s32 @!p0 $0x1BF5;
	p2 =	por !p2, p0  }
0x20: {  	[sflag:s8] =	ssyncset.s32 @!p0 $0xFFFFF086;
	s6 =	sadd.s32 @!p0 s3, s7;
	s7 =	simm.s32 @!p0 $0x108  }
0x21: {  	s3 =	sadd.s32 s3, s9;
	s6 =	sadd.s32 @!p0 $0x88, s6;
	s7 =	simm.s32 @p2 $0x1082  }
0x22: {  	[simem:s7], [sflag:s8] =	dma.local @!p0 [hbm:s6], $0xF7A  }
0x23: {  	s9 =	sor.u32 $0xD0000000, s2;
	s6 =	simm.s32 $0x108;
	_ =	swait.ge @!p0 [sflag:s8], $0x0  }
0x24: {  	s3 =	sadd.s32 $0x88, s3;
	s6 =	simm.s32 @!p1 $0x1082;
	[sflag:s4] =	ssyncset.s32 $0xFFFFF086  }
0x25: {  	[simem:s6], [sflag:s4] =	dma.local [hbm:s3], $0xF7A  }
0x26: {  	[smem:$0x3F96] =	sst s1;
	(tag) =	ssettag s2;
	_ =	strace s9  }
0x27: {  	s1 =	sld [smem:$0x3FA6]  }
0x28: {  	s2 =	sld [smem:$0x3FA7]  }
0x29: {  	s4 =	sld [smem:$0x3FA9]  }
0x2a: {  	p0 =	seq.s32 s5, $0x0;
	s5 =	sld [smem:$0x3FAA]  }
0x2b: {  	s6 =	sld [smem:$0x3FAB]  }
0x2c: {  	s7 =	sld [smem:$0x3FAC]  }
0x2d: {  	s3 =	simm.s32 $0x108;
	s8 =	sld [smem:$0x3FAD]  }
0x2e: {  	s3 =	simm.s32 @!p0 $0x1082;
	s9 =	sld [smem:$0x3FAE]  }
0x2f: {  	lr =	sadd.s32 s0, s3;
	s0 =	sld [smem:$0x3FA5]  }
0x30: {  	s3 =	sld [smem:$0x3FA8]  }
0x31: {  	[smem:$0x3FB1] =	sst s10  }
0x32: {  	s10 =	sld [smem:$0x3FAF];
	_ =	sdelay $0x3  }
0x33: {  	p0 =	seq.s32 s10, $0x1;
	s10 =	sld [smem:$0x3FB1];
	_ =	sdelay $0x3  }
0x34: {  	[smem:$0x3FB1] =	sst s10  }
0x35: {  	s10 =	sld [smem:$0x3FB0];
	_ =	sdelay $0x3  }
0x36: {  	p1 =	seq.s32 s10, $0x1;
	s10 =	sld [smem:$0x3FB1];
	_ =	sdelay $0x3  }
0x37: {  	[smem:$0x3FB1] =	sst s10  }
0x38: {  	s10 =	sld [smem:$0x3FB2]  }
0x39: {  	_ = 	snop;
	(pc) =	sbr.ind lr, $3  }
0x3a: {  	_ = 	snop  }
0x3b: {  	_ = 	snop  }
0x3c: {  	p2 =	seq.s32 s10, $0x1;
	s10 =	sld [smem:$0x3FB1]  }
0x3d: {  	_ =	shalt  }
0x3e: {  	_ =	shalt  }
0x3f: {  	_ =	shalt  }
0x40: {  	_ =	shalt  }
0x41: {  	_ =	shalt  }
0x42: {  	_ =	shalt  }
0x43: {  	_ =	shalt  }
0x44: {  	_ =	shalt  }
0x45: {  	_ =	shalt  }
0x46: {  	_ =	shalt  }
0x47: {  	_ =	shalt  }
0x48: {  	_ =	shalt  }
0x49: {  	_ =	shalt  }
0x4a: {  	_ =	shalt  }
0x4b: {  	_ =	shalt  }
0x4c: {  	_ =	shalt  }
0x4d: {  	_ =	shalt  }
0x4e: {  	_ =	shalt  }
0x4f: {  	_ =	shalt  }
0x50: {  	_ =	shalt  }
0x51: {  	_ =	shalt  }
0x52: {  	_ =	shalt  }
0x53: {  	_ =	shalt  }
0x54: {  	_ =	shalt  }
0x55: {  	_ =	shalt  }
0x56: {  	_ =	shalt  }
0x57: {  	_ =	shalt  }
0x58: {  	_ =	shalt  }
0x59: {  	_ =	shalt  }
0x5a: {  	_ =	shalt  }
0x5b: {  	_ =	shalt  }
0x5c: {  	_ =	shalt  }
0x5d: {  	_ =	shalt  }
0x5e: {  	_ =	shalt  }
0x5f: {  	_ =	shalt  }
0x60: {  	_ =	shalt  }
0x61: {  	_ =	shalt  }
0x62: {  	_ =	shalt  }
0x63: {  	_ =	shalt  }
0x64: {  	_ =	shalt  }
0x65: {  	_ =	shalt  }
0x66: {  	_ =	shalt  }
0x67: {  	_ =	shalt  }
0x68: {  	_ =	shalt  }
0x69: {  	_ =	shalt  }
0x6a: {  	_ =	shalt  }
0x6b: {  	_ =	shalt  }
0x6c: {  	_ =	shalt  }
0x6d: {  	_ =	shalt  }
0x6e: {  	_ =	shalt  }
0x6f: {  	_ =	shalt  }
0x70: {  	_ =	shalt  }
0x71: {  	_ =	shalt  }
0x72: {  	_ =	shalt  }
0x73: {  	_ =	shalt  }
0x74: {  	_ =	shalt  }
0x75: {  	_ =	shalt  }
0x76: {  	_ =	shalt  }
0x77: {  	_ =	shalt  }
0x78: {  	_ =	shalt  }
0x79: {  	_ =	shalt  }
0x7a: {  	_ =	shalt  }
0x7b: {  	_ =	shalt  }
0x7c: {  	_ =	shalt  }
0x7d: {  	_ =	shalt  }
0x7e: {  	_ =	shalt  }
0x7f: {  	_ =	shalt  }
0x80: {  	_ =	shalt  }
0x81: {  	_ =	shalt  }
0x82: {  	_ =	shalt  }
0x83: {  	_ =	shalt  }
0x84: {  	_ =	shalt  }
0x85: {  	_ =	shalt  }
0x86: {  	_ =	shalt  }
0x87: {  	_ =	shalt  }
.Lfunc_end0:
.L_simem_size_0:
called_computation.2_lowered:
.L_overlay_start_0:
0x88: {  	s2 =	sld [smem:$0x3FD9]  }
0x89: {  	s3 =	sld [smem:$0x3FFE];
	_ =	sdelay $0x1  }
0x8a: {  	s1 =	srdreg.scid  }
0x8b: {  	s0 =	sand.u32 $0x1, s1  }
0x8c: {  	s17 =	sshll.u32 s0, $0xA;
	s2 =	sadd.s32 s3, s2  }
0x8d: {  	s2 =	sadd.s32 s2, s17  }
0x8e: {  	[smem:$0x3FBD] =	sst s2  }
0x8f: {  	_ = 	snop  }
0x90: {  	s2 =	sld [smem:$0x3FD0];
	(tm) =	ssettm $0x1  }
0x91: {  	s18 =	sld [smem:$0x3FFB];
	_ =	sdelay $0x3  }
0x92: {  	_ =	strace s18  }
0x93: {  	s3 =	sld [smem:$0x3FFC];
	_ =	sdelay $0x3  }
0x94: {  	_ =	strace s3  }
0x95: {  	s3 =	sld [smem:$0x3FFD];
	_ =	sdelay $0x3  }
0x96: {  	_ =	strace s3  }
0x97: {  	_ =	strace $0x8FFFFFFF  }
0x98: {  	s19 =	sld [smem:$0x3FDB];
	_ =	sdelay $0x1  }
0x99: {  	s4 =	simm.s32 $_scs_section_size  }
0x9a: {  	s5 =	simm.s32 $_size__tile_overlayer_lowered;
	s6 =	simm.s32 $_tile_overlayer_lowered  }
0x9b: {  	s22 =	simm.s32 $0x1BFF;
	s21 =	sshll.u32 s6, $0x1;
	s3 =	sadd.s32 s4, s19  }
0x9c: {  	s7 =	simm.s32 $0x0;
	s20 =	sshll.u32 s5, $0x1;
	s5 =	sadd.s32 s21, s3  }
0x9d: {  	[timem:s7], [sflag:s22] =	dma.local [hbm:s5], s20  }
0x9e: {  	_ =	swait.ge [sflag:s22], s20  }
0x9f: {  	s4 =	ssub.s32 $0x0, s20;
	[sflag:s22] =	ssyncset.done $0x0  }
0xa0: {  	[sflag:s22] =	ssyncadd.s32 s4;
	_ =	sdelay $0x1  }
0xa1: {  	s23 =	simm.s32 $0x1B8B  }
0xa2: {  	_ =	swait.ge [sflag:s23], $0x1  }
0xa3: {  	[sflag:s23] =	ssyncset.done $0x0  }
0xa4: {  	s25 =	simm.s32 $0x1B8E;
	s24 =	sld [smem:$0x3FFE];
	[sflag:s23] =	ssyncadd.s32 $0xFFFFFFFF  }
0xa5: {  	s26 =	simm.s32 $execute0_lowered;
	[smem:$0x3FD2] =	sst s25  }
0xa6: {  	s5 =	sshll.u32 s26, $0x1;
	_ =	strace $0x8000004C;
	[dreg:$0x1] =	wrdreg $0xFFFFFFFF  }
0xa7: {  	s28 =	simm.s32 $_size_execute0_lowered;
	s3 =	sadd.s32 s3, s5;
	[dreg:$0x0] =	wrdreg $0x0  }
0xa8: {  	s5 =	sshll.u32 s28, $0x1;
	[dreg:$0x2] =	wrdreg s3  }
0xa9: {  	[dreg:$0x3] =	wrdreg s5  }
0xaa: {  	[dreg:$0x4] =	wrdreg $0xC0  }
0xab: {  	_ =	task [dreg:s7], $0x5FFFF  }
0xac: {  	[dreg:$0x1] =	wrdreg $0xFFFFFFFF  }
0xad: {  	[dreg:$0x0] =	wrdreg $0x60  }
0xae: {  	[dreg:$0x2] =	wrdreg s24  }
0xaf: {  	[dreg:$0x3] =	wrdreg s2  }
0xb0: {  	[dreg:$0x4] =	wrdreg $0x156800  }
0xb1: {  	[dreg:$0x5] =	wrdreg $0x9  }
0xb2: {  	_ =	task.clear_ibuf [dreg:s7], $0x6FFFF;
	_ =	strace $0x9000004C  }
0xb3: {  	s29 =	simm.s32 $0x9;
	_ =	strace $0x8000004E  }
0xb4: {  	_ =	swait.ge [sflag:s29], $0x1  }
0xb5: {  	[sflag:s29] =	ssyncadd.s32 $0xFFFFFFFF  }
0xb6: {  	_ =	strace $0x9000004E  }
0xb7: {  	_ =	sfence  }
0xb8: {  	s30 =	sld [smem:$0x0];
	_ =	sdelay $0x2  }
0xb9: {  	s31 =	sshll.u32 s1, $0xD;
	s1 =	sshrl.u32 s1, $0x2  }
0xba: {  	s3 =	sand.u32 $0x4000, s31;
	s1 =	sadd.s32 s1, s30  }
0xbb: {  	s0 =	sor.u32 s3, s0;
	s1 =	sshll.u32 s1, $0x11  }
0xbc: {  	s0 =	sor.u32 s1, s0  }
0xbd: {  	s0 =	sadd.s32 $0x8F2B, s0  }
0xbe: {  	[sflag:s0] =	ssyncadd.remote.s32 $0x1  }
0xbf: {  	_ =	sfence.sel $0xFFFF  }
0xc0: {  	[dreg:$0x0] =	wrdreg $0xFFFFFFFF;
	(pc) =	sbr.abs _section_cstart, $3  }
0xc1: {  	[dreg:$0x1] =	wrdreg $0xFFFFFFFF  }
0xc2: {  	_ =	task.clear_ibuf [dreg:s7], $0x2FFFF;
	_ =	strace $0x9FFFFFFF  }
0xc3: {  	(tm) =	ssettm $0x7FFFFFFF  }
tec
execute0_lowered:
.L_overlay_start_1:
0x0: {  	(tag) =	ssettag $0x1  }
0x1: {  	s0 =	rddreg [dreg:$0x0]  }
0x2: {  	s2 =	rddreg [dreg:$0x1]  }
0x3: {  	s1 =	rddreg [dreg:$0x2];
	s3 =	simm.s32 $0x0;
	s4 =	srdreg.scid  }
0x4: {  	s11 =	stileid.u32;
	s30 =	simm.s32 $0x13600;
	s31 =	simm.s32 $0x3  }
0x5: {  	[smem:$0x7FF] =	sst s3;
	s5 =	sand.u32 $0x1, s4;
	s12 =	sadd.s32 $0xE00, s0  }
0x6: {  	s15 =	sadd.s32 $0x1000, s0;
	_ =	strace $0x8000004D;
	[dreg:$0x4] =	wrdreg s12  }
0x7: {  	s8 =	smul.u32 $0x28000, s11;
	s16 =	sadd.s32 $0x1200, s0;
	[dreg:$0x9] =	wrdreg s15  }
0x8: {  	s4 =	sadd.s32 $0x25F200, s0;
	s17 =	sadd.s32 $0x1400, s0;
	[dreg:$0xa] =	wrdreg s16  }
0x9: {  	s10 =	smul.u32 $0x3D10, s11;
	s18 =	sadd.s32 $0x1600, s0;
	[dreg:$0xb] =	wrdreg s17  }
0xa: {  	s13 =	sshll.u32 s11, $0x4;
	s19 =	sadd.s32 $0x1800, s0;
	[dreg:$0xc] =	wrdreg s18  }
0xb: {  	s14 =	smul.u32 $0x140, s11;
	s20 =	sadd.s32 $0x1A00, s0;
	[dreg:$0xd] =	wrdreg s19  }
0xc: {  	s21 =	sadd.s32 $0x1C00, s0;
	s22 =	sadd.s32 $0x1E00, s0;
	[dreg:$0xe] =	wrdreg s20  }
0xd: {  	s0 =	sadd.s32 $0x2000, s0;
	s6 =	smul.u32 $0x7A200, s5;
	[dreg:$0xf] =	wrdreg s21  }
0xe: {  	s7 =	ssub.s32 $0x2, s5;
	s5 =	smul.u32 $0xC800, s5;
	[dreg:$0x11] =	wrdreg s22  }
0xf: {  	[dreg:$0x12] =	wrdreg s0;
	s0 =	simm.s32 $0x1;
	s15 =	simm.s32 $0x10600  }
0x10: {  	v2 =	vimm.s32 $0x67452301;
	s16 =	simm.s32 $0x10E00;
	s17 =	simm.s32 $0x11600;
	s18 =	simm.s32 $0x11E00  }
0x11: {  	v1 =	vimm.s32 $0xEFCDAB89;
	v6 =	vimm.s32 $0xDCFE98BA;
	v2 =	vunpack.c.l.s4.s8 v2;
	s19 =	simm.s32 $0x12600;
	s20 =	simm.s32 $0x12E00;
	s21 =	simm.s32 $0x2  }
0x12: {  	v0 =	vlaneseq.u32;
	v7 =	vimm.s32 $0xBA98FEDC;
	v8 =	vimm.s32 $0xFEDCBA98;
	s22 =	simm.s32 $0x14600;
	s9 =	sshrl.u32 s7, $0x1;
	s8 =	sshrl.u32 s8, $0x2  }
0x13: {  	v9 =	vimm.s32 $0x32107654;
	v5 =	vunpack.c.0.s8.s32 v2;
	s7 =	ssub.s32 s7, s9;
	s6 =	sadd.s32 s10, s6;
	v2 =	vmov s5;
	s5 =	sadd.s32 s5, s14  }
0x14: {  	v10 =	vimm.s32 $0x76543210;
	vm0 =	vmmov $0xffff;
	v4 =	vunpack.c.l.s4.s8 v1;
	s23 =	sadd.s32 s8, s1;
	[dreg:$0x10] =	wrdreg s5;
	s24 =	smax.u32 s7, $0x1  }
0x15: {  	v8 =	vunpack.c.l.s4.s8 v8;
	v7 =	vunpack.c.l.s4.s8 v7;
	v9 =	vunpack.c.l.s4.s8 v9;
	s14 =	simm.s32 $0xFE00;
	s8 =	sadd.s32 $0x6000, s23;
	[dreg:$0x13] =	wrdreg s24  }
0x16: {  	v10 =	vunpack.c.l.s4.s8 v10;
	v3 =	vor.u32 s13, v0;
	v4 =	vunpack.c.0.s8.s32 v4;
	s29 =	sadd.s32 $0x1000, s23;
	s26 =	sadd.s32 $0x5000, s23;
	[dreg:$0x5] =	wrdreg s8  }
0x17: {  	v1 =	vand.u32 $0x7F, v3;
	v3 =	vimm.f32 $0.0e+00;
	v8 =	vunpack.c.0.s8.s32 v8;
	s10 =	sadd.s32 $0x2000, s23;
	s9 =	sadd.s32 $0x7000, s23;
	[dreg:$0x6] =	wrdreg s26  }
0x18: {  	s11 =	sadd.s32 $0x3000, s23;
	v4 =	vcombine.low v5, v4;
	v5 =	vunpack.c.l.s4.s8 v6;
	v6 =	vimm.s32 $0x54761032;
	s13 =	sadd.s32 $0x8000, s23;
	[dreg:$0x7] =	wrdreg s9  }
.Ltmp0:
0x19: {  	v7 =	vunpack.c.0.s8.s32 v7;
	v9 =	vunpack.c.0.s8.s32 v9;
	s28 =	sadd.s32 $0x9000, s23;
	v6 =	vunpack.c.l.s4.s8 v6;
	[dreg:$0x14] =	wrdreg s13;
	(pc) =	sbr.rel .LBB2_1-.Ltmp0, $4  }
0x1a: {  	v10 =	vunpack.c.0.s8.s32 v10;
	v1 =	vadd.s32 $0xC350, v1;
	s12 =	sadd.s32 $0x4000, s23;
	s6 =	sshrl.u32 s6, $0x3;
	v8 =	vand.u32 $0xF, v8;
	[dreg:$0x15] =	wrdreg s28  }
0x1b: {  	s5 =	simm.s32 $0xF600;
	v7 =	vcombine.low v9, v7;
	s2 =	sadd.s32 s2, s6;
	[dreg:$0x16] =	wrdreg s11;
	v5 =	vunpack.c.0.s8.s32 v5;
	v6 =	vunpack.c.0.s8.s32 v6  }
0x1c: {  	v9 =	vimm.s32 $0x0;
	s7 =	simm.s32 $0x0;
	v8 =	vcombine.low v8, v10;
	v10 =	vand.u32 $0x7, v0;
	[dreg:$0x8] =	wrdreg s2;
	s25 =	sadd.s32 $0x7A20, s2  }
0x1d: {  	s2 =	simm.s32 $0x7B00;
	v10 =	vor.u32 $0x1400, v10;
	[dreg:$0x17] =	wrdreg s25;
	s25 =	simm.s32 $0xB880;
	v5 =	vcombine.low v6, v5;
	v6 =	vor.u32 $0x3D20, v0  }
.LBB2_10:
0x1e: {  	s7 =	rddreg [dreg:$0x18]  }
0x1f: {  	s6 =	rddreg [dreg:$0x13];
	s7 =	sadd.s32 $0x1, s7  }
0x20: {  	p0 =	sne.s32 s7, s6  }
.Ltmp1:
0x21: {  	_ = 	snop;
	(pc) =	sbr.rel @!p0 .LBB2_11-.Ltmp1, $1  }
0x22: {  	_ =	sdelay $0x3  }
.LBB2_1:
0x23: {  	[dreg:$0x18] =	wrdreg s7;
	s6 =	simm.s32 $0x0;
	s7 =	simm.s32 $0x200  }
.LBB2_2:
0x24: {  	p0 =	sne.s32 s7, $0x3E00;
	[tilespmem:s6+$0x13670] =	vst v3  }
0x25: {  	[tilespmem:s6+$0x13600] =	vst v3  }
0x26: {  	[tilespmem:s6+$0x13610] =	vst v3  }
.Ltmp2:
0x27: {  	[tilespmem:s6+$0x13620] =	vst v3;
	(pc) =	sbr.rel @p0 .LBB2_2-.Ltmp2, $4  }
0x28: {  	[tilespmem:s6+$0x13630] =	vst v3  }
0x29: {  	[tilespmem:s6+$0x13640] =	vst v3  }
0x2a: {  	[tilespmem:s6+$0x13650] =	vst v3  }
0x2b: {  	[tilespmem:s6+$0x13660] =	vst v3;
	s6 =	sshra.s32 s7, $0x2;
	s7 =	sadd.s32 $0x200, s7  }
0x2c: {  	[tilespmem:s6+$0x13670] =	vst v3  }
0x2d: {  	[tilespmem:s6+$0x13600] =	vst v3  }
0x2e: {  	[tilespmem:s6+$0x13610] =	vst v3  }
.Ltmp3:
0x2f: {  	[tilespmem:s6+$0x13620] =	vst v3;
	(pc) =	sbr.rel .LBB2_4-.Ltmp3, $4  }
0x30: {  	[tilespmem:s6+$0x13630] =	vst v3  }
0x31: {  	[tilespmem:s6+$0x13640] =	vst v3  }
0x32: {  	[tilespmem:s6+$0x13650] =	vst v3  }
0x33: {  	[tilespmem:s6+$0x13660] =	vst v3;
	s24 =	simm.s32 $0x0  }
.LBB2_9:
0x34: {  	[bflag:$0x0] =	sbarrier.arrive $0xFFFF  }
0x35: {  	[tilespmem:s22], [sflag:$0x3] =	stream.linear.gather [spmem:s11], $0x1000, $0x38;
	[tilespmem:$0x1F6C0] =	vst v63  }
0x36: {  	_ =	swait.ge [sflag:s31], $0x1000  }
0x37: {  	s6 =	rddreg [dreg:$0x10]  }
0x38: {  	s6 =	sadd.s32 s29, s6  }
0x39: {  	[sflag:s31] =	ssyncset.done $0x0;
	s7 =	rddreg [dreg:$0x4];
	s6 =	sshll.u32 s6, $0x4  }
0x3a: {  	[sflag:s31] =	ssyncadd.s32 $0xFFFFF000;
	s7 =	sadd.s32 s7, s6  }
0x3b: {  	[hbm4b:s7+s3] =	stream.linear.scatter [tilespmem:s22], [sflag:$0x3], $0x1000, $0x38;
	[tilespmem:$0x1F6C0] =	vst v63  }
0x3c: {  	_ =	swait.ge [sflag:s31], $0x1000  }
0x3d: {  	[sflag:s31] =	ssyncset.done $0x0  }
0x3e: {  	[sflag:s31] =	ssyncadd.s32 $0xFFFFF000  }
0x3f: {  	[tilespmem:s22], [sflag:$0x3] =	stream.linear.gather [spmem:s9], $0x1000, $0x38;
	[tilespmem:$0x1F6C0] =	vst v63  }
0x40: {  	_ =	swait.ge [sflag:s31], $0x1000  }
0x41: {  	s29 =	smov.u32 s9;
	[sflag:s31] =	ssyncset.done $0x0;
	s9 =	rddreg [dreg:$0x9]  }
0x42: {  	[sflag:s31] =	ssyncadd.s32 $0xFFFFF000;
	s7 =	sadd.s32 s6, s9  }
0x43: {  	[hbm4b:s7+s3] =	stream.linear.scatter [tilespmem:s22], [sflag:$0x3], $0x1000, $0x38;
	[tilespmem:$0x1F6C0] =	vst v63  }
0x44: {  	_ =	swait.ge [sflag:s31], $0x1000  }
0x45: {  	[sflag:s31] =	ssyncset.done $0x0  }
0x46: {  	[sflag:s31] =	ssyncadd.s32 $0xFFFFF000  }
0x47: {  	[tilespmem:s22], [sflag:$0x3] =	stream.linear.gather [spmem:s10], $0x1000, $0x38;
	[tilespmem:$0x1F6C0] =	vst v63  }
0x48: {  	_ =	swait.ge [sflag:s31], $0x1000  }
0x49: {  	s23 =	smov.u32 s11;
	[sflag:s31] =	ssyncset.done $0x0;
	s11 =	rddreg [dreg:$0xa]  }
0x4a: {  	[sflag:s31] =	ssyncadd.s32 $0xFFFFF000;
	s7 =	sadd.s32 s6, s11  }
0x4b: {  	[hbm4b:s7+s3] =	stream.linear.scatter [tilespmem:s22], [sflag:$0x3], $0x1000, $0x38;
	[tilespmem:$0x1F6C0] =	vst v63  }
0x4c: {  	_ =	swait.ge [sflag:s31], $0x1000  }
0x4d: {  	[sflag:s31] =	ssyncset.done $0x0  }
0x4e: {  	s11 =	rddreg [dreg:$0x16];
	[sflag:s31] =	ssyncadd.s32 $0xFFFFF000  }
0x4f: {  	[tilespmem:s22], [sflag:$0x3] =	stream.linear.gather [spmem:s11], $0x1000, $0x38;
	[tilespmem:$0x1F6C0] =	vst v63  }
0x50: {  	_ =	swait.ge [sflag:s31], $0x1000  }
0x51: {  	[sflag:s31] =	ssyncset.done $0x0;
	s12 =	rddreg [dreg:$0xb]  }
0x52: {  	[sflag:s31] =	ssyncadd.s32 $0xFFFFF000;
	s7 =	sadd.s32 s6, s12  }
0x53: {  	[hbm4b:s7+s3] =	stream.linear.scatter [tilespmem:s22], [sflag:$0x3], $0x1000, $0x38;
	[tilespmem:$0x1F6C0] =	vst v63  }
0x54: {  	_ =	swait.ge [sflag:s31], $0x1000  }
0x55: {  	[sflag:s31] =	ssyncset.done $0x0  }
0x56: {  	[sflag:s31] =	ssyncadd.s32 $0xFFFFF000  }
0x57: {  	[tilespmem:s22], [sflag:$0x3] =	stream.linear.gather [spmem:s13], $0x1000, $0x38;
	[tilespmem:$0x1F6C0] =	vst v63  }
0x58: {  	_ =	swait.ge [sflag:s31], $0x1000  }
0x59: {  	[sflag:s31] =	ssyncset.done $0x0;
	s26 =	rddreg [dreg:$0xc]  }
0x5a: {  	[sflag:s31] =	ssyncadd.s32 $0xFFFFF000;
	s7 =	sadd.s32 s6, s26  }
0x5b: {  	[hbm4b:s7+s3] =	stream.linear.scatter [tilespmem:s22], [sflag:$0x3], $0x1000, $0x38;
	[tilespmem:$0x1F6C0] =	vst v63  }
0x5c: {  	_ =	swait.ge [sflag:s31], $0x1000  }
0x5d: {  	[sflag:s31] =	ssyncset.done $0x0  }
0x5e: {  	s26 =	rddreg [dreg:$0x6];
	[sflag:s31] =	ssyncadd.s32 $0xFFFFF000  }
0x5f: {  	[tilespmem:s22], [sflag:$0x3] =	stream.linear.gather [spmem:s26], $0x1000, $0x38;
	[tilespmem:$0x1F6C0] =	vst v63  }
0x60: {  	_ =	swait.ge [sflag:s31], $0x1000  }
0x61: {  	[sflag:s31] =	ssyncset.done $0x0;
	s8 =	rddreg [dreg:$0xd]  }
0x62: {  	[sflag:s31] =	ssyncadd.s32 $0xFFFFF000;
	s7 =	sadd.s32 s6, s8  }
0x63: {  	[hbm4b:s7+s3] =	stream.linear.scatter [tilespmem:s22], [sflag:$0x3], $0x1000, $0x38;
	[tilespmem:$0x1F6C0] =	vst v63  }
0x64: {  	_ =	swait.ge [sflag:s31], $0x1000  }
0x65: {  	[sflag:s31] =	ssyncset.done $0x0  }
0x66: {  	s8 =	rddreg [dreg:$0x5];
	[sflag:s31] =	ssyncadd.s32 $0xFFFFF000  }
0x67: {  	[tilespmem:s22], [sflag:$0x3] =	stream.linear.gather [spmem:s8], $0x1000, $0x38;
	[tilespmem:$0x1F6C0] =	vst v63  }
0x68: {  	_ =	swait.ge [sflag:s31], $0x1000  }
0x69: {  	[sflag:s31] =	ssyncset.done $0x0;
	s9 =	rddreg [dreg:$0xe]  }
0x6a: {  	[sflag:s31] =	ssyncadd.s32 $0xFFFFF000;
	s7 =	sadd.s32 s6, s9  }
0x6b: {  	[hbm4b:s7+s3] =	stream.linear.scatter [tilespmem:s22], [sflag:$0x3], $0x1000, $0x38;
	[tilespmem:$0x1F6C0] =	vst v63  }
0x6c: {  	_ =	swait.ge [sflag:s31], $0x1000  }
0x6d: {  	[sflag:s31] =	ssyncset.done $0x0  }
0x6e: {  	s9 =	rddreg [dreg:$0x7];
	[sflag:s31] =	ssyncadd.s32 $0xFFFFF000  }
0x6f: {  	[tilespmem:s22], [sflag:$0x3] =	stream.linear.gather [spmem:s9], $0x1000, $0x38;
	[tilespmem:$0x1F6C0] =	vst v63  }
0x70: {  	_ =	swait.ge [sflag:s31], $0x1000  }
0x71: {  	s12 =	smov.u32 s13;
	[sflag:s31] =	ssyncset.done $0x0;
	s13 =	rddreg [dreg:$0xf]  }
0x72: {  	[sflag:s31] =	ssyncadd.s32 $0xFFFFF000;
	s7 =	sadd.s32 s6, s13  }
0x73: {  	[hbm4b:s7+s3] =	stream.linear.scatter [tilespmem:s22], [sflag:$0x3], $0x1000, $0x38;
	[tilespmem:$0x1F6C0] =	vst v63  }
0x74: {  	_ =	swait.ge [sflag:s31], $0x1000  }
0x75: {  	[sflag:s31] =	ssyncset.done $0x0  }
0x76: {  	s13 =	rddreg [dreg:$0x14];
	[sflag:s31] =	ssyncadd.s32 $0xFFFFF000  }
0x77: {  	[tilespmem:s22], [sflag:$0x3] =	stream.linear.gather [spmem:s13], $0x1000, $0x38;
	[tilespmem:$0x1F6C0] =	vst v63  }
0x78: {  	_ =	swait.ge [sflag:s31], $0x1000  }
0x79: {  	[sflag:s31] =	ssyncset.done $0x0;
	s7 =	rddreg [dreg:$0x11]  }
0x7a: {  	[sflag:s31] =	ssyncadd.s32 $0xFFFFF000;
	s7 =	sadd.s32 s6, s7  }
0x7b: {  	[hbm4b:s7+s3] =	stream.linear.scatter [tilespmem:s22], [sflag:$0x3], $0x1000, $0x38;
	[tilespmem:$0x1F6C0] =	vst v63  }
0x7c: {  	_ =	swait.ge [sflag:s31], $0x1000  }
0x7d: {  	[sflag:s31] =	ssyncset.done $0x0  }
0x7e: {  	s28 =	rddreg [dreg:$0x15];
	[sflag:s31] =	ssyncadd.s32 $0xFFFFF000  }
0x7f: {  	[tilespmem:s22], [sflag:$0x3] =	stream.linear.gather [spmem:s28], $0x1000, $0x38;
	[tilespmem:$0x1F6C0] =	vst v63  }
0x80: {  	_ =	swait.ge [sflag:s31], $0x1000  }
0x81: {  	s24 =	sadd.s32 $0x1, s24;
	[sflag:s31] =	ssyncset.done $0x0;
	s7 =	rddreg [dreg:$0x12]  }
0x82: {  	p0 =	sne.s32 s24, $0xA;
	[sflag:s31] =	ssyncadd.s32 $0xFFFFF000;
	s6 =	sadd.s32 s6, s7  }
0x83: {  	[hbm4b:s6+s3] =	stream.linear.scatter [tilespmem:s22], [sflag:$0x3], $0x1000, $0x38;
	[tilespmem:$0x1F6C0] =	vst v63  }
.Ltmp4:
0x84: {  	_ =	swait.ge [sflag:s31], $0x1000;
	(pc) =	sbr.rel @!p0 .LBB2_10-.Ltmp4, $3  }
0x85: {  	[sflag:s31] =	ssyncset.done $0x0  }
0x86: {  	[sflag:s31] =	ssyncadd.s32 $0xFFFFF000  }
0x87: {  	[bflag:$0x0] =	sbarrier.arrive $0xFFFF;
	_ =	sdelay $0x1  }
.LBB2_4:
0x88: {  	[spmem:s23] =	stream.linear.scatter [tilespmem:s30], [sflag:$0x3], $0x1000, $0x38;
	[tilespmem:$0x1F6C0] =	vst v63  }
0x89: {  	_ =	swait.ge [sflag:s31], $0x1000  }
0x8a: {  	[sflag:s31] =	ssyncset.done $0x0  }
0x8b: {  	[sflag:s31] =	ssyncadd.s32 $0xFFFFF000  }
0x8c: {  	[spmem:s29] =	stream.linear.scatter [tilespmem:s30], [sflag:$0x3], $0x1000, $0x38;
	[tilespmem:$0x1F6C0] =	vst v63  }
0x8d: {  	_ =	swait.ge [sflag:s31], $0x1000  }
0x8e: {  	[sflag:s31] =	ssyncset.done $0x0  }
0x8f: {  	[sflag:s31] =	ssyncadd.s32 $0xFFFFF000  }
0x90: {  	[spmem:s10] =	stream.linear.scatter [tilespmem:s30], [sflag:$0x3], $0x1000, $0x38;
	[tilespmem:$0x1F6C0] =	vst v63  }
0x91: {  	_ =	swait.ge [sflag:s31], $0x1000  }
0x92: {  	[sflag:s31] =	ssyncset.done $0x0  }
0x93: {  	s7 =	smov.u32 s11;
	[sflag:s31] =	ssyncadd.s32 $0xFFFFF000  }
0x94: {  	[spmem:s7] =	stream.linear.scatter [tilespmem:s30], [sflag:$0x3], $0x1000, $0x38;
	[tilespmem:$0x1F6C0] =	vst v63  }
0x95: {  	_ =	swait.ge [sflag:s31], $0x1000  }
0x96: {  	[sflag:s31] =	ssyncset.done $0x0  }
0x97: {  	[sflag:s31] =	ssyncadd.s32 $0xFFFFF000  }
0x98: {  	[spmem:s12] =	stream.linear.scatter [tilespmem:s30], [sflag:$0x3], $0x1000, $0x38;
	[tilespmem:$0x1F6C0] =	vst v63  }
0x99: {  	_ =	swait.ge [sflag:s31], $0x1000  }
0x9a: {  	[sflag:s31] =	ssyncset.done $0x0  }
0x9b: {  	[sflag:s31] =	ssyncadd.s32 $0xFFFFF000  }
0x9c: {  	[spmem:s26] =	stream.linear.scatter [tilespmem:s30], [sflag:$0x3], $0x1000, $0x38;
	[tilespmem:$0x1F6C0] =	vst v63  }
0x9d: {  	_ =	swait.ge [sflag:s31], $0x1000  }
0x9e: {  	[sflag:s31] =	ssyncset.done $0x0  }
0x9f: {  	[sflag:s31] =	ssyncadd.s32 $0xFFFFF000  }
0xa0: {  	[spmem:s8] =	stream.linear.scatter [tilespmem:s30], [sflag:$0x3], $0x1000, $0x38;
	[tilespmem:$0x1F6C0] =	vst v63  }
0xa1: {  	_ =	swait.ge [sflag:s31], $0x1000  }
0xa2: {  	[sflag:s31] =	ssyncset.done $0x0  }
0xa3: {  	s11 =	smov.u32 s23;
	s23 =	smov.u32 s9;
	[sflag:s31] =	ssyncadd.s32 $0xFFFFF000  }
0xa4: {  	[spmem:s23] =	stream.linear.scatter [tilespmem:s30], [sflag:$0x3], $0x1000, $0x38;
	[tilespmem:$0x1F6C0] =	vst v63  }
0xa5: {  	_ =	swait.ge [sflag:s31], $0x1000  }
0xa6: {  	[sflag:s31] =	ssyncset.done $0x0  }
0xa7: {  	s6 =	smov.u32 s13;
	[sflag:s31] =	ssyncadd.s32 $0xFFFFF000  }
0xa8: {  	[spmem:s6] =	stream.linear.scatter [tilespmem:s30], [sflag:$0x3], $0x1000, $0x38;
	[tilespmem:$0x1F6C0] =	vst v63  }
0xa9: {  	_ =	swait.ge [sflag:s31], $0x1000  }
0xaa: {  	[sflag:s31] =	ssyncset.done $0x0  }
0xab: {  	[sflag:s31] =	ssyncadd.s32 $0xFFFFF000  }
0xac: {  	[spmem:s28] =	stream.linear.scatter [tilespmem:s30], [sflag:$0x3], $0x1000, $0x38;
	[tilespmem:$0x1F6C0] =	vst v63  }
0xad: {  	_ =	swait.ge [sflag:s31], $0x1000  }
0xae: {  	[sflag:s31] =	ssyncset.done $0x0  }
0xaf: {  	[sflag:s31] =	ssyncadd.s32 $0xFFFFF000  }
0xb0: {  	[bflag:$0x0] =	sbarrier.arrive $0xFFFF  }
0xb1: {  	s13 =	smov.u32 s12;
	s23 =	simm.s32 $0x0;
	s12 =	rddreg [dreg:$0x8]  }
0xb2: {  	[tilespmem:s23], [sflag:$0x3] =	stream.linear.gather [hbm4b:s12+s23], $0x3D10, $0x38;
	[tilespmem:$0x1F6C0] =	vst v63  }
0xb3: {  	_ =	swait.ge [sflag:s31], $0x3D10  }
0xb4: {  	[sflag:s31] =	ssyncset.done $0x0  }
0xb5: {  	s28 =	simm.s32 $0x3D80;
	s26 =	rddreg [dreg:$0x17];
	[sflag:s31] =	ssyncadd.s32 $0xFFFFC2F0  }
0xb6: {  	[tilespmem:s28], [sflag:$0x3] =	stream.linear.gather [hbm4b:s26+s23], $0x3D10, $0x38;
	[tilespmem:$0x1F6C0] =	vst v63  }
0xb7: {  	_ =	swait.ge [sflag:s31], $0x3D10  }
0xb8: {  	s9 =	smov.u32 s29;
	s29 =	smul.u32 $0x1400, s24;
	[sflag:s31] =	ssyncset.done $0x0  }
0xb9: {  	s6 =	simm.s32 $0x0;
	[sflag:s31] =	ssyncadd.s32 $0xFFFFC2F0  }
0xba: {  	v12 =	vimm.s32 $0x0;
	v11 =	vmov s29;
	s7 =	simm.s32 $0x40;
	v13 =	vld [tilespmem:s6+$0x3D80]  }
.LBB2_5:
0xbb: {  	p0 =	sne.s32 s7, $0xF400;
	_ =	sdelay $0x3  }
0xbc: {  	v14 =	vshll.u32 v12, $0x4;
	v13 =	vsub.s32 v13, v11  }
0xbd: {  	v14 =	vor.u32 v0, v14;
	vm1 =	vlt.u32 v13, $0x1400  }
0xbe: {  	v15 =	vld [tilespmem:s6+$0x0];
	v14 =	vsel vm1, v14, v6;
	v16 =	vsel vm1, $0x1, v9  }
0xbf: {  	v12 =	vadd.s32 v16, v12;
	_ =	sdelay $0x1  }
.Ltmp5:
0xc0: {  	(pc) =	sbr.rel @p0 .LBB2_5-.Ltmp5, $4  }
0xc1: {  	_ = 	snop  }
0xc2: {  	[tilespmem:v14+s2+$0x0] =	vst.idx.msk $0xffff, v15  }
0xc3: {  	s6 =	sshra.s32 s7, $0x2;
	[tilespmem:v14+s25+$0x0] =	vst.idx.msk $0xffff, v13  }
0xc4: {  	s7 =	sadd.s32 $0x40, s7;
	v13 =	vld [tilespmem:s6+$0x3D80]  }
0xc5: {  	_ =	sdelay $0x3  }
0xc6: {  	v13 =	vsub.s32 v13, v11  }
0xc7: {  	vm1 =	vlt.u32 v13, $0x1400  }
0xc8: {  	v11 =	vsel vm1, $0x1, v9  }
0xc9: {  	v11 =	vadd.s32 v11, v12  }
0xca: {  	v14 =	vperm.xlane v11, v4;
	_ =	sdelay $0x1  }
0xcb: {  	vm2 =	vgt.s32 v11, v14  }
0xcc: {  	v14 =	vsel vm2, v11, v14  }
0xcd: {  	v15 =	vperm.xlane v14, v5;
	_ =	sdelay $0x1  }
0xce: {  	vm2 =	vgt.s32 v14, v15  }
0xcf: {  	v14 =	vsel vm2, v14, v15  }
0xd0: {  	v15 =	vperm.xlane v14, v7;
	_ =	sdelay $0x1  }
0xd1: {  	vm2 =	vgt.s32 v14, v15  }
0xd2: {  	v14 =	vsel vm2, v14, v15  }
0xd3: {  	v15 =	vperm.xlane v14, v8;
	_ =	sdelay $0x1  }
0xd4: {  	vm2 =	vgt.s32 v14, v15  }
0xd5: {  	v14 =	vsel vm2, v14, v15  }
0xd6: {  	(v2sf) =	vpush v14, $0x0;
	_ =	sdelay $0xe  }
0xd7: {  	s7 =	spop (v2sf)  }
0xd8: {  	s7 =	sadd.s32 $0x7, s7  }
0xd9: {  	s26 =	sand.u32 $0x7, s7  }
0xda: {  	s28 =	sshra.s32 s7, $0x1F;
	p1 =	slt.s32 s7, $0x1;
	p0 =	sne.s32 s26, $0x0  }
0xdb: {  	v62 =	vshll.u32 v12, $0x4;
	v63 =	vld [tilespmem:s6+$0x0];
	s6 =	sshrl.u32 s28, $0x1D;
	p0 =	por !p1, !p0  }
0xdc: {  	v12 =	vor.u32 v0, v62;
	s6 =	sadd.s32 s6, s7;
	s7 =	simm.s32 $0x1;
	p0 =	por !p0, !p0  }
0xdd: {  	v12 =	vsel vm1, v12, v6;
	s6 =	sshra.s32 s6, $0x3;
	s7 =	simm.s32 @!p0 $0x0  }
0xde: {  	s23 =	ssub.s32 s6, s7  }
0xdf: {  	p0 =	slt.s32 s23, $0x1  }
.Ltmp6:
0xe0: {  	_ = 	snop;
	(pc) =	sbr.rel @p0 .LBB2_9-.Ltmp6, $4  }
0xe1: {  	_ = 	snop  }
0xe2: {  	[tilespmem:v12+s2+$0x0] =	vst.idx.msk $0xffff, v63  }
0xe3: {  	[tilespmem:v12+s25+$0x0] =	vst.idx.msk $0xffff, v13  }
0xe4: {  	[tilespmem:$0x15600] =	vst v14  }
0xe5: {  	v12 =	vimm.s32 $0x0;
	s6 =	simm.s32 $0x7B40;
	s7 =	simm.s32 $0xB8C0  }
.LBB2_8:
0xe6: {  	v13 =	vld [tilespmem:s6+$0xFFFFFFC0];
	_ =	sdelay $0x3  }
0xe7: {  	vm1 =	vlt.s32 v12, v11  }
0xe8: {  	v13 =	vsel vm1, v13, v1  }
0xe9: {  	v13 =	vadd.s32 v2, v13;
	_ =	sdelay $0x4  }
0xea: {  	v14 =	vld [tilespmem:s7+$0xFFFFFFC0];
	[tilespmem:s5], [sflag:$0x2] =	stream.indirect_vreg.gather [hbm4b:s4+s3], $0x80, v13, vm0, $0xb8  }
0xeb: {  	v13 =	vld [tilespmem:s6+$0xFFFFFFD0];
	_ =	sdelay $0x2  }
0xec: {  	v15 =	vor.u32 $0x1, v12  }
0xed: {  	vm2 =	vlt.s32 v15, v11  }
0xee: {  	v13 =	vsel vm2, v13, v1  }
0xef: {  	v13 =	vadd.s32 v2, v13;
	_ =	sdelay $0x4  }
0xf0: {  	v15 =	vld [tilespmem:s7+$0xFFFFFFD0];
	[tilespmem:s14], [sflag:$0x2] =	stream.indirect_vreg.gather [hbm4b:s4+s3], $0x80, v13, vm0, $0xb8  }
0xf1: {  	v13 =	vld [tilespmem:s6+$0xFFFFFFE0];
	_ =	sdelay $0x2  }
0xf2: {  	v16 =	vor.u32 $0x2, v12  }
0xf3: {  	vm3 =	vlt.s32 v16, v11  }
0xf4: {  	v13 =	vsel vm3, v13, v1  }
0xf5: {  	v13 =	vadd.s32 v2, v13;
	_ =	sdelay $0x4  }
0xf6: {  	v58 =	vld [tilespmem:s7+$0xFFFFFFE0];
	[tilespmem:s15], [sflag:$0x2] =	stream.indirect_vreg.gather [hbm4b:s4+s3], $0x80, v13, vm0, $0xb8  }
0xf7: {  	v13 =	vld [tilespmem:s6+$0xFFFFFFF0];
	_ =	sdelay $0x2  }
0xf8: {  	v17 =	vor.u32 $0x3, v12  }
0xf9: {  	vm4 =	vlt.s32 v17, v11  }
0xfa: {  	v13 =	vsel vm4, v13, v1  }
0xfb: {  	v13 =	vadd.s32 v2, v13;
	_ =	sdelay $0x4  }
0xfc: {  	v59 =	vld [tilespmem:s7+$0xFFFFFFF0];
	[tilespmem:s16], [sflag:$0x2] =	stream.indirect_vreg.gather [hbm4b:s4+s3], $0x80, v13, vm0, $0xb8  }
0xfd: {  	v13 =	vld [tilespmem:s6+$0x0];
	_ =	sdelay $0x2  }
0xfe: {  	v18 =	vor.u32 $0x4, v12  }
0xff: {  	vm5 =	vlt.s32 v18, v11  }
0x100: {  	v13 =	vsel vm5, v13, v1  }
0x101: {  	v13 =	vadd.s32 v2, v13;
	_ =	sdelay $0x4  }
0x102: {  	v60 =	vld [tilespmem:s7+$0x0];
	[tilespmem:s17], [sflag:$0x2] =	stream.indirect_vreg.gather [hbm4b:s4+s3], $0x80, v13, vm0, $0xb8  }
0x103: {  	v13 =	vld [tilespmem:s6+$0x10];
	_ =	sdelay $0x2  }
0x104: {  	v19 =	vor.u32 $0x5, v12  }
0x105: {  	vm6 =	vlt.s32 v19, v11  }
0x106: {  	v13 =	vsel vm6, v13, v1  }
0x107: {  	v13 =	vadd.s32 v2, v13;
	_ =	sdelay $0x4  }
0x108: {  	v61 =	vld [tilespmem:s7+$0x10];
	[tilespmem:s18], [sflag:$0x2] =	stream.indirect_vreg.gather [hbm4b:s4+s3], $0x80, v13, vm0, $0xb8  }
0x109: {  	v13 =	vld [tilespmem:s6+$0x20];
	_ =	sdelay $0x2  }
0x10a: {  	v20 =	vor.u32 $0x6, v12  }
0x10b: {  	vm7 =	vlt.s32 v20, v11  }
0x10c: {  	v13 =	vsel vm7, v13, v1  }
0x10d: {  	v13 =	vadd.s32 v2, v13;
	_ =	sdelay $0x4  }
0x10e: {  	v62 =	vld [tilespmem:s7+$0x20];
	[tilespmem:s19], [sflag:$0x2] =	stream.indirect_vreg.gather [hbm4b:s4+s3], $0x80, v13, vm0, $0xb8  }
0x10f: {  	v13 =	vld [tilespmem:s6+$0x30];
	_ =	sdelay $0x2  }
0x110: {  	v21 =	vor.u32 $0x7, v12  }
0x111: {  	vm8 =	vlt.s32 v21, v11  }
0x112: {  	v13 =	vsel vm8, v13, v1  }
0x113: {  	v13 =	vadd.s32 v2, v13;
	_ =	sdelay $0x3  }
0x114: {  	v14 =	vsel vm1, v14, v10  }
0x115: {  	v63 =	vld [tilespmem:s7+$0x30];
	[tilespmem:s20], [sflag:$0x2] =	stream.indirect_vreg.gather [hbm4b:s4+s3], $0x80, v13, vm0, $0xb8  }
0x116: {  	_ =	swait.ge [sflag:s21], $0x800  }
0x117: {  	[sflag:s21] =	ssyncset.done $0x0  }
0x118: {  	v13 =	vsel vm2, v15, v10;
	[sflag:s21] =	ssyncadd.s32 $0xFFFFF800  }
0x119: {  	[spmem:s1] =	stream.indirect_vreg.scatter.add.f32 [tilespmem:s5], [sflag:$0x1], $0x80, v14, vm0, $0xb8;
	[tilespmem:$0x1F6C0] =	vst v63  }
0x11a: {  	_ =	swait.ge [sflag:s21], $0x800  }
0x11b: {  	[sflag:s21] =	ssyncset.done $0x0  }
0x11c: {  	v14 =	vsel vm3, v58, v10;
	[sflag:s21] =	ssyncadd.s32 $0xFFFFF800  }
0x11d: {  	[spmem:s1] =	stream.indirect_vreg.scatter.add.f32 [tilespmem:s14], [sflag:$0x1], $0x80, v13, vm0, $0xb8;
	[tilespmem:$0x1F6C0] =	vst v63  }
0x11e: {  	_ =	swait.ge [sflag:s21], $0x800  }
0x11f: {  	[sflag:s21] =	ssyncset.done $0x0  }
0x120: {  	v13 =	vsel vm4, v59, v10;
	[sflag:s21] =	ssyncadd.s32 $0xFFFFF800  }
0x121: {  	[spmem:s1] =	stream.indirect_vreg.scatter.add.f32 [tilespmem:s15], [sflag:$0x1], $0x80, v14, vm0, $0xb8;
	[tilespmem:$0x1F6C0] =	vst v63  }
0x122: {  	_ =	swait.ge [sflag:s21], $0x800  }
0x123: {  	[sflag:s21] =	ssyncset.done $0x0  }
0x124: {  	v14 =	vsel vm5, v60, v10;
	[sflag:s21] =	ssyncadd.s32 $0xFFFFF800  }
0x125: {  	[spmem:s1] =	stream.indirect_vreg.scatter.add.f32 [tilespmem:s16], [sflag:$0x1], $0x80, v13, vm0, $0xb8;
	[tilespmem:$0x1F6C0] =	vst v63  }
0x126: {  	_ =	swait.ge [sflag:s21], $0x800  }
0x127: {  	[sflag:s21] =	ssyncset.done $0x0  }
0x128: {  	v13 =	vsel vm6, v61, v10;
	[sflag:s21] =	ssyncadd.s32 $0xFFFFF800  }
0x129: {  	[spmem:s1] =	stream.indirect_vreg.scatter.add.f32 [tilespmem:s17], [sflag:$0x1], $0x80, v14, vm0, $0xb8;
	[tilespmem:$0x1F6C0] =	vst v63  }
0x12a: {  	_ =	swait.ge [sflag:s21], $0x800  }
0x12b: {  	[sflag:s21] =	ssyncset.done $0x0  }
0x12c: {  	v14 =	vsel vm7, v62, v10;
	[sflag:s21] =	ssyncadd.s32 $0xFFFFF800  }
0x12d: {  	[spmem:s1] =	stream.indirect_vreg.scatter.add.f32 [tilespmem:s18], [sflag:$0x1], $0x80, v13, vm0, $0xb8;
	[tilespmem:$0x1F6C0] =	vst v63  }
0x12e: {  	_ =	swait.ge [sflag:s21], $0x800  }
0x12f: {  	[sflag:s21] =	ssyncset.done $0x0  }
0x130: {  	v13 =	vsel vm8, v63, v10;
	[sflag:s21] =	ssyncadd.s32 $0xFFFFF800  }
0x131: {  	[spmem:s1] =	stream.indirect_vreg.scatter.add.f32 [tilespmem:s19], [sflag:$0x1], $0x80, v14, vm0, $0xb8;
	[tilespmem:$0x1F6C0] =	vst v63  }
0x132: {  	_ =	swait.ge [sflag:s21], $0x800  }
0x133: {  	[sflag:s21] =	ssyncset.done $0x0  }
0x134: {  	[sflag:s21] =	ssyncadd.s32 $0xFFFFF800  }
0x135: {  	[spmem:s1] =	stream.indirect_vreg.scatter.add.f32 [tilespmem:s20], [sflag:$0x1], $0x80, v13, vm0, $0xb8;
	[tilespmem:$0x1F6C0] =	vst v63  }
0x136: {  	_ =	swait.ge [sflag:s0], $0x800  }
0x137: {  	[sflag:s0] =	ssyncset.done $0x0  }
0x138: {  	[sflag:s0] =	ssyncadd.s32 $0xFFFFF800  }
0x139: {  	_ =	swait.ge [sflag:s0], $0x800  }
0x13a: {  	[sflag:s0] =	ssyncset.done $0x0  }
0x13b: {  	[sflag:s0] =	ssyncadd.s32 $0xFFFFF800  }
0x13c: {  	_ =	swait.ge [sflag:s0], $0x800  }
0x13d: {  	[sflag:s0] =	ssyncset.done $0x0  }
0x13e: {  	[sflag:s0] =	ssyncadd.s32 $0xFFFFF800  }
0x13f: {  	_ =	swait.ge [sflag:s0], $0x800  }
0x140: {  	[sflag:s0] =	ssyncset.done $0x0  }
0x141: {  	[sflag:s0] =	ssyncadd.s32 $0xFFFFF800  }
0x142: {  	_ =	swait.ge [sflag:s0], $0x800  }
0x143: {  	[sflag:s0] =	ssyncset.done $0x0  }
0x144: {  	[sflag:s0] =	ssyncadd.s32 $0xFFFFF800  }
0x145: {  	_ =	swait.ge [sflag:s0], $0x800  }
0x146: {  	[sflag:s0] =	ssyncset.done $0x0  }
0x147: {  	[sflag:s0] =	ssyncadd.s32 $0xFFFFF800  }
0x148: {  	p0 =	sne.s32 s23, $0x1;
	_ =	swait.ge [sflag:s0], $0x800  }
.Ltmp7:
0x149: {  	[sflag:s0] =	ssyncset.done $0x0;
	(pc) =	sbr.rel @p0 .LBB2_8-.Ltmp7, $4  }
0x14a: {  	[sflag:s0] =	ssyncadd.s32 $0xFFFFF800  }
0x14b: {  	_ =	swait.ge [sflag:s0], $0x800  }
0x14c: {  	s23 =	sadd.s32 $0xFFFFFFFF, s23;
	[sflag:s0] =	ssyncset.done $0x0  }
0x14d: {  	v12 =	vadd.s32 $0x8, v12;
	s6 =	sadd.s32 $0x80, s6;
	s7 =	sadd.s32 $0x80, s7;
	[sflag:s0] =	ssyncadd.s32 $0xFFFFF800  }
.Ltmp8:
0x14e: {  	_ = 	snop;
	(pc) =	sbr.rel .LBB2_9-.Ltmp8, $1  }
0x14f: {  	_ =	sdelay $0x3  }
.LBB2_11:
0x150: {  	_ =	sfence.sel $0x180000  }
0x151: {  	[bflag:$0x0] =	sbarrier.arrive $0xFFFF  }
0x152: {  	_ =	strace $0x9000004D  }
0x153: {  	s0 =	stileid.u32;
	[bflag:$0x2] =	sbarrier.arrive $0xFFFF  }
0x154: {  	p0 =	sne.s32 s0, $0x0;
	s0 =	rddreg [dreg:$0x3]  }
0x155: {  	s0 =	sadd.s32 @!p0 $0x100000, s0  }
0x156: {  	[sflag:s0] =	ssyncadd.tile.s32 @!p0 $0x1;
	_ =	shalt  }
.Lfunc_end2:
_tile_overlayer_lowered:
.L_overlay_start_2:
0x157: {  	(tag) =	ssettag $0x2  }
0x158: {  	s0 =	rddreg [dreg:$0x0];
	s2 =	stileid.u32  }
0x159: {  	s1 =	rddreg [dreg:$0x1];
	p0 =	sne.s32 s2, $0x0  }
0x15a: {  	s3 =	rddreg [dreg:$0x2];
	[bflag:$0x3] =	sbarrier.arrive $0xFFFF;
	s2 =	simm.s32 @!p0 $0x1C03  }
0x15b: {  	[timem:s3], [sflag:s2] =	dma.local @!p0 [hbm:s0], s1  }
0x15c: {  	s0 =	simm.s32 @!p0 $0x3  }
0x15d: {  	_ =	swait.ge @!p0 [sflag:s0], s1  }
0x15e: {  	s1 =	ssub.s32 @!p0 $0x0, s1;
	[sflag:s0] =	ssyncset.done @!p0 $0x0  }
0x15f: {  	[sflag:s0] =	ssyncadd.s32 @!p0 s1  }
0x160: {  	[bflag:$0x3] =	sbarrier.arrive $0xFFFF  }
0x161: {  	_ =	shalt  }

</sc_bundles>
